<compile_context>
chip_gen: v7x
topology: tpu7x:2x2x1
jax: 0.10.2.dev20260603
libtpu: 0.0.44.dev20260713+nightly
codegen_flags: <defaults>
</compile_context>

<pallas_src>
import jax
import jax.numpy as jnp
from jax import lax
from jax.experimental import pallas as pl
from jax.experimental.pallas import tpu as pltpu
from jax.experimental.pallas import tpu_sc as plsc

N = 10000
E = 320000
F = 128
H = 256
S = 32
NG = 8
L = 128

NC = 2
NS = 16
NW = NC * NS
HH = H // 2
EPW = E // NW
EPT = E // NS
C = 80
GCH = EPW // C
SCH = EPT // C
RPT = 624
ZR = 78

_SC_PARAMS = pltpu.CompilerParams(use_tc_tiling_on_sc=False,
                                  needs_layout_passes=False)


def _dg(x, w):
    return lax.dot_general(x, w, (((1,), (1,)), ((), ())),
                           preferred_element_type=jnp.float32)




def _make_gather(p):
    mesh = plsc.VectorSubcoreMesh(core_axis_name="c", subcore_axis_name="s")
    out_type = tuple(jax.ShapeDtypeStruct((E, HH), jnp.float32)
                     for _ in range(p))
    scratch = ([pltpu.VMEM((EPW,), jnp.int32) for _ in range(p)]
               + [pltpu.VMEM((C,), jnp.int32) for _ in range(2 * p)]
               + [pltpu.VMEM((C, HH), jnp.float32) for _ in range(2 * p)]
               + [pltpu.SemaphoreType.DMA, pltpu.SemaphoreType.DMA,
                  pltpu.SemaphoreType.DMA, pltpu.SemaphoreType.DMA])

    def body(table, *rest):
        idxs = rest[:p]
        outs = rest[p:2 * p]
        ivs = rest[2 * p:3 * p]
        cvsets = (rest[3 * p:4 * p], rest[4 * p:5 * p])
        bufsets = (rest[5 * p:6 * p], rest[6 * p:7 * p])
        semgs = (rest[7 * p], rest[7 * p + 1])
        semws = (rest[7 * p + 2], rest[7 * p + 3])
        cid = lax.axis_index("c")
        sid = lax.axis_index("s")
        base = (cid * NS + sid) * EPW
        for q in range(p):
            pltpu.sync_copy(idxs[q].at[pl.ds(base, EPW)], ivs[q])

        def fire_chunk(cb, par):
            cvs = cvsets[par]
            for q in range(p):
                for k in range(C // 16):
                    cvs[q][pl.ds(k * 16, 16)] = ivs[q][pl.ds(cb + k * 16, 16)]
            for q in range(p):
                pltpu.async_copy(table.at[cvs[q]], bufsets[par][q],
                                 semgs[par])

        def complete_chunk(cb, par):
            for q in range(p):
                pltpu.make_async_copy(table.at[pl.ds(0, C)],
                                      bufsets[par][q], semgs[par]).wait()
            for q in range(p):
                pltpu.async_copy(bufsets[par][q],
                                 outs[q].at[pl.ds(base + cb, C)], semws[par])

        def drain_writes(par):
            for q in range(p):
                pltpu.make_async_copy(table.at[pl.ds(0, C)],
                                      bufsets[par][q], semws[par]).wait()

        fire_chunk(0, 0)

        def pair(j2, _):
            fire_chunk((2 * j2 + 1) * C, 1)
            complete_chunk(2 * j2 * C, 0)

            @pl.when(j2 < GCH // 2 - 1)
            def _():
                drain_writes(0)
                fire_chunk((2 * j2 + 2) * C, 0)

            complete_chunk((2 * j2 + 1) * C, 1)

            @pl.when(j2 < GCH // 2 - 1)
            def _():
                drain_writes(1)
            return 0

        lax.fori_loop(0, GCH // 2, pair, 0)
        drain_writes(0)
        if GCH % 2:
            fire_chunk((GCH - 1) * C, 0)
            complete_chunk((GCH - 1) * C, 0)
            drain_writes(0)
        drain_writes(1)

    return pl.kernel(body, out_type=out_type, mesh=mesh,
                     scratch_types=scratch, compiler_params=_SC_PARAMS)


_gather_x = _make_gather(2)
_gather_h = _make_gather(4)




def _make_scatter():
    mesh = plsc.VectorSubcoreMesh(core_axis_name="c", subcore_axis_name="s")
    out_type = (jax.ShapeDtypeStruct((NC * N, HH), jnp.float32),)
    scratch = [
        pltpu.VMEM((EPT,), jnp.int32),
        pltpu.VMEM((C,), jnp.int32),
        pltpu.VMEM((C,), jnp.int32),
        pltpu.VMEM((C, HH), jnp.float32),
        pltpu.VMEM((C, HH), jnp.float32),
        pltpu.VMEM((ZR, HH), jnp.float32),
        pltpu.VMEM_SHARED((N, HH), jnp.float32),
        pltpu.SemaphoreType.DMA,
        pltpu.SemaphoreType.DMA,
    ]

    def body(mlo, mhi, dst, acc_out, dst_v, dc0, dc1, buf0, buf1, zbuf,
             acc_sh, sem0, sem1):
        cid = lax.axis_index("c")
        sid = lax.axis_index("s")
        zvec = jnp.zeros((16,), jnp.float32)

        def zloop(i, _):
            for r in range(HH // 16):
                zbuf[i, pl.ds(r * 16, 16)] = zvec
            return 0

        lax.fori_loop(0, ZR, zloop, 0)
        row0 = sid * RPT
        for k in range(RPT // ZR):
            pltpu.sync_copy(zbuf, acc_sh.at[pl.ds(row0 + k * ZR, ZR)])

        tail0 = NS * RPT
        ntail = N - tail0

        @pl.when(sid == NS - 1)
        def _():
            pltpu.sync_copy(zbuf.at[pl.ds(0, ntail)],
                            acc_sh.at[pl.ds(tail0, ntail)])

        base = sid * EPT
        pltpu.sync_copy(dst.at[pl.ds(base, EPT)], dst_v)

        plsc.subcore_barrier()

        def fire_load(cb, buf, sem):
            @pl.when(cid == 0)
            def _():
                pltpu.async_copy(mlo.at[pl.ds(base + cb, C)], buf, sem)

            @pl.when(cid == 1)
            def _():
                pltpu.async_copy(mhi.at[pl.ds(base + cb, C)], buf, sem)

        def drain(buf, sem):
            pltpu.make_async_copy(mlo.at[pl.ds(0, C)], buf, sem).wait()

        def refresh(dc, cb):
            for k in range(C // 16):
                dc[pl.ds(k * 16, 16)] = dst_v[pl.ds(cb + k * 16, 16)]

        fire_load(0, buf0, sem0)

        def chunk2(j2, _):
            ca = 2 * j2 * C
            cb2 = (2 * j2 + 1) * C
            fire_load(cb2, buf1, sem1)
            drain(buf0, sem0)
            refresh(dc0, ca)
            pltpu.sync_copy(buf0, acc_sh.at[dc0], add=True)

            @pl.when(j2 < SCH // 2 - 1)
            def _():
                fire_load((2 * j2 + 2) * C, buf0, sem0)

            drain(buf1, sem1)
            refresh(dc1, cb2)
            pltpu.sync_copy(buf1, acc_sh.at[dc1], add=True)
            return 0

        lax.fori_loop(0, SCH // 2, chunk2, 0)

        plsc.subcore_barrier()

        pltpu.sync_copy(acc_sh.at[pl.ds(row0, RPT)],
                        acc_out.at[pl.ds(cid * N + row0, RPT)])

        @pl.when(sid == NS - 1)
        def _():
            pltpu.sync_copy(acc_sh.at[pl.ds(tail0, ntail)],
                            acc_out.at[pl.ds(cid * N + tail0, ntail)])

    return pl.kernel(body, out_type=out_type, mesh=mesh,
                     scratch_types=scratch, compiler_params=_SC_PARAMS)


_scatter = _make_scatter()



BE = 2000
GE = E // BE
BN = 1000
G = N // BN


def _m1_body(xi_ref, xj_ref, w1_ref, b1_ref, w2_ref, b2_ref, lo_ref, hi_ref):
    tmp = jnp.concatenate([xi_ref[...], xj_ref[...]], axis=1)
    h = jnp.maximum(_dg(tmp, w1_ref[...]) + b1_ref[...], 0.0)
    m = _dg(h, w2_ref[...]) + b2_ref[...]
    lo_ref[...] = m[:, :HH]
    hi_ref[...] = m[:, HH:]


def _m1(xi, xj, w1, b1, w2, b2):
    return pl.pallas_call(
        _m1_body,
        grid=(GE,),
        in_specs=[
            pl.BlockSpec((BE, F), lambda i: (i, 0)),
            pl.BlockSpec((BE, F), lambda i: (i, 0)),
            pl.BlockSpec((H, 2 * F), lambda i: (0, 0)),
            pl.BlockSpec((1, H), lambda i: (0, 0)),
            pl.BlockSpec((H, H), lambda i: (0, 0)),
            pl.BlockSpec((1, H), lambda i: (0, 0)),
        ],
        out_specs=[
            pl.BlockSpec((BE, HH), lambda i: (i, 0)),
            pl.BlockSpec((BE, HH), lambda i: (i, 0)),
        ],
        out_shape=[
            jax.ShapeDtypeStruct((E, HH), jnp.float32),
            jax.ShapeDtypeStruct((E, HH), jnp.float32),
        ],
    )(xi, xj, w1, b1, w2, b2)


def _m2_body(il_ref, ih_ref, jl_ref, jh_ref, w1_ref, b1_ref, w2_ref, b2_ref,
             lo_ref, hi_ref):
    tmp = jnp.maximum(jnp.concatenate(
        [il_ref[...], ih_ref[...], jl_ref[...], jh_ref[...]], axis=1), 0.0)
    h = jnp.maximum(_dg(tmp, w1_ref[...]) + b1_ref[...], 0.0)
    m = _dg(h, w2_ref[...]) + b2_ref[...]
    lo_ref[...] = m[:, :HH]
    hi_ref[...] = m[:, HH:]


def _m2(il, ih, jl, jh, w1, b1, w2, b2):
    return pl.pallas_call(
        _m2_body,
        grid=(GE,),
        in_specs=[
            pl.BlockSpec((BE, HH), lambda i: (i, 0)),
            pl.BlockSpec((BE, HH), lambda i: (i, 0)),
            pl.BlockSpec((BE, HH), lambda i: (i, 0)),
            pl.BlockSpec((BE, HH), lambda i: (i, 0)),
            pl.BlockSpec((H, 2 * H), lambda i: (0, 0)),
            pl.BlockSpec((1, H), lambda i: (0, 0)),
            pl.BlockSpec((H, H), lambda i: (0, 0)),
            pl.BlockSpec((1, H), lambda i: (0, 0)),
        ],
        out_specs=[
            pl.BlockSpec((BE, HH), lambda i: (i, 0)),
            pl.BlockSpec((BE, HH), lambda i: (i, 0)),
        ],
        out_shape=[
            jax.ShapeDtypeStruct((E, HH), jnp.float32),
            jax.ShapeDtypeStruct((E, HH), jnp.float32),
        ],
    )(il, ih, jl, jh, w1, b1, w2, b2)




def _tc3_body(q0_ref, q1_ref, batch_ref,
              pw1_ref, pb1_ref, pw2_ref, pb2_ref,
              ow1_ref, ob1_ref, ow2_ref, ob2_ref,
              s_ref, lat_ref, pacc):
    i = pl.program_id(0)
    h = jnp.maximum(jnp.concatenate([q0_ref[...], q1_ref[...]], axis=1), 0.0)
    t = jnp.maximum(_dg(h, pw1_ref[...]) + pb1_ref[...], 0.0)
    a = _dg(t, pw2_ref[...]) + pb2_ref[...]
    m = jnp.max(a, axis=-1, keepdims=True)
    ex = jnp.exp(a - m)
    sm = ex / jnp.sum(ex, axis=-1, keepdims=True)
    s_ref[...] = sm
    gi = lax.broadcasted_iota(jnp.int32, (BN, NG), 1)
    gm = (batch_ref[...] == gi).astype(jnp.float32)
    srep = jnp.concatenate([sm] * NG, axis=1)
    grep = jnp.concatenate(
        [jnp.broadcast_to(gm[:, g:g + 1], (BN, S)) for g in range(NG)],
        axis=1)
    w_assign = srep * grep

    @pl.when(i == 0)
    def _():
        pacc[...] = jnp.zeros((NG * S, H), jnp.float32)

    pacc[...] += lax.dot_general(w_assign, h, (((0,), (0,)), ((), ())),
                                 precision=lax.Precision.HIGHEST,
                                 preferred_element_type=jnp.float32)

    @pl.when(i == G - 1)
    def _():
        p = pacc[...]
        t2 = jnp.maximum(_dg(p, ow1_ref[...]) + ob1_ref[...], 0.0)
        lat_ref[...] = _dg(t2, ow2_ref[...]) + ob2_ref[...]


def _tc3(accf, batch2, pw1, pb1, pw2, pb2, ow1, ob1, ow2, ob2):
    return pl.pallas_call(
        _tc3_body,
        grid=(G,),
        in_specs=[
            pl.BlockSpec((BN, HH), lambda i: (i, 0)),
            pl.BlockSpec((BN, HH), lambda i: (G + i, 0)),
            pl.BlockSpec((BN, 1), lambda i: (i, 0)),
            pl.BlockSpec((H, H), lambda i: (0, 0)),
            pl.BlockSpec((1, H), lambda i: (0, 0)),
            pl.BlockSpec((S, H), lambda i: (0, 0)),
            pl.BlockSpec((1, S), lambda i: (0, 0)),
            pl.BlockSpec((H, H), lambda i: (0, 0)),
            pl.BlockSpec((1, H), lambda i: (0, 0)),
            pl.BlockSpec((L, H), lambda i: (0, 0)),
            pl.BlockSpec((1, L), lambda i: (0, 0)),
        ],
        out_specs=[
            pl.BlockSpec((BN, S), lambda i: (i, 0)),
            pl.BlockSpec((NG * S, L), lambda i: (0, 0)),
        ],
        out_shape=[
            jax.ShapeDtypeStruct((N, S), jnp.float32),
            jax.ShapeDtypeStruct((NG * S, L), jnp.float32),
        ],
        scratch_shapes=[pltpu.VMEM((NG * S, H), jnp.float32)],
    )(accf, accf, batch2, pw1, pb1, pw2, pb2, ow1, ob1, ow2, ob2)




def kernel(x, edge_index, batch,
           g1w1, g1b1, g1w2, g1b2,
           g2w1, g2b1, g2w2, g2b2,
           pw1, pb1, pw2, pb2,
           ow1, ob1, ow2, ob2):
    ei = edge_index.astype(jnp.int32)
    src = ei[0]
    dst = ei[1]
    srcN = src + N
    dstN = dst + N
    batch2 = batch.astype(jnp.int32).reshape(N, 1)

    xi, xj = _gather_x(x, dst, src)
    mlo1, mhi1 = _m1(xi, xj, g1w1, g1b1.reshape(1, H), g1w2, g1b2.reshape(1, H))
    (acc1,) = _scatter(mlo1, mhi1, dst)

    il, ih, jl, jh = _gather_h(acc1, dst, dstN, src, srcN)
    mlo2, mhi2 = _m2(il, ih, jl, jh, g2w1, g2b1.reshape(1, H),
                     g2w2, g2b2.reshape(1, H))
    (acc2,) = _scatter(mlo2, mhi2, dst)

    s, lat = _tc3(acc2, batch2,
                  pw1, pb1.reshape(1, H), pw2, pb2.reshape(1, S),
                  ow1, ob1.reshape(1, H), ow2, ob2.reshape(1, L))
    return lat.reshape(NG, S, L), s

# --- scband reference (transcript-rebuilt; emitter-appended) ---
"""Pipeline reference for scband-gnnencoder-10462540333073 (READ-ONLY COPY).

The authoritative reference and input builder live on the scoring server;
editing this copy changes nothing except your own understanding.
"""

import jax, jax.numpy as jnp
import numpy as np

N = 10000
E = 320000
F = 128
H = 256
L = 128
S = 32
NG = 8


def _lin_init(key, out_d, in_d):
    kw, kb = jax.random.split(key)
    scale = 1.0 / np.sqrt(in_d)
    W = jax.random.uniform(kw, (out_d, in_d), jnp.float32, -scale, scale)
    b = jax.random.uniform(kb, (out_d,), jnp.float32, -scale, scale)
    return W, b


def setup_inputs(seed: int = 0) -> dict:
    key = jax.random.key(seed)
    ks = jax.random.split(key, 10)
    x = jax.random.normal(ks[0], (N, F), dtype=jnp.float32)
    edge_index = jax.random.randint(ks[1], (2, E), 0, N, dtype=jnp.int64)
    batch = jnp.sort(jax.random.randint(ks[2], (N,), 0, NG, dtype=jnp.int64))
    g1w1, g1b1 = _lin_init(ks[3], H, 2 * F)
    g1w2, g1b2 = _lin_init(ks[4], H, H)
    g2w1, g2b1 = _lin_init(ks[5], H, 2 * H)
    g2w2, g2b2 = _lin_init(ks[6], H, H)
    pw1, pb1 = _lin_init(ks[7], H, H)
    pw2, pb2 = _lin_init(ks[8], S, H)
    k9a, k9b = jax.random.split(ks[9])
    ow1, ob1 = _lin_init(k9a, H, H)
    ow2, ob2 = _lin_init(k9b, L, H)
    return {
        "x": x, "edge_index": edge_index, "batch": batch,
        "g1w1": g1w1, "g1b1": g1b1, "g1w2": g1w2, "g1b2": g1b2,
        "g2w1": g2w1, "g2b1": g2b1, "g2w2": g2w2, "g2b2": g2b2,
        "pw1": pw1, "pb1": pb1, "pw2": pw2, "pb2": pb2,
        "ow1": ow1, "ob1": ob1, "ow2": ow2, "ob2": ob2,
    }


def _gnn_layer(x, edge_index, w1, b1, w2, b2):
    # PyG MessagePassing with aggr='add', flow source_to_target:
    # x_j = x[edge_index[0]] (source), x_i = x[edge_index[1]] (target)
    src = edge_index[0]
    dst = edge_index[1]
    x_i = jnp.take(x, dst, axis=0)
    x_j = jnp.take(x, src, axis=0)
    tmp = jnp.concatenate([x_i, x_j], axis=1)
    h = jnp.maximum(tmp @ w1.T + b1, 0.0)
    msg = h @ w2.T + b2
    out = jax.ops.segment_sum(msg, dst, num_segments=x.shape[0])
    return out


def reference(x, edge_index, batch,
              g1w1, g1b1, g1w2, g1b2,
              g2w1, g2b1, g2w2, g2b2,
              pw1, pb1, pw2, pb2,
              ow1, ob1, ow2, ob2):
    h = jax.nn.relu(_gnn_layer(x, edge_index, g1w1, g1b1, g1w2, g1b2))
    h = jax.nn.relu(_gnn_layer(h, edge_index, g2w1, g2b1, g2w2, g2b2))
    # HierarchicalPooling
    a = jnp.maximum(h @ pw1.T + pb1, 0.0) @ pw2.T + pb2
    s = jax.nn.softmax(a, axis=-1)  # [N, S]
    x_expanded = h[:, None, :] * s[:, :, None]  # [N, S, H]
    pooled = jax.ops.segment_sum(x_expanded, batch, num_segments=NG)  # [NG, S, H]
    latent = jnp.maximum(pooled @ ow1.T + ob1, 0.0) @ ow2.T + ob2  # [NG, S, L]
    return (latent, s)

if __name__ == "__main__":
    import jax
    _d = setup_inputs()
    print(jax.jit(kernel)(*tuple(_d.values())))

</pallas_src>

<mosaic_0001>
#map = affine_map<(d0, d1) -> (0, 0)>
#map1 = affine_map<(d0, d1) -> (0)>
module attributes {stable_mosaic.version = 14 : i64} {
  func.func @body(%arg0: i32, %arg1: i32, %arg2: memref<320000x128xf32, #tpu.memory_space<hbm>>, %arg3: memref<320000x128xf32, #tpu.memory_space<hbm>>, %arg4: memref<320000xi32, #tpu.memory_space<hbm>>, %arg5: memref<20000x128xf32, #tpu.memory_space<hbm>>, %arg6: memref<20000xi32, #tpu.memory_space<vmem>>, %arg7: memref<80xi32, #tpu.memory_space<vmem>>, %arg8: memref<80xi32, #tpu.memory_space<vmem>>, %arg9: memref<80x128xf32, #tpu.memory_space<vmem>>, %arg10: memref<80x128xf32, #tpu.memory_space<vmem>>, %arg11: memref<78x128xf32, #tpu.memory_space<vmem>>, %arg12: memref<10000x128xf32, #tpu.memory_space<vmem_shared>>, %arg13: memref<!tpu.dma_semaphore, #tpu.memory_space<semaphore_mem>>, %arg14: memref<!tpu.dma_semaphore, #tpu.memory_space<semaphore_mem>>) attributes {dimension_semantics = [#tpu.dimension_semantics<core_parallel>, #tpu.dimension_semantics<subcore_parallel>], iteration_bounds = array<i64: 2, 16>, scalar_prefetch = 0 : i64, scratch_operands = 9 : i64, tpu.core_type = #tpu.core_type<sc_vector_subcore>, window_params = [{transform_indices = #map}, {transform_indices = #map}, {transform_indices = #map1}, {transform_indices = #map}]} {
    %broadcast_in_dim3A = arith.constant 0.000000e+00 : f32
    %broadcast_in_dim3A_0 = vector.broadcast %broadcast_in_dim3A : f32 to vector<16xf32>
    %scan3A = arith.constant 0 : i32
    %scan3A_1 = arith.constant 0 : i32
    %scan3A_2 = arith.constant 78 : i32
    %scan3A_3 = arith.addi %scan3A_1, %scan3A_2 : i32
    %scan3A_4 = arith.constant 1 : i32
    %scan3A_5 = scf.for %scan3A_53 = %scan3A_1 to %scan3A_3 step %scan3A_4 iter_args(%scan3A_54 = %scan3A) -> (i32)  : i32 {
      %swap3A = arith.index_cast %scan3A_53 : i32 to index
      %swap3A_55 = arith.constant 0 : index
      %swap3A_56 = tpu.vector_load %arg11[%swap3A, %swap3A_55] {strides = array<i32>} : memref<78x128xf32, #tpu.memory_space<vmem>>, vector<16xf32>,
      tpu.vector_store %arg11[%swap3A, %swap3A_55], %broadcast_in_dim3A_0 {strides = array<i32>} : memref<78x128xf32, #tpu.memory_space<vmem>>, vector<16xf32>,
      %swap3A_57 = arith.index_cast %scan3A_53 : i32 to index
      %swap3A_58 = arith.constant 16 : index
      %swap3A_59 = tpu.vector_load %arg11[%swap3A_57, %swap3A_58] {strides = array<i32>} : memref<78x128xf32, #tpu.memory_space<vmem>>, vector<16xf32>,
      tpu.vector_store %arg11[%swap3A_57, %swap3A_58], %broadcast_in_dim3A_0 {strides = array<i32>} : memref<78x128xf32, #tpu.memory_space<vmem>>, vector<16xf32>,
      %swap3A_60 = arith.index_cast %scan3A_53 : i32 to index
      %swap3A_61 = arith.constant 32 : index
      %swap3A_62 = tpu.vector_load %arg11[%swap3A_60, %swap3A_61] {strides = array<i32>} : memref<78x128xf32, #tpu.memory_space<vmem>>, vector<16xf32>,
      tpu.vector_store %arg11[%swap3A_60, %swap3A_61], %broadcast_in_dim3A_0 {strides = array<i32>} : memref<78x128xf32, #tpu.memory_space<vmem>>, vector<16xf32>,
      %swap3A_63 = arith.index_cast %scan3A_53 : i32 to index
      %swap3A_64 = arith.constant 48 : index
      %swap3A_65 = tpu.vector_load %arg11[%swap3A_63, %swap3A_64] {strides = array<i32>} : memref<78x128xf32, #tpu.memory_space<vmem>>, vector<16xf32>,
      tpu.vector_store %arg11[%swap3A_63, %swap3A_64], %broadcast_in_dim3A_0 {strides = array<i32>} : memref<78x128xf32, #tpu.memory_space<vmem>>, vector<16xf32>,
      %swap3A_66 = arith.index_cast %scan3A_53 : i32 to index
      %swap3A_67 = arith.constant 64 : index
      %swap3A_68 = tpu.vector_load %arg11[%swap3A_66, %swap3A_67] {strides = array<i32>} : memref<78x128xf32, #tpu.memory_space<vmem>>, vector<16xf32>,
      tpu.vector_store %arg11[%swap3A_66, %swap3A_67], %broadcast_in_dim3A_0 {strides = array<i32>} : memref<78x128xf32, #tpu.memory_space<vmem>>, vector<16xf32>,
      %swap3A_69 = arith.index_cast %scan3A_53 : i32 to index
      %swap3A_70 = arith.constant 80 : index
      %swap3A_71 = tpu.vector_load %arg11[%swap3A_69, %swap3A_70] {strides = array<i32>} : memref<78x128xf32, #tpu.memory_space<vmem>>, vector<16xf32>,
      tpu.vector_store %arg11[%swap3A_69, %swap3A_70], %broadcast_in_dim3A_0 {strides = array<i32>} : memref<78x128xf32, #tpu.memory_space<vmem>>, vector<16xf32>,
      %swap3A_72 = arith.index_cast %scan3A_53 : i32 to index
      %swap3A_73 = arith.constant 96 : index
      %swap3A_74 = tpu.vector_load %arg11[%swap3A_72, %swap3A_73] {strides = array<i32>} : memref<78x128xf32, #tpu.memory_space<vmem>>, vector<16xf32>,
      tpu.vector_store %arg11[%swap3A_72, %swap3A_73], %broadcast_in_dim3A_0 {strides = array<i32>} : memref<78x128xf32, #tpu.memory_space<vmem>>, vector<16xf32>,
      %swap3A_75 = arith.index_cast %scan3A_53 : i32 to index
      %swap3A_76 = arith.constant 112 : index
      %swap3A_77 = tpu.vector_load %arg11[%swap3A_75, %swap3A_76] {strides = array<i32>} : memref<78x128xf32, #tpu.memory_space<vmem>>, vector<16xf32>,
      tpu.vector_store %arg11[%swap3A_75, %swap3A_76], %broadcast_in_dim3A_0 {strides = array<i32>} : memref<78x128xf32, #tpu.memory_space<vmem>>, vector<16xf32>,
      %scan3A_78 = arith.constant 0 : i32
      scf.yield %scan3A_78 : i32
    }
    %scan3A_6 = arith.constant 78 : i32
    %mul3A = arith.constant 624 : i32
    %mul3A_7 = arith.muli %arg1, %mul3A : i32
    %add3A = arith.constant 0 : i32
    %add3A_8 = arith.addi %mul3A_7, %add3A : i32
    "tpu.region"() ({
      %run_scoped3A = tpu.sem_alloc : memref<!tpu.dma_semaphore, #tpu.memory_space<semaphore_mem>>
      %dma_start3A = arith.constant 0 : i32
      %dma_start3A_53 = tpu.memref_slice %arg12[%add3A_8, %dma_start3A] : memref<10000x128xf32, #tpu.memory_space<vmem_shared>> -> memref<78x128xf32, #tpu.memory_space<vmem_shared>>
      %dma_start3A_54 = arith.constant 0 : i32
      %dma_start3A_55 = tpu.memref_slice %arg12[%add3A_8, %dma_start3A_54] : memref<10000x128xf32, #tpu.memory_space<vmem_shared>> -> memref<78x128xf32, #tpu.memory_space<vmem_shared>>
      tpu.enqueue_dma source(%arg11 : memref<78x128xf32, #tpu.memory_space<vmem>>) target(%dma_start3A_55 : memref<78x128xf32, #tpu.memory_space<vmem_shared>>) target_semaphore(%run_scoped3A : memref<!tpu.dma_semaphore, #tpu.memory_space<semaphore_mem>>)
      %dma_wait3A = arith.constant 0 : i32
      %dma_wait3A_56 = tpu.memref_slice %arg12[%add3A_8, %dma_wait3A] : memref<10000x128xf32, #tpu.memory_space<vmem_shared>> -> memref<78x128xf32, #tpu.memory_space<vmem_shared>>
      %dma_wait3A_57 = arith.constant 0 : i32
      %dma_wait3A_58 = tpu.memref_slice %arg12[%add3A_8, %dma_wait3A_57] : memref<10000x128xf32, #tpu.memory_space<vmem_shared>> -> memref<78x128xf32, #tpu.memory_space<vmem_shared>>
      tpu.wait_dma2 semaphore(%run_scoped3A : memref<!tpu.dma_semaphore, #tpu.memory_space<semaphore_mem>>) src(%arg11 : memref<78x128xf32, #tpu.memory_space<vmem>>) dst(%dma_wait3A_58 : memref<78x128xf32, #tpu.memory_space<vmem_shared>>)
      tpu.yield
    }) : () -> ()
    %add3A_9 = arith.constant 78 : i32
    %add3A_10 = arith.addi %mul3A_7, %add3A_9 : i32
    "tpu.region"() ({
      %run_scoped3A = tpu.sem_alloc : memref<!tpu.dma_semaphore, #tpu.memory_space<semaphore_mem>>
      %dma_start3A = arith.constant 0 : i32
      %dma_start3A_53 = tpu.memref_slice %arg12[%add3A_10, %dma_start3A] : memref<10000x128xf32, #tpu.memory_space<vmem_shared>> -> memref<78x128xf32, #tpu.memory_space<vmem_shared>>
      %dma_start3A_54 = arith.constant 0 : i32
      %dma_start3A_55 = tpu.memref_slice %arg12[%add3A_10, %dma_start3A_54] : memref<10000x128xf32, #tpu.memory_space<vmem_shared>> -> memref<78x128xf32, #tpu.memory_space<vmem_shared>>
      tpu.enqueue_dma source(%arg11 : memref<78x128xf32, #tpu.memory_space<vmem>>) target(%dma_start3A_55 : memref<78x128xf32, #tpu.memory_space<vmem_shared>>) target_semaphore(%run_scoped3A : memref<!tpu.dma_semaphore, #tpu.memory_space<semaphore_mem>>)
      %dma_wait3A = arith.constant 0 : i32
      %dma_wait3A_56 = tpu.memref_slice %arg12[%add3A_10, %dma_wait3A] : memref<10000x128xf32, #tpu.memory_space<vmem_shared>> -> memref<78x128xf32, #tpu.memory_space<vmem_shared>>
      %dma_wait3A_57 = arith.constant 0 : i32
      %dma_wait3A_58 = tpu.memref_slice %arg12[%add3A_10, %dma_wait3A_57] : memref<10000x128xf32, #tpu.memory_space<vmem_shared>> -> memref<78x128xf32, #tpu.memory_space<vmem_shared>>
      tpu.wait_dma2 semaphore(%run_scoped3A : memref<!tpu.dma_semaphore, #tpu.memory_space<semaphore_mem>>) src(%arg11 : memref<78x128xf32, #tpu.memory_space<vmem>>) dst(%dma_wait3A_58 : memref<78x128xf32, #tpu.memory_space<vmem_shared>>)
      tpu.yield
    }) : () -> ()
    %add3A_11 = arith.constant 156 : i32
    %add3A_12 = arith.addi %mul3A_7, %add3A_11 : i32
    "tpu.region"() ({
      %run_scoped3A = tpu.sem_alloc : memref<!tpu.dma_semaphore, #tpu.memory_space<semaphore_mem>>
      %dma_start3A = arith.constant 0 : i32
      %dma_start3A_53 = tpu.memref_slice %arg12[%add3A_12, %dma_start3A] : memref<10000x128xf32, #tpu.memory_space<vmem_shared>> -> memref<78x128xf32, #tpu.memory_space<vmem_shared>>
      %dma_start3A_54 = arith.constant 0 : i32
      %dma_start3A_55 = tpu.memref_slice %arg12[%add3A_12, %dma_start3A_54] : memref<10000x128xf32, #tpu.memory_space<vmem_shared>> -> memref<78x128xf32, #tpu.memory_space<vmem_shared>>
      tpu.enqueue_dma source(%arg11 : memref<78x128xf32, #tpu.memory_space<vmem>>) target(%dma_start3A_55 : memref<78x128xf32, #tpu.memory_space<vmem_shared>>) target_semaphore(%run_scoped3A : memref<!tpu.dma_semaphore, #tpu.memory_space<semaphore_mem>>)
      %dma_wait3A = arith.constant 0 : i32
      %dma_wait3A_56 = tpu.memref_slice %arg12[%add3A_12, %dma_wait3A] : memref<10000x128xf32, #tpu.memory_space<vmem_shared>> -> memref<78x128xf32, #tpu.memory_space<vmem_shared>>
      %dma_wait3A_57 = arith.constant 0 : i32
      %dma_wait3A_58 = tpu.memref_slice %arg12[%add3A_12, %dma_wait3A_57] : memref<10000x128xf32, #tpu.memory_space<vmem_shared>> -> memref<78x128xf32, #tpu.memory_space<vmem_shared>>
      tpu.wait_dma2 semaphore(%run_scoped3A : memref<!tpu.dma_semaphore, #tpu.memory_space<semaphore_mem>>) src(%arg11 : memref<78x128xf32, #tpu.memory_space<vmem>>) dst(%dma_wait3A_58 : memref<78x128xf32, #tpu.memory_space<vmem_shared>>)
      tpu.yield
    }) : () -> ()
    %add3A_13 = arith.constant 234 : i32
    %add3A_14 = arith.addi %mul3A_7, %add3A_13 : i32
    "tpu.region"() ({
      %run_scoped3A = tpu.sem_alloc : memref<!tpu.dma_semaphore, #tpu.memory_space<semaphore_mem>>
      %dma_start3A = arith.constant 0 : i32
      %dma_start3A_53 = tpu.memref_slice %arg12[%add3A_14, %dma_start3A] : memref<10000x128xf32, #tpu.memory_space<vmem_shared>> -> memref<78x128xf32, #tpu.memory_space<vmem_shared>>
      %dma_start3A_54 = arith.constant 0 : i32
      %dma_start3A_55 = tpu.memref_slice %arg12[%add3A_14, %dma_start3A_54] : memref<10000x128xf32, #tpu.memory_space<vmem_shared>> -> memref<78x128xf32, #tpu.memory_space<vmem_shared>>
      tpu.enqueue_dma source(%arg11 : memref<78x128xf32, #tpu.memory_space<vmem>>) target(%dma_start3A_55 : memref<78x128xf32, #tpu.memory_space<vmem_shared>>) target_semaphore(%run_scoped3A : memref<!tpu.dma_semaphore, #tpu.memory_space<semaphore_mem>>)
      %dma_wait3A = arith.constant 0 : i32
      %dma_wait3A_56 = tpu.memref_slice %arg12[%add3A_14, %dma_wait3A] : memref<10000x128xf32, #tpu.memory_space<vmem_shared>> -> memref<78x128xf32, #tpu.memory_space<vmem_shared>>
      %dma_wait3A_57 = arith.constant 0 : i32
      %dma_wait3A_58 = tpu.memref_slice %arg12[%add3A_14, %dma_wait3A_57] : memref<10000x128xf32, #tpu.memory_space<vmem_shared>> -> memref<78x128xf32, #tpu.memory_space<vmem_shared>>
      tpu.wait_dma2 semaphore(%run_scoped3A : memref<!tpu.dma_semaphore, #tpu.memory_space<semaphore_mem>>) src(%arg11 : memref<78x128xf32, #tpu.memory_space<vmem>>) dst(%dma_wait3A_58 : memref<78x128xf32, #tpu.memory_space<vmem_shared>>)
      tpu.yield
    }) : () -> ()
    %add3A_15 = arith.constant 312 : i32
    %add3A_16 = arith.addi %mul3A_7, %add3A_15 : i32
    "tpu.region"() ({
      %run_scoped3A = tpu.sem_alloc : memref<!tpu.dma_semaphore, #tpu.memory_space<semaphore_mem>>
      %dma_start3A = arith.constant 0 : i32
      %dma_start3A_53 = tpu.memref_slice %arg12[%add3A_16, %dma_start3A] : memref<10000x128xf32, #tpu.memory_space<vmem_shared>> -> memref<78x128xf32, #tpu.memory_space<vmem_shared>>
      %dma_start3A_54 = arith.constant 0 : i32
      %dma_start3A_55 = tpu.memref_slice %arg12[%add3A_16, %dma_start3A_54] : memref<10000x128xf32, #tpu.memory_space<vmem_shared>> -> memref<78x128xf32, #tpu.memory_space<vmem_shared>>
      tpu.enqueue_dma source(%arg11 : memref<78x128xf32, #tpu.memory_space<vmem>>) target(%dma_start3A_55 : memref<78x128xf32, #tpu.memory_space<vmem_shared>>) target_semaphore(%run_scoped3A : memref<!tpu.dma_semaphore, #tpu.memory_space<semaphore_mem>>)
      %dma_wait3A = arith.constant 0 : i32
      %dma_wait3A_56 = tpu.memref_slice %arg12[%add3A_16, %dma_wait3A] : memref<10000x128xf32, #tpu.memory_space<vmem_shared>> -> memref<78x128xf32, #tpu.memory_space<vmem_shared>>
      %dma_wait3A_57 = arith.constant 0 : i32
      %dma_wait3A_58 = tpu.memref_slice %arg12[%add3A_16, %dma_wait3A_57] : memref<10000x128xf32, #tpu.memory_space<vmem_shared>> -> memref<78x128xf32, #tpu.memory_space<vmem_shared>>
      tpu.wait_dma2 semaphore(%run_scoped3A : memref<!tpu.dma_semaphore, #tpu.memory_space<semaphore_mem>>) src(%arg11 : memref<78x128xf32, #tpu.memory_space<vmem>>) dst(%dma_wait3A_58 : memref<78x128xf32, #tpu.memory_space<vmem_shared>>)
      tpu.yield
    }) : () -> ()
    %add3A_17 = arith.constant 390 : i32
    %add3A_18 = arith.addi %mul3A_7, %add3A_17 : i32
    "tpu.region"() ({
      %run_scoped3A = tpu.sem_alloc : memref<!tpu.dma_semaphore, #tpu.memory_space<semaphore_mem>>
      %dma_start3A = arith.constant 0 : i32
      %dma_start3A_53 = tpu.memref_slice %arg12[%add3A_18, %dma_start3A] : memref<10000x128xf32, #tpu.memory_space<vmem_shared>> -> memref<78x128xf32, #tpu.memory_space<vmem_shared>>
      %dma_start3A_54 = arith.constant 0 : i32
      %dma_start3A_55 = tpu.memref_slice %arg12[%add3A_18, %dma_start3A_54] : memref<10000x128xf32, #tpu.memory_space<vmem_shared>> -> memref<78x128xf32, #tpu.memory_space<vmem_shared>>
      tpu.enqueue_dma source(%arg11 : memref<78x128xf32, #tpu.memory_space<vmem>>) target(%dma_start3A_55 : memref<78x128xf32, #tpu.memory_space<vmem_shared>>) target_semaphore(%run_scoped3A : memref<!tpu.dma_semaphore, #tpu.memory_space<semaphore_mem>>)
      %dma_wait3A = arith.constant 0 : i32
      %dma_wait3A_56 = tpu.memref_slice %arg12[%add3A_18, %dma_wait3A] : memref<10000x128xf32, #tpu.memory_space<vmem_shared>> -> memref<78x128xf32, #tpu.memory_space<vmem_shared>>
      %dma_wait3A_57 = arith.constant 0 : i32
      %dma_wait3A_58 = tpu.memref_slice %arg12[%add3A_18, %dma_wait3A_57] : memref<10000x128xf32, #tpu.memory_space<vmem_shared>> -> memref<78x128xf32, #tpu.memory_space<vmem_shared>>
      tpu.wait_dma2 semaphore(%run_scoped3A : memref<!tpu.dma_semaphore, #tpu.memory_space<semaphore_mem>>) src(%arg11 : memref<78x128xf32, #tpu.memory_space<vmem>>) dst(%dma_wait3A_58 : memref<78x128xf32, #tpu.memory_space<vmem_shared>>)
      tpu.yield
    }) : () -> ()
    %add3A_19 = arith.constant 468 : i32
    %add3A_20 = arith.addi %mul3A_7, %add3A_19 : i32
    "tpu.region"() ({
      %run_scoped3A = tpu.sem_alloc : memref<!tpu.dma_semaphore, #tpu.memory_space<semaphore_mem>>
      %dma_start3A = arith.constant 0 : i32
      %dma_start3A_53 = tpu.memref_slice %arg12[%add3A_20, %dma_start3A] : memref<10000x128xf32, #tpu.memory_space<vmem_shared>> -> memref<78x128xf32, #tpu.memory_space<vmem_shared>>
      %dma_start3A_54 = arith.constant 0 : i32
      %dma_start3A_55 = tpu.memref_slice %arg12[%add3A_20, %dma_start3A_54] : memref<10000x128xf32, #tpu.memory_space<vmem_shared>> -> memref<78x128xf32, #tpu.memory_space<vmem_shared>>
      tpu.enqueue_dma source(%arg11 : memref<78x128xf32, #tpu.memory_space<vmem>>) target(%dma_start3A_55 : memref<78x128xf32, #tpu.memory_space<vmem_shared>>) target_semaphore(%run_scoped3A : memref<!tpu.dma_semaphore, #tpu.memory_space<semaphore_mem>>)
      %dma_wait3A = arith.constant 0 : i32
      %dma_wait3A_56 = tpu.memref_slice %arg12[%add3A_20, %dma_wait3A] : memref<10000x128xf32, #tpu.memory_space<vmem_shared>> -> memref<78x128xf32, #tpu.memory_space<vmem_shared>>
      %dma_wait3A_57 = arith.constant 0 : i32
      %dma_wait3A_58 = tpu.memref_slice %arg12[%add3A_20, %dma_wait3A_57] : memref<10000x128xf32, #tpu.memory_space<vmem_shared>> -> memref<78x128xf32, #tpu.memory_space<vmem_shared>>
      tpu.wait_dma2 semaphore(%run_scoped3A : memref<!tpu.dma_semaphore, #tpu.memory_space<semaphore_mem>>) src(%arg11 : memref<78x128xf32, #tpu.memory_space<vmem>>) dst(%dma_wait3A_58 : memref<78x128xf32, #tpu.memory_space<vmem_shared>>)
      tpu.yield
    }) : () -> ()
    %add3A_21 = arith.constant 546 : i32
    %add3A_22 = arith.addi %mul3A_7, %add3A_21 : i32
    "tpu.region"() ({
      %run_scoped3A = tpu.sem_alloc : memref<!tpu.dma_semaphore, #tpu.memory_space<semaphore_mem>>
      %dma_start3A = arith.constant 0 : i32
      %dma_start3A_53 = tpu.memref_slice %arg12[%add3A_22, %dma_start3A] : memref<10000x128xf32, #tpu.memory_space<vmem_shared>> -> memref<78x128xf32, #tpu.memory_space<vmem_shared>>
      %dma_start3A_54 = arith.constant 0 : i32
      %dma_start3A_55 = tpu.memref_slice %arg12[%add3A_22, %dma_start3A_54] : memref<10000x128xf32, #tpu.memory_space<vmem_shared>> -> memref<78x128xf32, #tpu.memory_space<vmem_shared>>
      tpu.enqueue_dma source(%arg11 : memref<78x128xf32, #tpu.memory_space<vmem>>) target(%dma_start3A_55 : memref<78x128xf32, #tpu.memory_space<vmem_shared>>) target_semaphore(%run_scoped3A : memref<!tpu.dma_semaphore, #tpu.memory_space<semaphore_mem>>)
      %dma_wait3A = arith.constant 0 : i32
      %dma_wait3A_56 = tpu.memref_slice %arg12[%add3A_22, %dma_wait3A] : memref<10000x128xf32, #tpu.memory_space<vmem_shared>> -> memref<78x128xf32, #tpu.memory_space<vmem_shared>>
      %dma_wait3A_57 = arith.constant 0 : i32
      %dma_wait3A_58 = tpu.memref_slice %arg12[%add3A_22, %dma_wait3A_57] : memref<10000x128xf32, #tpu.memory_space<vmem_shared>> -> memref<78x128xf32, #tpu.memory_space<vmem_shared>>
      tpu.wait_dma2 semaphore(%run_scoped3A : memref<!tpu.dma_semaphore, #tpu.memory_space<semaphore_mem>>) src(%arg11 : memref<78x128xf32, #tpu.memory_space<vmem>>) dst(%dma_wait3A_58 : memref<78x128xf32, #tpu.memory_space<vmem_shared>>)
      tpu.yield
    }) : () -> ()
    %eq3A = arith.constant 15 : i32
    %eq3A_23 = arith.cmpi eq, %arg1, %eq3A : i32
    %convert_element_type3A = arith.extui %eq3A_23 : i1 to i32
    %cond3A = arith.constant 0 : i32
    %cond3A_24 = arith.cmpi ne, %convert_element_type3A, %cond3A : i32
    scf.if %cond3A_24 {
      "tpu.region"() ({
        %run_scoped3A = tpu.sem_alloc : memref<!tpu.dma_semaphore, #tpu.memory_space<semaphore_mem>>
        %dma_start3A = arith.constant 0 : i32
        %dma_start3A_53 = arith.constant 0 : i32
        %dma_start3A_54 = tpu.memref_slice %arg11[%dma_start3A, %dma_start3A_53] : memref<78x128xf32, #tpu.memory_space<vmem>> -> memref<16x128xf32, #tpu.memory_space<vmem>>
        %dma_start3A_55 = arith.constant 9984 : i32
        %dma_start3A_56 = arith.constant 0 : i32
        %dma_start3A_57 = tpu.memref_slice %arg12[%dma_start3A_55, %dma_start3A_56] : memref<10000x128xf32, #tpu.memory_space<vmem_shared>> -> memref<16x128xf32, #tpu.memory_space<vmem_shared>>
        %dma_start3A_58 = arith.constant 9984 : i32
        %dma_start3A_59 = arith.constant 0 : i32
        %dma_start3A_60 = tpu.memref_slice %arg12[%dma_start3A_58, %dma_start3A_59] : memref<10000x128xf32, #tpu.memory_space<vmem_shared>> -> memref<16x128xf32, #tpu.memory_space<vmem_shared>>
        %dma_start3A_61 = arith.constant 0 : i32
        %dma_start3A_62 = arith.constant 0 : i32
        %dma_start3A_63 = tpu.memref_slice %arg11[%dma_start3A_61, %dma_start3A_62] : memref<78x128xf32, #tpu.memory_space<vmem>> -> memref<16x128xf32, #tpu.memory_space<vmem>>
        tpu.enqueue_dma source(%dma_start3A_63 : memref<16x128xf32, #tpu.memory_space<vmem>>) target(%dma_start3A_60 : memref<16x128xf32, #tpu.memory_space<vmem_shared>>) target_semaphore(%run_scoped3A : memref<!tpu.dma_semaphore, #tpu.memory_space<semaphore_mem>>)
        %dma_wait3A = arith.constant 0 : i32
        %dma_wait3A_64 = arith.constant 0 : i32
        %dma_wait3A_65 = tpu.memref_slice %arg11[%dma_wait3A, %dma_wait3A_64] : memref<78x128xf32, #tpu.memory_space<vmem>> -> memref<16x128xf32, #tpu.memory_space<vmem>>
        %dma_wait3A_66 = arith.constant 9984 : i32
        %dma_wait3A_67 = arith.constant 0 : i32
        %dma_wait3A_68 = tpu.memref_slice %arg12[%dma_wait3A_66, %dma_wait3A_67] : memref<10000x128xf32, #tpu.memory_space<vmem_shared>> -> memref<16x128xf32, #tpu.memory_space<vmem_shared>>
        %dma_wait3A_69 = arith.constant 9984 : i32
        %dma_wait3A_70 = arith.constant 0 : i32
        %dma_wait3A_71 = tpu.memref_slice %arg12[%dma_wait3A_69, %dma_wait3A_70] : memref<10000x128xf32, #tpu.memory_space<vmem_shared>> -> memref<16x128xf32, #tpu.memory_space<vmem_shared>>
        %dma_wait3A_72 = arith.constant 0 : i32
        %dma_wait3A_73 = arith.constant 0 : i32
        %dma_wait3A_74 = tpu.memref_slice %arg11[%dma_wait3A_72, %dma_wait3A_73] : memref<78x128xf32, #tpu.memory_space<vmem>> -> memref<16x128xf32, #tpu.memory_space<vmem>>
        tpu.wait_dma2 semaphore(%run_scoped3A : memref<!tpu.dma_semaphore, #tpu.memory_space<semaphore_mem>>) src(%dma_wait3A_74 : memref<16x128xf32, #tpu.memory_space<vmem>>) dst(%dma_wait3A_71 : memref<16x128xf32, #tpu.memory_space<vmem_shared>>)
        tpu.yield
      }) : () -> ()
    } else {
    }
    %mul3A_25 = arith.constant 20000 : i32
    %mul3A_26 = arith.muli %arg1, %mul3A_25 : i32
    "tpu.region"() ({
      %run_scoped3A = tpu.sem_alloc : memref<!tpu.dma_semaphore, #tpu.memory_space<semaphore_mem>>
      %dma_start3A = tpu.memref_slice %arg4[%mul3A_26] : memref<320000xi32, #tpu.memory_space<hbm>> -> memref<20000xi32, #tpu.memory_space<hbm>>
      %dma_start3A_53 = tpu.memref_slice %arg4[%mul3A_26] : memref<320000xi32, #tpu.memory_space<hbm>> -> memref<20000xi32, #tpu.memory_space<hbm>>
      tpu.enqueue_dma source(%dma_start3A_53 : memref<20000xi32, #tpu.memory_space<hbm>>) target(%arg6 : memref<20000xi32, #tpu.memory_space<vmem>>) target_semaphore(%run_scoped3A : memref<!tpu.dma_semaphore, #tpu.memory_space<semaphore_mem>>)
      %dma_wait3A = tpu.memref_slice %arg4[%mul3A_26] : memref<320000xi32, #tpu.memory_space<hbm>> -> memref<20000xi32, #tpu.memory_space<hbm>>
      %dma_wait3A_54 = tpu.memref_slice %arg4[%mul3A_26] : memref<320000xi32, #tpu.memory_space<hbm>> -> memref<20000xi32, #tpu.memory_space<hbm>>
      tpu.wait_dma2 semaphore(%run_scoped3A : memref<!tpu.dma_semaphore, #tpu.memory_space<semaphore_mem>>) src(%dma_wait3A_54 : memref<20000xi32, #tpu.memory_space<hbm>>) dst(%arg6 : memref<20000xi32, #tpu.memory_space<vmem>>)
      tpu.yield
    }) : () -> ()
    %barrier3A = arith.constant 0 : index
    tpu.barrier barrier_id(%barrier3A)
    %eq3A_27 = arith.constant 0 : i32
    %eq3A_28 = arith.cmpi eq, %arg0, %eq3A_27 : i32
    %convert_element_type3A_29 = arith.extui %eq3A_28 : i1 to i32
    %cond3A_30 = arith.constant 0 : i32
    %cond3A_31 = arith.cmpi ne, %convert_element_type3A_29, %cond3A_30 : i32
    scf.if %cond3A_31 {
      %add3A_53 = arith.constant 0 : i32
      %add3A_54 = arith.addi %mul3A_26, %add3A_53 : i32
      %dma_start3A = arith.constant 0 : i32
      %dma_start3A_55 = tpu.memref_slice %arg2[%add3A_54, %dma_start3A] : memref<320000x128xf32, #tpu.memory_space<hbm>> -> memref<80x128xf32, #tpu.memory_space<hbm>>
      %dma_start3A_56 = arith.constant 0 : i32
      %dma_start3A_57 = tpu.memref_slice %arg2[%add3A_54, %dma_start3A_56] : memref<320000x128xf32, #tpu.memory_space<hbm>> -> memref<80x128xf32, #tpu.memory_space<hbm>>
      tpu.enqueue_dma source(%dma_start3A_57 : memref<80x128xf32, #tpu.memory_space<hbm>>) target(%arg9 : memref<80x128xf32, #tpu.memory_space<vmem>>) target_semaphore(%arg13 : memref<!tpu.dma_semaphore, #tpu.memory_space<semaphore_mem>>)
    } else {
    }
    %eq3A_32 = arith.constant 1 : i32
    %eq3A_33 = arith.cmpi eq, %arg0, %eq3A_32 : i32
    %convert_element_type3A_34 = arith.extui %eq3A_33 : i1 to i32
    %cond3A_35 = arith.constant 0 : i32
    %cond3A_36 = arith.cmpi ne, %convert_element_type3A_34, %cond3A_35 : i32
    scf.if %cond3A_36 {
      %add3A_53 = arith.constant 0 : i32
      %add3A_54 = arith.addi %mul3A_26, %add3A_53 : i32
      %dma_start3A = arith.constant 0 : i32
      %dma_start3A_55 = tpu.memref_slice %arg3[%add3A_54, %dma_start3A] : memref<320000x128xf32, #tpu.memory_space<hbm>> -> memref<80x128xf32, #tpu.memory_space<hbm>>
      %dma_start3A_56 = arith.constant 0 : i32
      %dma_start3A_57 = tpu.memref_slice %arg3[%add3A_54, %dma_start3A_56] : memref<320000x128xf32, #tpu.memory_space<hbm>> -> memref<80x128xf32, #tpu.memory_space<hbm>>
      tpu.enqueue_dma source(%dma_start3A_57 : memref<80x128xf32, #tpu.memory_space<hbm>>) target(%arg9 : memref<80x128xf32, #tpu.memory_space<vmem>>) target_semaphore(%arg13 : memref<!tpu.dma_semaphore, #tpu.memory_space<semaphore_mem>>)
    } else {
    }
    %scan3A_37 = arith.constant 0 : i32
    %scan3A_38 = arith.constant 0 : i32
    %scan3A_39 = arith.constant 125 : i32
    %scan3A_40 = arith.addi %scan3A_38, %scan3A_39 : i32
    %scan3A_41 = arith.constant 1 : i32
    %scan3A_42 = scf.for %scan3A_53 = %scan3A_38 to %scan3A_40 step %scan3A_41 iter_args(%scan3A_54 = %scan3A_37) -> (i32)  : i32 {
      %mul3A_55 = arith.constant 2 : i32
      %mul3A_56 = arith.muli %mul3A_55, %scan3A_53 : i32
      %mul3A_57 = arith.constant 80 : i32
      %mul3A_58 = arith.muli %mul3A_56, %mul3A_57 : i32
      %mul3A_59 = arith.constant 2 : i32
      %mul3A_60 = arith.muli %mul3A_59, %scan3A_53 : i32
      %add3A_61 = arith.constant 1 : i32
      %add3A_62 = arith.addi %mul3A_60, %add3A_61 : i32
      %mul3A_63 = arith.constant 80 : i32
      %mul3A_64 = arith.muli %add3A_62, %mul3A_63 : i32
      %eq3A_65 = arith.constant 0 : i32
      %eq3A_66 = arith.cmpi eq, %arg0, %eq3A_65 : i32
      %convert_element_type3A_67 = arith.extui %eq3A_66 : i1 to i32
      %cond3A_68 = arith.constant 0 : i32
      %cond3A_69 = arith.cmpi ne, %convert_element_type3A_67, %cond3A_68 : i32
      scf.if %cond3A_69 {
        %add3A_149 = arith.addi %mul3A_26, %mul3A_64 : i32
        %dma_start3A = arith.constant 0 : i32
        %dma_start3A_150 = tpu.memref_slice %arg2[%add3A_149, %dma_start3A] : memref<320000x128xf32, #tpu.memory_space<hbm>> -> memref<80x128xf32, #tpu.memory_space<hbm>>
        %dma_start3A_151 = arith.constant 0 : i32
        %dma_start3A_152 = tpu.memref_slice %arg2[%add3A_149, %dma_start3A_151] : memref<320000x128xf32, #tpu.memory_space<hbm>> -> memref<80x128xf32, #tpu.memory_space<hbm>>
        tpu.enqueue_dma source(%dma_start3A_152 : memref<80x128xf32, #tpu.memory_space<hbm>>) target(%arg10 : memref<80x128xf32, #tpu.memory_space<vmem>>) target_semaphore(%arg14 : memref<!tpu.dma_semaphore, #tpu.memory_space<semaphore_mem>>)
      } else {
      }
      %eq3A_70 = arith.constant 1 : i32
      %eq3A_71 = arith.cmpi eq, %arg0, %eq3A_70 : i32
      %convert_element_type3A_72 = arith.extui %eq3A_71 : i1 to i32
      %cond3A_73 = arith.constant 0 : i32
      %cond3A_74 = arith.cmpi ne, %convert_element_type3A_72, %cond3A_73 : i32
      scf.if %cond3A_74 {
        %add3A_149 = arith.addi %mul3A_26, %mul3A_64 : i32
        %dma_start3A = arith.constant 0 : i32
        %dma_start3A_150 = tpu.memref_slice %arg3[%add3A_149, %dma_start3A] : memref<320000x128xf32, #tpu.memory_space<hbm>> -> memref<80x128xf32, #tpu.memory_space<hbm>>
        %dma_start3A_151 = arith.constant 0 : i32
        %dma_start3A_152 = tpu.memref_slice %arg3[%add3A_149, %dma_start3A_151] : memref<320000x128xf32, #tpu.memory_space<hbm>> -> memref<80x128xf32, #tpu.memory_space<hbm>>
        tpu.enqueue_dma source(%dma_start3A_152 : memref<80x128xf32, #tpu.memory_space<hbm>>) target(%arg10 : memref<80x128xf32, #tpu.memory_space<vmem>>) target_semaphore(%arg14 : memref<!tpu.dma_semaphore, #tpu.memory_space<semaphore_mem>>)
      } else {
      }
      %dma_wait3A = arith.constant 0 : i32
      %dma_wait3A_75 = arith.constant 0 : i32
      %dma_wait3A_76 = tpu.memref_slice %arg2[%dma_wait3A, %dma_wait3A_75] : memref<320000x128xf32, #tpu.memory_space<hbm>> -> memref<80x128xf32, #tpu.memory_space<hbm>>
      %dma_wait3A_77 = arith.constant 0 : i32
      %dma_wait3A_78 = arith.constant 0 : i32
      %dma_wait3A_79 = tpu.memref_slice %arg2[%dma_wait3A_77, %dma_wait3A_78] : memref<320000x128xf32, #tpu.memory_space<hbm>> -> memref<80x128xf32, #tpu.memory_space<hbm>>
      tpu.wait_dma2 semaphore(%arg13 : memref<!tpu.dma_semaphore, #tpu.memory_space<semaphore_mem>>) src(%dma_wait3A_79 : memref<80x128xf32, #tpu.memory_space<hbm>>) dst(%arg9 : memref<80x128xf32, #tpu.memory_space<vmem>>)
      %add3A_80 = arith.constant 0 : i32
      %add3A_81 = arith.addi %mul3A_58, %add3A_80 : i32
      %get3A = arith.index_cast %add3A_81 : i32 to index
      %get3A_82 = tpu.vector_load %arg6[%get3A] {strides = array<i32>} : memref<20000xi32, #tpu.memory_space<vmem>>, vector<16xi32>,
      %swap3A = arith.constant 0 : index
      %swap3A_83 = tpu.vector_load %arg7[%swap3A] {strides = array<i32>} : memref<80xi32, #tpu.memory_space<vmem>>, vector<16xi32>,
      tpu.vector_store %arg7[%swap3A], %get3A_82 {strides = array<i32>} : memref<80xi32, #tpu.memory_space<vmem>>, vector<16xi32>,
      %add3A_84 = arith.constant 16 : i32
      %add3A_85 = arith.addi %mul3A_58, %add3A_84 : i32
      %get3A_86 = arith.index_cast %add3A_85 : i32 to index
      %get3A_87 = tpu.vector_load %arg6[%get3A_86] {strides = array<i32>} : memref<20000xi32, #tpu.memory_space<vmem>>, vector<16xi32>,
      %swap3A_88 = arith.constant 16 : index
      %swap3A_89 = tpu.vector_load %arg7[%swap3A_88] {strides = array<i32>} : memref<80xi32, #tpu.memory_space<vmem>>, vector<16xi32>,
      tpu.vector_store %arg7[%swap3A_88], %get3A_87 {strides = array<i32>} : memref<80xi32, #tpu.memory_space<vmem>>, vector<16xi32>,
      %add3A_90 = arith.constant 32 : i32
      %add3A_91 = arith.addi %mul3A_58, %add3A_90 : i32
      %get3A_92 = arith.index_cast %add3A_91 : i32 to index
      %get3A_93 = tpu.vector_load %arg6[%get3A_92] {strides = array<i32>} : memref<20000xi32, #tpu.memory_space<vmem>>, vector<16xi32>,
      %swap3A_94 = arith.constant 32 : index
      %swap3A_95 = tpu.vector_load %arg7[%swap3A_94] {strides = array<i32>} : memref<80xi32, #tpu.memory_space<vmem>>, vector<16xi32>,
      tpu.vector_store %arg7[%swap3A_94], %get3A_93 {strides = array<i32>} : memref<80xi32, #tpu.memory_space<vmem>>, vector<16xi32>,
      %add3A_96 = arith.constant 48 : i32
      %add3A_97 = arith.addi %mul3A_58, %add3A_96 : i32
      %get3A_98 = arith.index_cast %add3A_97 : i32 to index
      %get3A_99 = tpu.vector_load %arg6[%get3A_98] {strides = array<i32>} : memref<20000xi32, #tpu.memory_space<vmem>>, vector<16xi32>,
      %swap3A_100 = arith.constant 48 : index
      %swap3A_101 = tpu.vector_load %arg7[%swap3A_100] {strides = array<i32>} : memref<80xi32, #tpu.memory_space<vmem>>, vector<16xi32>,
      tpu.vector_store %arg7[%swap3A_100], %get3A_99 {strides = array<i32>} : memref<80xi32, #tpu.memory_space<vmem>>, vector<16xi32>,
      %add3A_102 = arith.constant 64 : i32
      %add3A_103 = arith.addi %mul3A_58, %add3A_102 : i32
      %get3A_104 = arith.index_cast %add3A_103 : i32 to index
      %get3A_105 = tpu.vector_load %arg6[%get3A_104] {strides = array<i32>} : memref<20000xi32, #tpu.memory_space<vmem>>, vector<16xi32>,
      %swap3A_106 = arith.constant 64 : index
      %swap3A_107 = tpu.vector_load %arg7[%swap3A_106] {strides = array<i32>} : memref<80xi32, #tpu.memory_space<vmem>>, vector<16xi32>,
      tpu.vector_store %arg7[%swap3A_106], %get3A_105 {strides = array<i32>} : memref<80xi32, #tpu.memory_space<vmem>>, vector<16xi32>,
      "tpu.region"() ({
        %run_scoped3A = tpu.sem_alloc : memref<!tpu.dma_semaphore, #tpu.memory_space<semaphore_mem>>
        %dma_start3A = arith.constant 0 : i32
        %dma_start3A_149 = arith.constant 0 : i32
        %dma_start3A_150 = tpu.memref_slice %arg12[%dma_start3A, %dma_start3A_149] : memref<10000x128xf32, #tpu.memory_space<vmem_shared>> -> memref<10000x128xf32, #tpu.memory_space<vmem_shared>>
        tpu.enqueue_indirect_dma source(%arg9 : memref<80x128xf32, #tpu.memory_space<vmem>>) target(%dma_start3A_150 : memref<10000x128xf32, #tpu.memory_space<vmem_shared>>) offsets(%arg7 : memref<80xi32, #tpu.memory_space<vmem>>) semaphore(%run_scoped3A : memref<!tpu.dma_semaphore, #tpu.memory_space<semaphore_mem>>) {add = true}
        %dma_wait3A_151 = arith.constant 0 : i32
        %dma_wait3A_152 = arith.constant 0 : i32
        %dma_wait3A_153 = tpu.memref_slice %arg12[%dma_wait3A_151, %dma_wait3A_152] : memref<10000x128xf32, #tpu.memory_space<vmem_shared>> -> memref<10000x128xf32, #tpu.memory_space<vmem_shared>>
        tpu.wait_indirect_dma semaphore(%run_scoped3A : memref<!tpu.dma_semaphore, #tpu.memory_space<semaphore_mem>>) src(%arg9 : memref<80x128xf32, #tpu.memory_space<vmem>>) dst(%dma_wait3A_153 : memref<10000x128xf32, #tpu.memory_space<vmem_shared>>)
        tpu.yield
      }) : () -> ()
      %lt3A = arith.constant 124 : i32
      %lt3A_108 = arith.cmpi slt, %scan3A_53, %lt3A : i32
      %convert_element_type3A_109 = arith.extui %lt3A_108 : i1 to i32
      %cond3A_110 = arith.constant 0 : i32
      %cond3A_111 = arith.cmpi ne, %convert_element_type3A_109, %cond3A_110 : i32
      scf.if %cond3A_111 {
        %mul3A_149 = arith.constant 2 : i32
        %mul3A_150 = arith.muli %mul3A_149, %scan3A_53 : i32
        %add3A_151 = arith.constant 2 : i32
        %add3A_152 = arith.addi %mul3A_150, %add3A_151 : i32
        %mul3A_153 = arith.constant 80 : i32
        %mul3A_154 = arith.muli %add3A_152, %mul3A_153 : i32
        %eq3A_155 = arith.constant 0 : i32
        %eq3A_156 = arith.cmpi eq, %arg0, %eq3A_155 : i32
        %convert_element_type3A_157 = arith.extui %eq3A_156 : i1 to i32
        %cond3A_158 = arith.constant 0 : i32
        %cond3A_159 = arith.cmpi ne, %convert_element_type3A_157, %cond3A_158 : i32
        scf.if %cond3A_159 {
          %add3A_165 = arith.addi %mul3A_26, %mul3A_154 : i32
          %dma_start3A = arith.constant 0 : i32
          %dma_start3A_166 = tpu.memref_slice %arg2[%add3A_165, %dma_start3A] : memref<320000x128xf32, #tpu.memory_space<hbm>> -> memref<80x128xf32, #tpu.memory_space<hbm>>
          %dma_start3A_167 = arith.constant 0 : i32
          %dma_start3A_168 = tpu.memref_slice %arg2[%add3A_165, %dma_start3A_167] : memref<320000x128xf32, #tpu.memory_space<hbm>> -> memref<80x128xf32, #tpu.memory_space<hbm>>
          tpu.enqueue_dma source(%dma_start3A_168 : memref<80x128xf32, #tpu.memory_space<hbm>>) target(%arg9 : memref<80x128xf32, #tpu.memory_space<vmem>>) target_semaphore(%arg13 : memref<!tpu.dma_semaphore, #tpu.memory_space<semaphore_mem>>)
        } else {
        }
        %eq3A_160 = arith.constant 1 : i32
        %eq3A_161 = arith.cmpi eq, %arg0, %eq3A_160 : i32
        %convert_element_type3A_162 = arith.extui %eq3A_161 : i1 to i32
        %cond3A_163 = arith.constant 0 : i32
        %cond3A_164 = arith.cmpi ne, %convert_element_type3A_162, %cond3A_163 : i32
        scf.if %cond3A_164 {
          %add3A_165 = arith.addi %mul3A_26, %mul3A_154 : i32
          %dma_start3A = arith.constant 0 : i32
          %dma_start3A_166 = tpu.memref_slice %arg3[%add3A_165, %dma_start3A] : memref<320000x128xf32, #tpu.memory_space<hbm>> -> memref<80x128xf32, #tpu.memory_space<hbm>>
          %dma_start3A_167 = arith.constant 0 : i32
          %dma_start3A_168 = tpu.memref_slice %arg3[%add3A_165, %dma_start3A_167] : memref<320000x128xf32, #tpu.memory_space<hbm>> -> memref<80x128xf32, #tpu.memory_space<hbm>>
          tpu.enqueue_dma source(%dma_start3A_168 : memref<80x128xf32, #tpu.memory_space<hbm>>) target(%arg9 : memref<80x128xf32, #tpu.memory_space<vmem>>) target_semaphore(%arg13 : memref<!tpu.dma_semaphore, #tpu.memory_space<semaphore_mem>>)
        } else {
        }
      } else {
      }
      %dma_wait3A_112 = arith.constant 0 : i32
      %dma_wait3A_113 = arith.constant 0 : i32
      %dma_wait3A_114 = tpu.memref_slice %arg2[%dma_wait3A_112, %dma_wait3A_113] : memref<320000x128xf32, #tpu.memory_space<hbm>> -> memref<80x128xf32, #tpu.memory_space<hbm>>
      %dma_wait3A_115 = arith.constant 0 : i32
      %dma_wait3A_116 = arith.constant 0 : i32
      %dma_wait3A_117 = tpu.memref_slice %arg2[%dma_wait3A_115, %dma_wait3A_116] : memref<320000x128xf32, #tpu.memory_space<hbm>> -> memref<80x128xf32, #tpu.memory_space<hbm>>
      tpu.wait_dma2 semaphore(%arg14 : memref<!tpu.dma_semaphore, #tpu.memory_space<semaphore_mem>>) src(%dma_wait3A_117 : memref<80x128xf32, #tpu.memory_space<hbm>>) dst(%arg10 : memref<80x128xf32, #tpu.memory_space<vmem>>)
      %add3A_118 = arith.constant 0 : i32
      %add3A_119 = arith.addi %mul3A_64, %add3A_118 : i32
      %get3A_120 = arith.index_cast %add3A_119 : i32 to index
      %get3A_121 = tpu.vector_load %arg6[%get3A_120] {strides = array<i32>} : memref<20000xi32, #tpu.memory_space<vmem>>, vector<16xi32>,
      %swap3A_122 = arith.constant 0 : index
      %swap3A_123 = tpu.vector_load %arg8[%swap3A_122] {strides = array<i32>} : memref<80xi32, #tpu.memory_space<vmem>>, vector<16xi32>,
      tpu.vector_store %arg8[%swap3A_122], %get3A_121 {strides = array<i32>} : memref<80xi32, #tpu.memory_space<vmem>>, vector<16xi32>,
      %add3A_124 = arith.constant 16 : i32
      %add3A_125 = arith.addi %mul3A_64, %add3A_124 : i32
      %get3A_126 = arith.index_cast %add3A_125 : i32 to index
      %get3A_127 = tpu.vector_load %arg6[%get3A_126] {strides = array<i32>} : memref<20000xi32, #tpu.memory_space<vmem>>, vector<16xi32>,
      %swap3A_128 = arith.constant 16 : index
      %swap3A_129 = tpu.vector_load %arg8[%swap3A_128] {strides = array<i32>} : memref<80xi32, #tpu.memory_space<vmem>>, vector<16xi32>,
      tpu.vector_store %arg8[%swap3A_128], %get3A_127 {strides = array<i32>} : memref<80xi32, #tpu.memory_space<vmem>>, vector<16xi32>,
      %add3A_130 = arith.constant 32 : i32
      %add3A_131 = arith.addi %mul3A_64, %add3A_130 : i32
      %get3A_132 = arith.index_cast %add3A_131 : i32 to index
      %get3A_133 = tpu.vector_load %arg6[%get3A_132] {strides = array<i32>} : memref<20000xi32, #tpu.memory_space<vmem>>, vector<16xi32>,
      %swap3A_134 = arith.constant 32 : index
      %swap3A_135 = tpu.vector_load %arg8[%swap3A_134] {strides = array<i32>} : memref<80xi32, #tpu.memory_space<vmem>>, vector<16xi32>,
      tpu.vector_store %arg8[%swap3A_134], %get3A_133 {strides = array<i32>} : memref<80xi32, #tpu.memory_space<vmem>>, vector<16xi32>,
      %add3A_136 = arith.constant 48 : i32
      %add3A_137 = arith.addi %mul3A_64, %add3A_136 : i32
      %get3A_138 = arith.index_cast %add3A_137 : i32 to index
      %get3A_139 = tpu.vector_load %arg6[%get3A_138] {strides = array<i32>} : memref<20000xi32, #tpu.memory_space<vmem>>, vector<16xi32>,
      %swap3A_140 = arith.constant 48 : index
      %swap3A_141 = tpu.vector_load %arg8[%swap3A_140] {strides = array<i32>} : memref<80xi32, #tpu.memory_space<vmem>>, vector<16xi32>,
      tpu.vector_store %arg8[%swap3A_140], %get3A_139 {strides = array<i32>} : memref<80xi32, #tpu.memory_space<vmem>>, vector<16xi32>,
      %add3A_142 = arith.constant 64 : i32
      %add3A_143 = arith.addi %mul3A_64, %add3A_142 : i32
      %get3A_144 = arith.index_cast %add3A_143 : i32 to index
      %get3A_145 = tpu.vector_load %arg6[%get3A_144] {strides = array<i32>} : memref<20000xi32, #tpu.memory_space<vmem>>, vector<16xi32>,
      %swap3A_146 = arith.constant 64 : index
      %swap3A_147 = tpu.vector_load %arg8[%swap3A_146] {strides = array<i32>} : memref<80xi32, #tpu.memory_space<vmem>>, vector<16xi32>,
      tpu.vector_store %arg8[%swap3A_146], %get3A_145 {strides = array<i32>} : memref<80xi32, #tpu.memory_space<vmem>>, vector<16xi32>,
      "tpu.region"() ({
        %run_scoped3A = tpu.sem_alloc : memref<!tpu.dma_semaphore, #tpu.memory_space<semaphore_mem>>
        %dma_start3A = arith.constant 0 : i32
        %dma_start3A_149 = arith.constant 0 : i32
        %dma_start3A_150 = tpu.memref_slice %arg12[%dma_start3A, %dma_start3A_149] : memref<10000x128xf32, #tpu.memory_space<vmem_shared>> -> memref<10000x128xf32, #tpu.memory_space<vmem_shared>>
        tpu.enqueue_indirect_dma source(%arg10 : memref<80x128xf32, #tpu.memory_space<vmem>>) target(%dma_start3A_150 : memref<10000x128xf32, #tpu.memory_space<vmem_shared>>) offsets(%arg8 : memref<80xi32, #tpu.memory_space<vmem>>) semaphore(%run_scoped3A : memref<!tpu.dma_semaphore, #tpu.memory_space<semaphore_mem>>) {add = true}
        %dma_wait3A_151 = arith.constant 0 : i32
        %dma_wait3A_152 = arith.constant 0 : i32
        %dma_wait3A_153 = tpu.memref_slice %arg12[%dma_wait3A_151, %dma_wait3A_152] : memref<10000x128xf32, #tpu.memory_space<vmem_shared>> -> memref<10000x128xf32, #tpu.memory_space<vmem_shared>>
        tpu.wait_indirect_dma semaphore(%run_scoped3A : memref<!tpu.dma_semaphore, #tpu.memory_space<semaphore_mem>>) src(%arg10 : memref<80x128xf32, #tpu.memory_space<vmem>>) dst(%dma_wait3A_153 : memref<10000x128xf32, #tpu.memory_space<vmem_shared>>)
        tpu.yield
      }) : () -> ()
      %scan3A_148 = arith.constant 0 : i32
      scf.yield %scan3A_148 : i32
    }
    %scan3A_43 = arith.constant 125 : i32
    %barrier3A_44 = arith.constant 0 : index
    tpu.barrier barrier_id(%barrier3A_44)
    %mul3A_45 = arith.constant 10000 : i32
    %mul3A_46 = arith.muli %arg0, %mul3A_45 : i32
    %add3A_47 = arith.addi %mul3A_46, %mul3A_7 : i32
    "tpu.region"() ({
      %run_scoped3A = tpu.sem_alloc : memref<!tpu.dma_semaphore, #tpu.memory_space<semaphore_mem>>
      %dma_start3A = arith.constant 0 : i32
      %dma_start3A_53 = tpu.memref_slice %arg5[%add3A_47, %dma_start3A] : memref<20000x128xf32, #tpu.memory_space<hbm>> -> memref<624x128xf32, #tpu.memory_space<hbm>>
      %dma_start3A_54 = arith.constant 0 : i32
      %dma_start3A_55 = tpu.memref_slice %arg12[%mul3A_7, %dma_start3A_54] : memref<10000x128xf32, #tpu.memory_space<vmem_shared>> -> memref<624x128xf32, #tpu.memory_space<vmem_shared>>
      tpu.enqueue_dma source(%dma_start3A_55 : memref<624x128xf32, #tpu.memory_space<vmem_shared>>) target(%dma_start3A_53 : memref<624x128xf32, #tpu.memory_space<hbm>>) target_semaphore(%run_scoped3A : memref<!tpu.dma_semaphore, #tpu.memory_space<semaphore_mem>>)
      %dma_wait3A = arith.constant 0 : i32
      %dma_wait3A_56 = tpu.memref_slice %arg5[%add3A_47, %dma_wait3A] : memref<20000x128xf32, #tpu.memory_space<hbm>> -> memref<624x128xf32, #tpu.memory_space<hbm>>
      %dma_wait3A_57 = arith.constant 0 : i32
      %dma_wait3A_58 = tpu.memref_slice %arg12[%mul3A_7, %dma_wait3A_57] : memref<10000x128xf32, #tpu.memory_space<vmem_shared>> -> memref<624x128xf32, #tpu.memory_space<vmem_shared>>
      tpu.wait_dma2 semaphore(%run_scoped3A : memref<!tpu.dma_semaphore, #tpu.memory_space<semaphore_mem>>) src(%dma_wait3A_58 : memref<624x128xf32, #tpu.memory_space<vmem_shared>>) dst(%dma_wait3A_56 : memref<624x128xf32, #tpu.memory_space<hbm>>)
      tpu.yield
    }) : () -> ()
    %eq3A_48 = arith.constant 15 : i32
    %eq3A_49 = arith.cmpi eq, %arg1, %eq3A_48 : i32
    %convert_element_type3A_50 = arith.extui %eq3A_49 : i1 to i32
    %cond3A_51 = arith.constant 0 : i32
    %cond3A_52 = arith.cmpi ne, %convert_element_type3A_50, %cond3A_51 : i32
    scf.if %cond3A_52 {
      %mul3A_53 = arith.constant 10000 : i32
      %mul3A_54 = arith.muli %arg0, %mul3A_53 : i32
      %add3A_55 = arith.constant 9984 : i32
      %add3A_56 = arith.addi %mul3A_54, %add3A_55 : i32
      "tpu.region"() ({
        %run_scoped3A = tpu.sem_alloc : memref<!tpu.dma_semaphore, #tpu.memory_space<semaphore_mem>>
        %dma_start3A = arith.constant 0 : i32
        %dma_start3A_57 = tpu.memref_slice %arg5[%add3A_56, %dma_start3A] : memref<20000x128xf32, #tpu.memory_space<hbm>> -> memref<16x128xf32, #tpu.memory_space<hbm>>
        %dma_start3A_58 = arith.constant 9984 : i32
        %dma_start3A_59 = arith.constant 0 : i32
        %dma_start3A_60 = tpu.memref_slice %arg12[%dma_start3A_58, %dma_start3A_59] : memref<10000x128xf32, #tpu.memory_space<vmem_shared>> -> memref<16x128xf32, #tpu.memory_space<vmem_shared>>
        tpu.enqueue_dma source(%dma_start3A_60 : memref<16x128xf32, #tpu.memory_space<vmem_shared>>) target(%dma_start3A_57 : memref<16x128xf32, #tpu.memory_space<hbm>>) target_semaphore(%run_scoped3A : memref<!tpu.dma_semaphore, #tpu.memory_space<semaphore_mem>>)
        %dma_wait3A = arith.constant 0 : i32
        %dma_wait3A_61 = tpu.memref_slice %arg5[%add3A_56, %dma_wait3A] : memref<20000x128xf32, #tpu.memory_space<hbm>> -> memref<16x128xf32, #tpu.memory_space<hbm>>
        %dma_wait3A_62 = arith.constant 9984 : i32
        %dma_wait3A_63 = arith.constant 0 : i32
        %dma_wait3A_64 = tpu.memref_slice %arg12[%dma_wait3A_62, %dma_wait3A_63] : memref<10000x128xf32, #tpu.memory_space<vmem_shared>> -> memref<16x128xf32, #tpu.memory_space<vmem_shared>>
        tpu.wait_dma2 semaphore(%run_scoped3A : memref<!tpu.dma_semaphore, #tpu.memory_space<semaphore_mem>>) src(%dma_wait3A_64 : memref<16x128xf32, #tpu.memory_space<vmem_shared>>) dst(%dma_wait3A_61 : memref<16x128xf32, #tpu.memory_space<hbm>>)
        tpu.yield
      }) : () -> ()
    } else {
    }
    return
  }
}

#map = affine_map<(d0, d1) -> (0, 0)>
#map1 = affine_map<(d0, d1) -> (0)>
module attributes {stable_mosaic.version = 14 : i64} {
  func.func @body(%arg0: i32, %arg1: i32, %arg2: memref<10000x128xf32, #tpu.memory_space<hbm>>, %arg3: memref<320000xi32, #tpu.memory_space<hbm>>, %arg4: memref<320000xi32, #tpu.memory_space<hbm>>, %arg5: memref<320000x128xf32, #tpu.memory_space<hbm>>, %arg6: memref<320000x128xf32, #tpu.memory_space<hbm>>, %arg7: memref<10000xi32, #tpu.memory_space<vmem>>, %arg8: memref<10000xi32, #tpu.memory_space<vmem>>, %arg9: memref<80xi32, #tpu.memory_space<vmem>>, %arg10: memref<80xi32, #tpu.memory_space<vmem>>, %arg11: memref<80xi32, #tpu.memory_space<vmem>>, %arg12: memref<80xi32, #tpu.memory_space<vmem>>, %arg13: memref<80x128xf32, #tpu.memory_space<vmem>>, %arg14: memref<80x128xf32, #tpu.memory_space<vmem>>, %arg15: memref<80x128xf32, #tpu.memory_space<vmem>>, %arg16: memref<80x128xf32, #tpu.memory_space<vmem>>, %arg17: memref<!tpu.dma_semaphore, #tpu.memory_space<semaphore_mem>>, %arg18: memref<!tpu.dma_semaphore, #tpu.memory_space<semaphore_mem>>, %arg19: memref<!tpu.dma_semaphore, #tpu.memory_space<semaphore_mem>>, %arg20: memref<!tpu.dma_semaphore, #tpu.memory_space<semaphore_mem>>) attributes {dimension_semantics = [#tpu.dimension_semantics<core_parallel>, #tpu.dimension_semantics<subcore_parallel>], iteration_bounds = array<i64: 2, 16>, scalar_prefetch = 0 : i64, scratch_operands = 14 : i64, tpu.core_type = #tpu.core_type<sc_vector_subcore>, window_params = [{transform_indices = #map}, {transform_indices = #map1}, {transform_indices = #map1}, {transform_indices = #map}, {transform_indices = #map}]} {
    %mul3A = arith.constant 16 : i32
    %mul3A_0 = arith.muli %arg0, %mul3A : i32
    %add3A = arith.addi %mul3A_0, %arg1 : i32
    %mul3A_1 = arith.constant 10000 : i32
    %mul3A_2 = arith.muli %add3A, %mul3A_1 : i32
    "tpu.region"() ({
      %run_scoped3A = tpu.sem_alloc : memref<!tpu.dma_semaphore, #tpu.memory_space<semaphore_mem>>
      %dma_start3A_157 = tpu.memref_slice %arg3[%mul3A_2] : memref<320000xi32, #tpu.memory_space<hbm>> -> memref<10000xi32, #tpu.memory_space<hbm>>
      %dma_start3A_158 = tpu.memref_slice %arg3[%mul3A_2] : memref<320000xi32, #tpu.memory_space<hbm>> -> memref<10000xi32, #tpu.memory_space<hbm>>
      tpu.enqueue_dma source(%dma_start3A_158 : memref<10000xi32, #tpu.memory_space<hbm>>) target(%arg7 : memref<10000xi32, #tpu.memory_space<vmem>>) target_semaphore(%run_scoped3A : memref<!tpu.dma_semaphore, #tpu.memory_space<semaphore_mem>>)
      %dma_wait3A_159 = tpu.memref_slice %arg3[%mul3A_2] : memref<320000xi32, #tpu.memory_space<hbm>> -> memref<10000xi32, #tpu.memory_space<hbm>>
      %dma_wait3A_160 = tpu.memref_slice %arg3[%mul3A_2] : memref<320000xi32, #tpu.memory_space<hbm>> -> memref<10000xi32, #tpu.memory_space<hbm>>
      tpu.wait_dma2 semaphore(%run_scoped3A : memref<!tpu.dma_semaphore, #tpu.memory_space<semaphore_mem>>) src(%dma_wait3A_160 : memref<10000xi32, #tpu.memory_space<hbm>>) dst(%arg7 : memref<10000xi32, #tpu.memory_space<vmem>>)
      tpu.yield
    }) : () -> ()
    "tpu.region"() ({
      %run_scoped3A = tpu.sem_alloc : memref<!tpu.dma_semaphore, #tpu.memory_space<semaphore_mem>>
      %dma_start3A_157 = tpu.memref_slice %arg4[%mul3A_2] : memref<320000xi32, #tpu.memory_space<hbm>> -> memref<10000xi32, #tpu.memory_space<hbm>>
      %dma_start3A_158 = tpu.memref_slice %arg4[%mul3A_2] : memref<320000xi32, #tpu.memory_space<hbm>> -> memref<10000xi32, #tpu.memory_space<hbm>>
      tpu.enqueue_dma source(%dma_start3A_158 : memref<10000xi32, #tpu.memory_space<hbm>>) target(%arg8 : memref<10000xi32, #tpu.memory_space<vmem>>) target_semaphore(%run_scoped3A : memref<!tpu.dma_semaphore, #tpu.memory_space<semaphore_mem>>)
      %dma_wait3A_159 = tpu.memref_slice %arg4[%mul3A_2] : memref<320000xi32, #tpu.memory_space<hbm>> -> memref<10000xi32, #tpu.memory_space<hbm>>
      %dma_wait3A_160 = tpu.memref_slice %arg4[%mul3A_2] : memref<320000xi32, #tpu.memory_space<hbm>> -> memref<10000xi32, #tpu.memory_space<hbm>>
      tpu.wait_dma2 semaphore(%run_scoped3A : memref<!tpu.dma_semaphore, #tpu.memory_space<semaphore_mem>>) src(%dma_wait3A_160 : memref<10000xi32, #tpu.memory_space<hbm>>) dst(%arg8 : memref<10000xi32, #tpu.memory_space<vmem>>)
      tpu.yield
    }) : () -> ()
    %get3A = arith.constant 0 : index
    %get3A_3 = tpu.vector_load %arg7[%get3A] {strides = array<i32>} : memref<10000xi32, #tpu.memory_space<vmem>>, vector<16xi32>,
    %swap3A = arith.constant 0 : index
    %swap3A_4 = tpu.vector_load %arg9[%swap3A] {strides = array<i32>} : memref<80xi32, #tpu.memory_space<vmem>>, vector<16xi32>,
    tpu.vector_store %arg9[%swap3A], %get3A_3 {strides = array<i32>} : memref<80xi32, #tpu.memory_space<vmem>>, vector<16xi32>,
    %get3A_5 = arith.constant 16 : index
    %get3A_6 = tpu.vector_load %arg7[%get3A_5] {strides = array<i32>} : memref<10000xi32, #tpu.memory_space<vmem>>, vector<16xi32>,
    %swap3A_7 = arith.constant 16 : index
    %swap3A_8 = tpu.vector_load %arg9[%swap3A_7] {strides = array<i32>} : memref<80xi32, #tpu.memory_space<vmem>>, vector<16xi32>,
    tpu.vector_store %arg9[%swap3A_7], %get3A_6 {strides = array<i32>} : memref<80xi32, #tpu.memory_space<vmem>>, vector<16xi32>,
    %get3A_9 = arith.constant 32 : index
    %get3A_10 = tpu.vector_load %arg7[%get3A_9] {strides = array<i32>} : memref<10000xi32, #tpu.memory_space<vmem>>, vector<16xi32>,
    %swap3A_11 = arith.constant 32 : index
    %swap3A_12 = tpu.vector_load %arg9[%swap3A_11] {strides = array<i32>} : memref<80xi32, #tpu.memory_space<vmem>>, vector<16xi32>,
    tpu.vector_store %arg9[%swap3A_11], %get3A_10 {strides = array<i32>} : memref<80xi32, #tpu.memory_space<vmem>>, vector<16xi32>,
    %get3A_13 = arith.constant 48 : index
    %get3A_14 = tpu.vector_load %arg7[%get3A_13] {strides = array<i32>} : memref<10000xi32, #tpu.memory_space<vmem>>, vector<16xi32>,
    %swap3A_15 = arith.constant 48 : index
    %swap3A_16 = tpu.vector_load %arg9[%swap3A_15] {strides = array<i32>} : memref<80xi32, #tpu.memory_space<vmem>>, vector<16xi32>,
    tpu.vector_store %arg9[%swap3A_15], %get3A_14 {strides = array<i32>} : memref<80xi32, #tpu.memory_space<vmem>>, vector<16xi32>,
    %get3A_17 = arith.constant 64 : index
    %get3A_18 = tpu.vector_load %arg7[%get3A_17] {strides = array<i32>} : memref<10000xi32, #tpu.memory_space<vmem>>, vector<16xi32>,
    %swap3A_19 = arith.constant 64 : index
    %swap3A_20 = tpu.vector_load %arg9[%swap3A_19] {strides = array<i32>} : memref<80xi32, #tpu.memory_space<vmem>>, vector<16xi32>,
    tpu.vector_store %arg9[%swap3A_19], %get3A_18 {strides = array<i32>} : memref<80xi32, #tpu.memory_space<vmem>>, vector<16xi32>,
    %get3A_21 = arith.constant 0 : index
    %get3A_22 = tpu.vector_load %arg8[%get3A_21] {strides = array<i32>} : memref<10000xi32, #tpu.memory_space<vmem>>, vector<16xi32>,
    %swap3A_23 = arith.constant 0 : index
    %swap3A_24 = tpu.vector_load %arg10[%swap3A_23] {strides = array<i32>} : memref<80xi32, #tpu.memory_space<vmem>>, vector<16xi32>,
    tpu.vector_store %arg10[%swap3A_23], %get3A_22 {strides = array<i32>} : memref<80xi32, #tpu.memory_space<vmem>>, vector<16xi32>,
    %get3A_25 = arith.constant 16 : index
    %get3A_26 = tpu.vector_load %arg8[%get3A_25] {strides = array<i32>} : memref<10000xi32, #tpu.memory_space<vmem>>, vector<16xi32>,
    %swap3A_27 = arith.constant 16 : index
    %swap3A_28 = tpu.vector_load %arg10[%swap3A_27] {strides = array<i32>} : memref<80xi32, #tpu.memory_space<vmem>>, vector<16xi32>,
    tpu.vector_store %arg10[%swap3A_27], %get3A_26 {strides = array<i32>} : memref<80xi32, #tpu.memory_space<vmem>>, vector<16xi32>,
    %get3A_29 = arith.constant 32 : index
    %get3A_30 = tpu.vector_load %arg8[%get3A_29] {strides = array<i32>} : memref<10000xi32, #tpu.memory_space<vmem>>, vector<16xi32>,
    %swap3A_31 = arith.constant 32 : index
    %swap3A_32 = tpu.vector_load %arg10[%swap3A_31] {strides = array<i32>} : memref<80xi32, #tpu.memory_space<vmem>>, vector<16xi32>,
    tpu.vector_store %arg10[%swap3A_31], %get3A_30 {strides = array<i32>} : memref<80xi32, #tpu.memory_space<vmem>>, vector<16xi32>,
    %get3A_33 = arith.constant 48 : index
    %get3A_34 = tpu.vector_load %arg8[%get3A_33] {strides = array<i32>} : memref<10000xi32, #tpu.memory_space<vmem>>, vector<16xi32>,
    %swap3A_35 = arith.constant 48 : index
    %swap3A_36 = tpu.vector_load %arg10[%swap3A_35] {strides = array<i32>} : memref<80xi32, #tpu.memory_space<vmem>>, vector<16xi32>,
    tpu.vector_store %arg10[%swap3A_35], %get3A_34 {strides = array<i32>} : memref<80xi32, #tpu.memory_space<vmem>>, vector<16xi32>,
    %get3A_37 = arith.constant 64 : index
    %get3A_38 = tpu.vector_load %arg8[%get3A_37] {strides = array<i32>} : memref<10000xi32, #tpu.memory_space<vmem>>, vector<16xi32>,
    %swap3A_39 = arith.constant 64 : index
    %swap3A_40 = tpu.vector_load %arg10[%swap3A_39] {strides = array<i32>} : memref<80xi32, #tpu.memory_space<vmem>>, vector<16xi32>,
    tpu.vector_store %arg10[%swap3A_39], %get3A_38 {strides = array<i32>} : memref<80xi32, #tpu.memory_space<vmem>>, vector<16xi32>,
    %dma_start3A = arith.constant 0 : i32
    %dma_start3A_41 = arith.constant 0 : i32
    %dma_start3A_42 = tpu.memref_slice %arg2[%dma_start3A, %dma_start3A_41] : memref<10000x128xf32, #tpu.memory_space<hbm>> -> memref<10000x128xf32, #tpu.memory_space<hbm>>
    tpu.enqueue_indirect_dma source(%dma_start3A_42 : memref<10000x128xf32, #tpu.memory_space<hbm>>) target(%arg13 : memref<80x128xf32, #tpu.memory_space<vmem>>) offsets(%arg9 : memref<80xi32, #tpu.memory_space<vmem>>) semaphore(%arg17 : memref<!tpu.dma_semaphore, #tpu.memory_space<semaphore_mem>>)
    %dma_start3A_43 = arith.constant 0 : i32
    %dma_start3A_44 = arith.constant 0 : i32
    %dma_start3A_45 = tpu.memref_slice %arg2[%dma_start3A_43, %dma_start3A_44] : memref<10000x128xf32, #tpu.memory_space<hbm>> -> memref<10000x128xf32, #tpu.memory_space<hbm>>
    tpu.enqueue_indirect_dma source(%dma_start3A_45 : memref<10000x128xf32, #tpu.memory_space<hbm>>) target(%arg14 : memref<80x128xf32, #tpu.memory_space<vmem>>) offsets(%arg10 : memref<80xi32, #tpu.memory_space<vmem>>) semaphore(%arg17 : memref<!tpu.dma_semaphore, #tpu.memory_space<semaphore_mem>>)
    %scan3A = arith.constant 0 : i32
    %scan3A_46 = arith.constant 0 : i32
    %scan3A_47 = arith.constant 62 : i32
    %scan3A_48 = arith.addi %scan3A_46, %scan3A_47 : i32
    %scan3A_49 = arith.constant 1 : i32
    %scan3A_50 = scf.for %scan3A_157 = %scan3A_46 to %scan3A_48 step %scan3A_49 iter_args(%scan3A_158 = %scan3A) -> (i32)  : i32 {
      %mul3A_159 = arith.constant 2 : i32
      %mul3A_160 = arith.muli %mul3A_159, %scan3A_157 : i32
      %add3A_161 = arith.constant 1 : i32
      %add3A_162 = arith.addi %mul3A_160, %add3A_161 : i32
      %mul3A_163 = arith.constant 80 : i32
      %mul3A_164 = arith.muli %add3A_162, %mul3A_163 : i32
      %add3A_165 = arith.constant 0 : i32
      %add3A_166 = arith.addi %mul3A_164, %add3A_165 : i32
      %get3A_167 = arith.index_cast %add3A_166 : i32 to index
      %get3A_168 = tpu.vector_load %arg7[%get3A_167] {strides = array<i32>} : memref<10000xi32, #tpu.memory_space<vmem>>, vector<16xi32>,
      %swap3A_169 = arith.constant 0 : index
      %swap3A_170 = tpu.vector_load %arg11[%swap3A_169] {strides = array<i32>} : memref<80xi32, #tpu.memory_space<vmem>>, vector<16xi32>,
      tpu.vector_store %arg11[%swap3A_169], %get3A_168 {strides = array<i32>} : memref<80xi32, #tpu.memory_space<vmem>>, vector<16xi32>,
      %add3A_171 = arith.constant 16 : i32
      %add3A_172 = arith.addi %mul3A_164, %add3A_171 : i32
      %get3A_173 = arith.index_cast %add3A_172 : i32 to index
      %get3A_174 = tpu.vector_load %arg7[%get3A_173] {strides = array<i32>} : memref<10000xi32, #tpu.memory_space<vmem>>, vector<16xi32>,
      %swap3A_175 = arith.constant 16 : index
      %swap3A_176 = tpu.vector_load %arg11[%swap3A_175] {strides = array<i32>} : memref<80xi32, #tpu.memory_space<vmem>>, vector<16xi32>,
      tpu.vector_store %arg11[%swap3A_175], %get3A_174 {strides = array<i32>} : memref<80xi32, #tpu.memory_space<vmem>>, vector<16xi32>,
      %add3A_177 = arith.constant 32 : i32
      %add3A_178 = arith.addi %mul3A_164, %add3A_177 : i32
      %get3A_179 = arith.index_cast %add3A_178 : i32 to index
      %get3A_180 = tpu.vector_load %arg7[%get3A_179] {strides = array<i32>} : memref<10000xi32, #tpu.memory_space<vmem>>, vector<16xi32>,
      %swap3A_181 = arith.constant 32 : index
      %swap3A_182 = tpu.vector_load %arg11[%swap3A_181] {strides = array<i32>} : memref<80xi32, #tpu.memory_space<vmem>>, vector<16xi32>,
      tpu.vector_store %arg11[%swap3A_181], %get3A_180 {strides = array<i32>} : memref<80xi32, #tpu.memory_space<vmem>>, vector<16xi32>,
      %add3A_183 = arith.constant 48 : i32
      %add3A_184 = arith.addi %mul3A_164, %add3A_183 : i32
      %get3A_185 = arith.index_cast %add3A_184 : i32 to index
      %get3A_186 = tpu.vector_load %arg7[%get3A_185] {strides = array<i32>} : memref<10000xi32, #tpu.memory_space<vmem>>, vector<16xi32>,
      %swap3A_187 = arith.constant 48 : index
      %swap3A_188 = tpu.vector_load %arg11[%swap3A_187] {strides = array<i32>} : memref<80xi32, #tpu.memory_space<vmem>>, vector<16xi32>,
      tpu.vector_store %arg11[%swap3A_187], %get3A_186 {strides = array<i32>} : memref<80xi32, #tpu.memory_space<vmem>>, vector<16xi32>,
      %add3A_189 = arith.constant 64 : i32
      %add3A_190 = arith.addi %mul3A_164, %add3A_189 : i32
      %get3A_191 = arith.index_cast %add3A_190 : i32 to index
      %get3A_192 = tpu.vector_load %arg7[%get3A_191] {strides = array<i32>} : memref<10000xi32, #tpu.memory_space<vmem>>, vector<16xi32>,
      %swap3A_193 = arith.constant 64 : index
      %swap3A_194 = tpu.vector_load %arg11[%swap3A_193] {strides = array<i32>} : memref<80xi32, #tpu.memory_space<vmem>>, vector<16xi32>,
      tpu.vector_store %arg11[%swap3A_193], %get3A_192 {strides = array<i32>} : memref<80xi32, #tpu.memory_space<vmem>>, vector<16xi32>,
      %add3A_195 = arith.constant 0 : i32
      %add3A_196 = arith.addi %mul3A_164, %add3A_195 : i32
      %get3A_197 = arith.index_cast %add3A_196 : i32 to index
      %get3A_198 = tpu.vector_load %arg8[%get3A_197] {strides = array<i32>} : memref<10000xi32, #tpu.memory_space<vmem>>, vector<16xi32>,
      %swap3A_199 = arith.constant 0 : index
      %swap3A_200 = tpu.vector_load %arg12[%swap3A_199] {strides = array<i32>} : memref<80xi32, #tpu.memory_space<vmem>>, vector<16xi32>,
      tpu.vector_store %arg12[%swap3A_199], %get3A_198 {strides = array<i32>} : memref<80xi32, #tpu.memory_space<vmem>>, vector<16xi32>,
      %add3A_201 = arith.constant 16 : i32
      %add3A_202 = arith.addi %mul3A_164, %add3A_201 : i32
      %get3A_203 = arith.index_cast %add3A_202 : i32 to index
      %get3A_204 = tpu.vector_load %arg8[%get3A_203] {strides = array<i32>} : memref<10000xi32, #tpu.memory_space<vmem>>, vector<16xi32>,
      %swap3A_205 = arith.constant 16 : index
      %swap3A_206 = tpu.vector_load %arg12[%swap3A_205] {strides = array<i32>} : memref<80xi32, #tpu.memory_space<vmem>>, vector<16xi32>,
      tpu.vector_store %arg12[%swap3A_205], %get3A_204 {strides = array<i32>} : memref<80xi32, #tpu.memory_space<vmem>>, vector<16xi32>,
      %add3A_207 = arith.constant 32 : i32
      %add3A_208 = arith.addi %mul3A_164, %add3A_207 : i32
      %get3A_209 = arith.index_cast %add3A_208 : i32 to index
      %get3A_210 = tpu.vector_load %arg8[%get3A_209] {strides = array<i32>} : memref<10000xi32, #tpu.memory_space<vmem>>, vector<16xi32>,
      %swap3A_211 = arith.constant 32 : index
      %swap3A_212 = tpu.vector_load %arg12[%swap3A_211] {strides = array<i32>} : memref<80xi32, #tpu.memory_space<vmem>>, vector<16xi32>,
      tpu.vector_store %arg12[%swap3A_211], %get3A_210 {strides = array<i32>} : memref<80xi32, #tpu.memory_space<vmem>>, vector<16xi32>,
      %add3A_213 = arith.constant 48 : i32
      %add3A_214 = arith.addi %mul3A_164, %add3A_213 : i32
      %get3A_215 = arith.index_cast %add3A_214 : i32 to index
      %get3A_216 = tpu.vector_load %arg8[%get3A_215] {strides = array<i32>} : memref<10000xi32, #tpu.memory_space<vmem>>, vector<16xi32>,
      %swap3A_217 = arith.constant 48 : index
      %swap3A_218 = tpu.vector_load %arg12[%swap3A_217] {strides = array<i32>} : memref<80xi32, #tpu.memory_space<vmem>>, vector<16xi32>,
      tpu.vector_store %arg12[%swap3A_217], %get3A_216 {strides = array<i32>} : memref<80xi32, #tpu.memory_space<vmem>>, vector<16xi32>,
      %add3A_219 = arith.constant 64 : i32
      %add3A_220 = arith.addi %mul3A_164, %add3A_219 : i32
      %get3A_221 = arith.index_cast %add3A_220 : i32 to index
      %get3A_222 = tpu.vector_load %arg8[%get3A_221] {strides = array<i32>} : memref<10000xi32, #tpu.memory_space<vmem>>, vector<16xi32>,
      %swap3A_223 = arith.constant 64 : index
      %swap3A_224 = tpu.vector_load %arg12[%swap3A_223] {strides = array<i32>} : memref<80xi32, #tpu.memory_space<vmem>>, vector<16xi32>,
      tpu.vector_store %arg12[%swap3A_223], %get3A_222 {strides = array<i32>} : memref<80xi32, #tpu.memory_space<vmem>>, vector<16xi32>,
      %dma_start3A_225 = arith.constant 0 : i32
      %dma_start3A_226 = arith.constant 0 : i32
      %dma_start3A_227 = tpu.memref_slice %arg2[%dma_start3A_225, %dma_start3A_226] : memref<10000x128xf32, #tpu.memory_space<hbm>> -> memref<10000x128xf32, #tpu.memory_space<hbm>>
      tpu.enqueue_indirect_dma source(%dma_start3A_227 : memref<10000x128xf32, #tpu.memory_space<hbm>>) target(%arg15 : memref<80x128xf32, #tpu.memory_space<vmem>>) offsets(%arg11 : memref<80xi32, #tpu.memory_space<vmem>>) semaphore(%arg18 : memref<!tpu.dma_semaphore, #tpu.memory_space<semaphore_mem>>)
      %dma_start3A_228 = arith.constant 0 : i32
      %dma_start3A_229 = arith.constant 0 : i32
      %dma_start3A_230 = tpu.memref_slice %arg2[%dma_start3A_228, %dma_start3A_229] : memref<10000x128xf32, #tpu.memory_space<hbm>> -> memref<10000x128xf32, #tpu.memory_space<hbm>>
      tpu.enqueue_indirect_dma source(%dma_start3A_230 : memref<10000x128xf32, #tpu.memory_space<hbm>>) target(%arg16 : memref<80x128xf32, #tpu.memory_space<vmem>>) offsets(%arg12 : memref<80xi32, #tpu.memory_space<vmem>>) semaphore(%arg18 : memref<!tpu.dma_semaphore, #tpu.memory_space<semaphore_mem>>)
      %mul3A_231 = arith.constant 2 : i32
      %mul3A_232 = arith.muli %mul3A_231, %scan3A_157 : i32
      %mul3A_233 = arith.constant 80 : i32
      %mul3A_234 = arith.muli %mul3A_232, %mul3A_233 : i32
      %dma_wait3A_235 = arith.constant 0 : i32
      %dma_wait3A_236 = arith.constant 0 : i32
      %dma_wait3A_237 = tpu.memref_slice %arg2[%dma_wait3A_235, %dma_wait3A_236] : memref<10000x128xf32, #tpu.memory_space<hbm>> -> memref<80x128xf32, #tpu.memory_space<hbm>>
      %dma_wait3A_238 = arith.constant 0 : i32
      %dma_wait3A_239 = arith.constant 0 : i32
      %dma_wait3A_240 = tpu.memref_slice %arg2[%dma_wait3A_238, %dma_wait3A_239] : memref<10000x128xf32, #tpu.memory_space<hbm>> -> memref<80x128xf32, #tpu.memory_space<hbm>>
      tpu.wait_dma2 semaphore(%arg17 : memref<!tpu.dma_semaphore, #tpu.memory_space<semaphore_mem>>) src(%dma_wait3A_240 : memref<80x128xf32, #tpu.memory_space<hbm>>) dst(%arg13 : memref<80x128xf32, #tpu.memory_space<vmem>>)
      %dma_wait3A_241 = arith.constant 0 : i32
      %dma_wait3A_242 = arith.constant 0 : i32
      %dma_wait3A_243 = tpu.memref_slice %arg2[%dma_wait3A_241, %dma_wait3A_242] : memref<10000x128xf32, #tpu.memory_space<hbm>> -> memref<80x128xf32, #tpu.memory_space<hbm>>
      %dma_wait3A_244 = arith.constant 0 : i32
      %dma_wait3A_245 = arith.constant 0 : i32
      %dma_wait3A_246 = tpu.memref_slice %arg2[%dma_wait3A_244, %dma_wait3A_245] : memref<10000x128xf32, #tpu.memory_space<hbm>> -> memref<80x128xf32, #tpu.memory_space<hbm>>
      tpu.wait_dma2 semaphore(%arg17 : memref<!tpu.dma_semaphore, #tpu.memory_space<semaphore_mem>>) src(%dma_wait3A_246 : memref<80x128xf32, #tpu.memory_space<hbm>>) dst(%arg14 : memref<80x128xf32, #tpu.memory_space<vmem>>)
      %add3A_247 = arith.addi %mul3A_2, %mul3A_234 : i32
      %dma_start3A_248 = arith.constant 0 : i32
      %dma_start3A_249 = tpu.memref_slice %arg5[%add3A_247, %dma_start3A_248] : memref<320000x128xf32, #tpu.memory_space<hbm>> -> memref<80x128xf32, #tpu.memory_space<hbm>>
      %dma_start3A_250 = arith.constant 0 : i32
      %dma_start3A_251 = tpu.memref_slice %arg5[%add3A_247, %dma_start3A_250] : memref<320000x128xf32, #tpu.memory_space<hbm>> -> memref<80x128xf32, #tpu.memory_space<hbm>>
      tpu.enqueue_dma source(%arg13 : memref<80x128xf32, #tpu.memory_space<vmem>>) target(%dma_start3A_251 : memref<80x128xf32, #tpu.memory_space<hbm>>) target_semaphore(%arg19 : memref<!tpu.dma_semaphore, #tpu.memory_space<semaphore_mem>>)
      %add3A_252 = arith.addi %mul3A_2, %mul3A_234 : i32
      %dma_start3A_253 = arith.constant 0 : i32
      %dma_start3A_254 = tpu.memref_slice %arg6[%add3A_252, %dma_start3A_253] : memref<320000x128xf32, #tpu.memory_space<hbm>> -> memref<80x128xf32, #tpu.memory_space<hbm>>
      %dma_start3A_255 = arith.constant 0 : i32
      %dma_start3A_256 = tpu.memref_slice %arg6[%add3A_252, %dma_start3A_255] : memref<320000x128xf32, #tpu.memory_space<hbm>> -> memref<80x128xf32, #tpu.memory_space<hbm>>
      tpu.enqueue_dma source(%arg14 : memref<80x128xf32, #tpu.memory_space<vmem>>) target(%dma_start3A_256 : memref<80x128xf32, #tpu.memory_space<hbm>>) target_semaphore(%arg19 : memref<!tpu.dma_semaphore, #tpu.memory_space<semaphore_mem>>)
      %lt3A = arith.constant 61 : i32
      %lt3A_257 = arith.cmpi slt, %scan3A_157, %lt3A : i32
      %convert_element_type3A = arith.extui %lt3A_257 : i1 to i32
      %cond3A = arith.constant 0 : i32
      %cond3A_258 = arith.cmpi ne, %convert_element_type3A, %cond3A : i32
      scf.if %cond3A_258 {
        %dma_wait3A_293 = arith.constant 0 : i32
        %dma_wait3A_294 = arith.constant 0 : i32
        %dma_wait3A_295 = tpu.memref_slice %arg2[%dma_wait3A_293, %dma_wait3A_294] : memref<10000x128xf32, #tpu.memory_space<hbm>> -> memref<80x128xf32, #tpu.memory_space<hbm>>
        %dma_wait3A_296 = arith.constant 0 : i32
        %dma_wait3A_297 = arith.constant 0 : i32
        %dma_wait3A_298 = tpu.memref_slice %arg2[%dma_wait3A_296, %dma_wait3A_297] : memref<10000x128xf32, #tpu.memory_space<hbm>> -> memref<80x128xf32, #tpu.memory_space<hbm>>
        tpu.wait_dma2 semaphore(%arg19 : memref<!tpu.dma_semaphore, #tpu.memory_space<semaphore_mem>>) src(%dma_wait3A_298 : memref<80x128xf32, #tpu.memory_space<hbm>>) dst(%arg13 : memref<80x128xf32, #tpu.memory_space<vmem>>)
        %dma_wait3A_299 = arith.constant 0 : i32
        %dma_wait3A_300 = arith.constant 0 : i32
        %dma_wait3A_301 = tpu.memref_slice %arg2[%dma_wait3A_299, %dma_wait3A_300] : memref<10000x128xf32, #tpu.memory_space<hbm>> -> memref<80x128xf32, #tpu.memory_space<hbm>>
        %dma_wait3A_302 = arith.constant 0 : i32
        %dma_wait3A_303 = arith.constant 0 : i32
        %dma_wait3A_304 = tpu.memref_slice %arg2[%dma_wait3A_302, %dma_wait3A_303] : memref<10000x128xf32, #tpu.memory_space<hbm>> -> memref<80x128xf32, #tpu.memory_space<hbm>>
        tpu.wait_dma2 semaphore(%arg19 : memref<!tpu.dma_semaphore, #tpu.memory_space<semaphore_mem>>) src(%dma_wait3A_304 : memref<80x128xf32, #tpu.memory_space<hbm>>) dst(%arg14 : memref<80x128xf32, #tpu.memory_space<vmem>>)
        %mul3A_305 = arith.constant 2 : i32
        %mul3A_306 = arith.muli %mul3A_305, %scan3A_157 : i32
        %add3A_307 = arith.constant 2 : i32
        %add3A_308 = arith.addi %mul3A_306, %add3A_307 : i32
        %mul3A_309 = arith.constant 80 : i32
        %mul3A_310 = arith.muli %add3A_308, %mul3A_309 : i32
        %add3A_311 = arith.constant 0 : i32
        %add3A_312 = arith.addi %mul3A_310, %add3A_311 : i32
        %get3A_313 = arith.index_cast %add3A_312 : i32 to index
        %get3A_314 = tpu.vector_load %arg7[%get3A_313] {strides = array<i32>} : memref<10000xi32, #tpu.memory_space<vmem>>, vector<16xi32>,
        %swap3A_315 = arith.constant 0 : index
        %swap3A_316 = tpu.vector_load %arg9[%swap3A_315] {strides = array<i32>} : memref<80xi32, #tpu.memory_space<vmem>>, vector<16xi32>,
        tpu.vector_store %arg9[%swap3A_315], %get3A_314 {strides = array<i32>} : memref<80xi32, #tpu.memory_space<vmem>>, vector<16xi32>,
        %add3A_317 = arith.constant 16 : i32
        %add3A_318 = arith.addi %mul3A_310, %add3A_317 : i32
        %get3A_319 = arith.index_cast %add3A_318 : i32 to index
        %get3A_320 = tpu.vector_load %arg7[%get3A_319] {strides = array<i32>} : memref<10000xi32, #tpu.memory_space<vmem>>, vector<16xi32>,
        %swap3A_321 = arith.constant 16 : index
        %swap3A_322 = tpu.vector_load %arg9[%swap3A_321] {strides = array<i32>} : memref<80xi32, #tpu.memory_space<vmem>>, vector<16xi32>,
        tpu.vector_store %arg9[%swap3A_321], %get3A_320 {strides = array<i32>} : memref<80xi32, #tpu.memory_space<vmem>>, vector<16xi32>,
        %add3A_323 = arith.constant 32 : i32
        %add3A_324 = arith.addi %mul3A_310, %add3A_323 : i32
        %get3A_325 = arith.index_cast %add3A_324 : i32 to index
        %get3A_326 = tpu.vector_load %arg7[%get3A_325] {strides = array<i32>} : memref<10000xi32, #tpu.memory_space<vmem>>, vector<16xi32>,
        %swap3A_327 = arith.constant 32 : index
        %swap3A_328 = tpu.vector_load %arg9[%swap3A_327] {strides = array<i32>} : memref<80xi32, #tpu.memory_space<vmem>>, vector<16xi32>,
        tpu.vector_store %arg9[%swap3A_327], %get3A_326 {strides = array<i32>} : memref<80xi32, #tpu.memory_space<vmem>>, vector<16xi32>,
        %add3A_329 = arith.constant 48 : i32
        %add3A_330 = arith.addi %mul3A_310, %add3A_329 : i32
        %get3A_331 = arith.index_cast %add3A_330 : i32 to index
        %get3A_332 = tpu.vector_load %arg7[%get3A_331] {strides = array<i32>} : memref<10000xi32, #tpu.memory_space<vmem>>, vector<16xi32>,
        %swap3A_333 = arith.constant 48 : index
        %swap3A_334 = tpu.vector_load %arg9[%swap3A_333] {strides = array<i32>} : memref<80xi32, #tpu.memory_space<vmem>>, vector<16xi32>,
        tpu.vector_store %arg9[%swap3A_333], %get3A_332 {strides = array<i32>} : memref<80xi32, #tpu.memory_space<vmem>>, vector<16xi32>,
        %add3A_335 = arith.constant 64 : i32
        %add3A_336 = arith.addi %mul3A_310, %add3A_335 : i32
        %get3A_337 = arith.index_cast %add3A_336 : i32 to index
        %get3A_338 = tpu.vector_load %arg7[%get3A_337] {strides = array<i32>} : memref<10000xi32, #tpu.memory_space<vmem>>, vector<16xi32>,
        %swap3A_339 = arith.constant 64 : index
        %swap3A_340 = tpu.vector_load %arg9[%swap3A_339] {strides = array<i32>} : memref<80xi32, #tpu.memory_space<vmem>>, vector<16xi32>,
        tpu.vector_store %arg9[%swap3A_339], %get3A_338 {strides = array<i32>} : memref<80xi32, #tpu.memory_space<vmem>>, vector<16xi32>,
        %add3A_341 = arith.constant 0 : i32
        %add3A_342 = arith.addi %mul3A_310, %add3A_341 : i32
        %get3A_343 = arith.index_cast %add3A_342 : i32 to index
        %get3A_344 = tpu.vector_load %arg8[%get3A_343] {strides = array<i32>} : memref<10000xi32, #tpu.memory_space<vmem>>, vector<16xi32>,
        %swap3A_345 = arith.constant 0 : index
        %swap3A_346 = tpu.vector_load %arg10[%swap3A_345] {strides = array<i32>} : memref<80xi32, #tpu.memory_space<vmem>>, vector<16xi32>,
        tpu.vector_store %arg10[%swap3A_345], %get3A_344 {strides = array<i32>} : memref<80xi32, #tpu.memory_space<vmem>>, vector<16xi32>,
        %add3A_347 = arith.constant 16 : i32
        %add3A_348 = arith.addi %mul3A_310, %add3A_347 : i32
        %get3A_349 = arith.index_cast %add3A_348 : i32 to index
        %get3A_350 = tpu.vector_load %arg8[%get3A_349] {strides = array<i32>} : memref<10000xi32, #tpu.memory_space<vmem>>, vector<16xi32>,
        %swap3A_351 = arith.constant 16 : index
        %swap3A_352 = tpu.vector_load %arg10[%swap3A_351] {strides = array<i32>} : memref<80xi32, #tpu.memory_space<vmem>>, vector<16xi32>,
        tpu.vector_store %arg10[%swap3A_351], %get3A_350 {strides = array<i32>} : memref<80xi32, #tpu.memory_space<vmem>>, vector<16xi32>,
        %add3A_353 = arith.constant 32 : i32
        %add3A_354 = arith.addi %mul3A_310, %add3A_353 : i32
        %get3A_355 = arith.index_cast %add3A_354 : i32 to index
        %get3A_356 = tpu.vector_load %arg8[%get3A_355] {strides = array<i32>} : memref<10000xi32, #tpu.memory_space<vmem>>, vector<16xi32>,
        %swap3A_357 = arith.constant 32 : index
        %swap3A_358 = tpu.vector_load %arg10[%swap3A_357] {strides = array<i32>} : memref<80xi32, #tpu.memory_space<vmem>>, vector<16xi32>,
        tpu.vector_store %arg10[%swap3A_357], %get3A_356 {strides = array<i32>} : memref<80xi32, #tpu.memory_space<vmem>>, vector<16xi32>,
        %add3A_359 = arith.constant 48 : i32
        %add3A_360 = arith.addi %mul3A_310, %add3A_359 : i32
        %get3A_361 = arith.index_cast %add3A_360 : i32 to index
        %get3A_362 = tpu.vector_load %arg8[%get3A_361] {strides = array<i32>} : memref<10000xi32, #tpu.memory_space<vmem>>, vector<16xi32>,
        %swap3A_363 = arith.constant 48 : index
        %swap3A_364 = tpu.vector_load %arg10[%swap3A_363] {strides = array<i32>} : memref<80xi32, #tpu.memory_space<vmem>>, vector<16xi32>,
        tpu.vector_store %arg10[%swap3A_363], %get3A_362 {strides = array<i32>} : memref<80xi32, #tpu.memory_space<vmem>>, vector<16xi32>,
        %add3A_365 = arith.constant 64 : i32
        %add3A_366 = arith.addi %mul3A_310, %add3A_365 : i32
        %get3A_367 = arith.index_cast %add3A_366 : i32 to index
        %get3A_368 = tpu.vector_load %arg8[%get3A_367] {strides = array<i32>} : memref<10000xi32, #tpu.memory_space<vmem>>, vector<16xi32>,
        %swap3A_369 = arith.constant 64 : index
        %swap3A_370 = tpu.vector_load %arg10[%swap3A_369] {strides = array<i32>} : memref<80xi32, #tpu.memory_space<vmem>>, vector<16xi32>,
        tpu.vector_store %arg10[%swap3A_369], %get3A_368 {strides = array<i32>} : memref<80xi32, #tpu.memory_space<vmem>>, vector<16xi32>,
        %dma_start3A_371 = arith.constant 0 : i32
        %dma_start3A_372 = arith.constant 0 : i32
        %dma_start3A_373 = tpu.memref_slice %arg2[%dma_start3A_371, %dma_start3A_372] : memref<10000x128xf32, #tpu.memory_space<hbm>> -> memref<10000x128xf32, #tpu.memory_space<hbm>>
        tpu.enqueue_indirect_dma source(%dma_start3A_373 : memref<10000x128xf32, #tpu.memory_space<hbm>>) target(%arg13 : memref<80x128xf32, #tpu.memory_space<vmem>>) offsets(%arg9 : memref<80xi32, #tpu.memory_space<vmem>>) semaphore(%arg17 : memref<!tpu.dma_semaphore, #tpu.memory_space<semaphore_mem>>)
        %dma_start3A_374 = arith.constant 0 : i32
        %dma_start3A_375 = arith.constant 0 : i32
        %dma_start3A_376 = tpu.memref_slice %arg2[%dma_start3A_374, %dma_start3A_375] : memref<10000x128xf32, #tpu.memory_space<hbm>> -> memref<10000x128xf32, #tpu.memory_space<hbm>>
        tpu.enqueue_indirect_dma source(%dma_start3A_376 : memref<10000x128xf32, #tpu.memory_space<hbm>>) target(%arg14 : memref<80x128xf32, #tpu.memory_space<vmem>>) offsets(%arg10 : memref<80xi32, #tpu.memory_space<vmem>>) semaphore(%arg17 : memref<!tpu.dma_semaphore, #tpu.memory_space<semaphore_mem>>)
      } else {
      }
      %mul3A_259 = arith.constant 2 : i32
      %mul3A_260 = arith.muli %mul3A_259, %scan3A_157 : i32
      %add3A_261 = arith.constant 1 : i32
      %add3A_262 = arith.addi %mul3A_260, %add3A_261 : i32
      %mul3A_263 = arith.constant 80 : i32
      %mul3A_264 = arith.muli %add3A_262, %mul3A_263 : i32
      %dma_wait3A_265 = arith.constant 0 : i32
      %dma_wait3A_266 = arith.constant 0 : i32
      %dma_wait3A_267 = tpu.memref_slice %arg2[%dma_wait3A_265, %dma_wait3A_266] : memref<10000x128xf32, #tpu.memory_space<hbm>> -> memref<80x128xf32, #tpu.memory_space<hbm>>
      %dma_wait3A_268 = arith.constant 0 : i32
      %dma_wait3A_269 = arith.constant 0 : i32
      %dma_wait3A_270 = tpu.memref_slice %arg2[%dma_wait3A_268, %dma_wait3A_269] : memref<10000x128xf32, #tpu.memory_space<hbm>> -> memref<80x128xf32, #tpu.memory_space<hbm>>
      tpu.wait_dma2 semaphore(%arg18 : memref<!tpu.dma_semaphore, #tpu.memory_space<semaphore_mem>>) src(%dma_wait3A_270 : memref<80x128xf32, #tpu.memory_space<hbm>>) dst(%arg15 : memref<80x128xf32, #tpu.memory_space<vmem>>)
      %dma_wait3A_271 = arith.constant 0 : i32
      %dma_wait3A_272 = arith.constant 0 : i32
      %dma_wait3A_273 = tpu.memref_slice %arg2[%dma_wait3A_271, %dma_wait3A_272] : memref<10000x128xf32, #tpu.memory_space<hbm>> -> memref<80x128xf32, #tpu.memory_space<hbm>>
      %dma_wait3A_274 = arith.constant 0 : i32
      %dma_wait3A_275 = arith.constant 0 : i32
      %dma_wait3A_276 = tpu.memref_slice %arg2[%dma_wait3A_274, %dma_wait3A_275] : memref<10000x128xf32, #tpu.memory_space<hbm>> -> memref<80x128xf32, #tpu.memory_space<hbm>>
      tpu.wait_dma2 semaphore(%arg18 : memref<!tpu.dma_semaphore, #tpu.memory_space<semaphore_mem>>) src(%dma_wait3A_276 : memref<80x128xf32, #tpu.memory_space<hbm>>) dst(%arg16 : memref<80x128xf32, #tpu.memory_space<vmem>>)
      %add3A_277 = arith.addi %mul3A_2, %mul3A_264 : i32
      %dma_start3A_278 = arith.constant 0 : i32
      %dma_start3A_279 = tpu.memref_slice %arg5[%add3A_277, %dma_start3A_278] : memref<320000x128xf32, #tpu.memory_space<hbm>> -> memref<80x128xf32, #tpu.memory_space<hbm>>
      %dma_start3A_280 = arith.constant 0 : i32
      %dma_start3A_281 = tpu.memref_slice %arg5[%add3A_277, %dma_start3A_280] : memref<320000x128xf32, #tpu.memory_space<hbm>> -> memref<80x128xf32, #tpu.memory_space<hbm>>
      tpu.enqueue_dma source(%arg15 : memref<80x128xf32, #tpu.memory_space<vmem>>) target(%dma_start3A_281 : memref<80x128xf32, #tpu.memory_space<hbm>>) target_semaphore(%arg20 : memref<!tpu.dma_semaphore, #tpu.memory_space<semaphore_mem>>)
      %add3A_282 = arith.addi %mul3A_2, %mul3A_264 : i32
      %dma_start3A_283 = arith.constant 0 : i32
      %dma_start3A_284 = tpu.memref_slice %arg6[%add3A_282, %dma_start3A_283] : memref<320000x128xf32, #tpu.memory_space<hbm>> -> memref<80x128xf32, #tpu.memory_space<hbm>>
      %dma_start3A_285 = arith.constant 0 : i32
      %dma_start3A_286 = tpu.memref_slice %arg6[%add3A_282, %dma_start3A_285] : memref<320000x128xf32, #tpu.memory_space<hbm>> -> memref<80x128xf32, #tpu.memory_space<hbm>>
      tpu.enqueue_dma source(%arg16 : memref<80x128xf32, #tpu.memory_space<vmem>>) target(%dma_start3A_286 : memref<80x128xf32, #tpu.memory_space<hbm>>) target_semaphore(%arg20 : memref<!tpu.dma_semaphore, #tpu.memory_space<semaphore_mem>>)
      %lt3A_287 = arith.constant 61 : i32
      %lt3A_288 = arith.cmpi slt, %scan3A_157, %lt3A_287 : i32
      %convert_element_type3A_289 = arith.extui %lt3A_288 : i1 to i32
      %cond3A_290 = arith.constant 0 : i32
      %cond3A_291 = arith.cmpi ne, %convert_element_type3A_289, %cond3A_290 : i32
      scf.if %cond3A_291 {
        %dma_wait3A_293 = arith.constant 0 : i32
        %dma_wait3A_294 = arith.constant 0 : i32
        %dma_wait3A_295 = tpu.memref_slice %arg2[%dma_wait3A_293, %dma_wait3A_294] : memref<10000x128xf32, #tpu.memory_space<hbm>> -> memref<80x128xf32, #tpu.memory_space<hbm>>
        %dma_wait3A_296 = arith.constant 0 : i32
        %dma_wait3A_297 = arith.constant 0 : i32
        %dma_wait3A_298 = tpu.memref_slice %arg2[%dma_wait3A_296, %dma_wait3A_297] : memref<10000x128xf32, #tpu.memory_space<hbm>> -> memref<80x128xf32, #tpu.memory_space<hbm>>
        tpu.wait_dma2 semaphore(%arg20 : memref<!tpu.dma_semaphore, #tpu.memory_space<semaphore_mem>>) src(%dma_wait3A_298 : memref<80x128xf32, #tpu.memory_space<hbm>>) dst(%arg15 : memref<80x128xf32, #tpu.memory_space<vmem>>)
        %dma_wait3A_299 = arith.constant 0 : i32
        %dma_wait3A_300 = arith.constant 0 : i32
        %dma_wait3A_301 = tpu.memref_slice %arg2[%dma_wait3A_299, %dma_wait3A_300] : memref<10000x128xf32, #tpu.memory_space<hbm>> -> memref<80x128xf32, #tpu.memory_space<hbm>>
        %dma_wait3A_302 = arith.constant 0 : i32
        %dma_wait3A_303 = arith.constant 0 : i32
        %dma_wait3A_304 = tpu.memref_slice %arg2[%dma_wait3A_302, %dma_wait3A_303] : memref<10000x128xf32, #tpu.memory_space<hbm>> -> memref<80x128xf32, #tpu.memory_space<hbm>>
        tpu.wait_dma2 semaphore(%arg20 : memref<!tpu.dma_semaphore, #tpu.memory_space<semaphore_mem>>) src(%dma_wait3A_304 : memref<80x128xf32, #tpu.memory_space<hbm>>) dst(%arg16 : memref<80x128xf32, #tpu.memory_space<vmem>>)
      } else {
      }
      %scan3A_292 = arith.constant 0 : i32
      scf.yield %scan3A_292 : i32
    }
    %scan3A_51 = arith.constant 62 : i32
    %dma_wait3A = arith.constant 0 : i32
    %dma_wait3A_52 = arith.constant 0 : i32
    %dma_wait3A_53 = tpu.memref_slice %arg2[%dma_wait3A, %dma_wait3A_52] : memref<10000x128xf32, #tpu.memory_space<hbm>> -> memref<80x128xf32, #tpu.memory_space<hbm>>
    %dma_wait3A_54 = arith.constant 0 : i32
    %dma_wait3A_55 = arith.constant 0 : i32
    %dma_wait3A_56 = tpu.memref_slice %arg2[%dma_wait3A_54, %dma_wait3A_55] : memref<10000x128xf32, #tpu.memory_space<hbm>> -> memref<80x128xf32, #tpu.memory_space<hbm>>
    tpu.wait_dma2 semaphore(%arg19 : memref<!tpu.dma_semaphore, #tpu.memory_space<semaphore_mem>>) src(%dma_wait3A_56 : memref<80x128xf32, #tpu.memory_space<hbm>>) dst(%arg13 : memref<80x128xf32, #tpu.memory_space<vmem>>)
    %dma_wait3A_57 = arith.constant 0 : i32
    %dma_wait3A_58 = arith.constant 0 : i32
    %dma_wait3A_59 = tpu.memref_slice %arg2[%dma_wait3A_57, %dma_wait3A_58] : memref<10000x128xf32, #tpu.memory_space<hbm>> -> memref<80x128xf32, #tpu.memory_space<hbm>>
    %dma_wait3A_60 = arith.constant 0 : i32
    %dma_wait3A_61 = arith.constant 0 : i32
    %dma_wait3A_62 = tpu.memref_slice %arg2[%dma_wait3A_60, %dma_wait3A_61] : memref<10000x128xf32, #tpu.memory_space<hbm>> -> memref<80x128xf32, #tpu.memory_space<hbm>>
    tpu.wait_dma2 semaphore(%arg19 : memref<!tpu.dma_semaphore, #tpu.memory_space<semaphore_mem>>) src(%dma_wait3A_62 : memref<80x128xf32, #tpu.memory_space<hbm>>) dst(%arg14 : memref<80x128xf32, #tpu.memory_space<vmem>>)
    %get3A_63 = arith.constant 9920 : index
    %get3A_64 = tpu.vector_load %arg7[%get3A_63] {strides = array<i32>} : memref<10000xi32, #tpu.memory_space<vmem>>, vector<16xi32>,
    %swap3A_65 = arith.constant 0 : index
    %swap3A_66 = tpu.vector_load %arg9[%swap3A_65] {strides = array<i32>} : memref<80xi32, #tpu.memory_space<vmem>>, vector<16xi32>,
    tpu.vector_store %arg9[%swap3A_65], %get3A_64 {strides = array<i32>} : memref<80xi32, #tpu.memory_space<vmem>>, vector<16xi32>,
    %get3A_67 = arith.constant 9936 : index
    %get3A_68 = tpu.vector_load %arg7[%get3A_67] {strides = array<i32>} : memref<10000xi32, #tpu.memory_space<vmem>>, vector<16xi32>,
    %swap3A_69 = arith.constant 16 : index
    %swap3A_70 = tpu.vector_load %arg9[%swap3A_69] {strides = array<i32>} : memref<80xi32, #tpu.memory_space<vmem>>, vector<16xi32>,
    tpu.vector_store %arg9[%swap3A_69], %get3A_68 {strides = array<i32>} : memref<80xi32, #tpu.memory_space<vmem>>, vector<16xi32>,
    %get3A_71 = arith.constant 9952 : index
    %get3A_72 = tpu.vector_load %arg7[%get3A_71] {strides = array<i32>} : memref<10000xi32, #tpu.memory_space<vmem>>, vector<16xi32>,
    %swap3A_73 = arith.constant 32 : index
    %swap3A_74 = tpu.vector_load %arg9[%swap3A_73] {strides = array<i32>} : memref<80xi32, #tpu.memory_space<vmem>>, vector<16xi32>,
    tpu.vector_store %arg9[%swap3A_73], %get3A_72 {strides = array<i32>} : memref<80xi32, #tpu.memory_space<vmem>>, vector<16xi32>,
    %get3A_75 = arith.constant 9968 : index
    %get3A_76 = tpu.vector_load %arg7[%get3A_75] {strides = array<i32>} : memref<10000xi32, #tpu.memory_space<vmem>>, vector<16xi32>,
    %swap3A_77 = arith.constant 48 : index
    %swap3A_78 = tpu.vector_load %arg9[%swap3A_77] {strides = array<i32>} : memref<80xi32, #tpu.memory_space<vmem>>, vector<16xi32>,
    tpu.vector_store %arg9[%swap3A_77], %get3A_76 {strides = array<i32>} : memref<80xi32, #tpu.memory_space<vmem>>, vector<16xi32>,
    %get3A_79 = arith.constant 9984 : index
    %get3A_80 = tpu.vector_load %arg7[%get3A_79] {strides = array<i32>} : memref<10000xi32, #tpu.memory_space<vmem>>, vector<16xi32>,
    %swap3A_81 = arith.constant 64 : index
    %swap3A_82 = tpu.vector_load %arg9[%swap3A_81] {strides = array<i32>} : memref<80xi32, #tpu.memory_space<vmem>>, vector<16xi32>,
    tpu.vector_store %arg9[%swap3A_81], %get3A_80 {strides = array<i32>} : memref<80xi32, #tpu.memory_space<vmem>>, vector<16xi32>,
    %get3A_83 = arith.constant 9920 : index
    %get3A_84 = tpu.vector_load %arg8[%get3A_83] {strides = array<i32>} : memref<10000xi32, #tpu.memory_space<vmem>>, vector<16xi32>,
    %swap3A_85 = arith.constant 0 : index
    %swap3A_86 = tpu.vector_load %arg10[%swap3A_85] {strides = array<i32>} : memref<80xi32, #tpu.memory_space<vmem>>, vector<16xi32>,
    tpu.vector_store %arg10[%swap3A_85], %get3A_84 {strides = array<i32>} : memref<80xi32, #tpu.memory_space<vmem>>, vector<16xi32>,
    %get3A_87 = arith.constant 9936 : index
    %get3A_88 = tpu.vector_load %arg8[%get3A_87] {strides = array<i32>} : memref<10000xi32, #tpu.memory_space<vmem>>, vector<16xi32>,
    %swap3A_89 = arith.constant 16 : index
    %swap3A_90 = tpu.vector_load %arg10[%swap3A_89] {strides = array<i32>} : memref<80xi32, #tpu.memory_space<vmem>>, vector<16xi32>,
    tpu.vector_store %arg10[%swap3A_89], %get3A_88 {strides = array<i32>} : memref<80xi32, #tpu.memory_space<vmem>>, vector<16xi32>,
    %get3A_91 = arith.constant 9952 : index
    %get3A_92 = tpu.vector_load %arg8[%get3A_91] {strides = array<i32>} : memref<10000xi32, #tpu.memory_space<vmem>>, vector<16xi32>,
    %swap3A_93 = arith.constant 32 : index
    %swap3A_94 = tpu.vector_load %arg10[%swap3A_93] {strides = array<i32>} : memref<80xi32, #tpu.memory_space<vmem>>, vector<16xi32>,
    tpu.vector_store %arg10[%swap3A_93], %get3A_92 {strides = array<i32>} : memref<80xi32, #tpu.memory_space<vmem>>, vector<16xi32>,
    %get3A_95 = arith.constant 9968 : index
    %get3A_96 = tpu.vector_load %arg8[%get3A_95] {strides = array<i32>} : memref<10000xi32, #tpu.memory_space<vmem>>, vector<16xi32>,
    %swap3A_97 = arith.constant 48 : index
    %swap3A_98 = tpu.vector_load %arg10[%swap3A_97] {strides = array<i32>} : memref<80xi32, #tpu.memory_space<vmem>>, vector<16xi32>,
    tpu.vector_store %arg10[%swap3A_97], %get3A_96 {strides = array<i32>} : memref<80xi32, #tpu.memory_space<vmem>>, vector<16xi32>,
    %get3A_99 = arith.constant 9984 : index
    %get3A_100 = tpu.vector_load %arg8[%get3A_99] {strides = array<i32>} : memref<10000xi32, #tpu.memory_space<vmem>>, vector<16xi32>,
    %swap3A_101 = arith.constant 64 : index
    %swap3A_102 = tpu.vector_load %arg10[%swap3A_101] {strides = array<i32>} : memref<80xi32, #tpu.memory_space<vmem>>, vector<16xi32>,
    tpu.vector_store %arg10[%swap3A_101], %get3A_100 {strides = array<i32>} : memref<80xi32, #tpu.memory_space<vmem>>, vector<16xi32>,
    %dma_start3A_103 = arith.constant 0 : i32
    %dma_start3A_104 = arith.constant 0 : i32
    %dma_start3A_105 = tpu.memref_slice %arg2[%dma_start3A_103, %dma_start3A_104] : memref<10000x128xf32, #tpu.memory_space<hbm>> -> memref<10000x128xf32, #tpu.memory_space<hbm>>
    tpu.enqueue_indirect_dma source(%dma_start3A_105 : memref<10000x128xf32, #tpu.memory_space<hbm>>) target(%arg13 : memref<80x128xf32, #tpu.memory_space<vmem>>) offsets(%arg9 : memref<80xi32, #tpu.memory_space<vmem>>) semaphore(%arg17 : memref<!tpu.dma_semaphore, #tpu.memory_space<semaphore_mem>>)
    %dma_start3A_106 = arith.constant 0 : i32
    %dma_start3A_107 = arith.constant 0 : i32
    %dma_start3A_108 = tpu.memref_slice %arg2[%dma_start3A_106, %dma_start3A_107] : memref<10000x128xf32, #tpu.memory_space<hbm>> -> memref<10000x128xf32, #tpu.memory_space<hbm>>
    tpu.enqueue_indirect_dma source(%dma_start3A_108 : memref<10000x128xf32, #tpu.memory_space<hbm>>) target(%arg14 : memref<80x128xf32, #tpu.memory_space<vmem>>) offsets(%arg10 : memref<80xi32, #tpu.memory_space<vmem>>) semaphore(%arg17 : memref<!tpu.dma_semaphore, #tpu.memory_space<semaphore_mem>>)
    %dma_wait3A_109 = arith.constant 0 : i32
    %dma_wait3A_110 = arith.constant 0 : i32
    %dma_wait3A_111 = tpu.memref_slice %arg2[%dma_wait3A_109, %dma_wait3A_110] : memref<10000x128xf32, #tpu.memory_space<hbm>> -> memref<80x128xf32, #tpu.memory_space<hbm>>
    %dma_wait3A_112 = arith.constant 0 : i32
    %dma_wait3A_113 = arith.constant 0 : i32
    %dma_wait3A_114 = tpu.memref_slice %arg2[%dma_wait3A_112, %dma_wait3A_113] : memref<10000x128xf32, #tpu.memory_space<hbm>> -> memref<80x128xf32, #tpu.memory_space<hbm>>
    tpu.wait_dma2 semaphore(%arg17 : memref<!tpu.dma_semaphore, #tpu.memory_space<semaphore_mem>>) src(%dma_wait3A_114 : memref<80x128xf32, #tpu.memory_space<hbm>>) dst(%arg13 : memref<80x128xf32, #tpu.memory_space<vmem>>)
    %dma_wait3A_115 = arith.constant 0 : i32
    %dma_wait3A_116 = arith.constant 0 : i32
    %dma_wait3A_117 = tpu.memref_slice %arg2[%dma_wait3A_115, %dma_wait3A_116] : memref<10000x128xf32, #tpu.memory_space<hbm>> -> memref<80x128xf32, #tpu.memory_space<hbm>>
    %dma_wait3A_118 = arith.constant 0 : i32
    %dma_wait3A_119 = arith.constant 0 : i32
    %dma_wait3A_120 = tpu.memref_slice %arg2[%dma_wait3A_118, %dma_wait3A_119] : memref<10000x128xf32, #tpu.memory_space<hbm>> -> memref<80x128xf32, #tpu.memory_space<hbm>>
    tpu.wait_dma2 semaphore(%arg17 : memref<!tpu.dma_semaphore, #tpu.memory_space<semaphore_mem>>) src(%dma_wait3A_120 : memref<80x128xf32, #tpu.memory_space<hbm>>) dst(%arg14 : memref<80x128xf32, #tpu.memory_space<vmem>>)
    %add3A_121 = arith.constant 9920 : i32
    %add3A_122 = arith.addi %mul3A_2, %add3A_121 : i32
    %dma_start3A_123 = arith.constant 0 : i32
    %dma_start3A_124 = tpu.memref_slice %arg5[%add3A_122, %dma_start3A_123] : memref<320000x128xf32, #tpu.memory_space<hbm>> -> memref<80x128xf32, #tpu.memory_space<hbm>>
    %dma_start3A_125 = arith.constant 0 : i32
    %dma_start3A_126 = tpu.memref_slice %arg5[%add3A_122, %dma_start3A_125] : memref<320000x128xf32, #tpu.memory_space<hbm>> -> memref<80x128xf32, #tpu.memory_space<hbm>>
    tpu.enqueue_dma source(%arg13 : memref<80x128xf32, #tpu.memory_space<vmem>>) target(%dma_start3A_126 : memref<80x128xf32, #tpu.memory_space<hbm>>) target_semaphore(%arg19 : memref<!tpu.dma_semaphore, #tpu.memory_space<semaphore_mem>>)
    %add3A_127 = arith.constant 9920 : i32
    %add3A_128 = arith.addi %mul3A_2, %add3A_127 : i32
    %dma_start3A_129 = arith.constant 0 : i32
    %dma_start3A_130 = tpu.memref_slice %arg6[%add3A_128, %dma_start3A_129] : memref<320000x128xf32, #tpu.memory_space<hbm>> -> memref<80x128xf32, #tpu.memory_space<hbm>>
    %dma_start3A_131 = arith.constant 0 : i32
    %dma_start3A_132 = tpu.memref_slice %arg6[%add3A_128, %dma_start3A_131] : memref<320000x128xf32, #tpu.memory_space<hbm>> -> memref<80x128xf32, #tpu.memory_space<hbm>>
    tpu.enqueue_dma source(%arg14 : memref<80x128xf32, #tpu.memory_space<vmem>>) target(%dma_start3A_132 : memref<80x128xf32, #tpu.memory_space<hbm>>) target_semaphore(%arg19 : memref<!tpu.dma_semaphore, #tpu.memory_space<semaphore_mem>>)
    %dma_wait3A_133 = arith.constant 0 : i32
    %dma_wait3A_134 = arith.constant 0 : i32
    %dma_wait3A_135 = tpu.memref_slice %arg2[%dma_wait3A_133, %dma_wait3A_134] : memref<10000x128xf32, #tpu.memory_space<hbm>> -> memref<80x128xf32, #tpu.memory_space<hbm>>
    %dma_wait3A_136 = arith.constant 0 : i32
    %dma_wait3A_137 = arith.constant 0 : i32
    %dma_wait3A_138 = tpu.memref_slice %arg2[%dma_wait3A_136, %dma_wait3A_137] : memref<10000x128xf32, #tpu.memory_space<hbm>> -> memref<80x128xf32, #tpu.memory_space<hbm>>
    tpu.wait_dma2 semaphore(%arg19 : memref<!tpu.dma_semaphore, #tpu.memory_space<semaphore_mem>>) src(%dma_wait3A_138 : memref<80x128xf32, #tpu.memory_space<hbm>>) dst(%arg13 : memref<80x128xf32, #tpu.memory_space<vmem>>)
    %dma_wait3A_139 = arith.constant 0 : i32
    %dma_wait3A_140 = arith.constant 0 : i32
    %dma_wait3A_141 = tpu.memref_slice %arg2[%dma_wait3A_139, %dma_wait3A_140] : memref<10000x128xf32, #tpu.memory_space<hbm>> -> memref<80x128xf32, #tpu.memory_space<hbm>>
    %dma_wait3A_142 = arith.constant 0 : i32
    %dma_wait3A_143 = arith.constant 0 : i32
    %dma_wait3A_144 = tpu.memref_slice %arg2[%dma_wait3A_142, %dma_wait3A_143] : memref<10000x128xf32, #tpu.memory_space<hbm>> -> memref<80x128xf32, #tpu.memory_space<hbm>>
    tpu.wait_dma2 semaphore(%arg19 : memref<!tpu.dma_semaphore, #tpu.memory_space<semaphore_mem>>) src(%dma_wait3A_144 : memref<80x128xf32, #tpu.memory_space<hbm>>) dst(%arg14 : memref<80x128xf32, #tpu.memory_space<vmem>>)
    %dma_wait3A_145 = arith.constant 0 : i32
    %dma_wait3A_146 = arith.constant 0 : i32
    %dma_wait3A_147 = tpu.memref_slice %arg2[%dma_wait3A_145, %dma_wait3A_146] : memref<10000x128xf32, #tpu.memory_space<hbm>> -> memref<80x128xf32, #tpu.memory_space<hbm>>
    %dma_wait3A_148 = arith.constant 0 : i32
    %dma_wait3A_149 = arith.constant 0 : i32
    %dma_wait3A_150 = tpu.memref_slice %arg2[%dma_wait3A_148, %dma_wait3A_149] : memref<10000x128xf32, #tpu.memory_space<hbm>> -> memref<80x128xf32, #tpu.memory_space<hbm>>
    tpu.wait_dma2 semaphore(%arg20 : memref<!tpu.dma_semaphore, #tpu.memory_space<semaphore_mem>>) src(%dma_wait3A_150 : memref<80x128xf32, #tpu.memory_space<hbm>>) dst(%arg15 : memref<80x128xf32, #tpu.memory_space<vmem>>)
    %dma_wait3A_151 = arith.constant 0 : i32
    %dma_wait3A_152 = arith.constant 0 : i32
    %dma_wait3A_153 = tpu.memref_slice %arg2[%dma_wait3A_151, %dma_wait3A_152] : memref<10000x128xf32, #tpu.memory_space<hbm>> -> memref<80x128xf32, #tpu.memory_space<hbm>>
    %dma_wait3A_154 = arith.constant 0 : i32
    %dma_wait3A_155 = arith.constant 0 : i32
    %dma_wait3A_156 = tpu.memref_slice %arg2[%dma_wait3A_154, %dma_wait3A_155] : memref<10000x128xf32, #tpu.memory_space<hbm>> -> memref<80x128xf32, #tpu.memory_space<hbm>>
    tpu.wait_dma2 semaphore(%arg20 : memref<!tpu.dma_semaphore, #tpu.memory_space<semaphore_mem>>) src(%dma_wait3A_156 : memref<80x128xf32, #tpu.memory_space<hbm>>) dst(%arg16 : memref<80x128xf32, #tpu.memory_space<vmem>>)
    return
  }
}

#map = affine_map<(d0, d1) -> (0, 0)>
#map1 = affine_map<(d0, d1) -> (0)>
module attributes {stable_mosaic.version = 14 : i64} {
  func.func @body(%arg0: i32, %arg1: i32, %arg2: memref<20000x128xf32, #tpu.memory_space<hbm>>, %arg3: memref<320000xi32, #tpu.memory_space<hbm>>, %arg4: memref<320000xi32, #tpu.memory_space<hbm>>, %arg5: memref<320000xi32, #tpu.memory_space<hbm>>, %arg6: memref<320000xi32, #tpu.memory_space<hbm>>, %arg7: memref<320000x128xf32, #tpu.memory_space<hbm>>, %arg8: memref<320000x128xf32, #tpu.memory_space<hbm>>, %arg9: memref<320000x128xf32, #tpu.memory_space<hbm>>, %arg10: memref<320000x128xf32, #tpu.memory_space<hbm>>, %arg11: memref<10000xi32, #tpu.memory_space<vmem>>, %arg12: memref<10000xi32, #tpu.memory_space<vmem>>, %arg13: memref<10000xi32, #tpu.memory_space<vmem>>, %arg14: memref<10000xi32, #tpu.memory_space<vmem>>, %arg15: memref<80xi32, #tpu.memory_space<vmem>>, %arg16: memref<80xi32, #tpu.memory_space<vmem>>, %arg17: memref<80xi32, #tpu.memory_space<vmem>>, %arg18: memref<80xi32, #tpu.memory_space<vmem>>, %arg19: memref<80xi32, #tpu.memory_space<vmem>>, %arg20: memref<80xi32, #tpu.memory_space<vmem>>, %arg21: memref<80xi32, #tpu.memory_space<vmem>>, %arg22: memref<80xi32, #tpu.memory_space<vmem>>, %arg23: memref<80x128xf32, #tpu.memory_space<vmem>>, %arg24: memref<80x128xf32, #tpu.memory_space<vmem>>, %arg25: memref<80x128xf32, #tpu.memory_space<vmem>>, %arg26: memref<80x128xf32, #tpu.memory_space<vmem>>, %arg27: memref<80x128xf32, #tpu.memory_space<vmem>>, %arg28: memref<80x128xf32, #tpu.memory_space<vmem>>, %arg29: memref<80x128xf32, #tpu.memory_space<vmem>>, %arg30: memref<80x128xf32, #tpu.memory_space<vmem>>, %arg31: memref<!tpu.dma_semaphore, #tpu.memory_space<semaphore_mem>>, %arg32: memref<!tpu.dma_semaphore, #tpu.memory_space<semaphore_mem>>, %arg33: memref<!tpu.dma_semaphore, #tpu.memory_space<semaphore_mem>>, %arg34: memref<!tpu.dma_semaphore, #tpu.memory_space<semaphore_mem>>) attributes {dimension_semantics = [#tpu.dimension_semantics<core_parallel>, #tpu.dimension_semantics<subcore_parallel>], iteration_bounds = array<i64: 2, 16>, scalar_prefetch = 0 : i64, scratch_operands = 24 : i64, tpu.core_type = #tpu.core_type<sc_vector_subcore>, window_params = [{transform_indices = #map}, {transform_indices = #map1}, {transform_indices = #map1}, {transform_indices = #map1}, {transform_indices = #map1}, {transform_indices = #map}, {transform_indices = #map}, {transform_indices = #map}, {transform_indices = #map}]} {
    %mul3A = arith.constant 16 : i32
    %mul3A_0 = arith.muli %arg0, %mul3A : i32
    %add3A = arith.addi %mul3A_0, %arg1 : i32
    %mul3A_1 = arith.constant 10000 : i32
    %mul3A_2 = arith.muli %add3A, %mul3A_1 : i32
    "tpu.region"() ({
      %run_scoped3A = tpu.sem_alloc : memref<!tpu.dma_semaphore, #tpu.memory_space<semaphore_mem>>
      %dma_start3A_309 = tpu.memref_slice %arg3[%mul3A_2] : memref<320000xi32, #tpu.memory_space<hbm>> -> memref<10000xi32, #tpu.memory_space<hbm>>
      %dma_start3A_310 = tpu.memref_slice %arg3[%mul3A_2] : memref<320000xi32, #tpu.memory_space<hbm>> -> memref<10000xi32, #tpu.memory_space<hbm>>
      tpu.enqueue_dma source(%dma_start3A_310 : memref<10000xi32, #tpu.memory_space<hbm>>) target(%arg11 : memref<10000xi32, #tpu.memory_space<vmem>>) target_semaphore(%run_scoped3A : memref<!tpu.dma_semaphore, #tpu.memory_space<semaphore_mem>>)
      %dma_wait3A_311 = tpu.memref_slice %arg3[%mul3A_2] : memref<320000xi32, #tpu.memory_space<hbm>> -> memref<10000xi32, #tpu.memory_space<hbm>>
      %dma_wait3A_312 = tpu.memref_slice %arg3[%mul3A_2] : memref<320000xi32, #tpu.memory_space<hbm>> -> memref<10000xi32, #tpu.memory_space<hbm>>
      tpu.wait_dma2 semaphore(%run_scoped3A : memref<!tpu.dma_semaphore, #tpu.memory_space<semaphore_mem>>) src(%dma_wait3A_312 : memref<10000xi32, #tpu.memory_space<hbm>>) dst(%arg11 : memref<10000xi32, #tpu.memory_space<vmem>>)
      tpu.yield
    }) : () -> ()
    "tpu.region"() ({
      %run_scoped3A = tpu.sem_alloc : memref<!tpu.dma_semaphore, #tpu.memory_space<semaphore_mem>>
      %dma_start3A_309 = tpu.memref_slice %arg4[%mul3A_2] : memref<320000xi32, #tpu.memory_space<hbm>> -> memref<10000xi32, #tpu.memory_space<hbm>>
      %dma_start3A_310 = tpu.memref_slice %arg4[%mul3A_2] : memref<320000xi32, #tpu.memory_space<hbm>> -> memref<10000xi32, #tpu.memory_space<hbm>>
      tpu.enqueue_dma source(%dma_start3A_310 : memref<10000xi32, #tpu.memory_space<hbm>>) target(%arg12 : memref<10000xi32, #tpu.memory_space<vmem>>) target_semaphore(%run_scoped3A : memref<!tpu.dma_semaphore, #tpu.memory_space<semaphore_mem>>)
      %dma_wait3A_311 = tpu.memref_slice %arg4[%mul3A_2] : memref<320000xi32, #tpu.memory_space<hbm>> -> memref<10000xi32, #tpu.memory_space<hbm>>
      %dma_wait3A_312 = tpu.memref_slice %arg4[%mul3A_2] : memref<320000xi32, #tpu.memory_space<hbm>> -> memref<10000xi32, #tpu.memory_space<hbm>>
      tpu.wait_dma2 semaphore(%run_scoped3A : memref<!tpu.dma_semaphore, #tpu.memory_space<semaphore_mem>>) src(%dma_wait3A_312 : memref<10000xi32, #tpu.memory_space<hbm>>) dst(%arg12 : memref<10000xi32, #tpu.memory_space<vmem>>)
      tpu.yield
    }) : () -> ()
    "tpu.region"() ({
      %run_scoped3A = tpu.sem_alloc : memref<!tpu.dma_semaphore, #tpu.memory_space<semaphore_mem>>
      %dma_start3A_309 = tpu.memref_slice %arg5[%mul3A_2] : memref<320000xi32, #tpu.memory_space<hbm>> -> memref<10000xi32, #tpu.memory_space<hbm>>
      %dma_start3A_310 = tpu.memref_slice %arg5[%mul3A_2] : memref<320000xi32, #tpu.memory_space<hbm>> -> memref<10000xi32, #tpu.memory_space<hbm>>
      tpu.enqueue_dma source(%dma_start3A_310 : memref<10000xi32, #tpu.memory_space<hbm>>) target(%arg13 : memref<10000xi32, #tpu.memory_space<vmem>>) target_semaphore(%run_scoped3A : memref<!tpu.dma_semaphore, #tpu.memory_space<semaphore_mem>>)
      %dma_wait3A_311 = tpu.memref_slice %arg5[%mul3A_2] : memref<320000xi32, #tpu.memory_space<hbm>> -> memref<10000xi32, #tpu.memory_space<hbm>>
      %dma_wait3A_312 = tpu.memref_slice %arg5[%mul3A_2] : memref<320000xi32, #tpu.memory_space<hbm>> -> memref<10000xi32, #tpu.memory_space<hbm>>
      tpu.wait_dma2 semaphore(%run_scoped3A : memref<!tpu.dma_semaphore, #tpu.memory_space<semaphore_mem>>) src(%dma_wait3A_312 : memref<10000xi32, #tpu.memory_space<hbm>>) dst(%arg13 : memref<10000xi32, #tpu.memory_space<vmem>>)
      tpu.yield
    }) : () -> ()
    "tpu.region"() ({
      %run_scoped3A = tpu.sem_alloc : memref<!tpu.dma_semaphore, #tpu.memory_space<semaphore_mem>>
      %dma_start3A_309 = tpu.memref_slice %arg6[%mul3A_2] : memref<320000xi32, #tpu.memory_space<hbm>> -> memref<10000xi32, #tpu.memory_space<hbm>>
      %dma_start3A_310 = tpu.memref_slice %arg6[%mul3A_2] : memref<320000xi32, #tpu.memory_space<hbm>> -> memref<10000xi32, #tpu.memory_space<hbm>>
      tpu.enqueue_dma source(%dma_start3A_310 : memref<10000xi32, #tpu.memory_space<hbm>>) target(%arg14 : memref<10000xi32, #tpu.memory_space<vmem>>) target_semaphore(%run_scoped3A : memref<!tpu.dma_semaphore, #tpu.memory_space<semaphore_mem>>)
      %dma_wait3A_311 = tpu.memref_slice %arg6[%mul3A_2] : memref<320000xi32, #tpu.memory_space<hbm>> -> memref<10000xi32, #tpu.memory_space<hbm>>
      %dma_wait3A_312 = tpu.memref_slice %arg6[%mul3A_2] : memref<320000xi32, #tpu.memory_space<hbm>> -> memref<10000xi32, #tpu.memory_space<hbm>>
      tpu.wait_dma2 semaphore(%run_scoped3A : memref<!tpu.dma_semaphore, #tpu.memory_space<semaphore_mem>>) src(%dma_wait3A_312 : memref<10000xi32, #tpu.memory_space<hbm>>) dst(%arg14 : memref<10000xi32, #tpu.memory_space<vmem>>)
      tpu.yield
    }) : () -> ()
    %get3A = arith.constant 0 : index
    %get3A_3 = tpu.vector_load %arg11[%get3A] {strides = array<i32>} : memref<10000xi32, #tpu.memory_space<vmem>>, vector<16xi32>,
    %swap3A = arith.constant 0 : index
    %swap3A_4 = tpu.vector_load %arg15[%swap3A] {strides = array<i32>} : memref<80xi32, #tpu.memory_space<vmem>>, vector<16xi32>,
    tpu.vector_store %arg15[%swap3A], %get3A_3 {strides = array<i32>} : memref<80xi32, #tpu.memory_space<vmem>>, vector<16xi32>,
    %get3A_5 = arith.constant 16 : index
    %get3A_6 = tpu.vector_load %arg11[%get3A_5] {strides = array<i32>} : memref<10000xi32, #tpu.memory_space<vmem>>, vector<16xi32>,
    %swap3A_7 = arith.constant 16 : index
    %swap3A_8 = tpu.vector_load %arg15[%swap3A_7] {strides = array<i32>} : memref<80xi32, #tpu.memory_space<vmem>>, vector<16xi32>,
    tpu.vector_store %arg15[%swap3A_7], %get3A_6 {strides = array<i32>} : memref<80xi32, #tpu.memory_space<vmem>>, vector<16xi32>,
    %get3A_9 = arith.constant 32 : index
    %get3A_10 = tpu.vector_load %arg11[%get3A_9] {strides = array<i32>} : memref<10000xi32, #tpu.memory_space<vmem>>, vector<16xi32>,
    %swap3A_11 = arith.constant 32 : index
    %swap3A_12 = tpu.vector_load %arg15[%swap3A_11] {strides = array<i32>} : memref<80xi32, #tpu.memory_space<vmem>>, vector<16xi32>,
    tpu.vector_store %arg15[%swap3A_11], %get3A_10 {strides = array<i32>} : memref<80xi32, #tpu.memory_space<vmem>>, vector<16xi32>,
    %get3A_13 = arith.constant 48 : index
    %get3A_14 = tpu.vector_load %arg11[%get3A_13] {strides = array<i32>} : memref<10000xi32, #tpu.memory_space<vmem>>, vector<16xi32>,
    %swap3A_15 = arith.constant 48 : index
    %swap3A_16 = tpu.vector_load %arg15[%swap3A_15] {strides = array<i32>} : memref<80xi32, #tpu.memory_space<vmem>>, vector<16xi32>,
    tpu.vector_store %arg15[%swap3A_15], %get3A_14 {strides = array<i32>} : memref<80xi32, #tpu.memory_space<vmem>>, vector<16xi32>,
    %get3A_17 = arith.constant 64 : index
    %get3A_18 = tpu.vector_load %arg11[%get3A_17] {strides = array<i32>} : memref<10000xi32, #tpu.memory_space<vmem>>, vector<16xi32>,
    %swap3A_19 = arith.constant 64 : index
    %swap3A_20 = tpu.vector_load %arg15[%swap3A_19] {strides = array<i32>} : memref<80xi32, #tpu.memory_space<vmem>>, vector<16xi32>,
    tpu.vector_store %arg15[%swap3A_19], %get3A_18 {strides = array<i32>} : memref<80xi32, #tpu.memory_space<vmem>>, vector<16xi32>,
    %get3A_21 = arith.constant 0 : index
    %get3A_22 = tpu.vector_load %arg12[%get3A_21] {strides = array<i32>} : memref<10000xi32, #tpu.memory_space<vmem>>, vector<16xi32>,
    %swap3A_23 = arith.constant 0 : index
    %swap3A_24 = tpu.vector_load %arg16[%swap3A_23] {strides = array<i32>} : memref<80xi32, #tpu.memory_space<vmem>>, vector<16xi32>,
    tpu.vector_store %arg16[%swap3A_23], %get3A_22 {strides = array<i32>} : memref<80xi32, #tpu.memory_space<vmem>>, vector<16xi32>,
    %get3A_25 = arith.constant 16 : index
    %get3A_26 = tpu.vector_load %arg12[%get3A_25] {strides = array<i32>} : memref<10000xi32, #tpu.memory_space<vmem>>, vector<16xi32>,
    %swap3A_27 = arith.constant 16 : index
    %swap3A_28 = tpu.vector_load %arg16[%swap3A_27] {strides = array<i32>} : memref<80xi32, #tpu.memory_space<vmem>>, vector<16xi32>,
    tpu.vector_store %arg16[%swap3A_27], %get3A_26 {strides = array<i32>} : memref<80xi32, #tpu.memory_space<vmem>>, vector<16xi32>,
    %get3A_29 = arith.constant 32 : index
    %get3A_30 = tpu.vector_load %arg12[%get3A_29] {strides = array<i32>} : memref<10000xi32, #tpu.memory_space<vmem>>, vector<16xi32>,
    %swap3A_31 = arith.constant 32 : index
    %swap3A_32 = tpu.vector_load %arg16[%swap3A_31] {strides = array<i32>} : memref<80xi32, #tpu.memory_space<vmem>>, vector<16xi32>,
    tpu.vector_store %arg16[%swap3A_31], %get3A_30 {strides = array<i32>} : memref<80xi32, #tpu.memory_space<vmem>>, vector<16xi32>,
    %get3A_33 = arith.constant 48 : index
    %get3A_34 = tpu.vector_load %arg12[%get3A_33] {strides = array<i32>} : memref<10000xi32, #tpu.memory_space<vmem>>, vector<16xi32>,
    %swap3A_35 = arith.constant 48 : index
    %swap3A_36 = tpu.vector_load %arg16[%swap3A_35] {strides = array<i32>} : memref<80xi32, #tpu.memory_space<vmem>>, vector<16xi32>,
    tpu.vector_store %arg16[%swap3A_35], %get3A_34 {strides = array<i32>} : memref<80xi32, #tpu.memory_space<vmem>>, vector<16xi32>,
    %get3A_37 = arith.constant 64 : index
    %get3A_38 = tpu.vector_load %arg12[%get3A_37] {strides = array<i32>} : memref<10000xi32, #tpu.memory_space<vmem>>, vector<16xi32>,
    %swap3A_39 = arith.constant 64 : index
    %swap3A_40 = tpu.vector_load %arg16[%swap3A_39] {strides = array<i32>} : memref<80xi32, #tpu.memory_space<vmem>>, vector<16xi32>,
    tpu.vector_store %arg16[%swap3A_39], %get3A_38 {strides = array<i32>} : memref<80xi32, #tpu.memory_space<vmem>>, vector<16xi32>,
    %get3A_41 = arith.constant 0 : index
    %get3A_42 = tpu.vector_load %arg13[%get3A_41] {strides = array<i32>} : memref<10000xi32, #tpu.memory_space<vmem>>, vector<16xi32>,
    %swap3A_43 = arith.constant 0 : index
    %swap3A_44 = tpu.vector_load %arg17[%swap3A_43] {strides = array<i32>} : memref<80xi32, #tpu.memory_space<vmem>>, vector<16xi32>,
    tpu.vector_store %arg17[%swap3A_43], %get3A_42 {strides = array<i32>} : memref<80xi32, #tpu.memory_space<vmem>>, vector<16xi32>,
    %get3A_45 = arith.constant 16 : index
    %get3A_46 = tpu.vector_load %arg13[%get3A_45] {strides = array<i32>} : memref<10000xi32, #tpu.memory_space<vmem>>, vector<16xi32>,
    %swap3A_47 = arith.constant 16 : index
    %swap3A_48 = tpu.vector_load %arg17[%swap3A_47] {strides = array<i32>} : memref<80xi32, #tpu.memory_space<vmem>>, vector<16xi32>,
    tpu.vector_store %arg17[%swap3A_47], %get3A_46 {strides = array<i32>} : memref<80xi32, #tpu.memory_space<vmem>>, vector<16xi32>,
    %get3A_49 = arith.constant 32 : index
    %get3A_50 = tpu.vector_load %arg13[%get3A_49] {strides = array<i32>} : memref<10000xi32, #tpu.memory_space<vmem>>, vector<16xi32>,
    %swap3A_51 = arith.constant 32 : index
    %swap3A_52 = tpu.vector_load %arg17[%swap3A_51] {strides = array<i32>} : memref<80xi32, #tpu.memory_space<vmem>>, vector<16xi32>,
    tpu.vector_store %arg17[%swap3A_51], %get3A_50 {strides = array<i32>} : memref<80xi32, #tpu.memory_space<vmem>>, vector<16xi32>,
    %get3A_53 = arith.constant 48 : index
    %get3A_54 = tpu.vector_load %arg13[%get3A_53] {strides = array<i32>} : memref<10000xi32, #tpu.memory_space<vmem>>, vector<16xi32>,
    %swap3A_55 = arith.constant 48 : index
    %swap3A_56 = tpu.vector_load %arg17[%swap3A_55] {strides = array<i32>} : memref<80xi32, #tpu.memory_space<vmem>>, vector<16xi32>,
    tpu.vector_store %arg17[%swap3A_55], %get3A_54 {strides = array<i32>} : memref<80xi32, #tpu.memory_space<vmem>>, vector<16xi32>,
    %get3A_57 = arith.constant 64 : index
    %get3A_58 = tpu.vector_load %arg13[%get3A_57] {strides = array<i32>} : memref<10000xi32, #tpu.memory_space<vmem>>, vector<16xi32>,
    %swap3A_59 = arith.constant 64 : index
    %swap3A_60 = tpu.vector_load %arg17[%swap3A_59] {strides = array<i32>} : memref<80xi32, #tpu.memory_space<vmem>>, vector<16xi32>,
    tpu.vector_store %arg17[%swap3A_59], %get3A_58 {strides = array<i32>} : memref<80xi32, #tpu.memory_space<vmem>>, vector<16xi32>,
    %get3A_61 = arith.constant 0 : index
    %get3A_62 = tpu.vector_load %arg14[%get3A_61] {strides = array<i32>} : memref<10000xi32, #tpu.memory_space<vmem>>, vector<16xi32>,
    %swap3A_63 = arith.constant 0 : index
    %swap3A_64 = tpu.vector_load %arg18[%swap3A_63] {strides = array<i32>} : memref<80xi32, #tpu.memory_space<vmem>>, vector<16xi32>,
    tpu.vector_store %arg18[%swap3A_63], %get3A_62 {strides = array<i32>} : memref<80xi32, #tpu.memory_space<vmem>>, vector<16xi32>,
    %get3A_65 = arith.constant 16 : index
    %get3A_66 = tpu.vector_load %arg14[%get3A_65] {strides = array<i32>} : memref<10000xi32, #tpu.memory_space<vmem>>, vector<16xi32>,
    %swap3A_67 = arith.constant 16 : index
    %swap3A_68 = tpu.vector_load %arg18[%swap3A_67] {strides = array<i32>} : memref<80xi32, #tpu.memory_space<vmem>>, vector<16xi32>,
    tpu.vector_store %arg18[%swap3A_67], %get3A_66 {strides = array<i32>} : memref<80xi32, #tpu.memory_space<vmem>>, vector<16xi32>,
    %get3A_69 = arith.constant 32 : index
    %get3A_70 = tpu.vector_load %arg14[%get3A_69] {strides = array<i32>} : memref<10000xi32, #tpu.memory_space<vmem>>, vector<16xi32>,
    %swap3A_71 = arith.constant 32 : index
    %swap3A_72 = tpu.vector_load %arg18[%swap3A_71] {strides = array<i32>} : memref<80xi32, #tpu.memory_space<vmem>>, vector<16xi32>,
    tpu.vector_store %arg18[%swap3A_71], %get3A_70 {strides = array<i32>} : memref<80xi32, #tpu.memory_space<vmem>>, vector<16xi32>,
    %get3A_73 = arith.constant 48 : index
    %get3A_74 = tpu.vector_load %arg14[%get3A_73] {strides = array<i32>} : memref<10000xi32, #tpu.memory_space<vmem>>, vector<16xi32>,
    %swap3A_75 = arith.constant 48 : index
    %swap3A_76 = tpu.vector_load %arg18[%swap3A_75] {strides = array<i32>} : memref<80xi32, #tpu.memory_space<vmem>>, vector<16xi32>,
    tpu.vector_store %arg18[%swap3A_75], %get3A_74 {strides = array<i32>} : memref<80xi32, #tpu.memory_space<vmem>>, vector<16xi32>,
    %get3A_77 = arith.constant 64 : index
    %get3A_78 = tpu.vector_load %arg14[%get3A_77] {strides = array<i32>} : memref<10000xi32, #tpu.memory_space<vmem>>, vector<16xi32>,
    %swap3A_79 = arith.constant 64 : index
    %swap3A_80 = tpu.vector_load %arg18[%swap3A_79] {strides = array<i32>} : memref<80xi32, #tpu.memory_space<vmem>>, vector<16xi32>,
    tpu.vector_store %arg18[%swap3A_79], %get3A_78 {strides = array<i32>} : memref<80xi32, #tpu.memory_space<vmem>>, vector<16xi32>,
    %dma_start3A = arith.constant 0 : i32
    %dma_start3A_81 = arith.constant 0 : i32
    %dma_start3A_82 = tpu.memref_slice %arg2[%dma_start3A, %dma_start3A_81] : memref<20000x128xf32, #tpu.memory_space<hbm>> -> memref<20000x128xf32, #tpu.memory_space<hbm>>
    tpu.enqueue_indirect_dma source(%dma_start3A_82 : memref<20000x128xf32, #tpu.memory_space<hbm>>) target(%arg23 : memref<80x128xf32, #tpu.memory_space<vmem>>) offsets(%arg15 : memref<80xi32, #tpu.memory_space<vmem>>) semaphore(%arg31 : memref<!tpu.dma_semaphore, #tpu.memory_space<semaphore_mem>>)
    %dma_start3A_83 = arith.constant 0 : i32
    %dma_start3A_84 = arith.constant 0 : i32
    %dma_start3A_85 = tpu.memref_slice %arg2[%dma_start3A_83, %dma_start3A_84] : memref<20000x128xf32, #tpu.memory_space<hbm>> -> memref<20000x128xf32, #tpu.memory_space<hbm>>
    tpu.enqueue_indirect_dma source(%dma_start3A_85 : memref<20000x128xf32, #tpu.memory_space<hbm>>) target(%arg24 : memref<80x128xf32, #tpu.memory_space<vmem>>) offsets(%arg16 : memref<80xi32, #tpu.memory_space<vmem>>) semaphore(%arg31 : memref<!tpu.dma_semaphore, #tpu.memory_space<semaphore_mem>>)
    %dma_start3A_86 = arith.constant 0 : i32
    %dma_start3A_87 = arith.constant 0 : i32
    %dma_start3A_88 = tpu.memref_slice %arg2[%dma_start3A_86, %dma_start3A_87] : memref<20000x128xf32, #tpu.memory_space<hbm>> -> memref<20000x128xf32, #tpu.memory_space<hbm>>
    tpu.enqueue_indirect_dma source(%dma_start3A_88 : memref<20000x128xf32, #tpu.memory_space<hbm>>) target(%arg25 : memref<80x128xf32, #tpu.memory_space<vmem>>) offsets(%arg17 : memref<80xi32, #tpu.memory_space<vmem>>) semaphore(%arg31 : memref<!tpu.dma_semaphore, #tpu.memory_space<semaphore_mem>>)
    %dma_start3A_89 = arith.constant 0 : i32
    %dma_start3A_90 = arith.constant 0 : i32
    %dma_start3A_91 = tpu.memref_slice %arg2[%dma_start3A_89, %dma_start3A_90] : memref<20000x128xf32, #tpu.memory_space<hbm>> -> memref<20000x128xf32, #tpu.memory_space<hbm>>
    tpu.enqueue_indirect_dma source(%dma_start3A_91 : memref<20000x128xf32, #tpu.memory_space<hbm>>) target(%arg26 : memref<80x128xf32, #tpu.memory_space<vmem>>) offsets(%arg18 : memref<80xi32, #tpu.memory_space<vmem>>) semaphore(%arg31 : memref<!tpu.dma_semaphore, #tpu.memory_space<semaphore_mem>>)
    %scan3A = arith.constant 0 : i32
    %scan3A_92 = arith.constant 0 : i32
    %scan3A_93 = arith.constant 62 : i32
    %scan3A_94 = arith.addi %scan3A_92, %scan3A_93 : i32
    %scan3A_95 = arith.constant 1 : i32
    %scan3A_96 = scf.for %scan3A_309 = %scan3A_92 to %scan3A_94 step %scan3A_95 iter_args(%scan3A_310 = %scan3A) -> (i32)  : i32 {
      %mul3A_311 = arith.constant 2 : i32
      %mul3A_312 = arith.muli %mul3A_311, %scan3A_309 : i32
      %add3A_313 = arith.constant 1 : i32
      %add3A_314 = arith.addi %mul3A_312, %add3A_313 : i32
      %mul3A_315 = arith.constant 80 : i32
      %mul3A_316 = arith.muli %add3A_314, %mul3A_315 : i32
      %add3A_317 = arith.constant 0 : i32
      %add3A_318 = arith.addi %mul3A_316, %add3A_317 : i32
      %get3A_319 = arith.index_cast %add3A_318 : i32 to index
      %get3A_320 = tpu.vector_load %arg11[%get3A_319] {strides = array<i32>} : memref<10000xi32, #tpu.memory_space<vmem>>, vector<16xi32>,
      %swap3A_321 = arith.constant 0 : index
      %swap3A_322 = tpu.vector_load %arg19[%swap3A_321] {strides = array<i32>} : memref<80xi32, #tpu.memory_space<vmem>>, vector<16xi32>,
      tpu.vector_store %arg19[%swap3A_321], %get3A_320 {strides = array<i32>} : memref<80xi32, #tpu.memory_space<vmem>>, vector<16xi32>,
      %add3A_323 = arith.constant 16 : i32
      %add3A_324 = arith.addi %mul3A_316, %add3A_323 : i32
      %get3A_325 = arith.index_cast %add3A_324 : i32 to index
      %get3A_326 = tpu.vector_load %arg11[%get3A_325] {strides = array<i32>} : memref<10000xi32, #tpu.memory_space<vmem>>, vector<16xi32>,
      %swap3A_327 = arith.constant 16 : index
      %swap3A_328 = tpu.vector_load %arg19[%swap3A_327] {strides = array<i32>} : memref<80xi32, #tpu.memory_space<vmem>>, vector<16xi32>,
      tpu.vector_store %arg19[%swap3A_327], %get3A_326 {strides = array<i32>} : memref<80xi32, #tpu.memory_space<vmem>>, vector<16xi32>,
      %add3A_329 = arith.constant 32 : i32
      %add3A_330 = arith.addi %mul3A_316, %add3A_329 : i32
      %get3A_331 = arith.index_cast %add3A_330 : i32 to index
      %get3A_332 = tpu.vector_load %arg11[%get3A_331] {strides = array<i32>} : memref<10000xi32, #tpu.memory_space<vmem>>, vector<16xi32>,
      %swap3A_333 = arith.constant 32 : index
      %swap3A_334 = tpu.vector_load %arg19[%swap3A_333] {strides = array<i32>} : memref<80xi32, #tpu.memory_space<vmem>>, vector<16xi32>,
      tpu.vector_store %arg19[%swap3A_333], %get3A_332 {strides = array<i32>} : memref<80xi32, #tpu.memory_space<vmem>>, vector<16xi32>,
      %add3A_335 = arith.constant 48 : i32
      %add3A_336 = arith.addi %mul3A_316, %add3A_335 : i32
      %get3A_337 = arith.index_cast %add3A_336 : i32 to index
      %get3A_338 = tpu.vector_load %arg11[%get3A_337] {strides = array<i32>} : memref<10000xi32, #tpu.memory_space<vmem>>, vector<16xi32>,
      %swap3A_339 = arith.constant 48 : index
      %swap3A_340 = tpu.vector_load %arg19[%swap3A_339] {strides = array<i32>} : memref<80xi32, #tpu.memory_space<vmem>>, vector<16xi32>,
      tpu.vector_store %arg19[%swap3A_339], %get3A_338 {strides = array<i32>} : memref<80xi32, #tpu.memory_space<vmem>>, vector<16xi32>,
      %add3A_341 = arith.constant 64 : i32
      %add3A_342 = arith.addi %mul3A_316, %add3A_341 : i32
      %get3A_343 = arith.index_cast %add3A_342 : i32 to index
      %get3A_344 = tpu.vector_load %arg11[%get3A_343] {strides = array<i32>} : memref<10000xi32, #tpu.memory_space<vmem>>, vector<16xi32>,
      %swap3A_345 = arith.constant 64 : index
      %swap3A_346 = tpu.vector_load %arg19[%swap3A_345] {strides = array<i32>} : memref<80xi32, #tpu.memory_space<vmem>>, vector<16xi32>,
      tpu.vector_store %arg19[%swap3A_345], %get3A_344 {strides = array<i32>} : memref<80xi32, #tpu.memory_space<vmem>>, vector<16xi32>,
      %add3A_347 = arith.constant 0 : i32
      %add3A_348 = arith.addi %mul3A_316, %add3A_347 : i32
      %get3A_349 = arith.index_cast %add3A_348 : i32 to index
      %get3A_350 = tpu.vector_load %arg12[%get3A_349] {strides = array<i32>} : memref<10000xi32, #tpu.memory_space<vmem>>, vector<16xi32>,
      %swap3A_351 = arith.constant 0 : index
      %swap3A_352 = tpu.vector_load %arg20[%swap3A_351] {strides = array<i32>} : memref<80xi32, #tpu.memory_space<vmem>>, vector<16xi32>,
      tpu.vector_store %arg20[%swap3A_351], %get3A_350 {strides = array<i32>} : memref<80xi32, #tpu.memory_space<vmem>>, vector<16xi32>,
      %add3A_353 = arith.constant 16 : i32
      %add3A_354 = arith.addi %mul3A_316, %add3A_353 : i32
      %get3A_355 = arith.index_cast %add3A_354 : i32 to index
      %get3A_356 = tpu.vector_load %arg12[%get3A_355] {strides = array<i32>} : memref<10000xi32, #tpu.memory_space<vmem>>, vector<16xi32>,
      %swap3A_357 = arith.constant 16 : index
      %swap3A_358 = tpu.vector_load %arg20[%swap3A_357] {strides = array<i32>} : memref<80xi32, #tpu.memory_space<vmem>>, vector<16xi32>,
      tpu.vector_store %arg20[%swap3A_357], %get3A_356 {strides = array<i32>} : memref<80xi32, #tpu.memory_space<vmem>>, vector<16xi32>,
      %add3A_359 = arith.constant 32 : i32
      %add3A_360 = arith.addi %mul3A_316, %add3A_359 : i32
      %get3A_361 = arith.index_cast %add3A_360 : i32 to index
      %get3A_362 = tpu.vector_load %arg12[%get3A_361] {strides = array<i32>} : memref<10000xi32, #tpu.memory_space<vmem>>, vector<16xi32>,
      %swap3A_363 = arith.constant 32 : index
      %swap3A_364 = tpu.vector_load %arg20[%swap3A_363] {strides = array<i32>} : memref<80xi32, #tpu.memory_space<vmem>>, vector<16xi32>,
      tpu.vector_store %arg20[%swap3A_363], %get3A_362 {strides = array<i32>} : memref<80xi32, #tpu.memory_space<vmem>>, vector<16xi32>,
      %add3A_365 = arith.constant 48 : i32
      %add3A_366 = arith.addi %mul3A_316, %add3A_365 : i32
      %get3A_367 = arith.index_cast %add3A_366 : i32 to index
      %get3A_368 = tpu.vector_load %arg12[%get3A_367] {strides = array<i32>} : memref<10000xi32, #tpu.memory_space<vmem>>, vector<16xi32>,
      %swap3A_369 = arith.constant 48 : index
      %swap3A_370 = tpu.vector_load %arg20[%swap3A_369] {strides = array<i32>} : memref<80xi32, #tpu.memory_space<vmem>>, vector<16xi32>,
      tpu.vector_store %arg20[%swap3A_369], %get3A_368 {strides = array<i32>} : memref<80xi32, #tpu.memory_space<vmem>>, vector<16xi32>,
      %add3A_371 = arith.constant 64 : i32
      %add3A_372 = arith.addi %mul3A_316, %add3A_371 : i32
      %get3A_373 = arith.index_cast %add3A_372 : i32 to index
      %get3A_374 = tpu.vector_load %arg12[%get3A_373] {strides = array<i32>} : memref<10000xi32, #tpu.memory_space<vmem>>, vector<16xi32>,
      %swap3A_375 = arith.constant 64 : index
      %swap3A_376 = tpu.vector_load %arg20[%swap3A_375] {strides = array<i32>} : memref<80xi32, #tpu.memory_space<vmem>>, vector<16xi32>,
      tpu.vector_store %arg20[%swap3A_375], %get3A_374 {strides = array<i32>} : memref<80xi32, #tpu.memory_space<vmem>>, vector<16xi32>,
      %add3A_377 = arith.constant 0 : i32
      %add3A_378 = arith.addi %mul3A_316, %add3A_377 : i32
      %get3A_379 = arith.index_cast %add3A_378 : i32 to index
      %get3A_380 = tpu.vector_load %arg13[%get3A_379] {strides = array<i32>} : memref<10000xi32, #tpu.memory_space<vmem>>, vector<16xi32>,
      %swap3A_381 = arith.constant 0 : index
      %swap3A_382 = tpu.vector_load %arg21[%swap3A_381] {strides = array<i32>} : memref<80xi32, #tpu.memory_space<vmem>>, vector<16xi32>,
      tpu.vector_store %arg21[%swap3A_381], %get3A_380 {strides = array<i32>} : memref<80xi32, #tpu.memory_space<vmem>>, vector<16xi32>,
      %add3A_383 = arith.constant 16 : i32
      %add3A_384 = arith.addi %mul3A_316, %add3A_383 : i32
      %get3A_385 = arith.index_cast %add3A_384 : i32 to index
      %get3A_386 = tpu.vector_load %arg13[%get3A_385] {strides = array<i32>} : memref<10000xi32, #tpu.memory_space<vmem>>, vector<16xi32>,
      %swap3A_387 = arith.constant 16 : index
      %swap3A_388 = tpu.vector_load %arg21[%swap3A_387] {strides = array<i32>} : memref<80xi32, #tpu.memory_space<vmem>>, vector<16xi32>,
      tpu.vector_store %arg21[%swap3A_387], %get3A_386 {strides = array<i32>} : memref<80xi32, #tpu.memory_space<vmem>>, vector<16xi32>,
      %add3A_389 = arith.constant 32 : i32
      %add3A_390 = arith.addi %mul3A_316, %add3A_389 : i32
      %get3A_391 = arith.index_cast %add3A_390 : i32 to index
      %get3A_392 = tpu.vector_load %arg13[%get3A_391] {strides = array<i32>} : memref<10000xi32, #tpu.memory_space<vmem>>, vector<16xi32>,
      %swap3A_393 = arith.constant 32 : index
      %swap3A_394 = tpu.vector_load %arg21[%swap3A_393] {strides = array<i32>} : memref<80xi32, #tpu.memory_space<vmem>>, vector<16xi32>,
      tpu.vector_store %arg21[%swap3A_393], %get3A_392 {strides = array<i32>} : memref<80xi32, #tpu.memory_space<vmem>>, vector<16xi32>,
      %add3A_395 = arith.constant 48 : i32
      %add3A_396 = arith.addi %mul3A_316, %add3A_395 : i32
      %get3A_397 = arith.index_cast %add3A_396 : i32 to index
      %get3A_398 = tpu.vector_load %arg13[%get3A_397] {strides = array<i32>} : memref<10000xi32, #tpu.memory_space<vmem>>, vector<16xi32>,
      %swap3A_399 = arith.constant 48 : index
      %swap3A_400 = tpu.vector_load %arg21[%swap3A_399] {strides = array<i32>} : memref<80xi32, #tpu.memory_space<vmem>>, vector<16xi32>,
      tpu.vector_store %arg21[%swap3A_399], %get3A_398 {strides = array<i32>} : memref<80xi32, #tpu.memory_space<vmem>>, vector<16xi32>,
      %add3A_401 = arith.constant 64 : i32
      %add3A_402 = arith.addi %mul3A_316, %add3A_401 : i32
      %get3A_403 = arith.index_cast %add3A_402 : i32 to index
      %get3A_404 = tpu.vector_load %arg13[%get3A_403] {strides = array<i32>} : memref<10000xi32, #tpu.memory_space<vmem>>, vector<16xi32>,
      %swap3A_405 = arith.constant 64 : index
      %swap3A_406 = tpu.vector_load %arg21[%swap3A_405] {strides = array<i32>} : memref<80xi32, #tpu.memory_space<vmem>>, vector<16xi32>,
      tpu.vector_store %arg21[%swap3A_405], %get3A_404 {strides = array<i32>} : memref<80xi32, #tpu.memory_space<vmem>>, vector<16xi32>,
      %add3A_407 = arith.constant 0 : i32
      %add3A_408 = arith.addi %mul3A_316, %add3A_407 : i32
      %get3A_409 = arith.index_cast %add3A_408 : i32 to index
      %get3A_410 = tpu.vector_load %arg14[%get3A_409] {strides = array<i32>} : memref<10000xi32, #tpu.memory_space<vmem>>, vector<16xi32>,
      %swap3A_411 = arith.constant 0 : index
      %swap3A_412 = tpu.vector_load %arg22[%swap3A_411] {strides = array<i32>} : memref<80xi32, #tpu.memory_space<vmem>>, vector<16xi32>,
      tpu.vector_store %arg22[%swap3A_411], %get3A_410 {strides = array<i32>} : memref<80xi32, #tpu.memory_space<vmem>>, vector<16xi32>,
      %add3A_413 = arith.constant 16 : i32
      %add3A_414 = arith.addi %mul3A_316, %add3A_413 : i32
      %get3A_415 = arith.index_cast %add3A_414 : i32 to index
      %get3A_416 = tpu.vector_load %arg14[%get3A_415] {strides = array<i32>} : memref<10000xi32, #tpu.memory_space<vmem>>, vector<16xi32>,
      %swap3A_417 = arith.constant 16 : index
      %swap3A_418 = tpu.vector_load %arg22[%swap3A_417] {strides = array<i32>} : memref<80xi32, #tpu.memory_space<vmem>>, vector<16xi32>,
      tpu.vector_store %arg22[%swap3A_417], %get3A_416 {strides = array<i32>} : memref<80xi32, #tpu.memory_space<vmem>>, vector<16xi32>,
      %add3A_419 = arith.constant 32 : i32
      %add3A_420 = arith.addi %mul3A_316, %add3A_419 : i32
      %get3A_421 = arith.index_cast %add3A_420 : i32 to index
      %get3A_422 = tpu.vector_load %arg14[%get3A_421] {strides = array<i32>} : memref<10000xi32, #tpu.memory_space<vmem>>, vector<16xi32>,
      %swap3A_423 = arith.constant 32 : index
      %swap3A_424 = tpu.vector_load %arg22[%swap3A_423] {strides = array<i32>} : memref<80xi32, #tpu.memory_space<vmem>>, vector<16xi32>,
      tpu.vector_store %arg22[%swap3A_423], %get3A_422 {strides = array<i32>} : memref<80xi32, #tpu.memory_space<vmem>>, vector<16xi32>,
      %add3A_425 = arith.constant 48 : i32
      %add3A_426 = arith.addi %mul3A_316, %add3A_425 : i32
      %get3A_427 = arith.index_cast %add3A_426 : i32 to index
      %get3A_428 = tpu.vector_load %arg14[%get3A_427] {strides = array<i32>} : memref<10000xi32, #tpu.memory_space<vmem>>, vector<16xi32>,
      %swap3A_429 = arith.constant 48 : index
      %swap3A_430 = tpu.vector_load %arg22[%swap3A_429] {strides = array<i32>} : memref<80xi32, #tpu.memory_space<vmem>>, vector<16xi32>,
      tpu.vector_store %arg22[%swap3A_429], %get3A_428 {strides = array<i32>} : memref<80xi32, #tpu.memory_space<vmem>>, vector<16xi32>,
      %add3A_431 = arith.constant 64 : i32
      %add3A_432 = arith.addi %mul3A_316, %add3A_431 : i32
      %get3A_433 = arith.index_cast %add3A_432 : i32 to index
      %get3A_434 = tpu.vector_load %arg14[%get3A_433] {strides = array<i32>} : memref<10000xi32, #tpu.memory_space<vmem>>, vector<16xi32>,
      %swap3A_435 = arith.constant 64 : index
      %swap3A_436 = tpu.vector_load %arg22[%swap3A_435] {strides = array<i32>} : memref<80xi32, #tpu.memory_space<vmem>>, vector<16xi32>,
      tpu.vector_store %arg22[%swap3A_435], %get3A_434 {strides = array<i32>} : memref<80xi32, #tpu.memory_space<vmem>>, vector<16xi32>,
      %dma_start3A_437 = arith.constant 0 : i32
      %dma_start3A_438 = arith.constant 0 : i32
      %dma_start3A_439 = tpu.memref_slice %arg2[%dma_start3A_437, %dma_start3A_438] : memref<20000x128xf32, #tpu.memory_space<hbm>> -> memref<20000x128xf32, #tpu.memory_space<hbm>>
      tpu.enqueue_indirect_dma source(%dma_start3A_439 : memref<20000x128xf32, #tpu.memory_space<hbm>>) target(%arg27 : memref<80x128xf32, #tpu.memory_space<vmem>>) offsets(%arg19 : memref<80xi32, #tpu.memory_space<vmem>>) semaphore(%arg32 : memref<!tpu.dma_semaphore, #tpu.memory_space<semaphore_mem>>)
      %dma_start3A_440 = arith.constant 0 : i32
      %dma_start3A_441 = arith.constant 0 : i32
      %dma_start3A_442 = tpu.memref_slice %arg2[%dma_start3A_440, %dma_start3A_441] : memref<20000x128xf32, #tpu.memory_space<hbm>> -> memref<20000x128xf32, #tpu.memory_space<hbm>>
      tpu.enqueue_indirect_dma source(%dma_start3A_442 : memref<20000x128xf32, #tpu.memory_space<hbm>>) target(%arg28 : memref<80x128xf32, #tpu.memory_space<vmem>>) offsets(%arg20 : memref<80xi32, #tpu.memory_space<vmem>>) semaphore(%arg32 : memref<!tpu.dma_semaphore, #tpu.memory_space<semaphore_mem>>)
      %dma_start3A_443 = arith.constant 0 : i32
      %dma_start3A_444 = arith.constant 0 : i32
      %dma_start3A_445 = tpu.memref_slice %arg2[%dma_start3A_443, %dma_start3A_444] : memref<20000x128xf32, #tpu.memory_space<hbm>> -> memref<20000x128xf32, #tpu.memory_space<hbm>>
      tpu.enqueue_indirect_dma source(%dma_start3A_445 : memref<20000x128xf32, #tpu.memory_space<hbm>>) target(%arg29 : memref<80x128xf32, #tpu.memory_space<vmem>>) offsets(%arg21 : memref<80xi32, #tpu.memory_space<vmem>>) semaphore(%arg32 : memref<!tpu.dma_semaphore, #tpu.memory_space<semaphore_mem>>)
      %dma_start3A_446 = arith.constant 0 : i32
      %dma_start3A_447 = arith.constant 0 : i32
      %dma_start3A_448 = tpu.memref_slice %arg2[%dma_start3A_446, %dma_start3A_447] : memref<20000x128xf32, #tpu.memory_space<hbm>> -> memref<20000x128xf32, #tpu.memory_space<hbm>>
      tpu.enqueue_indirect_dma source(%dma_start3A_448 : memref<20000x128xf32, #tpu.memory_space<hbm>>) target(%arg30 : memref<80x128xf32, #tpu.memory_space<vmem>>) offsets(%arg22 : memref<80xi32, #tpu.memory_space<vmem>>) semaphore(%arg32 : memref<!tpu.dma_semaphore, #tpu.memory_space<semaphore_mem>>)
      %mul3A_449 = arith.constant 2 : i32
      %mul3A_450 = arith.muli %mul3A_449, %scan3A_309 : i32
      %mul3A_451 = arith.constant 80 : i32
      %mul3A_452 = arith.muli %mul3A_450, %mul3A_451 : i32
      %dma_wait3A_453 = arith.constant 0 : i32
      %dma_wait3A_454 = arith.constant 0 : i32
      %dma_wait3A_455 = tpu.memref_slice %arg2[%dma_wait3A_453, %dma_wait3A_454] : memref<20000x128xf32, #tpu.memory_space<hbm>> -> memref<80x128xf32, #tpu.memory_space<hbm>>
      %dma_wait3A_456 = arith.constant 0 : i32
      %dma_wait3A_457 = arith.constant 0 : i32
      %dma_wait3A_458 = tpu.memref_slice %arg2[%dma_wait3A_456, %dma_wait3A_457] : memref<20000x128xf32, #tpu.memory_space<hbm>> -> memref<80x128xf32, #tpu.memory_space<hbm>>
      tpu.wait_dma2 semaphore(%arg31 : memref<!tpu.dma_semaphore, #tpu.memory_space<semaphore_mem>>) src(%dma_wait3A_458 : memref<80x128xf32, #tpu.memory_space<hbm>>) dst(%arg23 : memref<80x128xf32, #tpu.memory_space<vmem>>)
      %dma_wait3A_459 = arith.constant 0 : i32
      %dma_wait3A_460 = arith.constant 0 : i32
      %dma_wait3A_461 = tpu.memref_slice %arg2[%dma_wait3A_459, %dma_wait3A_460] : memref<20000x128xf32, #tpu.memory_space<hbm>> -> memref<80x128xf32, #tpu.memory_space<hbm>>
      %dma_wait3A_462 = arith.constant 0 : i32
      %dma_wait3A_463 = arith.constant 0 : i32
      %dma_wait3A_464 = tpu.memref_slice %arg2[%dma_wait3A_462, %dma_wait3A_463] : memref<20000x128xf32, #tpu.memory_space<hbm>> -> memref<80x128xf32, #tpu.memory_space<hbm>>
      tpu.wait_dma2 semaphore(%arg31 : memref<!tpu.dma_semaphore, #tpu.memory_space<semaphore_mem>>) src(%dma_wait3A_464 : memref<80x128xf32, #tpu.memory_space<hbm>>) dst(%arg24 : memref<80x128xf32, #tpu.memory_space<vmem>>)
      %dma_wait3A_465 = arith.constant 0 : i32
      %dma_wait3A_466 = arith.constant 0 : i32
      %dma_wait3A_467 = tpu.memref_slice %arg2[%dma_wait3A_465, %dma_wait3A_466] : memref<20000x128xf32, #tpu.memory_space<hbm>> -> memref<80x128xf32, #tpu.memory_space<hbm>>
      %dma_wait3A_468 = arith.constant 0 : i32
      %dma_wait3A_469 = arith.constant 0 : i32
      %dma_wait3A_470 = tpu.memref_slice %arg2[%dma_wait3A_468, %dma_wait3A_469] : memref<20000x128xf32, #tpu.memory_space<hbm>> -> memref<80x128xf32, #tpu.memory_space<hbm>>
      tpu.wait_dma2 semaphore(%arg31 : memref<!tpu.dma_semaphore, #tpu.memory_space<semaphore_mem>>) src(%dma_wait3A_470 : memref<80x128xf32, #tpu.memory_space<hbm>>) dst(%arg25 : memref<80x128xf32, #tpu.memory_space<vmem>>)
      %dma_wait3A_471 = arith.constant 0 : i32
      %dma_wait3A_472 = arith.constant 0 : i32
      %dma_wait3A_473 = tpu.memref_slice %arg2[%dma_wait3A_471, %dma_wait3A_472] : memref<20000x128xf32, #tpu.memory_space<hbm>> -> memref<80x128xf32, #tpu.memory_space<hbm>>
      %dma_wait3A_474 = arith.constant 0 : i32
      %dma_wait3A_475 = arith.constant 0 : i32
      %dma_wait3A_476 = tpu.memref_slice %arg2[%dma_wait3A_474, %dma_wait3A_475] : memref<20000x128xf32, #tpu.memory_space<hbm>> -> memref<80x128xf32, #tpu.memory_space<hbm>>
      tpu.wait_dma2 semaphore(%arg31 : memref<!tpu.dma_semaphore, #tpu.memory_space<semaphore_mem>>) src(%dma_wait3A_476 : memref<80x128xf32, #tpu.memory_space<hbm>>) dst(%arg26 : memref<80x128xf32, #tpu.memory_space<vmem>>)
      %add3A_477 = arith.addi %mul3A_2, %mul3A_452 : i32
      %dma_start3A_478 = arith.constant 0 : i32
      %dma_start3A_479 = tpu.memref_slice %arg7[%add3A_477, %dma_start3A_478] : memref<320000x128xf32, #tpu.memory_space<hbm>> -> memref<80x128xf32, #tpu.memory_space<hbm>>
      %dma_start3A_480 = arith.constant 0 : i32
      %dma_start3A_481 = tpu.memref_slice %arg7[%add3A_477, %dma_start3A_480] : memref<320000x128xf32, #tpu.memory_space<hbm>> -> memref<80x128xf32, #tpu.memory_space<hbm>>
      tpu.enqueue_dma source(%arg23 : memref<80x128xf32, #tpu.memory_space<vmem>>) target(%dma_start3A_481 : memref<80x128xf32, #tpu.memory_space<hbm>>) target_semaphore(%arg33 : memref<!tpu.dma_semaphore, #tpu.memory_space<semaphore_mem>>)
      %add3A_482 = arith.addi %mul3A_2, %mul3A_452 : i32
      %dma_start3A_483 = arith.constant 0 : i32
      %dma_start3A_484 = tpu.memref_slice %arg8[%add3A_482, %dma_start3A_483] : memref<320000x128xf32, #tpu.memory_space<hbm>> -> memref<80x128xf32, #tpu.memory_space<hbm>>
      %dma_start3A_485 = arith.constant 0 : i32
      %dma_start3A_486 = tpu.memref_slice %arg8[%add3A_482, %dma_start3A_485] : memref<320000x128xf32, #tpu.memory_space<hbm>> -> memref<80x128xf32, #tpu.memory_space<hbm>>
      tpu.enqueue_dma source(%arg24 : memref<80x128xf32, #tpu.memory_space<vmem>>) target(%dma_start3A_486 : memref<80x128xf32, #tpu.memory_space<hbm>>) target_semaphore(%arg33 : memref<!tpu.dma_semaphore, #tpu.memory_space<semaphore_mem>>)
      %add3A_487 = arith.addi %mul3A_2, %mul3A_452 : i32
      %dma_start3A_488 = arith.constant 0 : i32
      %dma_start3A_489 = tpu.memref_slice %arg9[%add3A_487, %dma_start3A_488] : memref<320000x128xf32, #tpu.memory_space<hbm>> -> memref<80x128xf32, #tpu.memory_space<hbm>>
      %dma_start3A_490 = arith.constant 0 : i32
      %dma_start3A_491 = tpu.memref_slice %arg9[%add3A_487, %dma_start3A_490] : memref<320000x128xf32, #tpu.memory_space<hbm>> -> memref<80x128xf32, #tpu.memory_space<hbm>>
      tpu.enqueue_dma source(%arg25 : memref<80x128xf32, #tpu.memory_space<vmem>>) target(%dma_start3A_491 : memref<80x128xf32, #tpu.memory_space<hbm>>) target_semaphore(%arg33 : memref<!tpu.dma_semaphore, #tpu.memory_space<semaphore_mem>>)
      %add3A_492 = arith.addi %mul3A_2, %mul3A_452 : i32
      %dma_start3A_493 = arith.constant 0 : i32
      %dma_start3A_494 = tpu.memref_slice %arg10[%add3A_492, %dma_start3A_493] : memref<320000x128xf32, #tpu.memory_space<hbm>> -> memref<80x128xf32, #tpu.memory_space<hbm>>
      %dma_start3A_495 = arith.constant 0 : i32
      %dma_start3A_496 = tpu.memref_slice %arg10[%add3A_492, %dma_start3A_495] : memref<320000x128xf32, #tpu.memory_space<hbm>> -> memref<80x128xf32, #tpu.memory_space<hbm>>
      tpu.enqueue_dma source(%arg26 : memref<80x128xf32, #tpu.memory_space<vmem>>) target(%dma_start3A_496 : memref<80x128xf32, #tpu.memory_space<hbm>>) target_semaphore(%arg33 : memref<!tpu.dma_semaphore, #tpu.memory_space<semaphore_mem>>)
      %lt3A = arith.constant 61 : i32
      %lt3A_497 = arith.cmpi slt, %scan3A_309, %lt3A : i32
      %convert_element_type3A = arith.extui %lt3A_497 : i1 to i32
      %cond3A = arith.constant 0 : i32
      %cond3A_498 = arith.cmpi ne, %convert_element_type3A, %cond3A : i32
      scf.if %cond3A_498 {
        %dma_wait3A_555 = arith.constant 0 : i32
        %dma_wait3A_556 = arith.constant 0 : i32
        %dma_wait3A_557 = tpu.memref_slice %arg2[%dma_wait3A_555, %dma_wait3A_556] : memref<20000x128xf32, #tpu.memory_space<hbm>> -> memref<80x128xf32, #tpu.memory_space<hbm>>
        %dma_wait3A_558 = arith.constant 0 : i32
        %dma_wait3A_559 = arith.constant 0 : i32
        %dma_wait3A_560 = tpu.memref_slice %arg2[%dma_wait3A_558, %dma_wait3A_559] : memref<20000x128xf32, #tpu.memory_space<hbm>> -> memref<80x128xf32, #tpu.memory_space<hbm>>
        tpu.wait_dma2 semaphore(%arg33 : memref<!tpu.dma_semaphore, #tpu.memory_space<semaphore_mem>>) src(%dma_wait3A_560 : memref<80x128xf32, #tpu.memory_space<hbm>>) dst(%arg23 : memref<80x128xf32, #tpu.memory_space<vmem>>)
        %dma_wait3A_561 = arith.constant 0 : i32
        %dma_wait3A_562 = arith.constant 0 : i32
        %dma_wait3A_563 = tpu.memref_slice %arg2[%dma_wait3A_561, %dma_wait3A_562] : memref<20000x128xf32, #tpu.memory_space<hbm>> -> memref<80x128xf32, #tpu.memory_space<hbm>>
        %dma_wait3A_564 = arith.constant 0 : i32
        %dma_wait3A_565 = arith.constant 0 : i32
        %dma_wait3A_566 = tpu.memref_slice %arg2[%dma_wait3A_564, %dma_wait3A_565] : memref<20000x128xf32, #tpu.memory_space<hbm>> -> memref<80x128xf32, #tpu.memory_space<hbm>>
        tpu.wait_dma2 semaphore(%arg33 : memref<!tpu.dma_semaphore, #tpu.memory_space<semaphore_mem>>) src(%dma_wait3A_566 : memref<80x128xf32, #tpu.memory_space<hbm>>) dst(%arg24 : memref<80x128xf32, #tpu.memory_space<vmem>>)
        %dma_wait3A_567 = arith.constant 0 : i32
        %dma_wait3A_568 = arith.constant 0 : i32
        %dma_wait3A_569 = tpu.memref_slice %arg2[%dma_wait3A_567, %dma_wait3A_568] : memref<20000x128xf32, #tpu.memory_space<hbm>> -> memref<80x128xf32, #tpu.memory_space<hbm>>
        %dma_wait3A_570 = arith.constant 0 : i32
        %dma_wait3A_571 = arith.constant 0 : i32
        %dma_wait3A_572 = tpu.memref_slice %arg2[%dma_wait3A_570, %dma_wait3A_571] : memref<20000x128xf32, #tpu.memory_space<hbm>> -> memref<80x128xf32, #tpu.memory_space<hbm>>
        tpu.wait_dma2 semaphore(%arg33 : memref<!tpu.dma_semaphore, #tpu.memory_space<semaphore_mem>>) src(%dma_wait3A_572 : memref<80x128xf32, #tpu.memory_space<hbm>>) dst(%arg25 : memref<80x128xf32, #tpu.memory_space<vmem>>)
        %dma_wait3A_573 = arith.constant 0 : i32
        %dma_wait3A_574 = arith.constant 0 : i32
        %dma_wait3A_575 = tpu.memref_slice %arg2[%dma_wait3A_573, %dma_wait3A_574] : memref<20000x128xf32, #tpu.memory_space<hbm>> -> memref<80x128xf32, #tpu.memory_space<hbm>>
        %dma_wait3A_576 = arith.constant 0 : i32
        %dma_wait3A_577 = arith.constant 0 : i32
        %dma_wait3A_578 = tpu.memref_slice %arg2[%dma_wait3A_576, %dma_wait3A_577] : memref<20000x128xf32, #tpu.memory_space<hbm>> -> memref<80x128xf32, #tpu.memory_space<hbm>>
        tpu.wait_dma2 semaphore(%arg33 : memref<!tpu.dma_semaphore, #tpu.memory_space<semaphore_mem>>) src(%dma_wait3A_578 : memref<80x128xf32, #tpu.memory_space<hbm>>) dst(%arg26 : memref<80x128xf32, #tpu.memory_space<vmem>>)
        %mul3A_579 = arith.constant 2 : i32
        %mul3A_580 = arith.muli %mul3A_579, %scan3A_309 : i32
        %add3A_581 = arith.constant 2 : i32
        %add3A_582 = arith.addi %mul3A_580, %add3A_581 : i32
        %mul3A_583 = arith.constant 80 : i32
        %mul3A_584 = arith.muli %add3A_582, %mul3A_583 : i32
        %add3A_585 = arith.constant 0 : i32
        %add3A_586 = arith.addi %mul3A_584, %add3A_585 : i32
        %get3A_587 = arith.index_cast %add3A_586 : i32 to index
        %get3A_588 = tpu.vector_load %arg11[%get3A_587] {strides = array<i32>} : memref<10000xi32, #tpu.memory_space<vmem>>, vector<16xi32>,
        %swap3A_589 = arith.constant 0 : index
        %swap3A_590 = tpu.vector_load %arg15[%swap3A_589] {strides = array<i32>} : memref<80xi32, #tpu.memory_space<vmem>>, vector<16xi32>,
        tpu.vector_store %arg15[%swap3A_589], %get3A_588 {strides = array<i32>} : memref<80xi32, #tpu.memory_space<vmem>>, vector<16xi32>,
        %add3A_591 = arith.constant 16 : i32
        %add3A_592 = arith.addi %mul3A_584, %add3A_591 : i32
        %get3A_593 = arith.index_cast %add3A_592 : i32 to index
        %get3A_594 = tpu.vector_load %arg11[%get3A_593] {strides = array<i32>} : memref<10000xi32, #tpu.memory_space<vmem>>, vector<16xi32>,
        %swap3A_595 = arith.constant 16 : index
        %swap3A_596 = tpu.vector_load %arg15[%swap3A_595] {strides = array<i32>} : memref<80xi32, #tpu.memory_space<vmem>>, vector<16xi32>,
        tpu.vector_store %arg15[%swap3A_595], %get3A_594 {strides = array<i32>} : memref<80xi32, #tpu.memory_space<vmem>>, vector<16xi32>,
        %add3A_597 = arith.constant 32 : i32
        %add3A_598 = arith.addi %mul3A_584, %add3A_597 : i32
        %get3A_599 = arith.index_cast %add3A_598 : i32 to index
        %get3A_600 = tpu.vector_load %arg11[%get3A_599] {strides = array<i32>} : memref<10000xi32, #tpu.memory_space<vmem>>, vector<16xi32>,
        %swap3A_601 = arith.constant 32 : index
        %swap3A_602 = tpu.vector_load %arg15[%swap3A_601] {strides = array<i32>} : memref<80xi32, #tpu.memory_space<vmem>>, vector<16xi32>,
        tpu.vector_store %arg15[%swap3A_601], %get3A_600 {strides = array<i32>} : memref<80xi32, #tpu.memory_space<vmem>>, vector<16xi32>,
        %add3A_603 = arith.constant 48 : i32
        %add3A_604 = arith.addi %mul3A_584, %add3A_603 : i32
        %get3A_605 = arith.index_cast %add3A_604 : i32 to index
        %get3A_606 = tpu.vector_load %arg11[%get3A_605] {strides = array<i32>} : memref<10000xi32, #tpu.memory_space<vmem>>, vector<16xi32>,
        %swap3A_607 = arith.constant 48 : index
        %swap3A_608 = tpu.vector_load %arg15[%swap3A_607] {strides = array<i32>} : memref<80xi32, #tpu.memory_space<vmem>>, vector<16xi32>,
        tpu.vector_store %arg15[%swap3A_607], %get3A_606 {strides = array<i32>} : memref<80xi32, #tpu.memory_space<vmem>>, vector<16xi32>,
        %add3A_609 = arith.constant 64 : i32
        %add3A_610 = arith.addi %mul3A_584, %add3A_609 : i32
        %get3A_611 = arith.index_cast %add3A_610 : i32 to index
        %get3A_612 = tpu.vector_load %arg11[%get3A_611] {strides = array<i32>} : memref<10000xi32, #tpu.memory_space<vmem>>, vector<16xi32>,
        %swap3A_613 = arith.constant 64 : index
        %swap3A_614 = tpu.vector_load %arg15[%swap3A_613] {strides = array<i32>} : memref<80xi32, #tpu.memory_space<vmem>>, vector<16xi32>,
        tpu.vector_store %arg15[%swap3A_613], %get3A_612 {strides = array<i32>} : memref<80xi32, #tpu.memory_space<vmem>>, vector<16xi32>,
        %add3A_615 = arith.constant 0 : i32
        %add3A_616 = arith.addi %mul3A_584, %add3A_615 : i32
        %get3A_617 = arith.index_cast %add3A_616 : i32 to index
        %get3A_618 = tpu.vector_load %arg12[%get3A_617] {strides = array<i32>} : memref<10000xi32, #tpu.memory_space<vmem>>, vector<16xi32>,
        %swap3A_619 = arith.constant 0 : index
        %swap3A_620 = tpu.vector_load %arg16[%swap3A_619] {strides = array<i32>} : memref<80xi32, #tpu.memory_space<vmem>>, vector<16xi32>,
        tpu.vector_store %arg16[%swap3A_619], %get3A_618 {strides = array<i32>} : memref<80xi32, #tpu.memory_space<vmem>>, vector<16xi32>,
        %add3A_621 = arith.constant 16 : i32
        %add3A_622 = arith.addi %mul3A_584, %add3A_621 : i32
        %get3A_623 = arith.index_cast %add3A_622 : i32 to index
        %get3A_624 = tpu.vector_load %arg12[%get3A_623] {strides = array<i32>} : memref<10000xi32, #tpu.memory_space<vmem>>, vector<16xi32>,
        %swap3A_625 = arith.constant 16 : index
        %swap3A_626 = tpu.vector_load %arg16[%swap3A_625] {strides = array<i32>} : memref<80xi32, #tpu.memory_space<vmem>>, vector<16xi32>,
        tpu.vector_store %arg16[%swap3A_625], %get3A_624 {strides = array<i32>} : memref<80xi32, #tpu.memory_space<vmem>>, vector<16xi32>,
        %add3A_627 = arith.constant 32 : i32
        %add3A_628 = arith.addi %mul3A_584, %add3A_627 : i32
        %get3A_629 = arith.index_cast %add3A_628 : i32 to index
        %get3A_630 = tpu.vector_load %arg12[%get3A_629] {strides = array<i32>} : memref<10000xi32, #tpu.memory_space<vmem>>, vector<16xi32>,
        %swap3A_631 = arith.constant 32 : index
        %swap3A_632 = tpu.vector_load %arg16[%swap3A_631] {strides = array<i32>} : memref<80xi32, #tpu.memory_space<vmem>>, vector<16xi32>,
        tpu.vector_store %arg16[%swap3A_631], %get3A_630 {strides = array<i32>} : memref<80xi32, #tpu.memory_space<vmem>>, vector<16xi32>,
        %add3A_633 = arith.constant 48 : i32
        %add3A_634 = arith.addi %mul3A_584, %add3A_633 : i32
        %get3A_635 = arith.index_cast %add3A_634 : i32 to index
        %get3A_636 = tpu.vector_load %arg12[%get3A_635] {strides = array<i32>} : memref<10000xi32, #tpu.memory_space<vmem>>, vector<16xi32>,
        %swap3A_637 = arith.constant 48 : index
        %swap3A_638 = tpu.vector_load %arg16[%swap3A_637] {strides = array<i32>} : memref<80xi32, #tpu.memory_space<vmem>>, vector<16xi32>,
        tpu.vector_store %arg16[%swap3A_637], %get3A_636 {strides = array<i32>} : memref<80xi32, #tpu.memory_space<vmem>>, vector<16xi32>,
        %add3A_639 = arith.constant 64 : i32
        %add3A_640 = arith.addi %mul3A_584, %add3A_639 : i32
        %get3A_641 = arith.index_cast %add3A_640 : i32 to index
        %get3A_642 = tpu.vector_load %arg12[%get3A_641] {strides = array<i32>} : memref<10000xi32, #tpu.memory_space<vmem>>, vector<16xi32>,
        %swap3A_643 = arith.constant 64 : index
        %swap3A_644 = tpu.vector_load %arg16[%swap3A_643] {strides = array<i32>} : memref<80xi32, #tpu.memory_space<vmem>>, vector<16xi32>,
        tpu.vector_store %arg16[%swap3A_643], %get3A_642 {strides = array<i32>} : memref<80xi32, #tpu.memory_space<vmem>>, vector<16xi32>,
        %add3A_645 = arith.constant 0 : i32
        %add3A_646 = arith.addi %mul3A_584, %add3A_645 : i32
        %get3A_647 = arith.index_cast %add3A_646 : i32 to index
        %get3A_648 = tpu.vector_load %arg13[%get3A_647] {strides = array<i32>} : memref<10000xi32, #tpu.memory_space<vmem>>, vector<16xi32>,
        %swap3A_649 = arith.constant 0 : index
        %swap3A_650 = tpu.vector_load %arg17[%swap3A_649] {strides = array<i32>} : memref<80xi32, #tpu.memory_space<vmem>>, vector<16xi32>,
        tpu.vector_store %arg17[%swap3A_649], %get3A_648 {strides = array<i32>} : memref<80xi32, #tpu.memory_space<vmem>>, vector<16xi32>,
        %add3A_651 = arith.constant 16 : i32
        %add3A_652 = arith.addi %mul3A_584, %add3A_651 : i32
        %get3A_653 = arith.index_cast %add3A_652 : i32 to index
        %get3A_654 = tpu.vector_load %arg13[%get3A_653] {strides = array<i32>} : memref<10000xi32, #tpu.memory_space<vmem>>, vector<16xi32>,
        %swap3A_655 = arith.constant 16 : index
        %swap3A_656 = tpu.vector_load %arg17[%swap3A_655] {strides = array<i32>} : memref<80xi32, #tpu.memory_space<vmem>>, vector<16xi32>,
        tpu.vector_store %arg17[%swap3A_655], %get3A_654 {strides = array<i32>} : memref<80xi32, #tpu.memory_space<vmem>>, vector<16xi32>,
        %add3A_657 = arith.constant 32 : i32
        %add3A_658 = arith.addi %mul3A_584, %add3A_657 : i32
        %get3A_659 = arith.index_cast %add3A_658 : i32 to index
        %get3A_660 = tpu.vector_load %arg13[%get3A_659] {strides = array<i32>} : memref<10000xi32, #tpu.memory_space<vmem>>, vector<16xi32>,
        %swap3A_661 = arith.constant 32 : index
        %swap3A_662 = tpu.vector_load %arg17[%swap3A_661] {strides = array<i32>} : memref<80xi32, #tpu.memory_space<vmem>>, vector<16xi32>,
        tpu.vector_store %arg17[%swap3A_661], %get3A_660 {strides = array<i32>} : memref<80xi32, #tpu.memory_space<vmem>>, vector<16xi32>,
        %add3A_663 = arith.constant 48 : i32
        %add3A_664 = arith.addi %mul3A_584, %add3A_663 : i32
        %get3A_665 = arith.index_cast %add3A_664 : i32 to index
        %get3A_666 = tpu.vector_load %arg13[%get3A_665] {strides = array<i32>} : memref<10000xi32, #tpu.memory_space<vmem>>, vector<16xi32>,
        %swap3A_667 = arith.constant 48 : index
        %swap3A_668 = tpu.vector_load %arg17[%swap3A_667] {strides = array<i32>} : memref<80xi32, #tpu.memory_space<vmem>>, vector<16xi32>,
        tpu.vector_store %arg17[%swap3A_667], %get3A_666 {strides = array<i32>} : memref<80xi32, #tpu.memory_space<vmem>>, vector<16xi32>,
        %add3A_669 = arith.constant 64 : i32
        %add3A_670 = arith.addi %mul3A_584, %add3A_669 : i32
        %get3A_671 = arith.index_cast %add3A_670 : i32 to index
        %get3A_672 = tpu.vector_load %arg13[%get3A_671] {strides = array<i32>} : memref<10000xi32, #tpu.memory_space<vmem>>, vector<16xi32>,
        %swap3A_673 = arith.constant 64 : index
        %swap3A_674 = tpu.vector_load %arg17[%swap3A_673] {strides = array<i32>} : memref<80xi32, #tpu.memory_space<vmem>>, vector<16xi32>,
        tpu.vector_store %arg17[%swap3A_673], %get3A_672 {strides = array<i32>} : memref<80xi32, #tpu.memory_space<vmem>>, vector<16xi32>,
        %add3A_675 = arith.constant 0 : i32
        %add3A_676 = arith.addi %mul3A_584, %add3A_675 : i32
        %get3A_677 = arith.index_cast %add3A_676 : i32 to index
        %get3A_678 = tpu.vector_load %arg14[%get3A_677] {strides = array<i32>} : memref<10000xi32, #tpu.memory_space<vmem>>, vector<16xi32>,
        %swap3A_679 = arith.constant 0 : index
        %swap3A_680 = tpu.vector_load %arg18[%swap3A_679] {strides = array<i32>} : memref<80xi32, #tpu.memory_space<vmem>>, vector<16xi32>,
        tpu.vector_store %arg18[%swap3A_679], %get3A_678 {strides = array<i32>} : memref<80xi32, #tpu.memory_space<vmem>>, vector<16xi32>,
        %add3A_681 = arith.constant 16 : i32
        %add3A_682 = arith.addi %mul3A_584, %add3A_681 : i32
        %get3A_683 = arith.index_cast %add3A_682 : i32 to index
        %get3A_684 = tpu.vector_load %arg14[%get3A_683] {strides = array<i32>} : memref<10000xi32, #tpu.memory_space<vmem>>, vector<16xi32>,
        %swap3A_685 = arith.constant 16 : index
        %swap3A_686 = tpu.vector_load %arg18[%swap3A_685] {strides = array<i32>} : memref<80xi32, #tpu.memory_space<vmem>>, vector<16xi32>,
        tpu.vector_store %arg18[%swap3A_685], %get3A_684 {strides = array<i32>} : memref<80xi32, #tpu.memory_space<vmem>>, vector<16xi32>,
        %add3A_687 = arith.constant 32 : i32
        %add3A_688 = arith.addi %mul3A_584, %add3A_687 : i32
        %get3A_689 = arith.index_cast %add3A_688 : i32 to index
        %get3A_690 = tpu.vector_load %arg14[%get3A_689] {strides = array<i32>} : memref<10000xi32, #tpu.memory_space<vmem>>, vector<16xi32>,
        %swap3A_691 = arith.constant 32 : index
        %swap3A_692 = tpu.vector_load %arg18[%swap3A_691] {strides = array<i32>} : memref<80xi32, #tpu.memory_space<vmem>>, vector<16xi32>,
        tpu.vector_store %arg18[%swap3A_691], %get3A_690 {strides = array<i32>} : memref<80xi32, #tpu.memory_space<vmem>>, vector<16xi32>,
        %add3A_693 = arith.constant 48 : i32
        %add3A_694 = arith.addi %mul3A_584, %add3A_693 : i32
        %get3A_695 = arith.index_cast %add3A_694 : i32 to index
        %get3A_696 = tpu.vector_load %arg14[%get3A_695] {strides = array<i32>} : memref<10000xi32, #tpu.memory_space<vmem>>, vector<16xi32>,
        %swap3A_697 = arith.constant 48 : index
        %swap3A_698 = tpu.vector_load %arg18[%swap3A_697] {strides = array<i32>} : memref<80xi32, #tpu.memory_space<vmem>>, vector<16xi32>,
        tpu.vector_store %arg18[%swap3A_697], %get3A_696 {strides = array<i32>} : memref<80xi32, #tpu.memory_space<vmem>>, vector<16xi32>,
        %add3A_699 = arith.constant 64 : i32
        %add3A_700 = arith.addi %mul3A_584, %add3A_699 : i32
        %get3A_701 = arith.index_cast %add3A_700 : i32 to index
        %get3A_702 = tpu.vector_load %arg14[%get3A_701] {strides = array<i32>} : memref<10000xi32, #tpu.memory_space<vmem>>, vector<16xi32>,
        %swap3A_703 = arith.constant 64 : index
        %swap3A_704 = tpu.vector_load %arg18[%swap3A_703] {strides = array<i32>} : memref<80xi32, #tpu.memory_space<vmem>>, vector<16xi32>,
        tpu.vector_store %arg18[%swap3A_703], %get3A_702 {strides = array<i32>} : memref<80xi32, #tpu.memory_space<vmem>>, vector<16xi32>,
        %dma_start3A_705 = arith.constant 0 : i32
        %dma_start3A_706 = arith.constant 0 : i32
        %dma_start3A_707 = tpu.memref_slice %arg2[%dma_start3A_705, %dma_start3A_706] : memref<20000x128xf32, #tpu.memory_space<hbm>> -> memref<20000x128xf32, #tpu.memory_space<hbm>>
        tpu.enqueue_indirect_dma source(%dma_start3A_707 : memref<20000x128xf32, #tpu.memory_space<hbm>>) target(%arg23 : memref<80x128xf32, #tpu.memory_space<vmem>>) offsets(%arg15 : memref<80xi32, #tpu.memory_space<vmem>>) semaphore(%arg31 : memref<!tpu.dma_semaphore, #tpu.memory_space<semaphore_mem>>)
        %dma_start3A_708 = arith.constant 0 : i32
        %dma_start3A_709 = arith.constant 0 : i32
        %dma_start3A_710 = tpu.memref_slice %arg2[%dma_start3A_708, %dma_start3A_709] : memref<20000x128xf32, #tpu.memory_space<hbm>> -> memref<20000x128xf32, #tpu.memory_space<hbm>>
        tpu.enqueue_indirect_dma source(%dma_start3A_710 : memref<20000x128xf32, #tpu.memory_space<hbm>>) target(%arg24 : memref<80x128xf32, #tpu.memory_space<vmem>>) offsets(%arg16 : memref<80xi32, #tpu.memory_space<vmem>>) semaphore(%arg31 : memref<!tpu.dma_semaphore, #tpu.memory_space<semaphore_mem>>)
        %dma_start3A_711 = arith.constant 0 : i32
        %dma_start3A_712 = arith.constant 0 : i32
        %dma_start3A_713 = tpu.memref_slice %arg2[%dma_start3A_711, %dma_start3A_712] : memref<20000x128xf32, #tpu.memory_space<hbm>> -> memref<20000x128xf32, #tpu.memory_space<hbm>>
        tpu.enqueue_indirect_dma source(%dma_start3A_713 : memref<20000x128xf32, #tpu.memory_space<hbm>>) target(%arg25 : memref<80x128xf32, #tpu.memory_space<vmem>>) offsets(%arg17 : memref<80xi32, #tpu.memory_space<vmem>>) semaphore(%arg31 : memref<!tpu.dma_semaphore, #tpu.memory_space<semaphore_mem>>)
        %dma_start3A_714 = arith.constant 0 : i32
        %dma_start3A_715 = arith.constant 0 : i32
        %dma_start3A_716 = tpu.memref_slice %arg2[%dma_start3A_714, %dma_start3A_715] : memref<20000x128xf32, #tpu.memory_space<hbm>> -> memref<20000x128xf32, #tpu.memory_space<hbm>>
        tpu.enqueue_indirect_dma source(%dma_start3A_716 : memref<20000x128xf32, #tpu.memory_space<hbm>>) target(%arg26 : memref<80x128xf32, #tpu.memory_space<vmem>>) offsets(%arg18 : memref<80xi32, #tpu.memory_space<vmem>>) semaphore(%arg31 : memref<!tpu.dma_semaphore, #tpu.memory_space<semaphore_mem>>)
      } else {
      }
      %mul3A_499 = arith.constant 2 : i32
      %mul3A_500 = arith.muli %mul3A_499, %scan3A_309 : i32
      %add3A_501 = arith.constant 1 : i32
      %add3A_502 = arith.addi %mul3A_500, %add3A_501 : i32
      %mul3A_503 = arith.constant 80 : i32
      %mul3A_504 = arith.muli %add3A_502, %mul3A_503 : i32
      %dma_wait3A_505 = arith.constant 0 : i32
      %dma_wait3A_506 = arith.constant 0 : i32
      %dma_wait3A_507 = tpu.memref_slice %arg2[%dma_wait3A_505, %dma_wait3A_506] : memref<20000x128xf32, #tpu.memory_space<hbm>> -> memref<80x128xf32, #tpu.memory_space<hbm>>
      %dma_wait3A_508 = arith.constant 0 : i32
      %dma_wait3A_509 = arith.constant 0 : i32
      %dma_wait3A_510 = tpu.memref_slice %arg2[%dma_wait3A_508, %dma_wait3A_509] : memref<20000x128xf32, #tpu.memory_space<hbm>> -> memref<80x128xf32, #tpu.memory_space<hbm>>
      tpu.wait_dma2 semaphore(%arg32 : memref<!tpu.dma_semaphore, #tpu.memory_space<semaphore_mem>>) src(%dma_wait3A_510 : memref<80x128xf32, #tpu.memory_space<hbm>>) dst(%arg27 : memref<80x128xf32, #tpu.memory_space<vmem>>)
      %dma_wait3A_511 = arith.constant 0 : i32
      %dma_wait3A_512 = arith.constant 0 : i32
      %dma_wait3A_513 = tpu.memref_slice %arg2[%dma_wait3A_511, %dma_wait3A_512] : memref<20000x128xf32, #tpu.memory_space<hbm>> -> memref<80x128xf32, #tpu.memory_space<hbm>>
      %dma_wait3A_514 = arith.constant 0 : i32
      %dma_wait3A_515 = arith.constant 0 : i32
      %dma_wait3A_516 = tpu.memref_slice %arg2[%dma_wait3A_514, %dma_wait3A_515] : memref<20000x128xf32, #tpu.memory_space<hbm>> -> memref<80x128xf32, #tpu.memory_space<hbm>>
      tpu.wait_dma2 semaphore(%arg32 : memref<!tpu.dma_semaphore, #tpu.memory_space<semaphore_mem>>) src(%dma_wait3A_516 : memref<80x128xf32, #tpu.memory_space<hbm>>) dst(%arg28 : memref<80x128xf32, #tpu.memory_space<vmem>>)
      %dma_wait3A_517 = arith.constant 0 : i32
      %dma_wait3A_518 = arith.constant 0 : i32
      %dma_wait3A_519 = tpu.memref_slice %arg2[%dma_wait3A_517, %dma_wait3A_518] : memref<20000x128xf32, #tpu.memory_space<hbm>> -> memref<80x128xf32, #tpu.memory_space<hbm>>
      %dma_wait3A_520 = arith.constant 0 : i32
      %dma_wait3A_521 = arith.constant 0 : i32
      %dma_wait3A_522 = tpu.memref_slice %arg2[%dma_wait3A_520, %dma_wait3A_521] : memref<20000x128xf32, #tpu.memory_space<hbm>> -> memref<80x128xf32, #tpu.memory_space<hbm>>
      tpu.wait_dma2 semaphore(%arg32 : memref<!tpu.dma_semaphore, #tpu.memory_space<semaphore_mem>>) src(%dma_wait3A_522 : memref<80x128xf32, #tpu.memory_space<hbm>>) dst(%arg29 : memref<80x128xf32, #tpu.memory_space<vmem>>)
      %dma_wait3A_523 = arith.constant 0 : i32
      %dma_wait3A_524 = arith.constant 0 : i32
      %dma_wait3A_525 = tpu.memref_slice %arg2[%dma_wait3A_523, %dma_wait3A_524] : memref<20000x128xf32, #tpu.memory_space<hbm>> -> memref<80x128xf32, #tpu.memory_space<hbm>>
      %dma_wait3A_526 = arith.constant 0 : i32
      %dma_wait3A_527 = arith.constant 0 : i32
      %dma_wait3A_528 = tpu.memref_slice %arg2[%dma_wait3A_526, %dma_wait3A_527] : memref<20000x128xf32, #tpu.memory_space<hbm>> -> memref<80x128xf32, #tpu.memory_space<hbm>>
      tpu.wait_dma2 semaphore(%arg32 : memref<!tpu.dma_semaphore, #tpu.memory_space<semaphore_mem>>) src(%dma_wait3A_528 : memref<80x128xf32, #tpu.memory_space<hbm>>) dst(%arg30 : memref<80x128xf32, #tpu.memory_space<vmem>>)
      %add3A_529 = arith.addi %mul3A_2, %mul3A_504 : i32
      %dma_start3A_530 = arith.constant 0 : i32
      %dma_start3A_531 = tpu.memref_slice %arg7[%add3A_529, %dma_start3A_530] : memref<320000x128xf32, #tpu.memory_space<hbm>> -> memref<80x128xf32, #tpu.memory_space<hbm>>
      %dma_start3A_532 = arith.constant 0 : i32
      %dma_start3A_533 = tpu.memref_slice %arg7[%add3A_529, %dma_start3A_532] : memref<320000x128xf32, #tpu.memory_space<hbm>> -> memref<80x128xf32, #tpu.memory_space<hbm>>
      tpu.enqueue_dma source(%arg27 : memref<80x128xf32, #tpu.memory_space<vmem>>) target(%dma_start3A_533 : memref<80x128xf32, #tpu.memory_space<hbm>>) target_semaphore(%arg34 : memref<!tpu.dma_semaphore, #tpu.memory_space<semaphore_mem>>)
      %add3A_534 = arith.addi %mul3A_2, %mul3A_504 : i32
      %dma_start3A_535 = arith.constant 0 : i32
      %dma_start3A_536 = tpu.memref_slice %arg8[%add3A_534, %dma_start3A_535] : memref<320000x128xf32, #tpu.memory_space<hbm>> -> memref<80x128xf32, #tpu.memory_space<hbm>>
      %dma_start3A_537 = arith.constant 0 : i32
      %dma_start3A_538 = tpu.memref_slice %arg8[%add3A_534, %dma_start3A_537] : memref<320000x128xf32, #tpu.memory_space<hbm>> -> memref<80x128xf32, #tpu.memory_space<hbm>>
      tpu.enqueue_dma source(%arg28 : memref<80x128xf32, #tpu.memory_space<vmem>>) target(%dma_start3A_538 : memref<80x128xf32, #tpu.memory_space<hbm>>) target_semaphore(%arg34 : memref<!tpu.dma_semaphore, #tpu.memory_space<semaphore_mem>>)
      %add3A_539 = arith.addi %mul3A_2, %mul3A_504 : i32
      %dma_start3A_540 = arith.constant 0 : i32
      %dma_start3A_541 = tpu.memref_slice %arg9[%add3A_539, %dma_start3A_540] : memref<320000x128xf32, #tpu.memory_space<hbm>> -> memref<80x128xf32, #tpu.memory_space<hbm>>
      %dma_start3A_542 = arith.constant 0 : i32
      %dma_start3A_543 = tpu.memref_slice %arg9[%add3A_539, %dma_start3A_542] : memref<320000x128xf32, #tpu.memory_space<hbm>> -> memref<80x128xf32, #tpu.memory_space<hbm>>
      tpu.enqueue_dma source(%arg29 : memref<80x128xf32, #tpu.memory_space<vmem>>) target(%dma_start3A_543 : memref<80x128xf32, #tpu.memory_space<hbm>>) target_semaphore(%arg34 : memref<!tpu.dma_semaphore, #tpu.memory_space<semaphore_mem>>)
      %add3A_544 = arith.addi %mul3A_2, %mul3A_504 : i32
      %dma_start3A_545 = arith.constant 0 : i32
      %dma_start3A_546 = tpu.memref_slice %arg10[%add3A_544, %dma_start3A_545] : memref<320000x128xf32, #tpu.memory_space<hbm>> -> memref<80x128xf32, #tpu.memory_space<hbm>>
      %dma_start3A_547 = arith.constant 0 : i32
      %dma_start3A_548 = tpu.memref_slice %arg10[%add3A_544, %dma_start3A_547] : memref<320000x128xf32, #tpu.memory_space<hbm>> -> memref<80x128xf32, #tpu.memory_space<hbm>>
      tpu.enqueue_dma source(%arg30 : memref<80x128xf32, #tpu.memory_space<vmem>>) target(%dma_start3A_548 : memref<80x128xf32, #tpu.memory_space<hbm>>) target_semaphore(%arg34 : memref<!tpu.dma_semaphore, #tpu.memory_space<semaphore_mem>>)
      %lt3A_549 = arith.constant 61 : i32
      %lt3A_550 = arith.cmpi slt, %scan3A_309, %lt3A_549 : i32
      %convert_element_type3A_551 = arith.extui %lt3A_550 : i1 to i32
      %cond3A_552 = arith.constant 0 : i32
      %cond3A_553 = arith.cmpi ne, %convert_element_type3A_551, %cond3A_552 : i32
      scf.if %cond3A_553 {
        %dma_wait3A_555 = arith.constant 0 : i32
        %dma_wait3A_556 = arith.constant 0 : i32
        %dma_wait3A_557 = tpu.memref_slice %arg2[%dma_wait3A_555, %dma_wait3A_556] : memref<20000x128xf32, #tpu.memory_space<hbm>> -> memref<80x128xf32, #tpu.memory_space<hbm>>
        %dma_wait3A_558 = arith.constant 0 : i32
        %dma_wait3A_559 = arith.constant 0 : i32
        %dma_wait3A_560 = tpu.memref_slice %arg2[%dma_wait3A_558, %dma_wait3A_559] : memref<20000x128xf32, #tpu.memory_space<hbm>> -> memref<80x128xf32, #tpu.memory_space<hbm>>
        tpu.wait_dma2 semaphore(%arg34 : memref<!tpu.dma_semaphore, #tpu.memory_space<semaphore_mem>>) src(%dma_wait3A_560 : memref<80x128xf32, #tpu.memory_space<hbm>>) dst(%arg27 : memref<80x128xf32, #tpu.memory_space<vmem>>)
        %dma_wait3A_561 = arith.constant 0 : i32
        %dma_wait3A_562 = arith.constant 0 : i32
        %dma_wait3A_563 = tpu.memref_slice %arg2[%dma_wait3A_561, %dma_wait3A_562] : memref<20000x128xf32, #tpu.memory_space<hbm>> -> memref<80x128xf32, #tpu.memory_space<hbm>>
        %dma_wait3A_564 = arith.constant 0 : i32
        %dma_wait3A_565 = arith.constant 0 : i32
        %dma_wait3A_566 = tpu.memref_slice %arg2[%dma_wait3A_564, %dma_wait3A_565] : memref<20000x128xf32, #tpu.memory_space<hbm>> -> memref<80x128xf32, #tpu.memory_space<hbm>>
        tpu.wait_dma2 semaphore(%arg34 : memref<!tpu.dma_semaphore, #tpu.memory_space<semaphore_mem>>) src(%dma_wait3A_566 : memref<80x128xf32, #tpu.memory_space<hbm>>) dst(%arg28 : memref<80x128xf32, #tpu.memory_space<vmem>>)
        %dma_wait3A_567 = arith.constant 0 : i32
        %dma_wait3A_568 = arith.constant 0 : i32
        %dma_wait3A_569 = tpu.memref_slice %arg2[%dma_wait3A_567, %dma_wait3A_568] : memref<20000x128xf32, #tpu.memory_space<hbm>> -> memref<80x128xf32, #tpu.memory_space<hbm>>
        %dma_wait3A_570 = arith.constant 0 : i32
        %dma_wait3A_571 = arith.constant 0 : i32
        %dma_wait3A_572 = tpu.memref_slice %arg2[%dma_wait3A_570, %dma_wait3A_571] : memref<20000x128xf32, #tpu.memory_space<hbm>> -> memref<80x128xf32, #tpu.memory_space<hbm>>
        tpu.wait_dma2 semaphore(%arg34 : memref<!tpu.dma_semaphore, #tpu.memory_space<semaphore_mem>>) src(%dma_wait3A_572 : memref<80x128xf32, #tpu.memory_space<hbm>>) dst(%arg29 : memref<80x128xf32, #tpu.memory_space<vmem>>)
        %dma_wait3A_573 = arith.constant 0 : i32
        %dma_wait3A_574 = arith.constant 0 : i32
        %dma_wait3A_575 = tpu.memref_slice %arg2[%dma_wait3A_573, %dma_wait3A_574] : memref<20000x128xf32, #tpu.memory_space<hbm>> -> memref<80x128xf32, #tpu.memory_space<hbm>>
        %dma_wait3A_576 = arith.constant 0 : i32
        %dma_wait3A_577 = arith.constant 0 : i32
        %dma_wait3A_578 = tpu.memref_slice %arg2[%dma_wait3A_576, %dma_wait3A_577] : memref<20000x128xf32, #tpu.memory_space<hbm>> -> memref<80x128xf32, #tpu.memory_space<hbm>>
        tpu.wait_dma2 semaphore(%arg34 : memref<!tpu.dma_semaphore, #tpu.memory_space<semaphore_mem>>) src(%dma_wait3A_578 : memref<80x128xf32, #tpu.memory_space<hbm>>) dst(%arg30 : memref<80x128xf32, #tpu.memory_space<vmem>>)
      } else {
      }
      %scan3A_554 = arith.constant 0 : i32
      scf.yield %scan3A_554 : i32
    }
    %scan3A_97 = arith.constant 62 : i32
    %dma_wait3A = arith.constant 0 : i32
    %dma_wait3A_98 = arith.constant 0 : i32
    %dma_wait3A_99 = tpu.memref_slice %arg2[%dma_wait3A, %dma_wait3A_98] : memref<20000x128xf32, #tpu.memory_space<hbm>> -> memref<80x128xf32, #tpu.memory_space<hbm>>
    %dma_wait3A_100 = arith.constant 0 : i32
    %dma_wait3A_101 = arith.constant 0 : i32
    %dma_wait3A_102 = tpu.memref_slice %arg2[%dma_wait3A_100, %dma_wait3A_101] : memref<20000x128xf32, #tpu.memory_space<hbm>> -> memref<80x128xf32, #tpu.memory_space<hbm>>
    tpu.wait_dma2 semaphore(%arg33 : memref<!tpu.dma_semaphore, #tpu.memory_space<semaphore_mem>>) src(%dma_wait3A_102 : memref<80x128xf32, #tpu.memory_space<hbm>>) dst(%arg23 : memref<80x128xf32, #tpu.memory_space<vmem>>)
    %dma_wait3A_103 = arith.constant 0 : i32
    %dma_wait3A_104 = arith.constant 0 : i32
    %dma_wait3A_105 = tpu.memref_slice %arg2[%dma_wait3A_103, %dma_wait3A_104] : memref<20000x128xf32, #tpu.memory_space<hbm>> -> memref<80x128xf32, #tpu.memory_space<hbm>>
    %dma_wait3A_106 = arith.constant 0 : i32
    %dma_wait3A_107 = arith.constant 0 : i32
    %dma_wait3A_108 = tpu.memref_slice %arg2[%dma_wait3A_106, %dma_wait3A_107] : memref<20000x128xf32, #tpu.memory_space<hbm>> -> memref<80x128xf32, #tpu.memory_space<hbm>>
    tpu.wait_dma2 semaphore(%arg33 : memref<!tpu.dma_semaphore, #tpu.memory_space<semaphore_mem>>) src(%dma_wait3A_108 : memref<80x128xf32, #tpu.memory_space<hbm>>) dst(%arg24 : memref<80x128xf32, #tpu.memory_space<vmem>>)
    %dma_wait3A_109 = arith.constant 0 : i32
    %dma_wait3A_110 = arith.constant 0 : i32
    %dma_wait3A_111 = tpu.memref_slice %arg2[%dma_wait3A_109, %dma_wait3A_110] : memref<20000x128xf32, #tpu.memory_space<hbm>> -> memref<80x128xf32, #tpu.memory_space<hbm>>
    %dma_wait3A_112 = arith.constant 0 : i32
    %dma_wait3A_113 = arith.constant 0 : i32
    %dma_wait3A_114 = tpu.memref_slice %arg2[%dma_wait3A_112, %dma_wait3A_113] : memref<20000x128xf32, #tpu.memory_space<hbm>> -> memref<80x128xf32, #tpu.memory_space<hbm>>
    tpu.wait_dma2 semaphore(%arg33 : memref<!tpu.dma_semaphore, #tpu.memory_space<semaphore_mem>>) src(%dma_wait3A_114 : memref<80x128xf32, #tpu.memory_space<hbm>>) dst(%arg25 : memref<80x128xf32, #tpu.memory_space<vmem>>)
    %dma_wait3A_115 = arith.constant 0 : i32
    %dma_wait3A_116 = arith.constant 0 : i32
    %dma_wait3A_117 = tpu.memref_slice %arg2[%dma_wait3A_115, %dma_wait3A_116] : memref<20000x128xf32, #tpu.memory_space<hbm>> -> memref<80x128xf32, #tpu.memory_space<hbm>>
    %dma_wait3A_118 = arith.constant 0 : i32
    %dma_wait3A_119 = arith.constant 0 : i32
    %dma_wait3A_120 = tpu.memref_slice %arg2[%dma_wait3A_118, %dma_wait3A_119] : memref<20000x128xf32, #tpu.memory_space<hbm>> -> memref<80x128xf32, #tpu.memory_space<hbm>>
    tpu.wait_dma2 semaphore(%arg33 : memref<!tpu.dma_semaphore, #tpu.memory_space<semaphore_mem>>) src(%dma_wait3A_120 : memref<80x128xf32, #tpu.memory_space<hbm>>) dst(%arg26 : memref<80x128xf32, #tpu.memory_space<vmem>>)
    %get3A_121 = arith.constant 9920 : index
    %get3A_122 = tpu.vector_load %arg11[%get3A_121] {strides = array<i32>} : memref<10000xi32, #tpu.memory_space<vmem>>, vector<16xi32>,
    %swap3A_123 = arith.constant 0 : index
    %swap3A_124 = tpu.vector_load %arg15[%swap3A_123] {strides = array<i32>} : memref<80xi32, #tpu.memory_space<vmem>>, vector<16xi32>,
    tpu.vector_store %arg15[%swap3A_123], %get3A_122 {strides = array<i32>} : memref<80xi32, #tpu.memory_space<vmem>>, vector<16xi32>,
    %get3A_125 = arith.constant 9936 : index
    %get3A_126 = tpu.vector_load %arg11[%get3A_125] {strides = array<i32>} : memref<10000xi32, #tpu.memory_space<vmem>>, vector<16xi32>,
    %swap3A_127 = arith.constant 16 : index
    %swap3A_128 = tpu.vector_load %arg15[%swap3A_127] {strides = array<i32>} : memref<80xi32, #tpu.memory_space<vmem>>, vector<16xi32>,
    tpu.vector_store %arg15[%swap3A_127], %get3A_126 {strides = array<i32>} : memref<80xi32, #tpu.memory_space<vmem>>, vector<16xi32>,
    %get3A_129 = arith.constant 9952 : index
    %get3A_130 = tpu.vector_load %arg11[%get3A_129] {strides = array<i32>} : memref<10000xi32, #tpu.memory_space<vmem>>, vector<16xi32>,
    %swap3A_131 = arith.constant 32 : index
    %swap3A_132 = tpu.vector_load %arg15[%swap3A_131] {strides = array<i32>} : memref<80xi32, #tpu.memory_space<vmem>>, vector<16xi32>,
    tpu.vector_store %arg15[%swap3A_131], %get3A_130 {strides = array<i32>} : memref<80xi32, #tpu.memory_space<vmem>>, vector<16xi32>,
    %get3A_133 = arith.constant 9968 : index
    %get3A_134 = tpu.vector_load %arg11[%get3A_133] {strides = array<i32>} : memref<10000xi32, #tpu.memory_space<vmem>>, vector<16xi32>,
    %swap3A_135 = arith.constant 48 : index
    %swap3A_136 = tpu.vector_load %arg15[%swap3A_135] {strides = array<i32>} : memref<80xi32, #tpu.memory_space<vmem>>, vector<16xi32>,
    tpu.vector_store %arg15[%swap3A_135], %get3A_134 {strides = array<i32>} : memref<80xi32, #tpu.memory_space<vmem>>, vector<16xi32>,
    %get3A_137 = arith.constant 9984 : index
    %get3A_138 = tpu.vector_load %arg11[%get3A_137] {strides = array<i32>} : memref<10000xi32, #tpu.memory_space<vmem>>, vector<16xi32>,
    %swap3A_139 = arith.constant 64 : index
    %swap3A_140 = tpu.vector_load %arg15[%swap3A_139] {strides = array<i32>} : memref<80xi32, #tpu.memory_space<vmem>>, vector<16xi32>,
    tpu.vector_store %arg15[%swap3A_139], %get3A_138 {strides = array<i32>} : memref<80xi32, #tpu.memory_space<vmem>>, vector<16xi32>,
    %get3A_141 = arith.constant 9920 : index
    %get3A_142 = tpu.vector_load %arg12[%get3A_141] {strides = array<i32>} : memref<10000xi32, #tpu.memory_space<vmem>>, vector<16xi32>,
    %swap3A_143 = arith.constant 0 : index
    %swap3A_144 = tpu.vector_load %arg16[%swap3A_143] {strides = array<i32>} : memref<80xi32, #tpu.memory_space<vmem>>, vector<16xi32>,
    tpu.vector_store %arg16[%swap3A_143], %get3A_142 {strides = array<i32>} : memref<80xi32, #tpu.memory_space<vmem>>, vector<16xi32>,
    %get3A_145 = arith.constant 9936 : index
    %get3A_146 = tpu.vector_load %arg12[%get3A_145] {strides = array<i32>} : memref<10000xi32, #tpu.memory_space<vmem>>, vector<16xi32>,
    %swap3A_147 = arith.constant 16 : index
    %swap3A_148 = tpu.vector_load %arg16[%swap3A_147] {strides = array<i32>} : memref<80xi32, #tpu.memory_space<vmem>>, vector<16xi32>,
    tpu.vector_store %arg16[%swap3A_147], %get3A_146 {strides = array<i32>} : memref<80xi32, #tpu.memory_space<vmem>>, vector<16xi32>,
    %get3A_149 = arith.constant 9952 : index
    %get3A_150 = tpu.vector_load %arg12[%get3A_149] {strides = array<i32>} : memref<10000xi32, #tpu.memory_space<vmem>>, vector<16xi32>,
    %swap3A_151 = arith.constant 32 : index
    %swap3A_152 = tpu.vector_load %arg16[%swap3A_151] {strides = array<i32>} : memref<80xi32, #tpu.memory_space<vmem>>, vector<16xi32>,
    tpu.vector_store %arg16[%swap3A_151], %get3A_150 {strides = array<i32>} : memref<80xi32, #tpu.memory_space<vmem>>, vector<16xi32>,
    %get3A_153 = arith.constant 9968 : index
    %get3A_154 = tpu.vector_load %arg12[%get3A_153] {strides = array<i32>} : memref<10000xi32, #tpu.memory_space<vmem>>, vector<16xi32>,
    %swap3A_155 = arith.constant 48 : index
    %swap3A_156 = tpu.vector_load %arg16[%swap3A_155] {strides = array<i32>} : memref<80xi32, #tpu.memory_space<vmem>>, vector<16xi32>,
    tpu.vector_store %arg16[%swap3A_155], %get3A_154 {strides = array<i32>} : memref<80xi32, #tpu.memory_space<vmem>>, vector<16xi32>,
    %get3A_157 = arith.constant 9984 : index
    %get3A_158 = tpu.vector_load %arg12[%get3A_157] {strides = array<i32>} : memref<10000xi32, #tpu.memory_space<vmem>>, vector<16xi32>,
    %swap3A_159 = arith.constant 64 : index
    %swap3A_160 = tpu.vector_load %arg16[%swap3A_159] {strides = array<i32>} : memref<80xi32, #tpu.memory_space<vmem>>, vector<16xi32>,
    tpu.vector_store %arg16[%swap3A_159], %get3A_158 {strides = array<i32>} : memref<80xi32, #tpu.memory_space<vmem>>, vector<16xi32>,
    %get3A_161 = arith.constant 9920 : index
    %get3A_162 = tpu.vector_load %arg13[%get3A_161] {strides = array<i32>} : memref<10000xi32, #tpu.memory_space<vmem>>, vector<16xi32>,
    %swap3A_163 = arith.constant 0 : index
    %swap3A_164 = tpu.vector_load %arg17[%swap3A_163] {strides = array<i32>} : memref<80xi32, #tpu.memory_space<vmem>>, vector<16xi32>,
    tpu.vector_store %arg17[%swap3A_163], %get3A_162 {strides = array<i32>} : memref<80xi32, #tpu.memory_space<vmem>>, vector<16xi32>,
    %get3A_165 = arith.constant 9936 : index
    %get3A_166 = tpu.vector_load %arg13[%get3A_165] {strides = array<i32>} : memref<10000xi32, #tpu.memory_space<vmem>>, vector<16xi32>,
    %swap3A_167 = arith.constant 16 : index
    %swap3A_168 = tpu.vector_load %arg17[%swap3A_167] {strides = array<i32>} : memref<80xi32, #tpu.memory_space<vmem>>, vector<16xi32>,
    tpu.vector_store %arg17[%swap3A_167], %get3A_166 {strides = array<i32>} : memref<80xi32, #tpu.memory_space<vmem>>, vector<16xi32>,
    %get3A_169 = arith.constant 9952 : index
    %get3A_170 = tpu.vector_load %arg13[%get3A_169] {strides = array<i32>} : memref<10000xi32, #tpu.memory_space<vmem>>, vector<16xi32>,
    %swap3A_171 = arith.constant 32 : index
    %swap3A_172 = tpu.vector_load %arg17[%swap3A_171] {strides = array<i32>} : memref<80xi32, #tpu.memory_space<vmem>>, vector<16xi32>,
    tpu.vector_store %arg17[%swap3A_171], %get3A_170 {strides = array<i32>} : memref<80xi32, #tpu.memory_space<vmem>>, vector<16xi32>,
    %get3A_173 = arith.constant 9968 : index
    %get3A_174 = tpu.vector_load %arg13[%get3A_173] {strides = array<i32>} : memref<10000xi32, #tpu.memory_space<vmem>>, vector<16xi32>,
    %swap3A_175 = arith.constant 48 : index
    %swap3A_176 = tpu.vector_load %arg17[%swap3A_175] {strides = array<i32>} : memref<80xi32, #tpu.memory_space<vmem>>, vector<16xi32>,
    tpu.vector_store %arg17[%swap3A_175], %get3A_174 {strides = array<i32>} : memref<80xi32, #tpu.memory_space<vmem>>, vector<16xi32>,
    %get3A_177 = arith.constant 9984 : index
    %get3A_178 = tpu.vector_load %arg13[%get3A_177] {strides = array<i32>} : memref<10000xi32, #tpu.memory_space<vmem>>, vector<16xi32>,
    %swap3A_179 = arith.constant 64 : index
    %swap3A_180 = tpu.vector_load %arg17[%swap3A_179] {strides = array<i32>} : memref<80xi32, #tpu.memory_space<vmem>>, vector<16xi32>,
    tpu.vector_store %arg17[%swap3A_179], %get3A_178 {strides = array<i32>} : memref<80xi32, #tpu.memory_space<vmem>>, vector<16xi32>,
    %get3A_181 = arith.constant 9920 : index
    %get3A_182 = tpu.vector_load %arg14[%get3A_181] {strides = array<i32>} : memref<10000xi32, #tpu.memory_space<vmem>>, vector<16xi32>,
    %swap3A_183 = arith.constant 0 : index
    %swap3A_184 = tpu.vector_load %arg18[%swap3A_183] {strides = array<i32>} : memref<80xi32, #tpu.memory_space<vmem>>, vector<16xi32>,
    tpu.vector_store %arg18[%swap3A_183], %get3A_182 {strides = array<i32>} : memref<80xi32, #tpu.memory_space<vmem>>, vector<16xi32>,
    %get3A_185 = arith.constant 9936 : index
    %get3A_186 = tpu.vector_load %arg14[%get3A_185] {strides = array<i32>} : memref<10000xi32, #tpu.memory_space<vmem>>, vector<16xi32>,
    %swap3A_187 = arith.constant 16 : index
    %swap3A_188 = tpu.vector_load %arg18[%swap3A_187] {strides = array<i32>} : memref<80xi32, #tpu.memory_space<vmem>>, vector<16xi32>,
    tpu.vector_store %arg18[%swap3A_187], %get3A_186 {strides = array<i32>} : memref<80xi32, #tpu.memory_space<vmem>>, vector<16xi32>,
    %get3A_189 = arith.constant 9952 : index
    %get3A_190 = tpu.vector_load %arg14[%get3A_189] {strides = array<i32>} : memref<10000xi32, #tpu.memory_space<vmem>>, vector<16xi32>,
    %swap3A_191 = arith.constant 32 : index
    %swap3A_192 = tpu.vector_load %arg18[%swap3A_191] {strides = array<i32>} : memref<80xi32, #tpu.memory_space<vmem>>, vector<16xi32>,
    tpu.vector_store %arg18[%swap3A_191], %get3A_190 {strides = array<i32>} : memref<80xi32, #tpu.memory_space<vmem>>, vector<16xi32>,
    %get3A_193 = arith.constant 9968 : index
    %get3A_194 = tpu.vector_load %arg14[%get3A_193] {strides = array<i32>} : memref<10000xi32, #tpu.memory_space<vmem>>, vector<16xi32>,
    %swap3A_195 = arith.constant 48 : index
    %swap3A_196 = tpu.vector_load %arg18[%swap3A_195] {strides = array<i32>} : memref<80xi32, #tpu.memory_space<vmem>>, vector<16xi32>,
    tpu.vector_store %arg18[%swap3A_195], %get3A_194 {strides = array<i32>} : memref<80xi32, #tpu.memory_space<vmem>>, vector<16xi32>,
    %get3A_197 = arith.constant 9984 : index
    %get3A_198 = tpu.vector_load %arg14[%get3A_197] {strides = array<i32>} : memref<10000xi32, #tpu.memory_space<vmem>>, vector<16xi32>,
    %swap3A_199 = arith.constant 64 : index
    %swap3A_200 = tpu.vector_load %arg18[%swap3A_199] {strides = array<i32>} : memref<80xi32, #tpu.memory_space<vmem>>, vector<16xi32>,
    tpu.vector_store %arg18[%swap3A_199], %get3A_198 {strides = array<i32>} : memref<80xi32, #tpu.memory_space<vmem>>, vector<16xi32>,
    %dma_start3A_201 = arith.constant 0 : i32
    %dma_start3A_202 = arith.constant 0 : i32
    %dma_start3A_203 = tpu.memref_slice %arg2[%dma_start3A_201, %dma_start3A_202] : memref<20000x128xf32, #tpu.memory_space<hbm>> -> memref<20000x128xf32, #tpu.memory_space<hbm>>
    tpu.enqueue_indirect_dma source(%dma_start3A_203 : memref<20000x128xf32, #tpu.memory_space<hbm>>) target(%arg23 : memref<80x128xf32, #tpu.memory_space<vmem>>) offsets(%arg15 : memref<80xi32, #tpu.memory_space<vmem>>) semaphore(%arg31 : memref<!tpu.dma_semaphore, #tpu.memory_space<semaphore_mem>>)
    %dma_start3A_204 = arith.constant 0 : i32
    %dma_start3A_205 = arith.constant 0 : i32
    %dma_start3A_206 = tpu.memref_slice %arg2[%dma_start3A_204, %dma_start3A_205] : memref<20000x128xf32, #tpu.memory_space<hbm>> -> memref<20000x128xf32, #tpu.memory_space<hbm>>
    tpu.enqueue_indirect_dma source(%dma_start3A_206 : memref<20000x128xf32, #tpu.memory_space<hbm>>) target(%arg24 : memref<80x128xf32, #tpu.memory_space<vmem>>) offsets(%arg16 : memref<80xi32, #tpu.memory_space<vmem>>) semaphore(%arg31 : memref<!tpu.dma_semaphore, #tpu.memory_space<semaphore_mem>>)
    %dma_start3A_207 = arith.constant 0 : i32
    %dma_start3A_208 = arith.constant 0 : i32
    %dma_start3A_209 = tpu.memref_slice %arg2[%dma_start3A_207, %dma_start3A_208] : memref<20000x128xf32, #tpu.memory_space<hbm>> -> memref<20000x128xf32, #tpu.memory_space<hbm>>
    tpu.enqueue_indirect_dma source(%dma_start3A_209 : memref<20000x128xf32, #tpu.memory_space<hbm>>) target(%arg25 : memref<80x128xf32, #tpu.memory_space<vmem>>) offsets(%arg17 : memref<80xi32, #tpu.memory_space<vmem>>) semaphore(%arg31 : memref<!tpu.dma_semaphore, #tpu.memory_space<semaphore_mem>>)
    %dma_start3A_210 = arith.constant 0 : i32
    %dma_start3A_211 = arith.constant 0 : i32
    %dma_start3A_212 = tpu.memref_slice %arg2[%dma_start3A_210, %dma_start3A_211] : memref<20000x128xf32, #tpu.memory_space<hbm>> -> memref<20000x128xf32, #tpu.memory_space<hbm>>
    tpu.enqueue_indirect_dma source(%dma_start3A_212 : memref<20000x128xf32, #tpu.memory_space<hbm>>) target(%arg26 : memref<80x128xf32, #tpu.memory_space<vmem>>) offsets(%arg18 : memref<80xi32, #tpu.memory_space<vmem>>) semaphore(%arg31 : memref<!tpu.dma_semaphore, #tpu.memory_space<semaphore_mem>>)
    %dma_wait3A_213 = arith.constant 0 : i32
    %dma_wait3A_214 = arith.constant 0 : i32
    %dma_wait3A_215 = tpu.memref_slice %arg2[%dma_wait3A_213, %dma_wait3A_214] : memref<20000x128xf32, #tpu.memory_space<hbm>> -> memref<80x128xf32, #tpu.memory_space<hbm>>
    %dma_wait3A_216 = arith.constant 0 : i32
    %dma_wait3A_217 = arith.constant 0 : i32
    %dma_wait3A_218 = tpu.memref_slice %arg2[%dma_wait3A_216, %dma_wait3A_217] : memref<20000x128xf32, #tpu.memory_space<hbm>> -> memref<80x128xf32, #tpu.memory_space<hbm>>
    tpu.wait_dma2 semaphore(%arg31 : memref<!tpu.dma_semaphore, #tpu.memory_space<semaphore_mem>>) src(%dma_wait3A_218 : memref<80x128xf32, #tpu.memory_space<hbm>>) dst(%arg23 : memref<80x128xf32, #tpu.memory_space<vmem>>)
    %dma_wait3A_219 = arith.constant 0 : i32
    %dma_wait3A_220 = arith.constant 0 : i32
    %dma_wait3A_221 = tpu.memref_slice %arg2[%dma_wait3A_219, %dma_wait3A_220] : memref<20000x128xf32, #tpu.memory_space<hbm>> -> memref<80x128xf32, #tpu.memory_space<hbm>>
    %dma_wait3A_222 = arith.constant 0 : i32
    %dma_wait3A_223 = arith.constant 0 : i32
    %dma_wait3A_224 = tpu.memref_slice %arg2[%dma_wait3A_222, %dma_wait3A_223] : memref<20000x128xf32, #tpu.memory_space<hbm>> -> memref<80x128xf32, #tpu.memory_space<hbm>>
    tpu.wait_dma2 semaphore(%arg31 : memref<!tpu.dma_semaphore, #tpu.memory_space<semaphore_mem>>) src(%dma_wait3A_224 : memref<80x128xf32, #tpu.memory_space<hbm>>) dst(%arg24 : memref<80x128xf32, #tpu.memory_space<vmem>>)
    %dma_wait3A_225 = arith.constant 0 : i32
    %dma_wait3A_226 = arith.constant 0 : i32
    %dma_wait3A_227 = tpu.memref_slice %arg2[%dma_wait3A_225, %dma_wait3A_226] : memref<20000x128xf32, #tpu.memory_space<hbm>> -> memref<80x128xf32, #tpu.memory_space<hbm>>
    %dma_wait3A_228 = arith.constant 0 : i32
    %dma_wait3A_229 = arith.constant 0 : i32
    %dma_wait3A_230 = tpu.memref_slice %arg2[%dma_wait3A_228, %dma_wait3A_229] : memref<20000x128xf32, #tpu.memory_space<hbm>> -> memref<80x128xf32, #tpu.memory_space<hbm>>
    tpu.wait_dma2 semaphore(%arg31 : memref<!tpu.dma_semaphore, #tpu.memory_space<semaphore_mem>>) src(%dma_wait3A_230 : memref<80x128xf32, #tpu.memory_space<hbm>>) dst(%arg25 : memref<80x128xf32, #tpu.memory_space<vmem>>)
    %dma_wait3A_231 = arith.constant 0 : i32
    %dma_wait3A_232 = arith.constant 0 : i32
    %dma_wait3A_233 = tpu.memref_slice %arg2[%dma_wait3A_231, %dma_wait3A_232] : memref<20000x128xf32, #tpu.memory_space<hbm>> -> memref<80x128xf32, #tpu.memory_space<hbm>>
    %dma_wait3A_234 = arith.constant 0 : i32
    %dma_wait3A_235 = arith.constant 0 : i32
    %dma_wait3A_236 = tpu.memref_slice %arg2[%dma_wait3A_234, %dma_wait3A_235] : memref<20000x128xf32, #tpu.memory_space<hbm>> -> memref<80x128xf32, #tpu.memory_space<hbm>>
    tpu.wait_dma2 semaphore(%arg31 : memref<!tpu.dma_semaphore, #tpu.memory_space<semaphore_mem>>) src(%dma_wait3A_236 : memref<80x128xf32, #tpu.memory_space<hbm>>) dst(%arg26 : memref<80x128xf32, #tpu.memory_space<vmem>>)
    %add3A_237 = arith.constant 9920 : i32
    %add3A_238 = arith.addi %mul3A_2, %add3A_237 : i32
    %dma_start3A_239 = arith.constant 0 : i32
    %dma_start3A_240 = tpu.memref_slice %arg7[%add3A_238, %dma_start3A_239] : memref<320000x128xf32, #tpu.memory_space<hbm>> -> memref<80x128xf32, #tpu.memory_space<hbm>>
    %dma_start3A_241 = arith.constant 0 : i32
    %dma_start3A_242 = tpu.memref_slice %arg7[%add3A_238, %dma_start3A_241] : memref<320000x128xf32, #tpu.memory_space<hbm>> -> memref<80x128xf32, #tpu.memory_space<hbm>>
    tpu.enqueue_dma source(%arg23 : memref<80x128xf32, #tpu.memory_space<vmem>>) target(%dma_start3A_242 : memref<80x128xf32, #tpu.memory_space<hbm>>) target_semaphore(%arg33 : memref<!tpu.dma_semaphore, #tpu.memory_space<semaphore_mem>>)
    %add3A_243 = arith.constant 9920 : i32
    %add3A_244 = arith.addi %mul3A_2, %add3A_243 : i32
    %dma_start3A_245 = arith.constant 0 : i32
    %dma_start3A_246 = tpu.memref_slice %arg8[%add3A_244, %dma_start3A_245] : memref<320000x128xf32, #tpu.memory_space<hbm>> -> memref<80x128xf32, #tpu.memory_space<hbm>>
    %dma_start3A_247 = arith.constant 0 : i32
    %dma_start3A_248 = tpu.memref_slice %arg8[%add3A_244, %dma_start3A_247] : memref<320000x128xf32, #tpu.memory_space<hbm>> -> memref<80x128xf32, #tpu.memory_space<hbm>>
    tpu.enqueue_dma source(%arg24 : memref<80x128xf32, #tpu.memory_space<vmem>>) target(%dma_start3A_248 : memref<80x128xf32, #tpu.memory_space<hbm>>) target_semaphore(%arg33 : memref<!tpu.dma_semaphore, #tpu.memory_space<semaphore_mem>>)
    %add3A_249 = arith.constant 9920 : i32
    %add3A_250 = arith.addi %mul3A_2, %add3A_249 : i32
    %dma_start3A_251 = arith.constant 0 : i32
    %dma_start3A_252 = tpu.memref_slice %arg9[%add3A_250, %dma_start3A_251] : memref<320000x128xf32, #tpu.memory_space<hbm>> -> memref<80x128xf32, #tpu.memory_space<hbm>>
    %dma_start3A_253 = arith.constant 0 : i32
    %dma_start3A_254 = tpu.memref_slice %arg9[%add3A_250, %dma_start3A_253] : memref<320000x128xf32, #tpu.memory_space<hbm>> -> memref<80x128xf32, #tpu.memory_space<hbm>>
    tpu.enqueue_dma source(%arg25 : memref<80x128xf32, #tpu.memory_space<vmem>>) target(%dma_start3A_254 : memref<80x128xf32, #tpu.memory_space<hbm>>) target_semaphore(%arg33 : memref<!tpu.dma_semaphore, #tpu.memory_space<semaphore_mem>>)
    %add3A_255 = arith.constant 9920 : i32
    %add3A_256 = arith.addi %mul3A_2, %add3A_255 : i32
    %dma_start3A_257 = arith.constant 0 : i32
    %dma_start3A_258 = tpu.memref_slice %arg10[%add3A_256, %dma_start3A_257] : memref<320000x128xf32, #tpu.memory_space<hbm>> -> memref<80x128xf32, #tpu.memory_space<hbm>>
    %dma_start3A_259 = arith.constant 0 : i32
    %dma_start3A_260 = tpu.memref_slice %arg10[%add3A_256, %dma_start3A_259] : memref<320000x128xf32, #tpu.memory_space<hbm>> -> memref<80x128xf32, #tpu.memory_space<hbm>>
    tpu.enqueue_dma source(%arg26 : memref<80x128xf32, #tpu.memory_space<vmem>>) target(%dma_start3A_260 : memref<80x128xf32, #tpu.memory_space<hbm>>) target_semaphore(%arg33 : memref<!tpu.dma_semaphore, #tpu.memory_space<semaphore_mem>>)
    %dma_wait3A_261 = arith.constant 0 : i32
    %dma_wait3A_262 = arith.constant 0 : i32
    %dma_wait3A_263 = tpu.memref_slice %arg2[%dma_wait3A_261, %dma_wait3A_262] : memref<20000x128xf32, #tpu.memory_space<hbm>> -> memref<80x128xf32, #tpu.memory_space<hbm>>
    %dma_wait3A_264 = arith.constant 0 : i32
    %dma_wait3A_265 = arith.constant 0 : i32
    %dma_wait3A_266 = tpu.memref_slice %arg2[%dma_wait3A_264, %dma_wait3A_265] : memref<20000x128xf32, #tpu.memory_space<hbm>> -> memref<80x128xf32, #tpu.memory_space<hbm>>
    tpu.wait_dma2 semaphore(%arg33 : memref<!tpu.dma_semaphore, #tpu.memory_space<semaphore_mem>>) src(%dma_wait3A_266 : memref<80x128xf32, #tpu.memory_space<hbm>>) dst(%arg23 : memref<80x128xf32, #tpu.memory_space<vmem>>)
    %dma_wait3A_267 = arith.constant 0 : i32
    %dma_wait3A_268 = arith.constant 0 : i32
    %dma_wait3A_269 = tpu.memref_slice %arg2[%dma_wait3A_267, %dma_wait3A_268] : memref<20000x128xf32, #tpu.memory_space<hbm>> -> memref<80x128xf32, #tpu.memory_space<hbm>>
    %dma_wait3A_270 = arith.constant 0 : i32
    %dma_wait3A_271 = arith.constant 0 : i32
    %dma_wait3A_272 = tpu.memref_slice %arg2[%dma_wait3A_270, %dma_wait3A_271] : memref<20000x128xf32, #tpu.memory_space<hbm>> -> memref<80x128xf32, #tpu.memory_space<hbm>>
    tpu.wait_dma2 semaphore(%arg33 : memref<!tpu.dma_semaphore, #tpu.memory_space<semaphore_mem>>) src(%dma_wait3A_272 : memref<80x128xf32, #tpu.memory_space<hbm>>) dst(%arg24 : memref<80x128xf32, #tpu.memory_space<vmem>>)
    %dma_wait3A_273 = arith.constant 0 : i32
    %dma_wait3A_274 = arith.constant 0 : i32
    %dma_wait3A_275 = tpu.memref_slice %arg2[%dma_wait3A_273, %dma_wait3A_274] : memref<20000x128xf32, #tpu.memory_space<hbm>> -> memref<80x128xf32, #tpu.memory_space<hbm>>
    %dma_wait3A_276 = arith.constant 0 : i32
    %dma_wait3A_277 = arith.constant 0 : i32
    %dma_wait3A_278 = tpu.memref_slice %arg2[%dma_wait3A_276, %dma_wait3A_277] : memref<20000x128xf32, #tpu.memory_space<hbm>> -> memref<80x128xf32, #tpu.memory_space<hbm>>
    tpu.wait_dma2 semaphore(%arg33 : memref<!tpu.dma_semaphore, #tpu.memory_space<semaphore_mem>>) src(%dma_wait3A_278 : memref<80x128xf32, #tpu.memory_space<hbm>>) dst(%arg25 : memref<80x128xf32, #tpu.memory_space<vmem>>)
    %dma_wait3A_279 = arith.constant 0 : i32
    %dma_wait3A_280 = arith.constant 0 : i32
    %dma_wait3A_281 = tpu.memref_slice %arg2[%dma_wait3A_279, %dma_wait3A_280] : memref<20000x128xf32, #tpu.memory_space<hbm>> -> memref<80x128xf32, #tpu.memory_space<hbm>>
    %dma_wait3A_282 = arith.constant 0 : i32
    %dma_wait3A_283 = arith.constant 0 : i32
    %dma_wait3A_284 = tpu.memref_slice %arg2[%dma_wait3A_282, %dma_wait3A_283] : memref<20000x128xf32, #tpu.memory_space<hbm>> -> memref<80x128xf32, #tpu.memory_space<hbm>>
    tpu.wait_dma2 semaphore(%arg33 : memref<!tpu.dma_semaphore, #tpu.memory_space<semaphore_mem>>) src(%dma_wait3A_284 : memref<80x128xf32, #tpu.memory_space<hbm>>) dst(%arg26 : memref<80x128xf32, #tpu.memory_space<vmem>>)
    %dma_wait3A_285 = arith.constant 0 : i32
    %dma_wait3A_286 = arith.constant 0 : i32
    %dma_wait3A_287 = tpu.memref_slice %arg2[%dma_wait3A_285, %dma_wait3A_286] : memref<20000x128xf32, #tpu.memory_space<hbm>> -> memref<80x128xf32, #tpu.memory_space<hbm>>
    %dma_wait3A_288 = arith.constant 0 : i32
    %dma_wait3A_289 = arith.constant 0 : i32
    %dma_wait3A_290 = tpu.memref_slice %arg2[%dma_wait3A_288, %dma_wait3A_289] : memref<20000x128xf32, #tpu.memory_space<hbm>> -> memref<80x128xf32, #tpu.memory_space<hbm>>
    tpu.wait_dma2 semaphore(%arg34 : memref<!tpu.dma_semaphore, #tpu.memory_space<semaphore_mem>>) src(%dma_wait3A_290 : memref<80x128xf32, #tpu.memory_space<hbm>>) dst(%arg27 : memref<80x128xf32, #tpu.memory_space<vmem>>)
    %dma_wait3A_291 = arith.constant 0 : i32
    %dma_wait3A_292 = arith.constant 0 : i32
    %dma_wait3A_293 = tpu.memref_slice %arg2[%dma_wait3A_291, %dma_wait3A_292] : memref<20000x128xf32, #tpu.memory_space<hbm>> -> memref<80x128xf32, #tpu.memory_space<hbm>>
    %dma_wait3A_294 = arith.constant 0 : i32
    %dma_wait3A_295 = arith.constant 0 : i32
    %dma_wait3A_296 = tpu.memref_slice %arg2[%dma_wait3A_294, %dma_wait3A_295] : memref<20000x128xf32, #tpu.memory_space<hbm>> -> memref<80x128xf32, #tpu.memory_space<hbm>>
    tpu.wait_dma2 semaphore(%arg34 : memref<!tpu.dma_semaphore, #tpu.memory_space<semaphore_mem>>) src(%dma_wait3A_296 : memref<80x128xf32, #tpu.memory_space<hbm>>) dst(%arg28 : memref<80x128xf32, #tpu.memory_space<vmem>>)
    %dma_wait3A_297 = arith.constant 0 : i32
    %dma_wait3A_298 = arith.constant 0 : i32
    %dma_wait3A_299 = tpu.memref_slice %arg2[%dma_wait3A_297, %dma_wait3A_298] : memref<20000x128xf32, #tpu.memory_space<hbm>> -> memref<80x128xf32, #tpu.memory_space<hbm>>
    %dma_wait3A_300 = arith.constant 0 : i32
    %dma_wait3A_301 = arith.constant 0 : i32
    %dma_wait3A_302 = tpu.memref_slice %arg2[%dma_wait3A_300, %dma_wait3A_301] : memref<20000x128xf32, #tpu.memory_space<hbm>> -> memref<80x128xf32, #tpu.memory_space<hbm>>
    tpu.wait_dma2 semaphore(%arg34 : memref<!tpu.dma_semaphore, #tpu.memory_space<semaphore_mem>>) src(%dma_wait3A_302 : memref<80x128xf32, #tpu.memory_space<hbm>>) dst(%arg29 : memref<80x128xf32, #tpu.memory_space<vmem>>)
    %dma_wait3A_303 = arith.constant 0 : i32
    %dma_wait3A_304 = arith.constant 0 : i32
    %dma_wait3A_305 = tpu.memref_slice %arg2[%dma_wait3A_303, %dma_wait3A_304] : memref<20000x128xf32, #tpu.memory_space<hbm>> -> memref<80x128xf32, #tpu.memory_space<hbm>>
    %dma_wait3A_306 = arith.constant 0 : i32
    %dma_wait3A_307 = arith.constant 0 : i32
    %dma_wait3A_308 = tpu.memref_slice %arg2[%dma_wait3A_306, %dma_wait3A_307] : memref<20000x128xf32, #tpu.memory_space<hbm>> -> memref<80x128xf32, #tpu.memory_space<hbm>>
    tpu.wait_dma2 semaphore(%arg34 : memref<!tpu.dma_semaphore, #tpu.memory_space<semaphore_mem>>) src(%dma_wait3A_308 : memref<80x128xf32, #tpu.memory_space<hbm>>) dst(%arg30 : memref<80x128xf32, #tpu.memory_space<vmem>>)
    return
  }
}

#map = affine_map<(d0, d1) -> (0, 0)>
#map1 = affine_map<(d0, d1) -> (0)>
module attributes {stable_mosaic.version = 14 : i64} {
  func.func @body(%arg0: i32, %arg1: i32, %arg2: memref<320000x128xf32, #tpu.memory_space<hbm>>, %arg3: memref<320000x128xf32, #tpu.memory_space<hbm>>, %arg4: memref<320000xi32, #tpu.memory_space<hbm>>, %arg5: memref<20000x128xf32, #tpu.memory_space<hbm>>, %arg6: memref<20000xi32, #tpu.memory_space<vmem>>, %arg7: memref<80xi32, #tpu.memory_space<vmem>>, %arg8: memref<80xi32, #tpu.memory_space<vmem>>, %arg9: memref<80x128xf32, #tpu.memory_space<vmem>>, %arg10: memref<80x128xf32, #tpu.memory_space<vmem>>, %arg11: memref<78x128xf32, #tpu.memory_space<vmem>>, %arg12: memref<10000x128xf32, #tpu.memory_space<vmem_shared>>, %arg13: memref<!tpu.dma_semaphore, #tpu.memory_space<semaphore_mem>>, %arg14: memref<!tpu.dma_semaphore, #tpu.memory_space<semaphore_mem>>) attributes {dimension_semantics = [#tpu.dimension_semantics<core_parallel>, #tpu.dimension_semantics<subcore_parallel>], iteration_bounds = array<i64: 2, 16>, scalar_prefetch = 0 : i64, scratch_operands = 9 : i64, tpu.core_type = #tpu.core_type<sc_vector_subcore>, window_params = [{transform_indices = #map}, {transform_indices = #map}, {transform_indices = #map1}, {transform_indices = #map}]} {
    %broadcast_in_dim3A = arith.constant 0.000000e+00 : f32
    %broadcast_in_dim3A_0 = vector.broadcast %broadcast_in_dim3A : f32 to vector<16xf32>
    %scan3A = arith.constant 0 : i32
    %scan3A_1 = arith.constant 0 : i32
    %scan3A_2 = arith.constant 78 : i32
    %scan3A_3 = arith.addi %scan3A_1, %scan3A_2 : i32
    %scan3A_4 = arith.constant 1 : i32
    %scan3A_5 = scf.for %scan3A_53 = %scan3A_1 to %scan3A_3 step %scan3A_4 iter_args(%scan3A_54 = %scan3A) -> (i32)  : i32 {
      %swap3A = arith.index_cast %scan3A_53 : i32 to index
      %swap3A_55 = arith.constant 0 : index
      %swap3A_56 = tpu.vector_load %arg11[%swap3A, %swap3A_55] {strides = array<i32>} : memref<78x128xf32, #tpu.memory_space<vmem>>, vector<16xf32>,
      tpu.vector_store %arg11[%swap3A, %swap3A_55], %broadcast_in_dim3A_0 {strides = array<i32>} : memref<78x128xf32, #tpu.memory_space<vmem>>, vector<16xf32>,
      %swap3A_57 = arith.index_cast %scan3A_53 : i32 to index
      %swap3A_58 = arith.constant 16 : index
      %swap3A_59 = tpu.vector_load %arg11[%swap3A_57, %swap3A_58] {strides = array<i32>} : memref<78x128xf32, #tpu.memory_space<vmem>>, vector<16xf32>,
      tpu.vector_store %arg11[%swap3A_57, %swap3A_58], %broadcast_in_dim3A_0 {strides = array<i32>} : memref<78x128xf32, #tpu.memory_space<vmem>>, vector<16xf32>,
      %swap3A_60 = arith.index_cast %scan3A_53 : i32 to index
      %swap3A_61 = arith.constant 32 : index
      %swap3A_62 = tpu.vector_load %arg11[%swap3A_60, %swap3A_61] {strides = array<i32>} : memref<78x128xf32, #tpu.memory_space<vmem>>, vector<16xf32>,
      tpu.vector_store %arg11[%swap3A_60, %swap3A_61], %broadcast_in_dim3A_0 {strides = array<i32>} : memref<78x128xf32, #tpu.memory_space<vmem>>, vector<16xf32>,
      %swap3A_63 = arith.index_cast %scan3A_53 : i32 to index
      %swap3A_64 = arith.constant 48 : index
      %swap3A_65 = tpu.vector_load %arg11[%swap3A_63, %swap3A_64] {strides = array<i32>} : memref<78x128xf32, #tpu.memory_space<vmem>>, vector<16xf32>,
      tpu.vector_store %arg11[%swap3A_63, %swap3A_64], %broadcast_in_dim3A_0 {strides = array<i32>} : memref<78x128xf32, #tpu.memory_space<vmem>>, vector<16xf32>,
      %swap3A_66 = arith.index_cast %scan3A_53 : i32 to index
      %swap3A_67 = arith.constant 64 : index
      %swap3A_68 = tpu.vector_load %arg11[%swap3A_66, %swap3A_67] {strides = array<i32>} : memref<78x128xf32, #tpu.memory_space<vmem>>, vector<16xf32>,
      tpu.vector_store %arg11[%swap3A_66, %swap3A_67], %broadcast_in_dim3A_0 {strides = array<i32>} : memref<78x128xf32, #tpu.memory_space<vmem>>, vector<16xf32>,
      %swap3A_69 = arith.index_cast %scan3A_53 : i32 to index
      %swap3A_70 = arith.constant 80 : index
      %swap3A_71 = tpu.vector_load %arg11[%swap3A_69, %swap3A_70] {strides = array<i32>} : memref<78x128xf32, #tpu.memory_space<vmem>>, vector<16xf32>,
      tpu.vector_store %arg11[%swap3A_69, %swap3A_70], %broadcast_in_dim3A_0 {strides = array<i32>} : memref<78x128xf32, #tpu.memory_space<vmem>>, vector<16xf32>,
      %swap3A_72 = arith.index_cast %scan3A_53 : i32 to index
      %swap3A_73 = arith.constant 96 : index
      %swap3A_74 = tpu.vector_load %arg11[%swap3A_72, %swap3A_73] {strides = array<i32>} : memref<78x128xf32, #tpu.memory_space<vmem>>, vector<16xf32>,
      tpu.vector_store %arg11[%swap3A_72, %swap3A_73], %broadcast_in_dim3A_0 {strides = array<i32>} : memref<78x128xf32, #tpu.memory_space<vmem>>, vector<16xf32>,
      %swap3A_75 = arith.index_cast %scan3A_53 : i32 to index
      %swap3A_76 = arith.constant 112 : index
      %swap3A_77 = tpu.vector_load %arg11[%swap3A_75, %swap3A_76] {strides = array<i32>} : memref<78x128xf32, #tpu.memory_space<vmem>>, vector<16xf32>,
      tpu.vector_store %arg11[%swap3A_75, %swap3A_76], %broadcast_in_dim3A_0 {strides = array<i32>} : memref<78x128xf32, #tpu.memory_space<vmem>>, vector<16xf32>,
      %scan3A_78 = arith.constant 0 : i32
      scf.yield %scan3A_78 : i32
    }
    %scan3A_6 = arith.constant 78 : i32
    %mul3A = arith.constant 624 : i32
    %mul3A_7 = arith.muli %arg1, %mul3A : i32
    %add3A = arith.constant 0 : i32
    %add3A_8 = arith.addi %mul3A_7, %add3A : i32
    "tpu.region"() ({
      %run_scoped3A = tpu.sem_alloc : memref<!tpu.dma_semaphore, #tpu.memory_space<semaphore_mem>>
      %dma_start3A = arith.constant 0 : i32
      %dma_start3A_53 = tpu.memref_slice %arg12[%add3A_8, %dma_start3A] : memref<10000x128xf32, #tpu.memory_space<vmem_shared>> -> memref<78x128xf32, #tpu.memory_space<vmem_shared>>
      %dma_start3A_54 = arith.constant 0 : i32
      %dma_start3A_55 = tpu.memref_slice %arg12[%add3A_8, %dma_start3A_54] : memref<10000x128xf32, #tpu.memory_space<vmem_shared>> -> memref<78x128xf32, #tpu.memory_space<vmem_shared>>
      tpu.enqueue_dma source(%arg11 : memref<78x128xf32, #tpu.memory_space<vmem>>) target(%dma_start3A_55 : memref<78x128xf32, #tpu.memory_space<vmem_shared>>) target_semaphore(%run_scoped3A : memref<!tpu.dma_semaphore, #tpu.memory_space<semaphore_mem>>)
      %dma_wait3A = arith.constant 0 : i32
      %dma_wait3A_56 = tpu.memref_slice %arg12[%add3A_8, %dma_wait3A] : memref<10000x128xf32, #tpu.memory_space<vmem_shared>> -> memref<78x128xf32, #tpu.memory_space<vmem_shared>>
      %dma_wait3A_57 = arith.constant 0 : i32
      %dma_wait3A_58 = tpu.memref_slice %arg12[%add3A_8, %dma_wait3A_57] : memref<10000x128xf32, #tpu.memory_space<vmem_shared>> -> memref<78x128xf32, #tpu.memory_space<vmem_shared>>
      tpu.wait_dma2 semaphore(%run_scoped3A : memref<!tpu.dma_semaphore, #tpu.memory_space<semaphore_mem>>) src(%arg11 : memref<78x128xf32, #tpu.memory_space<vmem>>) dst(%dma_wait3A_58 : memref<78x128xf32, #tpu.memory_space<vmem_shared>>)
      tpu.yield
    }) : () -> ()
    %add3A_9 = arith.constant 78 : i32
    %add3A_10 = arith.addi %mul3A_7, %add3A_9 : i32
    "tpu.region"() ({
      %run_scoped3A = tpu.sem_alloc : memref<!tpu.dma_semaphore, #tpu.memory_space<semaphore_mem>>
      %dma_start3A = arith.constant 0 : i32
      %dma_start3A_53 = tpu.memref_slice %arg12[%add3A_10, %dma_start3A] : memref<10000x128xf32, #tpu.memory_space<vmem_shared>> -> memref<78x128xf32, #tpu.memory_space<vmem_shared>>
      %dma_start3A_54 = arith.constant 0 : i32
      %dma_start3A_55 = tpu.memref_slice %arg12[%add3A_10, %dma_start3A_54] : memref<10000x128xf32, #tpu.memory_space<vmem_shared>> -> memref<78x128xf32, #tpu.memory_space<vmem_shared>>
      tpu.enqueue_dma source(%arg11 : memref<78x128xf32, #tpu.memory_space<vmem>>) target(%dma_start3A_55 : memref<78x128xf32, #tpu.memory_space<vmem_shared>>) target_semaphore(%run_scoped3A : memref<!tpu.dma_semaphore, #tpu.memory_space<semaphore_mem>>)
      %dma_wait3A = arith.constant 0 : i32
      %dma_wait3A_56 = tpu.memref_slice %arg12[%add3A_10, %dma_wait3A] : memref<10000x128xf32, #tpu.memory_space<vmem_shared>> -> memref<78x128xf32, #tpu.memory_space<vmem_shared>>
      %dma_wait3A_57 = arith.constant 0 : i32
      %dma_wait3A_58 = tpu.memref_slice %arg12[%add3A_10, %dma_wait3A_57] : memref<10000x128xf32, #tpu.memory_space<vmem_shared>> -> memref<78x128xf32, #tpu.memory_space<vmem_shared>>
      tpu.wait_dma2 semaphore(%run_scoped3A : memref<!tpu.dma_semaphore, #tpu.memory_space<semaphore_mem>>) src(%arg11 : memref<78x128xf32, #tpu.memory_space<vmem>>) dst(%dma_wait3A_58 : memref<78x128xf32, #tpu.memory_space<vmem_shared>>)
      tpu.yield
    }) : () -> ()
    %add3A_11 = arith.constant 156 : i32
    %add3A_12 = arith.addi %mul3A_7, %add3A_11 : i32
    "tpu.region"() ({
      %run_scoped3A = tpu.sem_alloc : memref<!tpu.dma_semaphore, #tpu.memory_space<semaphore_mem>>
      %dma_start3A = arith.constant 0 : i32
      %dma_start3A_53 = tpu.memref_slice %arg12[%add3A_12, %dma_start3A] : memref<10000x128xf32, #tpu.memory_space<vmem_shared>> -> memref<78x128xf32, #tpu.memory_space<vmem_shared>>
      %dma_start3A_54 = arith.constant 0 : i32
      %dma_start3A_55 = tpu.memref_slice %arg12[%add3A_12, %dma_start3A_54] : memref<10000x128xf32, #tpu.memory_space<vmem_shared>> -> memref<78x128xf32, #tpu.memory_space<vmem_shared>>
      tpu.enqueue_dma source(%arg11 : memref<78x128xf32, #tpu.memory_space<vmem>>) target(%dma_start3A_55 : memref<78x128xf32, #tpu.memory_space<vmem_shared>>) target_semaphore(%run_scoped3A : memref<!tpu.dma_semaphore, #tpu.memory_space<semaphore_mem>>)
      %dma_wait3A = arith.constant 0 : i32
      %dma_wait3A_56 = tpu.memref_slice %arg12[%add3A_12, %dma_wait3A] : memref<10000x128xf32, #tpu.memory_space<vmem_shared>> -> memref<78x128xf32, #tpu.memory_space<vmem_shared>>
      %dma_wait3A_57 = arith.constant 0 : i32
      %dma_wait3A_58 = tpu.memref_slice %arg12[%add3A_12, %dma_wait3A_57] : memref<10000x128xf32, #tpu.memory_space<vmem_shared>> -> memref<78x128xf32, #tpu.memory_space<vmem_shared>>
      tpu.wait_dma2 semaphore(%run_scoped3A : memref<!tpu.dma_semaphore, #tpu.memory_space<semaphore_mem>>) src(%arg11 : memref<78x128xf32, #tpu.memory_space<vmem>>) dst(%dma_wait3A_58 : memref<78x128xf32, #tpu.memory_space<vmem_shared>>)
      tpu.yield
    }) : () -> ()
    %add3A_13 = arith.constant 234 : i32
    %add3A_14 = arith.addi %mul3A_7, %add3A_13 : i32
    "tpu.region"() ({
      %run_scoped3A = tpu.sem_alloc : memref<!tpu.dma_semaphore, #tpu.memory_space<semaphore_mem>>
      %dma_start3A = arith.constant 0 : i32
      %dma_start3A_53 = tpu.memref_slice %arg12[%add3A_14, %dma_start3A] : memref<10000x128xf32, #tpu.memory_space<vmem_shared>> -> memref<78x128xf32, #tpu.memory_space<vmem_shared>>
      %dma_start3A_54 = arith.constant 0 : i32
      %dma_start3A_55 = tpu.memref_slice %arg12[%add3A_14, %dma_start3A_54] : memref<10000x128xf32, #tpu.memory_space<vmem_shared>> -> memref<78x128xf32, #tpu.memory_space<vmem_shared>>
      tpu.enqueue_dma source(%arg11 : memref<78x128xf32, #tpu.memory_space<vmem>>) target(%dma_start3A_55 : memref<78x128xf32, #tpu.memory_space<vmem_shared>>) target_semaphore(%run_scoped3A : memref<!tpu.dma_semaphore, #tpu.memory_space<semaphore_mem>>)
      %dma_wait3A = arith.constant 0 : i32
      %dma_wait3A_56 = tpu.memref_slice %arg12[%add3A_14, %dma_wait3A] : memref<10000x128xf32, #tpu.memory_space<vmem_shared>> -> memref<78x128xf32, #tpu.memory_space<vmem_shared>>
      %dma_wait3A_57 = arith.constant 0 : i32
      %dma_wait3A_58 = tpu.memref_slice %arg12[%add3A_14, %dma_wait3A_57] : memref<10000x128xf32, #tpu.memory_space<vmem_shared>> -> memref<78x128xf32, #tpu.memory_space<vmem_shared>>
      tpu.wait_dma2 semaphore(%run_scoped3A : memref<!tpu.dma_semaphore, #tpu.memory_space<semaphore_mem>>) src(%arg11 : memref<78x128xf32, #tpu.memory_space<vmem>>) dst(%dma_wait3A_58 : memref<78x128xf32, #tpu.memory_space<vmem_shared>>)
      tpu.yield
    }) : () -> ()
    %add3A_15 = arith.constant 312 : i32
    %add3A_16 = arith.addi %mul3A_7, %add3A_15 : i32
    "tpu.region"() ({
      %run_scoped3A = tpu.sem_alloc : memref<!tpu.dma_semaphore, #tpu.memory_space<semaphore_mem>>
      %dma_start3A = arith.constant 0 : i32
      %dma_start3A_53 = tpu.memref_slice %arg12[%add3A_16, %dma_start3A] : memref<10000x128xf32, #tpu.memory_space<vmem_shared>> -> memref<78x128xf32, #tpu.memory_space<vmem_shared>>
      %dma_start3A_54 = arith.constant 0 : i32
      %dma_start3A_55 = tpu.memref_slice %arg12[%add3A_16, %dma_start3A_54] : memref<10000x128xf32, #tpu.memory_space<vmem_shared>> -> memref<78x128xf32, #tpu.memory_space<vmem_shared>>
      tpu.enqueue_dma source(%arg11 : memref<78x128xf32, #tpu.memory_space<vmem>>) target(%dma_start3A_55 : memref<78x128xf32, #tpu.memory_space<vmem_shared>>) target_semaphore(%run_scoped3A : memref<!tpu.dma_semaphore, #tpu.memory_space<semaphore_mem>>)
      %dma_wait3A = arith.constant 0 : i32
      %dma_wait3A_56 = tpu.memref_slice %arg12[%add3A_16, %dma_wait3A] : memref<10000x128xf32, #tpu.memory_space<vmem_shared>> -> memref<78x128xf32, #tpu.memory_space<vmem_shared>>
      %dma_wait3A_57 = arith.constant 0 : i32
      %dma_wait3A_58 = tpu.memref_slice %arg12[%add3A_16, %dma_wait3A_57] : memref<10000x128xf32, #tpu.memory_space<vmem_shared>> -> memref<78x128xf32, #tpu.memory_space<vmem_shared>>
      tpu.wait_dma2 semaphore(%run_scoped3A : memref<!tpu.dma_semaphore, #tpu.memory_space<semaphore_mem>>) src(%arg11 : memref<78x128xf32, #tpu.memory_space<vmem>>) dst(%dma_wait3A_58 : memref<78x128xf32, #tpu.memory_space<vmem_shared>>)
      tpu.yield
    }) : () -> ()
    %add3A_17 = arith.constant 390 : i32
    %add3A_18 = arith.addi %mul3A_7, %add3A_17 : i32
    "tpu.region"() ({
      %run_scoped3A = tpu.sem_alloc : memref<!tpu.dma_semaphore, #tpu.memory_space<semaphore_mem>>
      %dma_start3A = arith.constant 0 : i32
      %dma_start3A_53 = tpu.memref_slice %arg12[%add3A_18, %dma_start3A] : memref<10000x128xf32, #tpu.memory_space<vmem_shared>> -> memref<78x128xf32, #tpu.memory_space<vmem_shared>>
      %dma_start3A_54 = arith.constant 0 : i32
      %dma_start3A_55 = tpu.memref_slice %arg12[%add3A_18, %dma_start3A_54] : memref<10000x128xf32, #tpu.memory_space<vmem_shared>> -> memref<78x128xf32, #tpu.memory_space<vmem_shared>>
      tpu.enqueue_dma source(%arg11 : memref<78x128xf32, #tpu.memory_space<vmem>>) target(%dma_start3A_55 : memref<78x128xf32, #tpu.memory_space<vmem_shared>>) target_semaphore(%run_scoped3A : memref<!tpu.dma_semaphore, #tpu.memory_space<semaphore_mem>>)
      %dma_wait3A = arith.constant 0 : i32
      %dma_wait3A_56 = tpu.memref_slice %arg12[%add3A_18, %dma_wait3A] : memref<10000x128xf32, #tpu.memory_space<vmem_shared>> -> memref<78x128xf32, #tpu.memory_space<vmem_shared>>
      %dma_wait3A_57 = arith.constant 0 : i32
      %dma_wait3A_58 = tpu.memref_slice %arg12[%add3A_18, %dma_wait3A_57] : memref<10000x128xf32, #tpu.memory_space<vmem_shared>> -> memref<78x128xf32, #tpu.memory_space<vmem_shared>>
      tpu.wait_dma2 semaphore(%run_scoped3A : memref<!tpu.dma_semaphore, #tpu.memory_space<semaphore_mem>>) src(%arg11 : memref<78x128xf32, #tpu.memory_space<vmem>>) dst(%dma_wait3A_58 : memref<78x128xf32, #tpu.memory_space<vmem_shared>>)
      tpu.yield
    }) : () -> ()
    %add3A_19 = arith.constant 468 : i32
    %add3A_20 = arith.addi %mul3A_7, %add3A_19 : i32
    "tpu.region"() ({
      %run_scoped3A = tpu.sem_alloc : memref<!tpu.dma_semaphore, #tpu.memory_space<semaphore_mem>>
      %dma_start3A = arith.constant 0 : i32
      %dma_start3A_53 = tpu.memref_slice %arg12[%add3A_20, %dma_start3A] : memref<10000x128xf32, #tpu.memory_space<vmem_shared>> -> memref<78x128xf32, #tpu.memory_space<vmem_shared>>
      %dma_start3A_54 = arith.constant 0 : i32
      %dma_start3A_55 = tpu.memref_slice %arg12[%add3A_20, %dma_start3A_54] : memref<10000x128xf32, #tpu.memory_space<vmem_shared>> -> memref<78x128xf32, #tpu.memory_space<vmem_shared>>
      tpu.enqueue_dma source(%arg11 : memref<78x128xf32, #tpu.memory_space<vmem>>) target(%dma_start3A_55 : memref<78x128xf32, #tpu.memory_space<vmem_shared>>) target_semaphore(%run_scoped3A : memref<!tpu.dma_semaphore, #tpu.memory_space<semaphore_mem>>)
      %dma_wait3A = arith.constant 0 : i32
      %dma_wait3A_56 = tpu.memref_slice %arg12[%add3A_20, %dma_wait3A] : memref<10000x128xf32, #tpu.memory_space<vmem_shared>> -> memref<78x128xf32, #tpu.memory_space<vmem_shared>>
      %dma_wait3A_57 = arith.constant 0 : i32
      %dma_wait3A_58 = tpu.memref_slice %arg12[%add3A_20, %dma_wait3A_57] : memref<10000x128xf32, #tpu.memory_space<vmem_shared>> -> memref<78x128xf32, #tpu.memory_space<vmem_shared>>
      tpu.wait_dma2 semaphore(%run_scoped3A : memref<!tpu.dma_semaphore, #tpu.memory_space<semaphore_mem>>) src(%arg11 : memref<78x128xf32, #tpu.memory_space<vmem>>) dst(%dma_wait3A_58 : memref<78x128xf32, #tpu.memory_space<vmem_shared>>)
      tpu.yield
    }) : () -> ()
    %add3A_21 = arith.constant 546 : i32
    %add3A_22 = arith.addi %mul3A_7, %add3A_21 : i32
    "tpu.region"() ({
      %run_scoped3A = tpu.sem_alloc : memref<!tpu.dma_semaphore, #tpu.memory_space<semaphore_mem>>
      %dma_start3A = arith.constant 0 : i32
      %dma_start3A_53 = tpu.memref_slice %arg12[%add3A_22, %dma_start3A] : memref<10000x128xf32, #tpu.memory_space<vmem_shared>> -> memref<78x128xf32, #tpu.memory_space<vmem_shared>>
      %dma_start3A_54 = arith.constant 0 : i32
      %dma_start3A_55 = tpu.memref_slice %arg12[%add3A_22, %dma_start3A_54] : memref<10000x128xf32, #tpu.memory_space<vmem_shared>> -> memref<78x128xf32, #tpu.memory_space<vmem_shared>>
      tpu.enqueue_dma source(%arg11 : memref<78x128xf32, #tpu.memory_space<vmem>>) target(%dma_start3A_55 : memref<78x128xf32, #tpu.memory_space<vmem_shared>>) target_semaphore(%run_scoped3A : memref<!tpu.dma_semaphore, #tpu.memory_space<semaphore_mem>>)
      %dma_wait3A = arith.constant 0 : i32
      %dma_wait3A_56 = tpu.memref_slice %arg12[%add3A_22, %dma_wait3A] : memref<10000x128xf32, #tpu.memory_space<vmem_shared>> -> memref<78x128xf32, #tpu.memory_space<vmem_shared>>
      %dma_wait3A_57 = arith.constant 0 : i32
      %dma_wait3A_58 = tpu.memref_slice %arg12[%add3A_22, %dma_wait3A_57] : memref<10000x128xf32, #tpu.memory_space<vmem_shared>> -> memref<78x128xf32, #tpu.memory_space<vmem_shared>>
      tpu.wait_dma2 semaphore(%run_scoped3A : memref<!tpu.dma_semaphore, #tpu.memory_space<semaphore_mem>>) src(%arg11 : memref<78x128xf32, #tpu.memory_space<vmem>>) dst(%dma_wait3A_58 : memref<78x128xf32, #tpu.memory_space<vmem_shared>>)
      tpu.yield
    }) : () -> ()
    %eq3A = arith.constant 15 : i32
    %eq3A_23 = arith.cmpi eq, %arg1, %eq3A : i32
    %convert_element_type3A = arith.extui %eq3A_23 : i1 to i32
    %cond3A = arith.constant 0 : i32
    %cond3A_24 = arith.cmpi ne, %convert_element_type3A, %cond3A : i32
    scf.if %cond3A_24 {
      "tpu.region"() ({
        %run_scoped3A = tpu.sem_alloc : memref<!tpu.dma_semaphore, #tpu.memory_space<semaphore_mem>>
        %dma_start3A = arith.constant 0 : i32
        %dma_start3A_53 = arith.constant 0 : i32
        %dma_start3A_54 = tpu.memref_slice %arg11[%dma_start3A, %dma_start3A_53] : memref<78x128xf32, #tpu.memory_space<vmem>> -> memref<16x128xf32, #tpu.memory_space<vmem>>
        %dma_start3A_55 = arith.constant 9984 : i32
        %dma_start3A_56 = arith.constant 0 : i32
        %dma_start3A_57 = tpu.memref_slice %arg12[%dma_start3A_55, %dma_start3A_56] : memref<10000x128xf32, #tpu.memory_space<vmem_shared>> -> memref<16x128xf32, #tpu.memory_space<vmem_shared>>
        %dma_start3A_58 = arith.constant 9984 : i32
        %dma_start3A_59 = arith.constant 0 : i32
        %dma_start3A_60 = tpu.memref_slice %arg12[%dma_start3A_58, %dma_start3A_59] : memref<10000x128xf32, #tpu.memory_space<vmem_shared>> -> memref<16x128xf32, #tpu.memory_space<vmem_shared>>
        %dma_start3A_61 = arith.constant 0 : i32
        %dma_start3A_62 = arith.constant 0 : i32
        %dma_start3A_63 = tpu.memref_slice %arg11[%dma_start3A_61, %dma_start3A_62] : memref<78x128xf32, #tpu.memory_space<vmem>> -> memref<16x128xf32, #tpu.memory_space<vmem>>
        tpu.enqueue_dma source(%dma_start3A_63 : memref<16x128xf32, #tpu.memory_space<vmem>>) target(%dma_start3A_60 : memref<16x128xf32, #tpu.memory_space<vmem_shared>>) target_semaphore(%run_scoped3A : memref<!tpu.dma_semaphore, #tpu.memory_space<semaphore_mem>>)
        %dma_wait3A = arith.constant 0 : i32
        %dma_wait3A_64 = arith.constant 0 : i32
        %dma_wait3A_65 = tpu.memref_slice %arg11[%dma_wait3A, %dma_wait3A_64] : memref<78x128xf32, #tpu.memory_space<vmem>> -> memref<16x128xf32, #tpu.memory_space<vmem>>
        %dma_wait3A_66 = arith.constant 9984 : i32
        %dma_wait3A_67 = arith.constant 0 : i32
        %dma_wait3A_68 = tpu.memref_slice %arg12[%dma_wait3A_66, %dma_wait3A_67] : memref<10000x128xf32, #tpu.memory_space<vmem_shared>> -> memref<16x128xf32, #tpu.memory_space<vmem_shared>>
        %dma_wait3A_69 = arith.constant 9984 : i32
        %dma_wait3A_70 = arith.constant 0 : i32
        %dma_wait3A_71 = tpu.memref_slice %arg12[%dma_wait3A_69, %dma_wait3A_70] : memref<10000x128xf32, #tpu.memory_space<vmem_shared>> -> memref<16x128xf32, #tpu.memory_space<vmem_shared>>
        %dma_wait3A_72 = arith.constant 0 : i32
        %dma_wait3A_73 = arith.constant 0 : i32
        %dma_wait3A_74 = tpu.memref_slice %arg11[%dma_wait3A_72, %dma_wait3A_73] : memref<78x128xf32, #tpu.memory_space<vmem>> -> memref<16x128xf32, #tpu.memory_space<vmem>>
        tpu.wait_dma2 semaphore(%run_scoped3A : memref<!tpu.dma_semaphore, #tpu.memory_space<semaphore_mem>>) src(%dma_wait3A_74 : memref<16x128xf32, #tpu.memory_space<vmem>>) dst(%dma_wait3A_71 : memref<16x128xf32, #tpu.memory_space<vmem_shared>>)
        tpu.yield
      }) : () -> ()
    } else {
    }
    %mul3A_25 = arith.constant 20000 : i32
    %mul3A_26 = arith.muli %arg1, %mul3A_25 : i32
    "tpu.region"() ({
      %run_scoped3A = tpu.sem_alloc : memref<!tpu.dma_semaphore, #tpu.memory_space<semaphore_mem>>
      %dma_start3A = tpu.memref_slice %arg4[%mul3A_26] : memref<320000xi32, #tpu.memory_space<hbm>> -> memref<20000xi32, #tpu.memory_space<hbm>>
      %dma_start3A_53 = tpu.memref_slice %arg4[%mul3A_26] : memref<320000xi32, #tpu.memory_space<hbm>> -> memref<20000xi32, #tpu.memory_space<hbm>>
      tpu.enqueue_dma source(%dma_start3A_53 : memref<20000xi32, #tpu.memory_space<hbm>>) target(%arg6 : memref<20000xi32, #tpu.memory_space<vmem>>) target_semaphore(%run_scoped3A : memref<!tpu.dma_semaphore, #tpu.memory_space<semaphore_mem>>)
      %dma_wait3A = tpu.memref_slice %arg4[%mul3A_26] : memref<320000xi32, #tpu.memory_space<hbm>> -> memref<20000xi32, #tpu.memory_space<hbm>>
      %dma_wait3A_54 = tpu.memref_slice %arg4[%mul3A_26] : memref<320000xi32, #tpu.memory_space<hbm>> -> memref<20000xi32, #tpu.memory_space<hbm>>
      tpu.wait_dma2 semaphore(%run_scoped3A : memref<!tpu.dma_semaphore, #tpu.memory_space<semaphore_mem>>) src(%dma_wait3A_54 : memref<20000xi32, #tpu.memory_space<hbm>>) dst(%arg6 : memref<20000xi32, #tpu.memory_space<vmem>>)
      tpu.yield
    }) : () -> ()
    %barrier3A = arith.constant 0 : index
    tpu.barrier barrier_id(%barrier3A)
    %eq3A_27 = arith.constant 0 : i32
    %eq3A_28 = arith.cmpi eq, %arg0, %eq3A_27 : i32
    %convert_element_type3A_29 = arith.extui %eq3A_28 : i1 to i32
    %cond3A_30 = arith.constant 0 : i32
    %cond3A_31 = arith.cmpi ne, %convert_element_type3A_29, %cond3A_30 : i32
    scf.if %cond3A_31 {
      %add3A_53 = arith.constant 0 : i32
      %add3A_54 = arith.addi %mul3A_26, %add3A_53 : i32
      %dma_start3A = arith.constant 0 : i32
      %dma_start3A_55 = tpu.memref_slice %arg2[%add3A_54, %dma_start3A] : memref<320000x128xf32, #tpu.memory_space<hbm>> -> memref<80x128xf32, #tpu.memory_space<hbm>>
      %dma_start3A_56 = arith.constant 0 : i32
      %dma_start3A_57 = tpu.memref_slice %arg2[%add3A_54, %dma_start3A_56] : memref<320000x128xf32, #tpu.memory_space<hbm>> -> memref<80x128xf32, #tpu.memory_space<hbm>>
      tpu.enqueue_dma source(%dma_start3A_57 : memref<80x128xf32, #tpu.memory_space<hbm>>) target(%arg9 : memref<80x128xf32, #tpu.memory_space<vmem>>) target_semaphore(%arg13 : memref<!tpu.dma_semaphore, #tpu.memory_space<semaphore_mem>>)
    } else {
    }
    %eq3A_32 = arith.constant 1 : i32
    %eq3A_33 = arith.cmpi eq, %arg0, %eq3A_32 : i32
    %convert_element_type3A_34 = arith.extui %eq3A_33 : i1 to i32
    %cond3A_35 = arith.constant 0 : i32
    %cond3A_36 = arith.cmpi ne, %convert_element_type3A_34, %cond3A_35 : i32
    scf.if %cond3A_36 {
      %add3A_53 = arith.constant 0 : i32
      %add3A_54 = arith.addi %mul3A_26, %add3A_53 : i32
      %dma_start3A = arith.constant 0 : i32
      %dma_start3A_55 = tpu.memref_slice %arg3[%add3A_54, %dma_start3A] : memref<320000x128xf32, #tpu.memory_space<hbm>> -> memref<80x128xf32, #tpu.memory_space<hbm>>
      %dma_start3A_56 = arith.constant 0 : i32
      %dma_start3A_57 = tpu.memref_slice %arg3[%add3A_54, %dma_start3A_56] : memref<320000x128xf32, #tpu.memory_space<hbm>> -> memref<80x128xf32, #tpu.memory_space<hbm>>
      tpu.enqueue_dma source(%dma_start3A_57 : memref<80x128xf32, #tpu.memory_space<hbm>>) target(%arg9 : memref<80x128xf32, #tpu.memory_space<vmem>>) target_semaphore(%arg13 : memref<!tpu.dma_semaphore, #tpu.memory_space<semaphore_mem>>)
    } else {
    }
    %scan3A_37 = arith.constant 0 : i32
    %scan3A_38 = arith.constant 0 : i32
    %scan3A_39 = arith.constant 125 : i32
    %scan3A_40 = arith.addi %scan3A_38, %scan3A_39 : i32
    %scan3A_41 = arith.constant 1 : i32
    %scan3A_42 = scf.for %scan3A_53 = %scan3A_38 to %scan3A_40 step %scan3A_41 iter_args(%scan3A_54 = %scan3A_37) -> (i32)  : i32 {
      %mul3A_55 = arith.constant 2 : i32
      %mul3A_56 = arith.muli %mul3A_55, %scan3A_53 : i32
      %mul3A_57 = arith.constant 80 : i32
      %mul3A_58 = arith.muli %mul3A_56, %mul3A_57 : i32
      %mul3A_59 = arith.constant 2 : i32
      %mul3A_60 = arith.muli %mul3A_59, %scan3A_53 : i32
      %add3A_61 = arith.constant 1 : i32
      %add3A_62 = arith.addi %mul3A_60, %add3A_61 : i32
      %mul3A_63 = arith.constant 80 : i32
      %mul3A_64 = arith.muli %add3A_62, %mul3A_63 : i32
      %eq3A_65 = arith.constant 0 : i32
      %eq3A_66 = arith.cmpi eq, %arg0, %eq3A_65 : i32
      %convert_element_type3A_67 = arith.extui %eq3A_66 : i1 to i32
      %cond3A_68 = arith.constant 0 : i32
      %cond3A_69 = arith.cmpi ne, %convert_element_type3A_67, %cond3A_68 : i32
      scf.if %cond3A_69 {
        %add3A_149 = arith.addi %mul3A_26, %mul3A_64 : i32
        %dma_start3A = arith.constant 0 : i32
        %dma_start3A_150 = tpu.memref_slice %arg2[%add3A_149, %dma_start3A] : memref<320000x128xf32, #tpu.memory_space<hbm>> -> memref<80x128xf32, #tpu.memory_space<hbm>>
        %dma_start3A_151 = arith.constant 0 : i32
        %dma_start3A_152 = tpu.memref_slice %arg2[%add3A_149, %dma_start3A_151] : memref<320000x128xf32, #tpu.memory_space<hbm>> -> memref<80x128xf32, #tpu.memory_space<hbm>>
        tpu.enqueue_dma source(%dma_start3A_152 : memref<80x128xf32, #tpu.memory_space<hbm>>) target(%arg10 : memref<80x128xf32, #tpu.memory_space<vmem>>) target_semaphore(%arg14 : memref<!tpu.dma_semaphore, #tpu.memory_space<semaphore_mem>>)
      } else {
      }
      %eq3A_70 = arith.constant 1 : i32
      %eq3A_71 = arith.cmpi eq, %arg0, %eq3A_70 : i32
      %convert_element_type3A_72 = arith.extui %eq3A_71 : i1 to i32
      %cond3A_73 = arith.constant 0 : i32
      %cond3A_74 = arith.cmpi ne, %convert_element_type3A_72, %cond3A_73 : i32
      scf.if %cond3A_74 {
        %add3A_149 = arith.addi %mul3A_26, %mul3A_64 : i32
        %dma_start3A = arith.constant 0 : i32
        %dma_start3A_150 = tpu.memref_slice %arg3[%add3A_149, %dma_start3A] : memref<320000x128xf32, #tpu.memory_space<hbm>> -> memref<80x128xf32, #tpu.memory_space<hbm>>
        %dma_start3A_151 = arith.constant 0 : i32
        %dma_start3A_152 = tpu.memref_slice %arg3[%add3A_149, %dma_start3A_151] : memref<320000x128xf32, #tpu.memory_space<hbm>> -> memref<80x128xf32, #tpu.memory_space<hbm>>
        tpu.enqueue_dma source(%dma_start3A_152 : memref<80x128xf32, #tpu.memory_space<hbm>>) target(%arg10 : memref<80x128xf32, #tpu.memory_space<vmem>>) target_semaphore(%arg14 : memref<!tpu.dma_semaphore, #tpu.memory_space<semaphore_mem>>)
      } else {
      }
      %dma_wait3A = arith.constant 0 : i32
      %dma_wait3A_75 = arith.constant 0 : i32
      %dma_wait3A_76 = tpu.memref_slice %arg2[%dma_wait3A, %dma_wait3A_75] : memref<320000x128xf32, #tpu.memory_space<hbm>> -> memref<80x128xf32, #tpu.memory_space<hbm>>
      %dma_wait3A_77 = arith.constant 0 : i32
      %dma_wait3A_78 = arith.constant 0 : i32
      %dma_wait3A_79 = tpu.memref_slice %arg2[%dma_wait3A_77, %dma_wait3A_78] : memref<320000x128xf32, #tpu.memory_space<hbm>> -> memref<80x128xf32, #tpu.memory_space<hbm>>
      tpu.wait_dma2 semaphore(%arg13 : memref<!tpu.dma_semaphore, #tpu.memory_space<semaphore_mem>>) src(%dma_wait3A_79 : memref<80x128xf32, #tpu.memory_space<hbm>>) dst(%arg9 : memref<80x128xf32, #tpu.memory_space<vmem>>)
      %add3A_80 = arith.constant 0 : i32
      %add3A_81 = arith.addi %mul3A_58, %add3A_80 : i32
      %get3A = arith.index_cast %add3A_81 : i32 to index
      %get3A_82 = tpu.vector_load %arg6[%get3A] {strides = array<i32>} : memref<20000xi32, #tpu.memory_space<vmem>>, vector<16xi32>,
      %swap3A = arith.constant 0 : index
      %swap3A_83 = tpu.vector_load %arg7[%swap3A] {strides = array<i32>} : memref<80xi32, #tpu.memory_space<vmem>>, vector<16xi32>,
      tpu.vector_store %arg7[%swap3A], %get3A_82 {strides = array<i32>} : memref<80xi32, #tpu.memory_space<vmem>>, vector<16xi32>,
      %add3A_84 = arith.constant 16 : i32
      %add3A_85 = arith.addi %mul3A_58, %add3A_84 : i32
      %get3A_86 = arith.index_cast %add3A_85 : i32 to index
      %get3A_87 = tpu.vector_load %arg6[%get3A_86] {strides = array<i32>} : memref<20000xi32, #tpu.memory_space<vmem>>, vector<16xi32>,
      %swap3A_88 = arith.constant 16 : index
      %swap3A_89 = tpu.vector_load %arg7[%swap3A_88] {strides = array<i32>} : memref<80xi32, #tpu.memory_space<vmem>>, vector<16xi32>,
      tpu.vector_store %arg7[%swap3A_88], %get3A_87 {strides = array<i32>} : memref<80xi32, #tpu.memory_space<vmem>>, vector<16xi32>,
      %add3A_90 = arith.constant 32 : i32
      %add3A_91 = arith.addi %mul3A_58, %add3A_90 : i32
      %get3A_92 = arith.index_cast %add3A_91 : i32 to index
      %get3A_93 = tpu.vector_load %arg6[%get3A_92] {strides = array<i32>} : memref<20000xi32, #tpu.memory_space<vmem>>, vector<16xi32>,
      %swap3A_94 = arith.constant 32 : index
      %swap3A_95 = tpu.vector_load %arg7[%swap3A_94] {strides = array<i32>} : memref<80xi32, #tpu.memory_space<vmem>>, vector<16xi32>,
      tpu.vector_store %arg7[%swap3A_94], %get3A_93 {strides = array<i32>} : memref<80xi32, #tpu.memory_space<vmem>>, vector<16xi32>,
      %add3A_96 = arith.constant 48 : i32
      %add3A_97 = arith.addi %mul3A_58, %add3A_96 : i32
      %get3A_98 = arith.index_cast %add3A_97 : i32 to index
      %get3A_99 = tpu.vector_load %arg6[%get3A_98] {strides = array<i32>} : memref<20000xi32, #tpu.memory_space<vmem>>, vector<16xi32>,
      %swap3A_100 = arith.constant 48 : index
      %swap3A_101 = tpu.vector_load %arg7[%swap3A_100] {strides = array<i32>} : memref<80xi32, #tpu.memory_space<vmem>>, vector<16xi32>,
      tpu.vector_store %arg7[%swap3A_100], %get3A_99 {strides = array<i32>} : memref<80xi32, #tpu.memory_space<vmem>>, vector<16xi32>,
      %add3A_102 = arith.constant 64 : i32
      %add3A_103 = arith.addi %mul3A_58, %add3A_102 : i32
      %get3A_104 = arith.index_cast %add3A_103 : i32 to index
      %get3A_105 = tpu.vector_load %arg6[%get3A_104] {strides = array<i32>} : memref<20000xi32, #tpu.memory_space<vmem>>, vector<16xi32>,
      %swap3A_106 = arith.constant 64 : index
      %swap3A_107 = tpu.vector_load %arg7[%swap3A_106] {strides = array<i32>} : memref<80xi32, #tpu.memory_space<vmem>>, vector<16xi32>,
      tpu.vector_store %arg7[%swap3A_106], %get3A_105 {strides = array<i32>} : memref<80xi32, #tpu.memory_space<vmem>>, vector<16xi32>,
      "tpu.region"() ({
        %run_scoped3A = tpu.sem_alloc : memref<!tpu.dma_semaphore, #tpu.memory_space<semaphore_mem>>
        %dma_start3A = arith.constant 0 : i32
        %dma_start3A_149 = arith.constant 0 : i32
        %dma_start3A_150 = tpu.memref_slice %arg12[%dma_start3A, %dma_start3A_149] : memref<10000x128xf32, #tpu.memory_space<vmem_shared>> -> memref<10000x128xf32, #tpu.memory_space<vmem_shared>>
        tpu.enqueue_indirect_dma source(%arg9 : memref<80x128xf32, #tpu.memory_space<vmem>>) target(%dma_start3A_150 : memref<10000x128xf32, #tpu.memory_space<vmem_shared>>) offsets(%arg7 : memref<80xi32, #tpu.memory_space<vmem>>) semaphore(%run_scoped3A : memref<!tpu.dma_semaphore, #tpu.memory_space<semaphore_mem>>) {add = true}
        %dma_wait3A_151 = arith.constant 0 : i32
        %dma_wait3A_152 = arith.constant 0 : i32
        %dma_wait3A_153 = tpu.memref_slice %arg12[%dma_wait3A_151, %dma_wait3A_152] : memref<10000x128xf32, #tpu.memory_space<vmem_shared>> -> memref<10000x128xf32, #tpu.memory_space<vmem_shared>>
        tpu.wait_indirect_dma semaphore(%run_scoped3A : memref<!tpu.dma_semaphore, #tpu.memory_space<semaphore_mem>>) src(%arg9 : memref<80x128xf32, #tpu.memory_space<vmem>>) dst(%dma_wait3A_153 : memref<10000x128xf32, #tpu.memory_space<vmem_shared>>)
        tpu.yield
      }) : () -> ()
      %lt3A = arith.constant 124 : i32
      %lt3A_108 = arith.cmpi slt, %scan3A_53, %lt3A : i32
      %convert_element_type3A_109 = arith.extui %lt3A_108 : i1 to i32
      %cond3A_110 = arith.constant 0 : i32
      %cond3A_111 = arith.cmpi ne, %convert_element_type3A_109, %cond3A_110 : i32
      scf.if %cond3A_111 {
        %mul3A_149 = arith.constant 2 : i32
        %mul3A_150 = arith.muli %mul3A_149, %scan3A_53 : i32
        %add3A_151 = arith.constant 2 : i32
        %add3A_152 = arith.addi %mul3A_150, %add3A_151 : i32
        %mul3A_153 = arith.constant 80 : i32
        %mul3A_154 = arith.muli %add3A_152, %mul3A_153 : i32
        %eq3A_155 = arith.constant 0 : i32
        %eq3A_156 = arith.cmpi eq, %arg0, %eq3A_155 : i32
        %convert_element_type3A_157 = arith.extui %eq3A_156 : i1 to i32
        %cond3A_158 = arith.constant 0 : i32
        %cond3A_159 = arith.cmpi ne, %convert_element_type3A_157, %cond3A_158 : i32
        scf.if %cond3A_159 {
          %add3A_165 = arith.addi %mul3A_26, %mul3A_154 : i32
          %dma_start3A = arith.constant 0 : i32
          %dma_start3A_166 = tpu.memref_slice %arg2[%add3A_165, %dma_start3A] : memref<320000x128xf32, #tpu.memory_space<hbm>> -> memref<80x128xf32, #tpu.memory_space<hbm>>
          %dma_start3A_167 = arith.constant 0 : i32
          %dma_start3A_168 = tpu.memref_slice %arg2[%add3A_165, %dma_start3A_167] : memref<320000x128xf32, #tpu.memory_space<hbm>> -> memref<80x128xf32, #tpu.memory_space<hbm>>
          tpu.enqueue_dma source(%dma_start3A_168 : memref<80x128xf32, #tpu.memory_space<hbm>>) target(%arg9 : memref<80x128xf32, #tpu.memory_space<vmem>>) target_semaphore(%arg13 : memref<!tpu.dma_semaphore, #tpu.memory_space<semaphore_mem>>)
        } else {
        }
        %eq3A_160 = arith.constant 1 : i32
        %eq3A_161 = arith.cmpi eq, %arg0, %eq3A_160 : i32
        %convert_element_type3A_162 = arith.extui %eq3A_161 : i1 to i32
        %cond3A_163 = arith.constant 0 : i32
        %cond3A_164 = arith.cmpi ne, %convert_element_type3A_162, %cond3A_163 : i32
        scf.if %cond3A_164 {
          %add3A_165 = arith.addi %mul3A_26, %mul3A_154 : i32
          %dma_start3A = arith.constant 0 : i32
          %dma_start3A_166 = tpu.memref_slice %arg3[%add3A_165, %dma_start3A] : memref<320000x128xf32, #tpu.memory_space<hbm>> -> memref<80x128xf32, #tpu.memory_space<hbm>>
          %dma_start3A_167 = arith.constant 0 : i32
          %dma_start3A_168 = tpu.memref_slice %arg3[%add3A_165, %dma_start3A_167] : memref<320000x128xf32, #tpu.memory_space<hbm>> -> memref<80x128xf32, #tpu.memory_space<hbm>>
          tpu.enqueue_dma source(%dma_start3A_168 : memref<80x128xf32, #tpu.memory_space<hbm>>) target(%arg9 : memref<80x128xf32, #tpu.memory_space<vmem>>) target_semaphore(%arg13 : memref<!tpu.dma_semaphore, #tpu.memory_space<semaphore_mem>>)
        } else {
        }
      } else {
      }
      %dma_wait3A_112 = arith.constant 0 : i32
      %dma_wait3A_113 = arith.constant 0 : i32
      %dma_wait3A_114 = tpu.memref_slice %arg2[%dma_wait3A_112, %dma_wait3A_113] : memref<320000x128xf32, #tpu.memory_space<hbm>> -> memref<80x128xf32, #tpu.memory_space<hbm>>
      %dma_wait3A_115 = arith.constant 0 : i32
      %dma_wait3A_116 = arith.constant 0 : i32
      %dma_wait3A_117 = tpu.memref_slice %arg2[%dma_wait3A_115, %dma_wait3A_116] : memref<320000x128xf32, #tpu.memory_space<hbm>> -> memref<80x128xf32, #tpu.memory_space<hbm>>
      tpu.wait_dma2 semaphore(%arg14 : memref<!tpu.dma_semaphore, #tpu.memory_space<semaphore_mem>>) src(%dma_wait3A_117 : memref<80x128xf32, #tpu.memory_space<hbm>>) dst(%arg10 : memref<80x128xf32, #tpu.memory_space<vmem>>)
      %add3A_118 = arith.constant 0 : i32
      %add3A_119 = arith.addi %mul3A_64, %add3A_118 : i32
      %get3A_120 = arith.index_cast %add3A_119 : i32 to index
      %get3A_121 = tpu.vector_load %arg6[%get3A_120] {strides = array<i32>} : memref<20000xi32, #tpu.memory_space<vmem>>, vector<16xi32>,
      %swap3A_122 = arith.constant 0 : index
      %swap3A_123 = tpu.vector_load %arg8[%swap3A_122] {strides = array<i32>} : memref<80xi32, #tpu.memory_space<vmem>>, vector<16xi32>,
      tpu.vector_store %arg8[%swap3A_122], %get3A_121 {strides = array<i32>} : memref<80xi32, #tpu.memory_space<vmem>>, vector<16xi32>,
      %add3A_124 = arith.constant 16 : i32
      %add3A_125 = arith.addi %mul3A_64, %add3A_124 : i32
      %get3A_126 = arith.index_cast %add3A_125 : i32 to index
      %get3A_127 = tpu.vector_load %arg6[%get3A_126] {strides = array<i32>} : memref<20000xi32, #tpu.memory_space<vmem>>, vector<16xi32>,
      %swap3A_128 = arith.constant 16 : index
      %swap3A_129 = tpu.vector_load %arg8[%swap3A_128] {strides = array<i32>} : memref<80xi32, #tpu.memory_space<vmem>>, vector<16xi32>,
      tpu.vector_store %arg8[%swap3A_128], %get3A_127 {strides = array<i32>} : memref<80xi32, #tpu.memory_space<vmem>>, vector<16xi32>,
      %add3A_130 = arith.constant 32 : i32
      %add3A_131 = arith.addi %mul3A_64, %add3A_130 : i32
      %get3A_132 = arith.index_cast %add3A_131 : i32 to index
      %get3A_133 = tpu.vector_load %arg6[%get3A_132] {strides = array<i32>} : memref<20000xi32, #tpu.memory_space<vmem>>, vector<16xi32>,
      %swap3A_134 = arith.constant 32 : index
      %swap3A_135 = tpu.vector_load %arg8[%swap3A_134] {strides = array<i32>} : memref<80xi32, #tpu.memory_space<vmem>>, vector<16xi32>,
      tpu.vector_store %arg8[%swap3A_134], %get3A_133 {strides = array<i32>} : memref<80xi32, #tpu.memory_space<vmem>>, vector<16xi32>,
      %add3A_136 = arith.constant 48 : i32
      %add3A_137 = arith.addi %mul3A_64, %add3A_136 : i32
      %get3A_138 = arith.index_cast %add3A_137 : i32 to index
      %get3A_139 = tpu.vector_load %arg6[%get3A_138] {strides = array<i32>} : memref<20000xi32, #tpu.memory_space<vmem>>, vector<16xi32>,
      %swap3A_140 = arith.constant 48 : index
      %swap3A_141 = tpu.vector_load %arg8[%swap3A_140] {strides = array<i32>} : memref<80xi32, #tpu.memory_space<vmem>>, vector<16xi32>,
      tpu.vector_store %arg8[%swap3A_140], %get3A_139 {strides = array<i32>} : memref<80xi32, #tpu.memory_space<vmem>>, vector<16xi32>,
      %add3A_142 = arith.constant 64 : i32
      %add3A_143 = arith.addi %mul3A_64, %add3A_142 : i32
      %get3A_144 = arith.index_cast %add3A_143 : i32 to index
      %get3A_145 = tpu.vector_load %arg6[%get3A_144] {strides = array<i32>} : memref<20000xi32, #tpu.memory_space<vmem>>, vector<16xi32>,
      %swap3A_146 = arith.constant 64 : index
      %swap3A_147 = tpu.vector_load %arg8[%swap3A_146] {strides = array<i32>} : memref<80xi32, #tpu.memory_space<vmem>>, vector<16xi32>,
      tpu.vector_store %arg8[%swap3A_146], %get3A_145 {strides = array<i32>} : memref<80xi32, #tpu.memory_space<vmem>>, vector<16xi32>,
      "tpu.region"() ({
        %run_scoped3A = tpu.sem_alloc : memref<!tpu.dma_semaphore, #tpu.memory_space<semaphore_mem>>
        %dma_start3A = arith.constant 0 : i32
        %dma_start3A_149 = arith.constant 0 : i32
        %dma_start3A_150 = tpu.memref_slice %arg12[%dma_start3A, %dma_start3A_149] : memref<10000x128xf32, #tpu.memory_space<vmem_shared>> -> memref<10000x128xf32, #tpu.memory_space<vmem_shared>>
        tpu.enqueue_indirect_dma source(%arg10 : memref<80x128xf32, #tpu.memory_space<vmem>>) target(%dma_start3A_150 : memref<10000x128xf32, #tpu.memory_space<vmem_shared>>) offsets(%arg8 : memref<80xi32, #tpu.memory_space<vmem>>) semaphore(%run_scoped3A : memref<!tpu.dma_semaphore, #tpu.memory_space<semaphore_mem>>) {add = true}
        %dma_wait3A_151 = arith.constant 0 : i32
        %dma_wait3A_152 = arith.constant 0 : i32
        %dma_wait3A_153 = tpu.memref_slice %arg12[%dma_wait3A_151, %dma_wait3A_152] : memref<10000x128xf32, #tpu.memory_space<vmem_shared>> -> memref<10000x128xf32, #tpu.memory_space<vmem_shared>>
        tpu.wait_indirect_dma semaphore(%run_scoped3A : memref<!tpu.dma_semaphore, #tpu.memory_space<semaphore_mem>>) src(%arg10 : memref<80x128xf32, #tpu.memory_space<vmem>>) dst(%dma_wait3A_153 : memref<10000x128xf32, #tpu.memory_space<vmem_shared>>)
        tpu.yield
      }) : () -> ()
      %scan3A_148 = arith.constant 0 : i32
      scf.yield %scan3A_148 : i32
    }
    %scan3A_43 = arith.constant 125 : i32
    %barrier3A_44 = arith.constant 0 : index
    tpu.barrier barrier_id(%barrier3A_44)
    %mul3A_45 = arith.constant 10000 : i32
    %mul3A_46 = arith.muli %arg0, %mul3A_45 : i32
    %add3A_47 = arith.addi %mul3A_46, %mul3A_7 : i32
    "tpu.region"() ({
      %run_scoped3A = tpu.sem_alloc : memref<!tpu.dma_semaphore, #tpu.memory_space<semaphore_mem>>
      %dma_start3A = arith.constant 0 : i32
      %dma_start3A_53 = tpu.memref_slice %arg5[%add3A_47, %dma_start3A] : memref<20000x128xf32, #tpu.memory_space<hbm>> -> memref<624x128xf32, #tpu.memory_space<hbm>>
      %dma_start3A_54 = arith.constant 0 : i32
      %dma_start3A_55 = tpu.memref_slice %arg12[%mul3A_7, %dma_start3A_54] : memref<10000x128xf32, #tpu.memory_space<vmem_shared>> -> memref<624x128xf32, #tpu.memory_space<vmem_shared>>
      tpu.enqueue_dma source(%dma_start3A_55 : memref<624x128xf32, #tpu.memory_space<vmem_shared>>) target(%dma_start3A_53 : memref<624x128xf32, #tpu.memory_space<hbm>>) target_semaphore(%run_scoped3A : memref<!tpu.dma_semaphore, #tpu.memory_space<semaphore_mem>>)
      %dma_wait3A = arith.constant 0 : i32
      %dma_wait3A_56 = tpu.memref_slice %arg5[%add3A_47, %dma_wait3A] : memref<20000x128xf32, #tpu.memory_space<hbm>> -> memref<624x128xf32, #tpu.memory_space<hbm>>
      %dma_wait3A_57 = arith.constant 0 : i32
      %dma_wait3A_58 = tpu.memref_slice %arg12[%mul3A_7, %dma_wait3A_57] : memref<10000x128xf32, #tpu.memory_space<vmem_shared>> -> memref<624x128xf32, #tpu.memory_space<vmem_shared>>
      tpu.wait_dma2 semaphore(%run_scoped3A : memref<!tpu.dma_semaphore, #tpu.memory_space<semaphore_mem>>) src(%dma_wait3A_58 : memref<624x128xf32, #tpu.memory_space<vmem_shared>>) dst(%dma_wait3A_56 : memref<624x128xf32, #tpu.memory_space<hbm>>)
      tpu.yield
    }) : () -> ()
    %eq3A_48 = arith.constant 15 : i32
    %eq3A_49 = arith.cmpi eq, %arg1, %eq3A_48 : i32
    %convert_element_type3A_50 = arith.extui %eq3A_49 : i1 to i32
    %cond3A_51 = arith.constant 0 : i32
    %cond3A_52 = arith.cmpi ne, %convert_element_type3A_50, %cond3A_51 : i32
    scf.if %cond3A_52 {
      %mul3A_53 = arith.constant 10000 : i32
      %mul3A_54 = arith.muli %arg0, %mul3A_53 : i32
      %add3A_55 = arith.constant 9984 : i32
      %add3A_56 = arith.addi %mul3A_54, %add3A_55 : i32
      "tpu.region"() ({
        %run_scoped3A = tpu.sem_alloc : memref<!tpu.dma_semaphore, #tpu.memory_space<semaphore_mem>>
        %dma_start3A = arith.constant 0 : i32
        %dma_start3A_57 = tpu.memref_slice %arg5[%add3A_56, %dma_start3A] : memref<20000x128xf32, #tpu.memory_space<hbm>> -> memref<16x128xf32, #tpu.memory_space<hbm>>
        %dma_start3A_58 = arith.constant 9984 : i32
        %dma_start3A_59 = arith.constant 0 : i32
        %dma_start3A_60 = tpu.memref_slice %arg12[%dma_start3A_58, %dma_start3A_59] : memref<10000x128xf32, #tpu.memory_space<vmem_shared>> -> memref<16x128xf32, #tpu.memory_space<vmem_shared>>
        tpu.enqueue_dma source(%dma_start3A_60 : memref<16x128xf32, #tpu.memory_space<vmem_shared>>) target(%dma_start3A_57 : memref<16x128xf32, #tpu.memory_space<hbm>>) target_semaphore(%run_scoped3A : memref<!tpu.dma_semaphore, #tpu.memory_space<semaphore_mem>>)
        %dma_wait3A = arith.constant 0 : i32
        %dma_wait3A_61 = tpu.memref_slice %arg5[%add3A_56, %dma_wait3A] : memref<20000x128xf32, #tpu.memory_space<hbm>> -> memref<16x128xf32, #tpu.memory_space<hbm>>
        %dma_wait3A_62 = arith.constant 9984 : i32
        %dma_wait3A_63 = arith.constant 0 : i32
        %dma_wait3A_64 = tpu.memref_slice %arg12[%dma_wait3A_62, %dma_wait3A_63] : memref<10000x128xf32, #tpu.memory_space<vmem_shared>> -> memref<16x128xf32, #tpu.memory_space<vmem_shared>>
        tpu.wait_dma2 semaphore(%run_scoped3A : memref<!tpu.dma_semaphore, #tpu.memory_space<semaphore_mem>>) src(%dma_wait3A_64 : memref<16x128xf32, #tpu.memory_space<vmem_shared>>) dst(%dma_wait3A_61 : memref<16x128xf32, #tpu.memory_space<hbm>>)
        tpu.yield
      }) : () -> ()
    } else {
    }
    return
  }
}

module attributes {stable_mosaic.version = 14 : i64} {
  func.func @_m2_body(%arg0: i32, %arg1: memref<2000x128xf32, #tpu.memory_space<vmem>>, %arg2: memref<2000x128xf32, #tpu.memory_space<vmem>>, %arg3: memref<2000x128xf32, #tpu.memory_space<vmem>>, %arg4: memref<2000x128xf32, #tpu.memory_space<vmem>>, %arg5: memref<256x512xf32, #tpu.memory_space<vmem>>, %arg6: memref<1x256xf32, #tpu.memory_space<vmem>>, %arg7: memref<256x256xf32, #tpu.memory_space<vmem>>, %arg8: memref<1x256xf32, #tpu.memory_space<vmem>>, %arg9: memref<2000x128xf32, #tpu.memory_space<vmem>>, %arg10: memref<2000x128xf32, #tpu.memory_space<vmem>>) attributes {dimension_semantics = [#tpu.dimension_semantics<arbitrary>], iteration_bounds = array<i64: 160>, scalar_prefetch = 0 : i64, scratch_operands = 0 : i64, tpu.core_type = #tpu.core_type<tc>, window_params = [{transform_indices = @transform_0, window_bounds = array<i64: 2000, 128>}, {transform_indices = @transform_1, window_bounds = array<i64: 2000, 128>}, {transform_indices = @transform_2, window_bounds = array<i64: 2000, 128>}, {transform_indices = @transform_3, window_bounds = array<i64: 2000, 128>}, {pipeline_mode = #tpu.pipeline_mode<synchronous>, transform_indices = @transform_4, window_bounds = array<i64: 256, 512>}, {pipeline_mode = #tpu.pipeline_mode<synchronous>, transform_indices = @transform_5, window_bounds = array<i64: 1, 256>}, {pipeline_mode = #tpu.pipeline_mode<synchronous>, transform_indices = @transform_6, window_bounds = array<i64: 256, 256>}, {pipeline_mode = #tpu.pipeline_mode<synchronous>, transform_indices = @transform_7, window_bounds = array<i64: 1, 256>}, {transform_indices = @transform_8, window_bounds = array<i64: 2000, 128>}, {transform_indices = @transform_9, window_bounds = array<i64: 2000, 128>}]} {
    %get3A = arith.constant 0 : index
    %get3A_0 = arith.constant 0 : index
    %get3A_1 = vector.load %arg1[%get3A, %get3A_0] : memref<2000x128xf32, #tpu.memory_space<vmem>>, vector<2000x128xf32>
    %get3A_2 = arith.constant 0 : index
    %get3A_3 = arith.constant 0 : index
    %get3A_4 = vector.load %arg2[%get3A_2, %get3A_3] : memref<2000x128xf32, #tpu.memory_space<vmem>>, vector<2000x128xf32>
    %get3A_5 = arith.constant 0 : index
    %get3A_6 = arith.constant 0 : index
    %get3A_7 = vector.load %arg3[%get3A_5, %get3A_6] : memref<2000x128xf32, #tpu.memory_space<vmem>>, vector<2000x128xf32>
    %get3A_8 = arith.constant 0 : index
    %get3A_9 = arith.constant 0 : index
    %get3A_10 = vector.load %arg4[%get3A_8, %get3A_9] : memref<2000x128xf32, #tpu.memory_space<vmem>>, vector<2000x128xf32>
    %concatenate3A = tpu.concatenate %get3A_1, %get3A_4, %get3A_7, %get3A_10 in 1 : vector<2000x128xf32>, vector<2000x128xf32>, vector<2000x128xf32>, vector<2000x128xf32> -> vector<2000x512xf32>
    %max3A = arith.constant 0.000000e+00 : f32
    %max3A_11 = vector.broadcast %max3A : f32 to vector<2000x512xf32>
    %max3A_12 = arith.maximumf %concatenate3A, %max3A_11 : vector<2000x512xf32>
    %get3A_13 = arith.constant 0 : index
    %get3A_14 = arith.constant 0 : index
    %get3A_15 = vector.load %arg5[%get3A_13, %get3A_14] : memref<256x512xf32, #tpu.memory_space<vmem>>, vector<256x512xf32>
    %dot_general3A = arith.constant dense<0.000000e+00> : vector<2000x256xf32>
    %dot_general3A_16 = tpu.matmul %max3A_12, %get3A_15, %dot_general3A {dimension_numbers = #tpu.dot_dimension_numbers<[1], [1], [0], [0], [0, 0, 1, 0], [], []>, transpose_lhs_hint = false} : vector<2000x512xf32>, vector<256x512xf32>, vector<2000x256xf32> -> vector<2000x256xf32>
    %get3A_17 = arith.constant 0 : index
    %get3A_18 = arith.constant 0 : index
    %get3A_19 = vector.load %arg6[%get3A_17, %get3A_18] : memref<1x256xf32, #tpu.memory_space<vmem>>, vector<1x256xf32>
    %add3A = vector.broadcast %get3A_19 : vector<1x256xf32> to vector<2000x256xf32>
    %add3A_20 = arith.addf %dot_general3A_16, %add3A : vector<2000x256xf32>
    %max3A_21 = arith.constant 0.000000e+00 : f32
    %max3A_22 = vector.broadcast %max3A_21 : f32 to vector<2000x256xf32>
    %max3A_23 = arith.maximumf %add3A_20, %max3A_22 : vector<2000x256xf32>
    %get3A_24 = arith.constant 0 : index
    %get3A_25 = arith.constant 0 : index
    %get3A_26 = vector.load %arg7[%get3A_24, %get3A_25] : memref<256x256xf32, #tpu.memory_space<vmem>>, vector<256x256xf32>
    %dot_general3A_27 = arith.constant dense<0.000000e+00> : vector<2000x256xf32>
    %dot_general3A_28 = tpu.matmul %max3A_23, %get3A_26, %dot_general3A_27 {dimension_numbers = #tpu.dot_dimension_numbers<[1], [1], [0], [0], [0, 0, 1, 0], [], []>, transpose_lhs_hint = false} : vector<2000x256xf32>, vector<256x256xf32>, vector<2000x256xf32> -> vector<2000x256xf32>
    %get3A_29 = arith.constant 0 : index
    %get3A_30 = arith.constant 0 : index
    %get3A_31 = vector.load %arg8[%get3A_29, %get3A_30] : memref<1x256xf32, #tpu.memory_space<vmem>>, vector<1x256xf32>
    %add3A_32 = vector.broadcast %get3A_31 : vector<1x256xf32> to vector<2000x256xf32>
    %add3A_33 = arith.addf %dot_general3A_28, %add3A_32 : vector<2000x256xf32>
    %slice3A = vector.extract_strided_slice %add3A_33 {offsets = [0, 0], sizes = [2000, 128], strides = [1, 1]} : vector<2000x256xf32> to vector<2000x128xf32>
    %swap3A = arith.constant 0 : index
    %swap3A_34 = arith.constant 0 : index
    %swap3A_35 = vector.load %arg9[%swap3A, %swap3A_34] : memref<2000x128xf32, #tpu.memory_space<vmem>>, vector<2000x128xf32>
    tpu.vector_store %arg9[%swap3A, %swap3A_34], %slice3A {strides = array<i32>} : memref<2000x128xf32, #tpu.memory_space<vmem>>, vector<2000x128xf32>,
    %slice3A_36 = vector.extract_strided_slice %add3A_33 {offsets = [0, 128], sizes = [2000, 128], strides = [1, 1]} : vector<2000x256xf32> to vector<2000x128xf32>
    %swap3A_37 = arith.constant 0 : index
    %swap3A_38 = arith.constant 0 : index
    %swap3A_39 = vector.load %arg10[%swap3A_37, %swap3A_38] : memref<2000x128xf32, #tpu.memory_space<vmem>>, vector<2000x128xf32>
    tpu.vector_store %arg10[%swap3A_37, %swap3A_38], %slice3A_36 {strides = array<i32>} : memref<2000x128xf32, #tpu.memory_space<vmem>>, vector<2000x128xf32>,
    return
  }
  func.func @transform_0(%arg0: i32) -> (i32, i32) {
    %c0_i32 = arith.constant 0 : i32
    %c0_i32_0 = arith.constant 0 : i32
    return %arg0, %c0_i32 : i32, i32
  }
  func.func @transform_1(%arg0: i32) -> (i32, i32) {
    %c0_i32 = arith.constant 0 : i32
    %c0_i32_0 = arith.constant 0 : i32
    return %arg0, %c0_i32 : i32, i32
  }
  func.func @transform_2(%arg0: i32) -> (i32, i32) {
    %c0_i32 = arith.constant 0 : i32
    %c0_i32_0 = arith.constant 0 : i32
    return %arg0, %c0_i32 : i32, i32
  }
  func.func @transform_3(%arg0: i32) -> (i32, i32) {
    %c0_i32 = arith.constant 0 : i32
    %c0_i32_0 = arith.constant 0 : i32
    return %arg0, %c0_i32 : i32, i32
  }
  func.func @transform_4(%arg0: i32) -> (i32, i32) {
    %c0_i32 = arith.constant 0 : i32
    %c0_i32_0 = arith.constant 0 : i32
    %c0_i32_1 = arith.constant 0 : i32
    return %c0_i32, %c0_i32_0 : i32, i32
  }
  func.func @transform_5(%arg0: i32) -> (i32, i32) {
    %c0_i32 = arith.constant 0 : i32
    %c0_i32_0 = arith.constant 0 : i32
    %c0_i32_1 = arith.constant 0 : i32
    return %c0_i32, %c0_i32_0 : i32, i32
  }
  func.func @transform_6(%arg0: i32) -> (i32, i32) {
    %c0_i32 = arith.constant 0 : i32
    %c0_i32_0 = arith.constant 0 : i32
    %c0_i32_1 = arith.constant 0 : i32
    return %c0_i32, %c0_i32_0 : i32, i32
  }
  func.func @transform_7(%arg0: i32) -> (i32, i32) {
    %c0_i32 = arith.constant 0 : i32
    %c0_i32_0 = arith.constant 0 : i32
    %c0_i32_1 = arith.constant 0 : i32
    return %c0_i32, %c0_i32_0 : i32, i32
  }
  func.func @transform_8(%arg0: i32) -> (i32, i32) {
    %c0_i32 = arith.constant 0 : i32
    %c0_i32_0 = arith.constant 0 : i32
    return %arg0, %c0_i32 : i32, i32
  }
  func.func @transform_9(%arg0: i32) -> (i32, i32) {
    %c0_i32 = arith.constant 0 : i32
    %c0_i32_0 = arith.constant 0 : i32
    return %arg0, %c0_i32 : i32, i32
  }
}

module attributes {stable_mosaic.version = 14 : i64} {
  func.func @_m1_body(%arg0: i32, %arg1: memref<2000x128xf32, #tpu.memory_space<vmem>>, %arg2: memref<2000x128xf32, #tpu.memory_space<vmem>>, %arg3: memref<256x256xf32, #tpu.memory_space<vmem>>, %arg4: memref<1x256xf32, #tpu.memory_space<vmem>>, %arg5: memref<256x256xf32, #tpu.memory_space<vmem>>, %arg6: memref<1x256xf32, #tpu.memory_space<vmem>>, %arg7: memref<2000x128xf32, #tpu.memory_space<vmem>>, %arg8: memref<2000x128xf32, #tpu.memory_space<vmem>>) attributes {dimension_semantics = [#tpu.dimension_semantics<arbitrary>], iteration_bounds = array<i64: 160>, scalar_prefetch = 0 : i64, scratch_operands = 0 : i64, tpu.core_type = #tpu.core_type<tc>, window_params = [{transform_indices = @transform_0, window_bounds = array<i64: 2000, 128>}, {transform_indices = @transform_1, window_bounds = array<i64: 2000, 128>}, {pipeline_mode = #tpu.pipeline_mode<synchronous>, transform_indices = @transform_2, window_bounds = array<i64: 256, 256>}, {pipeline_mode = #tpu.pipeline_mode<synchronous>, transform_indices = @transform_3, window_bounds = array<i64: 1, 256>}, {pipeline_mode = #tpu.pipeline_mode<synchronous>, transform_indices = @transform_4, window_bounds = array<i64: 256, 256>}, {pipeline_mode = #tpu.pipeline_mode<synchronous>, transform_indices = @transform_5, window_bounds = array<i64: 1, 256>}, {transform_indices = @transform_6, window_bounds = array<i64: 2000, 128>}, {transform_indices = @transform_7, window_bounds = array<i64: 2000, 128>}]} {
    %get3A = arith.constant 0 : index
    %get3A_0 = arith.constant 0 : index
    %get3A_1 = vector.load %arg1[%get3A, %get3A_0] : memref<2000x128xf32, #tpu.memory_space<vmem>>, vector<2000x128xf32>
    %get3A_2 = arith.constant 0 : index
    %get3A_3 = arith.constant 0 : index
    %get3A_4 = vector.load %arg2[%get3A_2, %get3A_3] : memref<2000x128xf32, #tpu.memory_space<vmem>>, vector<2000x128xf32>
    %concatenate3A = tpu.concatenate %get3A_1, %get3A_4 in 1 : vector<2000x128xf32>, vector<2000x128xf32> -> vector<2000x256xf32>
    %get3A_5 = arith.constant 0 : index
    %get3A_6 = arith.constant 0 : index
    %get3A_7 = vector.load %arg3[%get3A_5, %get3A_6] : memref<256x256xf32, #tpu.memory_space<vmem>>, vector<256x256xf32>
    %dot_general3A = arith.constant dense<0.000000e+00> : vector<2000x256xf32>
    %dot_general3A_8 = tpu.matmul %concatenate3A, %get3A_7, %dot_general3A {dimension_numbers = #tpu.dot_dimension_numbers<[1], [1], [0], [0], [0, 0, 1, 0], [], []>, transpose_lhs_hint = false} : vector<2000x256xf32>, vector<256x256xf32>, vector<2000x256xf32> -> vector<2000x256xf32>
    %get3A_9 = arith.constant 0 : index
    %get3A_10 = arith.constant 0 : index
    %get3A_11 = vector.load %arg4[%get3A_9, %get3A_10] : memref<1x256xf32, #tpu.memory_space<vmem>>, vector<1x256xf32>
    %add3A = vector.broadcast %get3A_11 : vector<1x256xf32> to vector<2000x256xf32>
    %add3A_12 = arith.addf %dot_general3A_8, %add3A : vector<2000x256xf32>
    %max3A = arith.constant 0.000000e+00 : f32
    %max3A_13 = vector.broadcast %max3A : f32 to vector<2000x256xf32>
    %max3A_14 = arith.maximumf %add3A_12, %max3A_13 : vector<2000x256xf32>
    %get3A_15 = arith.constant 0 : index
    %get3A_16 = arith.constant 0 : index
    %get3A_17 = vector.load %arg5[%get3A_15, %get3A_16] : memref<256x256xf32, #tpu.memory_space<vmem>>, vector<256x256xf32>
    %dot_general3A_18 = arith.constant dense<0.000000e+00> : vector<2000x256xf32>
    %dot_general3A_19 = tpu.matmul %max3A_14, %get3A_17, %dot_general3A_18 {dimension_numbers = #tpu.dot_dimension_numbers<[1], [1], [0], [0], [0, 0, 1, 0], [], []>, transpose_lhs_hint = false} : vector<2000x256xf32>, vector<256x256xf32>, vector<2000x256xf32> -> vector<2000x256xf32>
    %get3A_20 = arith.constant 0 : index
    %get3A_21 = arith.constant 0 : index
    %get3A_22 = vector.load %arg6[%get3A_20, %get3A_21] : memref<1x256xf32, #tpu.memory_space<vmem>>, vector<1x256xf32>
    %add3A_23 = vector.broadcast %get3A_22 : vector<1x256xf32> to vector<2000x256xf32>
    %add3A_24 = arith.addf %dot_general3A_19, %add3A_23 : vector<2000x256xf32>
    %slice3A = vector.extract_strided_slice %add3A_24 {offsets = [0, 0], sizes = [2000, 128], strides = [1, 1]} : vector<2000x256xf32> to vector<2000x128xf32>
    %swap3A = arith.constant 0 : index
    %swap3A_25 = arith.constant 0 : index
    %swap3A_26 = vector.load %arg7[%swap3A, %swap3A_25] : memref<2000x128xf32, #tpu.memory_space<vmem>>, vector<2000x128xf32>
    tpu.vector_store %arg7[%swap3A, %swap3A_25], %slice3A {strides = array<i32>} : memref<2000x128xf32, #tpu.memory_space<vmem>>, vector<2000x128xf32>,
    %slice3A_27 = vector.extract_strided_slice %add3A_24 {offsets = [0, 128], sizes = [2000, 128], strides = [1, 1]} : vector<2000x256xf32> to vector<2000x128xf32>
    %swap3A_28 = arith.constant 0 : index
    %swap3A_29 = arith.constant 0 : index
    %swap3A_30 = vector.load %arg8[%swap3A_28, %swap3A_29] : memref<2000x128xf32, #tpu.memory_space<vmem>>, vector<2000x128xf32>
    tpu.vector_store %arg8[%swap3A_28, %swap3A_29], %slice3A_27 {strides = array<i32>} : memref<2000x128xf32, #tpu.memory_space<vmem>>, vector<2000x128xf32>,
    return
  }
  func.func @transform_0(%arg0: i32) -> (i32, i32) {
    %c0_i32 = arith.constant 0 : i32
    %c0_i32_0 = arith.constant 0 : i32
    return %arg0, %c0_i32 : i32, i32
  }
  func.func @transform_1(%arg0: i32) -> (i32, i32) {
    %c0_i32 = arith.constant 0 : i32
    %c0_i32_0 = arith.constant 0 : i32
    return %arg0, %c0_i32 : i32, i32
  }
  func.func @transform_2(%arg0: i32) -> (i32, i32) {
    %c0_i32 = arith.constant 0 : i32
    %c0_i32_0 = arith.constant 0 : i32
    %c0_i32_1 = arith.constant 0 : i32
    return %c0_i32, %c0_i32_0 : i32, i32
  }
  func.func @transform_3(%arg0: i32) -> (i32, i32) {
    %c0_i32 = arith.constant 0 : i32
    %c0_i32_0 = arith.constant 0 : i32
    %c0_i32_1 = arith.constant 0 : i32
    return %c0_i32, %c0_i32_0 : i32, i32
  }
  func.func @transform_4(%arg0: i32) -> (i32, i32) {
    %c0_i32 = arith.constant 0 : i32
    %c0_i32_0 = arith.constant 0 : i32
    %c0_i32_1 = arith.constant 0 : i32
    return %c0_i32, %c0_i32_0 : i32, i32
  }
  func.func @transform_5(%arg0: i32) -> (i32, i32) {
    %c0_i32 = arith.constant 0 : i32
    %c0_i32_0 = arith.constant 0 : i32
    %c0_i32_1 = arith.constant 0 : i32
    return %c0_i32, %c0_i32_0 : i32, i32
  }
  func.func @transform_6(%arg0: i32) -> (i32, i32) {
    %c0_i32 = arith.constant 0 : i32
    %c0_i32_0 = arith.constant 0 : i32
    return %arg0, %c0_i32 : i32, i32
  }
  func.func @transform_7(%arg0: i32) -> (i32, i32) {
    %c0_i32 = arith.constant 0 : i32
    %c0_i32_0 = arith.constant 0 : i32
    return %arg0, %c0_i32 : i32, i32
  }
}

module attributes {stable_mosaic.version = 14 : i64} {
  func.func @_tc3_body(%arg0: i32, %arg1: memref<1000x128xf32, #tpu.memory_space<vmem>>, %arg2: memref<1000x128xf32, #tpu.memory_space<vmem>>, %arg3: memref<1000x1xi32, #tpu.memory_space<vmem>>, %arg4: memref<256x256xf32, #tpu.memory_space<vmem>>, %arg5: memref<1x256xf32, #tpu.memory_space<vmem>>, %arg6: memref<32x256xf32, #tpu.memory_space<vmem>>, %arg7: memref<1x32xf32, #tpu.memory_space<vmem>>, %arg8: memref<256x256xf32, #tpu.memory_space<vmem>>, %arg9: memref<1x256xf32, #tpu.memory_space<vmem>>, %arg10: memref<128x256xf32, #tpu.memory_space<vmem>>, %arg11: memref<1x128xf32, #tpu.memory_space<vmem>>, %arg12: memref<1000x32xf32, #tpu.memory_space<vmem>>, %arg13: memref<256x128xf32, #tpu.memory_space<vmem>>, %arg14: memref<256x256xf32, #tpu.memory_space<vmem>>) attributes {dimension_semantics = [#tpu.dimension_semantics<arbitrary>], iteration_bounds = array<i64: 10>, scalar_prefetch = 0 : i64, scratch_operands = 1 : i64, tpu.core_type = #tpu.core_type<tc>, window_params = [{transform_indices = @transform_0, window_bounds = array<i64: 1000, 128>}, {transform_indices = @transform_1, window_bounds = array<i64: 1000, 128>}, {transform_indices = @transform_2, window_bounds = array<i64: 1000, 1>}, {pipeline_mode = #tpu.pipeline_mode<synchronous>, transform_indices = @transform_3, window_bounds = array<i64: 256, 256>}, {pipeline_mode = #tpu.pipeline_mode<synchronous>, transform_indices = @transform_4, window_bounds = array<i64: 1, 256>}, {pipeline_mode = #tpu.pipeline_mode<synchronous>, transform_indices = @transform_5, window_bounds = array<i64: 32, 256>}, {pipeline_mode = #tpu.pipeline_mode<synchronous>, transform_indices = @transform_6, window_bounds = array<i64: 1, 32>}, {pipeline_mode = #tpu.pipeline_mode<synchronous>, transform_indices = @transform_7, window_bounds = array<i64: 256, 256>}, {pipeline_mode = #tpu.pipeline_mode<synchronous>, transform_indices = @transform_8, window_bounds = array<i64: 1, 256>}, {pipeline_mode = #tpu.pipeline_mode<synchronous>, transform_indices = @transform_9, window_bounds = array<i64: 128, 256>}, {pipeline_mode = #tpu.pipeline_mode<synchronous>, transform_indices = @transform_10, window_bounds = array<i64: 1, 128>}, {transform_indices = @transform_11, window_bounds = array<i64: 1000, 32>}, {pipeline_mode = #tpu.pipeline_mode<synchronous>, transform_indices = @transform_12, window_bounds = array<i64: 256, 128>}]} {
    %get3A = arith.constant 0 : index
    %get3A_0 = arith.constant 0 : index
    %get3A_1 = vector.load %arg1[%get3A, %get3A_0] : memref<1000x128xf32, #tpu.memory_space<vmem>>, vector<1000x128xf32>
    %get3A_2 = arith.constant 0 : index
    %get3A_3 = arith.constant 0 : index
    %get3A_4 = vector.load %arg2[%get3A_2, %get3A_3] : memref<1000x128xf32, #tpu.memory_space<vmem>>, vector<1000x128xf32>
    %concatenate3A = tpu.concatenate %get3A_1, %get3A_4 in 1 : vector<1000x128xf32>, vector<1000x128xf32> -> vector<1000x256xf32>
    %max3A = arith.constant 0.000000e+00 : f32
    %max3A_5 = vector.broadcast %max3A : f32 to vector<1000x256xf32>
    %max3A_6 = arith.maximumf %concatenate3A, %max3A_5 : vector<1000x256xf32>
    %get3A_7 = arith.constant 0 : index
    %get3A_8 = arith.constant 0 : index
    %get3A_9 = vector.load %arg4[%get3A_7, %get3A_8] : memref<256x256xf32, #tpu.memory_space<vmem>>, vector<256x256xf32>
    %dot_general3A = arith.constant dense<0.000000e+00> : vector<1000x256xf32>
    %dot_general3A_10 = tpu.matmul %max3A_6, %get3A_9, %dot_general3A {dimension_numbers = #tpu.dot_dimension_numbers<[1], [1], [0], [0], [0, 0, 1, 0], [], []>, transpose_lhs_hint = false} : vector<1000x256xf32>, vector<256x256xf32>, vector<1000x256xf32> -> vector<1000x256xf32>
    %get3A_11 = arith.constant 0 : index
    %get3A_12 = arith.constant 0 : index
    %get3A_13 = vector.load %arg5[%get3A_11, %get3A_12] : memref<1x256xf32, #tpu.memory_space<vmem>>, vector<1x256xf32>
    %add3A = vector.broadcast %get3A_13 : vector<1x256xf32> to vector<1000x256xf32>
    %add3A_14 = arith.addf %dot_general3A_10, %add3A : vector<1000x256xf32>
    %max3A_15 = arith.constant 0.000000e+00 : f32
    %max3A_16 = vector.broadcast %max3A_15 : f32 to vector<1000x256xf32>
    %max3A_17 = arith.maximumf %add3A_14, %max3A_16 : vector<1000x256xf32>
    %get3A_18 = arith.constant 0 : index
    %get3A_19 = arith.constant 0 : index
    %get3A_20 = vector.load %arg6[%get3A_18, %get3A_19] : memref<32x256xf32, #tpu.memory_space<vmem>>, vector<32x256xf32>
    %dot_general3A_21 = arith.constant dense<0.000000e+00> : vector<1000x32xf32>
    %dot_general3A_22 = tpu.matmul %max3A_17, %get3A_20, %dot_general3A_21 {dimension_numbers = #tpu.dot_dimension_numbers<[1], [1], [0], [0], [0, 0, 1, 0], [], []>, transpose_lhs_hint = false} : vector<1000x256xf32>, vector<32x256xf32>, vector<1000x32xf32> -> vector<1000x32xf32>
    %get3A_23 = arith.constant 0 : index
    %get3A_24 = arith.constant 0 : index
    %get3A_25 = vector.load %arg7[%get3A_23, %get3A_24] : memref<1x32xf32, #tpu.memory_space<vmem>>, vector<1x32xf32>
    %add3A_26 = vector.broadcast %get3A_25 : vector<1x32xf32> to vector<1000x32xf32>
    %add3A_27 = arith.addf %dot_general3A_22, %add3A_26 : vector<1000x32xf32>
    %reduce_max3A = arith.constant dense<0xFF800000> : vector<1000xf32>
    %reduce_max3A_28 = vector.multi_reduction <maximumf>, %add3A_27, %reduce_max3A [1] : vector<1000x32xf32> to vector<1000xf32>
    %broadcast_in_dim3A = vector.shape_cast %reduce_max3A_28 : vector<1000xf32> to vector<1000x1xf32>
    %sub3A = vector.broadcast %broadcast_in_dim3A : vector<1000x1xf32> to vector<1000x32xf32>
    %sub3A_29 = arith.subf %add3A_27, %sub3A : vector<1000x32xf32>
    %exp3A = math.exp %sub3A_29 : vector<1000x32xf32>
    %reduce_sum3A = arith.constant dense<0.000000e+00> : vector<1000xf32>
    %reduce_sum3A_30 = vector.multi_reduction <add>, %exp3A, %reduce_sum3A [1] : vector<1000x32xf32> to vector<1000xf32>
    %broadcast_in_dim3A_31 = vector.shape_cast %reduce_sum3A_30 : vector<1000xf32> to vector<1000x1xf32>
    %div3A = vector.broadcast %broadcast_in_dim3A_31 : vector<1000x1xf32> to vector<1000x32xf32>
    %div3A_32 = arith.divf %exp3A, %div3A : vector<1000x32xf32>
    %swap3A = arith.constant 0 : index
    %swap3A_33 = arith.constant 0 : index
    %swap3A_34 = vector.load %arg12[%swap3A, %swap3A_33] : memref<1000x32xf32, #tpu.memory_space<vmem>>, vector<1000x32xf32>
    tpu.vector_store %arg12[%swap3A, %swap3A_33], %div3A_32 {strides = array<i32>} : memref<1000x32xf32, #tpu.memory_space<vmem>>, vector<1000x32xf32>,
    %iota3A = tpu.iota {dimensions = array<i32: 1>} : vector<1000x8xi32>
    %get3A_35 = arith.constant 0 : index
    %get3A_36 = arith.constant 0 : index
    %get3A_37 = vector.load %arg3[%get3A_35, %get3A_36] : memref<1000x1xi32, #tpu.memory_space<vmem>>, vector<1000x1xi32>
    %eq3A = vector.broadcast %get3A_37 : vector<1000x1xi32> to vector<1000x8xi32>
    %eq3A_38 = arith.cmpi eq, %eq3A, %iota3A : vector<1000x8xi32>
    %convert_element_type3A = arith.extui %eq3A_38 : vector<1000x8xi1> to vector<1000x8xi32>
    %convert_element_type3A_39 = arith.sitofp %convert_element_type3A : vector<1000x8xi32> to vector<1000x8xf32>
    %concatenate3A_40 = tpu.concatenate %div3A_32, %div3A_32, %div3A_32, %div3A_32, %div3A_32, %div3A_32, %div3A_32, %div3A_32 in 1 : vector<1000x32xf32>, vector<1000x32xf32>, vector<1000x32xf32>, vector<1000x32xf32>, vector<1000x32xf32>, vector<1000x32xf32>, vector<1000x32xf32>, vector<1000x32xf32> -> vector<1000x256xf32>
    %slice3A = vector.extract_strided_slice %convert_element_type3A_39 {offsets = [0, 0], sizes = [1000, 1], strides = [1, 1]} : vector<1000x8xf32> to vector<1000x1xf32>
    %broadcast_in_dim3A_41 = vector.shape_cast %slice3A : vector<1000x1xf32> to vector<1000x1xf32>
    %broadcast_in_dim3A_42 = vector.broadcast %broadcast_in_dim3A_41 : vector<1000x1xf32> to vector<1000x32xf32>
    %slice3A_43 = vector.extract_strided_slice %convert_element_type3A_39 {offsets = [0, 1], sizes = [1000, 1], strides = [1, 1]} : vector<1000x8xf32> to vector<1000x1xf32>
    %broadcast_in_dim3A_44 = vector.shape_cast %slice3A_43 : vector<1000x1xf32> to vector<1000x1xf32>
    %broadcast_in_dim3A_45 = vector.broadcast %broadcast_in_dim3A_44 : vector<1000x1xf32> to vector<1000x32xf32>
    %slice3A_46 = vector.extract_strided_slice %convert_element_type3A_39 {offsets = [0, 2], sizes = [1000, 1], strides = [1, 1]} : vector<1000x8xf32> to vector<1000x1xf32>
    %broadcast_in_dim3A_47 = vector.shape_cast %slice3A_46 : vector<1000x1xf32> to vector<1000x1xf32>
    %broadcast_in_dim3A_48 = vector.broadcast %broadcast_in_dim3A_47 : vector<1000x1xf32> to vector<1000x32xf32>
    %slice3A_49 = vector.extract_strided_slice %convert_element_type3A_39 {offsets = [0, 3], sizes = [1000, 1], strides = [1, 1]} : vector<1000x8xf32> to vector<1000x1xf32>
    %broadcast_in_dim3A_50 = vector.shape_cast %slice3A_49 : vector<1000x1xf32> to vector<1000x1xf32>
    %broadcast_in_dim3A_51 = vector.broadcast %broadcast_in_dim3A_50 : vector<1000x1xf32> to vector<1000x32xf32>
    %slice3A_52 = vector.extract_strided_slice %convert_element_type3A_39 {offsets = [0, 4], sizes = [1000, 1], strides = [1, 1]} : vector<1000x8xf32> to vector<1000x1xf32>
    %broadcast_in_dim3A_53 = vector.shape_cast %slice3A_52 : vector<1000x1xf32> to vector<1000x1xf32>
    %broadcast_in_dim3A_54 = vector.broadcast %broadcast_in_dim3A_53 : vector<1000x1xf32> to vector<1000x32xf32>
    %slice3A_55 = vector.extract_strided_slice %convert_element_type3A_39 {offsets = [0, 5], sizes = [1000, 1], strides = [1, 1]} : vector<1000x8xf32> to vector<1000x1xf32>
    %broadcast_in_dim3A_56 = vector.shape_cast %slice3A_55 : vector<1000x1xf32> to vector<1000x1xf32>
    %broadcast_in_dim3A_57 = vector.broadcast %broadcast_in_dim3A_56 : vector<1000x1xf32> to vector<1000x32xf32>
    %slice3A_58 = vector.extract_strided_slice %convert_element_type3A_39 {offsets = [0, 6], sizes = [1000, 1], strides = [1, 1]} : vector<1000x8xf32> to vector<1000x1xf32>
    %broadcast_in_dim3A_59 = vector.shape_cast %slice3A_58 : vector<1000x1xf32> to vector<1000x1xf32>
    %broadcast_in_dim3A_60 = vector.broadcast %broadcast_in_dim3A_59 : vector<1000x1xf32> to vector<1000x32xf32>
    %slice3A_61 = vector.extract_strided_slice %convert_element_type3A_39 {offsets = [0, 7], sizes = [1000, 1], strides = [1, 1]} : vector<1000x8xf32> to vector<1000x1xf32>
    %broadcast_in_dim3A_62 = vector.shape_cast %slice3A_61 : vector<1000x1xf32> to vector<1000x1xf32>
    %broadcast_in_dim3A_63 = vector.broadcast %broadcast_in_dim3A_62 : vector<1000x1xf32> to vector<1000x32xf32>
    %concatenate3A_64 = tpu.concatenate %broadcast_in_dim3A_42, %broadcast_in_dim3A_45, %broadcast_in_dim3A_48, %broadcast_in_dim3A_51, %broadcast_in_dim3A_54, %broadcast_in_dim3A_57, %broadcast_in_dim3A_60, %broadcast_in_dim3A_63 in 1 : vector<1000x32xf32>, vector<1000x32xf32>, vector<1000x32xf32>, vector<1000x32xf32>, vector<1000x32xf32>, vector<1000x32xf32>, vector<1000x32xf32>, vector<1000x32xf32> -> vector<1000x256xf32>
    %mul3A = arith.mulf %concatenate3A_40, %concatenate3A_64 : vector<1000x256xf32>
    %eq3A_65 = arith.constant 0 : i32
    %eq3A_66 = arith.cmpi eq, %arg0, %eq3A_65 : i32
    %convert_element_type3A_67 = arith.extui %eq3A_66 : i1 to i32
    %cond3A = arith.constant 0 : i32
    %cond3A_68 = arith.cmpi ne, %convert_element_type3A_67, %cond3A : i32
    scf.if %cond3A_68 {
      %broadcast_in_dim3A_83 = arith.constant 0.000000e+00 : f32
      %broadcast_in_dim3A_84 = vector.broadcast %broadcast_in_dim3A_83 : f32 to vector<256x256xf32>
      %swap3A_85 = arith.constant 0 : index
      %swap3A_86 = arith.constant 0 : index
      %swap3A_87 = vector.load %arg14[%swap3A_85, %swap3A_86] : memref<256x256xf32, #tpu.memory_space<vmem>>, vector<256x256xf32>
      tpu.vector_store %arg14[%swap3A_85, %swap3A_86], %broadcast_in_dim3A_84 {strides = array<i32>} : memref<256x256xf32, #tpu.memory_space<vmem>>, vector<256x256xf32>,
    } else {
    }
    %get3A_69 = arith.constant 0 : index
    %get3A_70 = arith.constant 0 : index
    %get3A_71 = vector.load %arg14[%get3A_69, %get3A_70] : memref<256x256xf32, #tpu.memory_space<vmem>>, vector<256x256xf32>
    %dot_general3A_72 = arith.constant dense<0.000000e+00> : vector<256x256xf32>
    %dot_general3A_73 = tpu.matmul %mul3A, %max3A_6, %dot_general3A_72 {dimension_numbers = #tpu.dot_dimension_numbers<[0], [0], [1], [1], [0, 1, 1, 1], [], []>, precision = #tpu.contract_precision<fp32>, transpose_lhs_hint = false} : vector<1000x256xf32>, vector<1000x256xf32>, vector<256x256xf32> -> vector<256x256xf32>
    %add3A_74 = arith.addf %get3A_71, %dot_general3A_73 : vector<256x256xf32>
    %swap3A_75 = arith.constant 0 : index
    %swap3A_76 = arith.constant 0 : index
    %swap3A_77 = vector.load %arg14[%swap3A_75, %swap3A_76] : memref<256x256xf32, #tpu.memory_space<vmem>>, vector<256x256xf32>
    tpu.vector_store %arg14[%swap3A_75, %swap3A_76], %add3A_74 {strides = array<i32>} : memref<256x256xf32, #tpu.memory_space<vmem>>, vector<256x256xf32>,
    %eq3A_78 = arith.constant 9 : i32
    %eq3A_79 = arith.cmpi eq, %arg0, %eq3A_78 : i32
    %convert_element_type3A_80 = arith.extui %eq3A_79 : i1 to i32
    %cond3A_81 = arith.constant 0 : i32
    %cond3A_82 = arith.cmpi ne, %convert_element_type3A_80, %cond3A_81 : i32
    scf.if %cond3A_82 {
      %get3A_83 = arith.constant 0 : index
      %get3A_84 = arith.constant 0 : index
      %get3A_85 = vector.load %arg14[%get3A_83, %get3A_84] : memref<256x256xf32, #tpu.memory_space<vmem>>, vector<256x256xf32>
      %get3A_86 = arith.constant 0 : index
      %get3A_87 = arith.constant 0 : index
      %get3A_88 = vector.load %arg8[%get3A_86, %get3A_87] : memref<256x256xf32, #tpu.memory_space<vmem>>, vector<256x256xf32>
      %dot_general3A_89 = arith.constant dense<0.000000e+00> : vector<256x256xf32>
      %dot_general3A_90 = tpu.matmul %get3A_85, %get3A_88, %dot_general3A_89 {dimension_numbers = #tpu.dot_dimension_numbers<[1], [1], [0], [0], [0, 0, 1, 0], [], []>, transpose_lhs_hint = false} : vector<256x256xf32>, vector<256x256xf32>, vector<256x256xf32> -> vector<256x256xf32>
      %get3A_91 = arith.constant 0 : index
      %get3A_92 = arith.constant 0 : index
      %get3A_93 = vector.load %arg9[%get3A_91, %get3A_92] : memref<1x256xf32, #tpu.memory_space<vmem>>, vector<1x256xf32>
      %add3A_94 = vector.broadcast %get3A_93 : vector<1x256xf32> to vector<256x256xf32>
      %add3A_95 = arith.addf %dot_general3A_90, %add3A_94 : vector<256x256xf32>
      %max3A_96 = arith.constant 0.000000e+00 : f32
      %max3A_97 = vector.broadcast %max3A_96 : f32 to vector<256x256xf32>
      %max3A_98 = arith.maximumf %add3A_95, %max3A_97 : vector<256x256xf32>
      %get3A_99 = arith.constant 0 : index
      %get3A_100 = arith.constant 0 : index
      %get3A_101 = vector.load %arg10[%get3A_99, %get3A_100] : memref<128x256xf32, #tpu.memory_space<vmem>>, vector<128x256xf32>
      %dot_general3A_102 = arith.constant dense<0.000000e+00> : vector<256x128xf32>
      %dot_general3A_103 = tpu.matmul %max3A_98, %get3A_101, %dot_general3A_102 {dimension_numbers = #tpu.dot_dimension_numbers<[1], [1], [0], [0], [0, 0, 1, 0], [], []>, transpose_lhs_hint = false} : vector<256x256xf32>, vector<128x256xf32>, vector<256x128xf32> -> vector<256x128xf32>
      %get3A_104 = arith.constant 0 : index
      %get3A_105 = arith.constant 0 : index
      %get3A_106 = vector.load %arg11[%get3A_104, %get3A_105] : memref<1x128xf32, #tpu.memory_space<vmem>>, vector<1x128xf32>
      %add3A_107 = vector.broadcast %get3A_106 : vector<1x128xf32> to vector<256x128xf32>
      %add3A_108 = arith.addf %dot_general3A_103, %add3A_107 : vector<256x128xf32>
      %swap3A_109 = arith.constant 0 : index
      %swap3A_110 = arith.constant 0 : index
      %swap3A_111 = vector.load %arg13[%swap3A_109, %swap3A_110] : memref<256x128xf32, #tpu.memory_space<vmem>>, vector<256x128xf32>
      tpu.vector_store %arg13[%swap3A_109, %swap3A_110], %add3A_108 {strides = array<i32>} : memref<256x128xf32, #tpu.memory_space<vmem>>, vector<256x128xf32>,
    } else {
    }
    return
  }
  func.func @transform_0(%arg0: i32) -> (i32, i32) {
    %c0_i32 = arith.constant 0 : i32
    %c0_i32_0 = arith.constant 0 : i32
    return %arg0, %c0_i32 : i32, i32
  }
  func.func @transform_1(%arg0: i32) -> (i32, i32) {
    %add3A = arith.constant 10 : i32
    %add3A_0 = arith.addi %add3A, %arg0 : i32
    %c0_i32 = arith.constant 0 : i32
    %c0_i32_1 = arith.constant 0 : i32
    return %add3A_0, %c0_i32 : i32, i32
  }
  func.func @transform_2(%arg0: i32) -> (i32, i32) {
    %c0_i32 = arith.constant 0 : i32
    %c0_i32_0 = arith.constant 0 : i32
    return %arg0, %c0_i32 : i32, i32
  }
  func.func @transform_3(%arg0: i32) -> (i32, i32) {
    %c0_i32 = arith.constant 0 : i32
    %c0_i32_0 = arith.constant 0 : i32
    %c0_i32_1 = arith.constant 0 : i32
    return %c0_i32, %c0_i32_0 : i32, i32
  }
  func.func @transform_4(%arg0: i32) -> (i32, i32) {
    %c0_i32 = arith.constant 0 : i32
    %c0_i32_0 = arith.constant 0 : i32
    %c0_i32_1 = arith.constant 0 : i32
    return %c0_i32, %c0_i32_0 : i32, i32
  }
  func.func @transform_5(%arg0: i32) -> (i32, i32) {
    %c0_i32 = arith.constant 0 : i32
    %c0_i32_0 = arith.constant 0 : i32
    %c0_i32_1 = arith.constant 0 : i32
    return %c0_i32, %c0_i32_0 : i32, i32
  }
  func.func @transform_6(%arg0: i32) -> (i32, i32) {
    %c0_i32 = arith.constant 0 : i32
    %c0_i32_0 = arith.constant 0 : i32
    %c0_i32_1 = arith.constant 0 : i32
    return %c0_i32, %c0_i32_0 : i32, i32
  }
  func.func @transform_7(%arg0: i32) -> (i32, i32) {
    %c0_i32 = arith.constant 0 : i32
    %c0_i32_0 = arith.constant 0 : i32
    %c0_i32_1 = arith.constant 0 : i32
    return %c0_i32, %c0_i32_0 : i32, i32
  }
  func.func @transform_8(%arg0: i32) -> (i32, i32) {
    %c0_i32 = arith.constant 0 : i32
    %c0_i32_0 = arith.constant 0 : i32
    %c0_i32_1 = arith.constant 0 : i32
    return %c0_i32, %c0_i32_0 : i32, i32
  }
  func.func @transform_9(%arg0: i32) -> (i32, i32) {
    %c0_i32 = arith.constant 0 : i32
    %c0_i32_0 = arith.constant 0 : i32
    %c0_i32_1 = arith.constant 0 : i32
    return %c0_i32, %c0_i32_0 : i32, i32
  }
  func.func @transform_10(%arg0: i32) -> (i32, i32) {
    %c0_i32 = arith.constant 0 : i32
    %c0_i32_0 = arith.constant 0 : i32
    %c0_i32_1 = arith.constant 0 : i32
    return %c0_i32, %c0_i32_0 : i32, i32
  }
  func.func @transform_11(%arg0: i32) -> (i32, i32) {
    %c0_i32 = arith.constant 0 : i32
    %c0_i32_0 = arith.constant 0 : i32
    return %arg0, %c0_i32 : i32, i32
  }
  func.func @transform_12(%arg0: i32) -> (i32, i32) {
    %c0_i32 = arith.constant 0 : i32
    %c0_i32_0 = arith.constant 0 : i32
    %c0_i32_1 = arith.constant 0 : i32
    return %c0_i32, %c0_i32_0 : i32, i32
  }
}

</mosaic_0001>

<sc_bundles>
// kernel: kernel.12.cloned.1.call-start
scs
__scs_entry_jumppad:
0x0: {  	(pc) =	sbr.rel $0x88, $3  }
0x1: {  	(tag) =	ssettag $0x0;
	lr =	simm.s32 $0x1  }
0x2: {  	[smem:$0x3F8E] =	sst lr;
	_ =	strace $0xD0000000  }
0x3: {  	_ = 	snop  }
0x4: {  	_ = 	snop  }
0x5: {  	_ = 	snop  }
0x6: {  	_ = 	snop  }
0x7: {  	_ = 	snop  }
__scs_overlays_trampoline_lowered:
0x8: {  	[smem:$0x3F9D] =	sst s0  }
0x9: {  	[smem:$0x3F9E] =	sst s1  }
0xa: {  	[smem:$0x3F9F] =	sst s2  }
0xb: {  	[smem:$0x3FA0] =	sst s3  }
0xc: {  	[smem:$0x3FA1] =	sst s4  }
0xd: {  	[smem:$0x3FA2] =	sst s5  }
0xe: {  	[smem:$0x3FA3] =	sst s6  }
0xf: {  	[smem:$0x3FA4] =	sst s7  }
0x10: {  	[smem:$0x3FA5] =	sst s8  }
0x11: {  	[smem:$0x3FA6] =	sst s9;
	s0 =	simm.s32 @!p0 $0x0  }
0x12: {  	s1 =	sld [smem:$0x3F8C];
	s0 =	simm.s32 @p0 $0x1  }
0x13: {  	[smem:$0x3FA7] =	sst s0;
	s0 =	simm.s32 @!p1 $0x0  }
0x14: {  	s2 =	sld [smem:$0x3F8B];
	s0 =	simm.s32 @p1 $0x1  }
0x15: {  	[smem:$0x3FA8] =	sst s0;
	s0 =	simm.s32 @!p2 $0x0  }
0x16: {  	s3 =	sld [smem:$0x3FDB];
	s0 =	simm.s32 @p2 $0x1  }
0x17: {  	s4 =	simm.s32 $0x1BF5;
	[smem:$0x3FAA] =	sst s0  }
0x18: {  	s0 =	sld [smem:$0x3F8D];
	_ =	swait.ge [sflag:s4], $0x0  }
0x19: {  	s7 =	sld [smem:$0x3F8E]  }
0x1a: {  	s8 =	sadd.s32 $0xFFFFE003, lr  }
0x1b: {  	s9 =	sadd.s32 $0xFFFFFEF7, lr;
	s5 =	simm.s32 $0xFFFFFFFF;
	p2 =	slt.u32 s8, $0xFFFFF086  }
0x1c: {  	p1 =	slt.u32 s9, $0xF7A;
	s5 =	simm.s32 @!p2 $0x0  }
0x1d: {  	s5 =	simm.s32 @p1 $0x1;
	p0 =	seq.s32 s7, s2  }
0x1e: {  	s7 =	smul.u32 @!p0 $0xF7A, s2;
	p2 =	seq.s32 @!p0 s5, $0x0  }
0x1f: {  	s9 =	smul.u32 $0xF7A, s1;
	s8 =	simm.s32 @!p0 $0x1BF5;
	p2 =	por !p2, p0  }
0x20: {  	[sflag:s8] =	ssyncset.s32 @!p0 $0xFFFFF086;
	s6 =	sadd.s32 @!p0 s3, s7;
	s7 =	simm.s32 @!p0 $0x108  }
0x21: {  	s3 =	sadd.s32 s3, s9;
	s6 =	sadd.s32 @!p0 $0x88, s6;
	s7 =	simm.s32 @p2 $0x1082  }
0x22: {  	[simem:s7], [sflag:s8] =	dma.local @!p0 [hbm:s6], $0xF7A  }
0x23: {  	s9 =	sor.u32 $0xD0000000, s2;
	s6 =	simm.s32 $0x108;
	_ =	swait.ge @!p0 [sflag:s8], $0x0  }
0x24: {  	s3 =	sadd.s32 $0x88, s3;
	s6 =	simm.s32 @!p1 $0x1082;
	[sflag:s4] =	ssyncset.s32 $0xFFFFF086  }
0x25: {  	[simem:s6], [sflag:s4] =	dma.local [hbm:s3], $0xF7A  }
0x26: {  	[smem:$0x3F8E] =	sst s1;
	(tag) =	ssettag s2;
	_ =	strace s9  }
0x27: {  	s1 =	sld [smem:$0x3F9E]  }
0x28: {  	s2 =	sld [smem:$0x3F9F]  }
0x29: {  	s4 =	sld [smem:$0x3FA1]  }
0x2a: {  	p0 =	seq.s32 s5, $0x0;
	s5 =	sld [smem:$0x3FA2]  }
0x2b: {  	s6 =	sld [smem:$0x3FA3]  }
0x2c: {  	s7 =	sld [smem:$0x3FA4]  }
0x2d: {  	s3 =	simm.s32 $0x108;
	s8 =	sld [smem:$0x3FA5]  }
0x2e: {  	s3 =	simm.s32 @!p0 $0x1082;
	s9 =	sld [smem:$0x3FA6]  }
0x2f: {  	lr =	sadd.s32 s0, s3;
	s0 =	sld [smem:$0x3F9D]  }
0x30: {  	s3 =	sld [smem:$0x3FA0]  }
0x31: {  	[smem:$0x3FA9] =	sst s10  }
0x32: {  	s10 =	sld [smem:$0x3FA7];
	_ =	sdelay $0x3  }
0x33: {  	p0 =	seq.s32 s10, $0x1;
	s10 =	sld [smem:$0x3FA9];
	_ =	sdelay $0x3  }
0x34: {  	[smem:$0x3FA9] =	sst s10  }
0x35: {  	s10 =	sld [smem:$0x3FA8];
	_ =	sdelay $0x3  }
0x36: {  	p1 =	seq.s32 s10, $0x1;
	s10 =	sld [smem:$0x3FA9];
	_ =	sdelay $0x3  }
0x37: {  	[smem:$0x3FA9] =	sst s10  }
0x38: {  	s10 =	sld [smem:$0x3FAA]  }
0x39: {  	_ = 	snop;
	(pc) =	sbr.ind lr, $3  }
0x3a: {  	_ = 	snop  }
0x3b: {  	_ = 	snop  }
0x3c: {  	p2 =	seq.s32 s10, $0x1;
	s10 =	sld [smem:$0x3FA9]  }
0x3d: {  	_ =	shalt  }
0x3e: {  	_ =	shalt  }
0x3f: {  	_ =	shalt  }
0x40: {  	_ =	shalt  }
0x41: {  	_ =	shalt  }
0x42: {  	_ =	shalt  }
0x43: {  	_ =	shalt  }
0x44: {  	_ =	shalt  }
0x45: {  	_ =	shalt  }
0x46: {  	_ =	shalt  }
0x47: {  	_ =	shalt  }
0x48: {  	_ =	shalt  }
0x49: {  	_ =	shalt  }
0x4a: {  	_ =	shalt  }
0x4b: {  	_ =	shalt  }
0x4c: {  	_ =	shalt  }
0x4d: {  	_ =	shalt  }
0x4e: {  	_ =	shalt  }
0x4f: {  	_ =	shalt  }
0x50: {  	_ =	shalt  }
0x51: {  	_ =	shalt  }
0x52: {  	_ =	shalt  }
0x53: {  	_ =	shalt  }
0x54: {  	_ =	shalt  }
0x55: {  	_ =	shalt  }
0x56: {  	_ =	shalt  }
0x57: {  	_ =	shalt  }
0x58: {  	_ =	shalt  }
0x59: {  	_ =	shalt  }
0x5a: {  	_ =	shalt  }
0x5b: {  	_ =	shalt  }
0x5c: {  	_ =	shalt  }
0x5d: {  	_ =	shalt  }
0x5e: {  	_ =	shalt  }
0x5f: {  	_ =	shalt  }
0x60: {  	_ =	shalt  }
0x61: {  	_ =	shalt  }
0x62: {  	_ =	shalt  }
0x63: {  	_ =	shalt  }
0x64: {  	_ =	shalt  }
0x65: {  	_ =	shalt  }
0x66: {  	_ =	shalt  }
0x67: {  	_ =	shalt  }
0x68: {  	_ =	shalt  }
0x69: {  	_ =	shalt  }
0x6a: {  	_ =	shalt  }
0x6b: {  	_ =	shalt  }
0x6c: {  	_ =	shalt  }
0x6d: {  	_ =	shalt  }
0x6e: {  	_ =	shalt  }
0x6f: {  	_ =	shalt  }
0x70: {  	_ =	shalt  }
0x71: {  	_ =	shalt  }
0x72: {  	_ =	shalt  }
0x73: {  	_ =	shalt  }
0x74: {  	_ =	shalt  }
0x75: {  	_ =	shalt  }
0x76: {  	_ =	shalt  }
0x77: {  	_ =	shalt  }
0x78: {  	_ =	shalt  }
0x79: {  	_ =	shalt  }
0x7a: {  	_ =	shalt  }
0x7b: {  	_ =	shalt  }
0x7c: {  	_ =	shalt  }
0x7d: {  	_ =	shalt  }
0x7e: {  	_ =	shalt  }
0x7f: {  	_ =	shalt  }
0x80: {  	_ =	shalt  }
0x81: {  	_ =	shalt  }
0x82: {  	_ =	shalt  }
0x83: {  	_ =	shalt  }
0x84: {  	_ =	shalt  }
0x85: {  	_ =	shalt  }
0x86: {  	_ =	shalt  }
0x87: {  	_ =	shalt  }
.Lfunc_end0:
.L_simem_size_0:
called_computation.1_lowered:
.L_overlay_start_0:
0x88: {  	s2 =	sld [smem:$0x3FD9]  }
0x89: {  	s3 =	sld [smem:$0x3FFE];
	_ =	sdelay $0x1  }
0x8a: {  	s1 =	srdreg.scid  }
0x8b: {  	s0 =	sand.u32 $0x1, s1  }
0x8c: {  	s16 =	sshll.u32 s0, $0xA;
	s2 =	sadd.s32 s3, s2  }
0x8d: {  	s2 =	sadd.s32 s2, s16  }
0x8e: {  	[smem:$0x3FB5] =	sst s2  }
0x8f: {  	_ = 	snop  }
0x90: {  	(tm) =	ssettm $0x1  }
0x91: {  	s17 =	sld [smem:$0x3FFB];
	_ =	sdelay $0x3  }
0x92: {  	_ =	strace s17  }
0x93: {  	s2 =	sld [smem:$0x3FFC];
	_ =	sdelay $0x3  }
0x94: {  	_ =	strace s2  }
0x95: {  	s2 =	sld [smem:$0x3FFD];
	_ =	sdelay $0x3  }
0x96: {  	_ =	strace s2  }
0x97: {  	_ =	strace $0x8FFFFFFF  }
0x98: {  	s18 =	sld [smem:$0x3FDB];
	_ =	sdelay $0x1  }
0x99: {  	s19 =	simm.s32 $_scs_section_size  }
0x9a: {  	s4 =	simm.s32 $_size__tile_overlayer_lowered;
	s5 =	simm.s32 $_tile_overlayer_lowered  }
0x9b: {  	s22 =	simm.s32 $0x1BFF;
	s21 =	sshll.u32 s5, $0x1;
	s2 =	sadd.s32 s19, s18  }
0x9c: {  	s6 =	simm.s32 $0x0;
	s20 =	sshll.u32 s4, $0x1;
	s4 =	sadd.s32 s21, s2  }
0x9d: {  	[timem:s6], [sflag:s22] =	dma.local [hbm:s4], s20  }
0x9e: {  	_ =	swait.ge [sflag:s22], s20  }
0x9f: {  	s3 =	ssub.s32 $0x0, s20;
	[sflag:s22] =	ssyncset.done $0x0  }
0xa0: {  	[sflag:s22] =	ssyncadd.s32 s3;
	_ =	sdelay $0x1  }
0xa1: {  	s23 =	simm.s32 $0x1B8B  }
0xa2: {  	_ =	swait.ge [sflag:s23], $0x1  }
0xa3: {  	[sflag:s23] =	ssyncset.done $0x0  }
0xa4: {  	s25 =	simm.s32 $0x1B8E;
	s24 =	sld [smem:$0x3FFE];
	[sflag:s23] =	ssyncadd.s32 $0xFFFFFFFF  }
0xa5: {  	s26 =	simm.s32 $execute0_lowered;
	[smem:$0x3FD2] =	sst s25  }
0xa6: {  	s4 =	sshll.u32 s26, $0x1;
	_ =	strace $0x80000049;
	[dreg:$0x1] =	wrdreg $0xFFFFFFFF  }
0xa7: {  	s28 =	simm.s32 $_size_execute0_lowered;
	s2 =	sadd.s32 s2, s4;
	[dreg:$0x0] =	wrdreg $0x0  }
0xa8: {  	s4 =	sshll.u32 s28, $0x1;
	[dreg:$0x2] =	wrdreg s2  }
0xa9: {  	[dreg:$0x3] =	wrdreg s4  }
0xaa: {  	[dreg:$0x4] =	wrdreg $0xC0  }
0xab: {  	_ =	task [dreg:s6], $0x5FFFF  }
0xac: {  	[dreg:$0x1] =	wrdreg $0xFFFFFFFF  }
0xad: {  	[dreg:$0x0] =	wrdreg $0x60  }
0xae: {  	[dreg:$0x2] =	wrdreg s24  }
0xaf: {  	[dreg:$0x3] =	wrdreg $0xC5C00  }
0xb0: {  	[dreg:$0x4] =	wrdreg $0x9  }
0xb1: {  	_ =	task.clear_ibuf [dreg:s6], $0x5FFFF;
	_ =	strace $0x90000049  }
0xb2: {  	s29 =	simm.s32 $0x9;
	_ =	strace $0x8000004B  }
0xb3: {  	_ =	swait.ge [sflag:s29], $0x1  }
0xb4: {  	[sflag:s29] =	ssyncadd.s32 $0xFFFFFFFF  }
0xb5: {  	_ =	strace $0x9000004B  }
0xb6: {  	_ =	sfence  }
0xb7: {  	s30 =	sld [smem:$0x0];
	_ =	sdelay $0x2  }
0xb8: {  	s31 =	sshll.u32 s1, $0xD;
	s1 =	sshrl.u32 s1, $0x2  }
0xb9: {  	s3 =	sand.u32 $0x4000, s31;
	s1 =	sadd.s32 s1, s30  }
0xba: {  	s0 =	sor.u32 s3, s0;
	s1 =	sshll.u32 s1, $0x11  }
0xbb: {  	s0 =	sor.u32 s1, s0  }
0xbc: {  	s0 =	sadd.s32 $0x8F2B, s0  }
0xbd: {  	[sflag:s0] =	ssyncadd.remote.s32 $0x1  }
0xbe: {  	_ =	sfence.sel $0xFFFF  }
0xbf: {  	[dreg:$0x0] =	wrdreg $0xFFFFFFFF;
	(pc) =	sbr.abs _section_cstart, $3  }
0xc0: {  	[dreg:$0x1] =	wrdreg $0xFFFFFFFF  }
0xc1: {  	_ =	task.clear_ibuf [dreg:s6], $0x2FFFF;
	_ =	strace $0x9FFFFFFF  }
0xc2: {  	(tm) =	ssettm $0x7FFFFFFF  }
0xc3: {  	_ =	shalt  }
tec
execute0_lowered:
.L_overlay_start_1:
0x0: {  	(tag) =	ssettag $0x1  }
0x1: {  	s0 =	rddreg [dreg:$0x0]  }
0x2: {  	s2 =	rddreg [dreg:$0x1]  }
0x3: {  	s19 =	stileid.u32;
	s3 =	simm.s32 $0x0;
	s4 =	srdreg.scid  }
0x4: {  	s18 =	simm.s32 $0x9D1E00;
	s20 =	simm.s32 $0x3;
	s21 =	simm.s32 $0x4EC0  }
0x5: {  	s22 =	simm.s32 $0x76C0;
	s23 =	simm.s32 $0x1;
	s1 =	smul.u32 $0x4E20, s19  }
0x6: {  	s28 =	simm.s32 $0x4E70;
	s29 =	simm.s32 $0x0;
	s24 =	smul.u32 $0x4E000, s19  }
0x7: {  	[smem:$0x7FF] =	sst s3;
	s5 =	sand.u32 $0x1, s4;
	s14 =	smul.u32 $0x2700, s19  }
0x8: {  	s15 =	sadd.s32 $0xDE00, s0;
	s12 =	sadd.s32 $0x138000, s2;
	s31 =	smul.u32 $0x4E200, s19  }
0x9: {  	_ =	strace $0x8000004A;
	s6 =	ssub.s32 $0x2, s5;
	s17 =	smul.u32 $0x27100, s5  }
0xa: {  	s30 =	smul.u32 $0x138800, s5;
	p0 =	seq.s32 s5, $0x0;
	s1 =	sshrl.u32 s1, $0x3  }
0xb: {  	s7 =	sshrl.u32 s6, $0x1;
	s4 =	sshrl.u32 s24, $0x2;
	s18 =	simm.s32 @!p0 $0xEB3E00  }
0xc: {  	p0 =	sne.s32 s19, $0xF;
	s19 =	simm.s32 $0x9EC0;
	s24 =	simm.s32 $0x50  }
0xd: {  	s1 =	sadd.s32 s1, s0;
	s16 =	ssub.s32 s6, s7;
	s4 =	sadd.s32 s4, s2  }
0xe: {  	s14 =	sadd.s32 s14, s17;
	s0 =	sadd.s32 s18, s0;
	s25 =	sadd.s32 $0x2700, s4  }
0xf: {  	s26 =	sadd.s32 $0x4E00, s4;
	s7 =	sadd.s32 $0x7500, s4;
	s8 =	sadd.s32 $0x9C00, s4  }
0x10: {  	s9 =	sadd.s32 $0xC300, s4;
	s10 =	sadd.s32 $0xEA00, s4;
	s11 =	sadd.s32 $0x11100, s4  }
0x11: {  	s13 =	sadd.s32 $0x4000, s1;
	s1 =	sshrl.u32 s30, $0x3;
	s14 =	sadd.s32 s15, s14  }
0x12: {  	s16 =	smax.u32 s16, $0x1;
	s17 =	sadd.s32 s0, s31;
	[dreg:$0x3] =	wrdreg s25  }
0x13: {  	[dreg:$0x4] =	wrdreg s26;
	s1 =	sadd.s32 s15, s1;
	s18 =	sadd.s32 $0x4DD00, s17  }
0x14: {  	v0 =	vimm.f32 $0.0e+00;
	s25 =	simm.s32 $0x4E20;
	s26 =	simm.s32 $0x2;
	s15 =	sadd.s32 $0x27000, s1  }
.LBB2_1:
0x15: {  	s0 =	simm.s32 $0x0;
	s1 =	simm.s32 $0x200  }
.LBB2_2:
0x16: {  	p1 =	sne.s32 s1, $0x9A00;
	[tilespmem:s0+$0x9F30] =	vst v0  }
0x17: {  	[tilespmem:s0+$0x9EC0] =	vst v0  }
0x18: {  	[tilespmem:s0+$0x9ED0] =	vst v0  }
.Ltmp0:
0x19: {  	[tilespmem:s0+$0x9EE0] =	vst v0;
	(pc) =	sbr.rel @p1 .LBB2_2-.Ltmp0, $4  }
0x1a: {  	[tilespmem:s0+$0x9EF0] =	vst v0  }
0x1b: {  	[tilespmem:s0+$0x9F00] =	vst v0  }
0x1c: {  	[tilespmem:s0+$0x9F10] =	vst v0  }
0x1d: {  	[tilespmem:s0+$0x9F20] =	vst v0;
	s0 =	sshra.s32 s1, $0x2;
	s1 =	sadd.s32 $0x200, s1  }
0x1e: {  	[tilespmem:s0+$0x9F30] =	vst v0  }
0x1f: {  	[tilespmem:s0+$0x9EC0] =	vst v0  }
0x20: {  	[tilespmem:s0+$0x9ED0] =	vst v0  }
0x21: {  	[tilespmem:s0+$0x9EE0] =	vst v0  }
0x22: {  	[tilespmem:s0+$0x9EF0] =	vst v0  }
0x23: {  	[tilespmem:s0+$0x9F00] =	vst v0  }
0x24: {  	[tilespmem:s0+$0x9F10] =	vst v0  }
0x25: {  	[tilespmem:s0+$0x9F20] =	vst v0  }
0x26: {  	[spmem:s4] =	stream.linear.scatter [tilespmem:s19], [sflag:$0x3], $0x2700, $0x38;
	[tilespmem:$0x1FE40] =	vst v63  }
0x27: {  	_ =	swait.ge [sflag:s20], $0x2700  }
0x28: {  	[sflag:s20] =	ssyncset.done $0x0  }
0x29: {  	s6 =	rddreg [dreg:$0x3];
	[sflag:s20] =	ssyncadd.s32 $0xFFFFD900  }
0x2a: {  	[spmem:s6] =	stream.linear.scatter [tilespmem:s19], [sflag:$0x3], $0x2700, $0x38;
	[tilespmem:$0x1FE40] =	vst v63  }
0x2b: {  	_ =	swait.ge [sflag:s20], $0x2700  }
0x2c: {  	[sflag:s20] =	ssyncset.done $0x0  }
0x2d: {  	s1 =	rddreg [dreg:$0x4];
	[sflag:s20] =	ssyncadd.s32 $0xFFFFD900  }
0x2e: {  	[spmem:s1] =	stream.linear.scatter [tilespmem:s19], [sflag:$0x3], $0x2700, $0x38;
	[tilespmem:$0x1FE40] =	vst v63  }
0x2f: {  	_ =	swait.ge [sflag:s20], $0x2700  }
0x30: {  	[sflag:s20] =	ssyncset.done $0x0  }
0x31: {  	[sflag:s20] =	ssyncadd.s32 $0xFFFFD900  }
0x32: {  	[spmem:s7] =	stream.linear.scatter [tilespmem:s19], [sflag:$0x3], $0x2700, $0x38;
	[tilespmem:$0x1FE40] =	vst v63  }
0x33: {  	_ =	swait.ge [sflag:s20], $0x2700  }
0x34: {  	[sflag:s20] =	ssyncset.done $0x0  }
0x35: {  	[sflag:s20] =	ssyncadd.s32 $0xFFFFD900  }
0x36: {  	[spmem:s8] =	stream.linear.scatter [tilespmem:s19], [sflag:$0x3], $0x2700, $0x38;
	[tilespmem:$0x1FE40] =	vst v63  }
0x37: {  	_ =	swait.ge [sflag:s20], $0x2700  }
0x38: {  	[sflag:s20] =	ssyncset.done $0x0  }
0x39: {  	[sflag:s20] =	ssyncadd.s32 $0xFFFFD900  }
0x3a: {  	[spmem:s9] =	stream.linear.scatter [tilespmem:s19], [sflag:$0x3], $0x2700, $0x38;
	[tilespmem:$0x1FE40] =	vst v63  }
0x3b: {  	_ =	swait.ge [sflag:s20], $0x2700  }
0x3c: {  	[sflag:s20] =	ssyncset.done $0x0  }
0x3d: {  	[sflag:s20] =	ssyncadd.s32 $0xFFFFD900  }
0x3e: {  	[spmem:s10] =	stream.linear.scatter [tilespmem:s19], [sflag:$0x3], $0x2700, $0x38;
	[tilespmem:$0x1FE40] =	vst v63  }
0x3f: {  	_ =	swait.ge [sflag:s20], $0x2700  }
0x40: {  	[sflag:s20] =	ssyncset.done $0x0  }
0x41: {  	[sflag:s20] =	ssyncadd.s32 $0xFFFFD900  }
0x42: {  	[spmem:s11] =	stream.linear.scatter [tilespmem:s19], [sflag:$0x3], $0x2700, $0x38;
	[tilespmem:$0x1FE40] =	vst v63  }
0x43: {  	_ =	swait.ge [sflag:s20], $0x2700  }
0x44: {  	[sflag:s20] =	ssyncset.done $0x0  }
0x45: {  	s0 =	simm.s32 @!p0 $0x9EC0;
	[sflag:s20] =	ssyncadd.s32 $0xFFFFD900  }
0x46: {  	[spmem:s12] =	stream.linear.scatter @!p0 [tilespmem:s0], [sflag:$0x3], $0x800, $0x38;
	[tilespmem:$0x1FE40] =	vst v63  }
0x47: {  	s0 =	simm.s32 @!p0 $0x3  }
0x48: {  	_ =	swait.ge @!p0 [sflag:s0], $0x800  }
0x49: {  	[sflag:s0] =	ssyncset.done @!p0 $0x0  }
0x4a: {  	[sflag:s0] =	ssyncadd.s32 @!p0 $0xFFFFF800  }
0x4b: {  	[tilespmem:s3], [sflag:$0x3] =	stream.linear.gather [hbm4b:s13+s3], $0x4E20, $0x38;
	[tilespmem:$0x1FE40] =	vst v63  }
0x4c: {  	_ =	swait.ge [sflag:s20], $0x4E20  }
0x4d: {  	[sflag:s20] =	ssyncset.done $0x0  }
0x4e: {  	[sflag:s20] =	ssyncadd.s32 $0xFFFFB1E0  }
0x4f: {  	s5 =	sadd.s32 $0xFFFB2800, s17;
	[bflag:$0x0] =	sbarrier.arrive $0xFFFF  }
0x50: {  	[tilespmem:s21], [sflag:$0x1] =	stream.linear.gather [hbm4b:s17+s3], $0x2800, $0x38;
	[tilespmem:$0x1FE40] =	vst v63  }
0x51: {  	s1 =	sadd.s32 $0x4DD00, s5  }
0x52: {  	[tilespmem:s22], [sflag:$0x2] =	stream.linear.gather [hbm4b:s1+s3], $0x2800, $0x38;
	[tilespmem:$0x1FE40] =	vst v63  }
0x53: {  	_ =	swait.ge [sflag:s23], $0x2800  }
0x54: {  	[sflag:s23] =	ssyncset.done $0x0  }
0x55: {  	s6 =	simm.s32 $0x50;
	[sflag:s23] =	ssyncadd.s32 $0xFFFFD800  }
0x56: {  	v1 =	vld [tilespmem:s6+$0xFFFFFFB0];
	_ =	sdelay $0x4  }
0x57: {  	[tilespmem:$0x4E20] =	vst v1  }
0x58: {  	v1 =	vld [tilespmem:s6+$0xFFFFFFC0];
	_ =	sdelay $0x4  }
0x59: {  	[tilespmem:$0x4E30] =	vst v1  }
0x5a: {  	v1 =	vld [tilespmem:s6+$0xFFFFFFD0];
	_ =	sdelay $0x4  }
0x5b: {  	[tilespmem:$0x4E40] =	vst v1  }
0x5c: {  	v1 =	vld [tilespmem:s6+$0xFFFFFFE0];
	_ =	sdelay $0x4  }
0x5d: {  	[tilespmem:$0x4E50] =	vst v1  }
0x5e: {  	v1 =	vld [tilespmem:s6+$0xFFFFFFF0];
	_ =	sdelay $0x4  }
0x5f: {  	[tilespmem:$0x4E60] =	vst v1  }
0x60: {  	[spmem:s2] =	stream.indirect.scatter.add.f32 [tilespmem:s21], [sflag:$0x3], $0x80, s25, s24, $0xb8;
	[tilespmem:$0x1FE40] =	vst v63  }
0x61: {  	_ =	swait.ge [sflag:s20], $0x2800  }
0x62: {  	[sflag:s20] =	ssyncset.done $0x0  }
0x63: {  	s0 =	sadd.s32 $0x4E200, s5;
	[sflag:s20] =	ssyncadd.s32 $0xFFFFD800  }
0x64: {  	[tilespmem:s21], [sflag:$0x1] =	stream.linear.gather [hbm4b:s0+s3], $0x2800, $0x38;
	[tilespmem:$0x1FE40] =	vst v63  }
0x65: {  	_ =	swait.ge [sflag:s26], $0x2800  }
0x66: {  	[sflag:s26] =	ssyncset.done $0x0  }
0x67: {  	[sflag:s26] =	ssyncadd.s32 $0xFFFFD800  }
0x68: {  	v1 =	vld [tilespmem:s6+$0x0];
	_ =	sdelay $0x4  }
0x69: {  	[tilespmem:$0x4E70] =	vst v1  }
0x6a: {  	v1 =	vld [tilespmem:s6+$0x10];
	_ =	sdelay $0x4  }
0x6b: {  	[tilespmem:$0x4E80] =	vst v1  }
0x6c: {  	v1 =	vld [tilespmem:s6+$0x20];
	_ =	sdelay $0x4  }
0x6d: {  	[tilespmem:$0x4E90] =	vst v1  }
0x6e: {  	v1 =	vld [tilespmem:s6+$0x30];
	_ =	sdelay $0x4  }
0x6f: {  	[tilespmem:$0x4EA0] =	vst v1  }
0x70: {  	v1 =	vld [tilespmem:s6+$0x40];
	_ =	sdelay $0x4  }
0x71: {  	[tilespmem:$0x4EB0] =	vst v1  }
0x72: {  	[spmem:s2] =	stream.indirect.scatter.add.f32 [tilespmem:s22], [sflag:$0x3], $0x80, s28, s24, $0xb8;
	[tilespmem:$0x1FE40] =	vst v63  }
0x73: {  	s31 =	simm.s32 $0xFFFB3C00;
	_ =	swait.ge [sflag:s20], $0x2800  }
0x74: {  	s30 =	simm.s32 $0xF0;
	s1 =	sadd.s32 $0xFFFB3200, s17;
	[sflag:s20] =	ssyncset.done $0x0  }
.LBB2_4:
0x75: {  	s6 =	sadd.s32 $0x4DD00, s1  }
0x76: {  	[sflag:s20] =	ssyncadd.s32 $0xFFFFD800;
	s0 =	smov.u32 s31;
	s5 =	sadd.s32 $0xA00, s31  }
0x77: {  	[tilespmem:s22], [sflag:$0x2] =	stream.linear.gather [hbm4b:s6+s3], $0x2800, $0x38;
	[tilespmem:$0x1FE40] =	vst v63  }
0x78: {  	p1 =	sne.s32 s31, $0xFFFFF600;
	_ =	swait.ge [sflag:s23], $0x2800  }
0x79: {  	[sflag:s23] =	ssyncset.done $0x0  }
0x7a: {  	[sflag:s23] =	ssyncadd.s32 $0xFFFFD800  }
0x7b: {  	v1 =	vld [tilespmem:s30+$0xFFFFFFB0];
	_ =	sdelay $0x4  }
0x7c: {  	[tilespmem:$0x4E20] =	vst v1  }
0x7d: {  	v1 =	vld [tilespmem:s30+$0xFFFFFFC0];
	_ =	sdelay $0x4  }
0x7e: {  	[tilespmem:$0x4E30] =	vst v1  }
0x7f: {  	v1 =	vld [tilespmem:s30+$0xFFFFFFD0];
	_ =	sdelay $0x4  }
0x80: {  	[tilespmem:$0x4E40] =	vst v1  }
0x81: {  	v1 =	vld [tilespmem:s30+$0xFFFFFFE0];
	_ =	sdelay $0x4  }
0x82: {  	[tilespmem:$0x4E50] =	vst v1  }
0x83: {  	v1 =	vld [tilespmem:s30+$0xFFFFFFF0];
	_ =	sdelay $0x4  }
0x84: {  	[tilespmem:$0x4E60] =	vst v1  }
0x85: {  	[spmem:s2] =	stream.indirect.scatter.add.f32 [tilespmem:s21], [sflag:$0x3], $0x80, s25, s24, $0xb8;
	[tilespmem:$0x1FE40] =	vst v63  }
0x86: {  	_ =	swait.ge [sflag:s20], $0x2800  }
0x87: {  	[sflag:s20] =	ssyncset.done $0x0  }
0x88: {  	s1 =	sadd.s32 $0x4E200, s1;
	[sflag:s20] =	ssyncadd.s32 $0xFFFFD800  }
0x89: {  	[tilespmem:s21], [sflag:$0x1] =	stream.linear.gather [hbm4b:s1+s3], $0x2800, $0x38;
	[tilespmem:$0x1FE40] =	vst v63  }
0x8a: {  	_ =	swait.ge [sflag:s26], $0x2800  }
0x8b: {  	[sflag:s26] =	ssyncset.done $0x0  }
0x8c: {  	[sflag:s26] =	ssyncadd.s32 $0xFFFFD800  }
0x8d: {  	v1 =	vld [tilespmem:s30+$0x0];
	_ =	sdelay $0x4  }
0x8e: {  	[tilespmem:$0x4E70] =	vst v1  }
0x8f: {  	v1 =	vld [tilespmem:s30+$0x10];
	_ =	sdelay $0x4  }
0x90: {  	[tilespmem:$0x4E80] =	vst v1  }
0x91: {  	v1 =	vld [tilespmem:s30+$0x20];
	_ =	sdelay $0x4  }
0x92: {  	[tilespmem:$0x4E90] =	vst v1  }
0x93: {  	v1 =	vld [tilespmem:s30+$0x30];
	_ =	sdelay $0x4  }
0x94: {  	[tilespmem:$0x4EA0] =	vst v1  }
0x95: {  	v1 =	vld [tilespmem:s30+$0x40];
	_ =	sdelay $0x3  }
.Ltmp1:
0x96: {  	(pc) =	sbr.rel @p1 .LBB2_4-.Ltmp1, $4  }
0x97: {  	[tilespmem:$0x4EB0] =	vst v1  }
0x98: {  	[spmem:s2] =	stream.indirect.scatter.add.f32 [tilespmem:s22], [sflag:$0x3], $0x80, s28, s24, $0xb8;
	[tilespmem:$0x1FE40] =	vst v63  }
0x99: {  	s31 =	smov.u32 s5;
	_ =	swait.ge [sflag:s20], $0x2800  }
0x9a: {  	s1 =	sadd.s32 s0, s17;
	s30 =	sadd.s32 $0xA0, s30;
	[sflag:s20] =	ssyncset.done $0x0  }
0x9b: {  	s0 =	sadd.s32 $0x4DD00, s1;
	[sflag:s20] =	ssyncadd.s32 $0xFFFFD800  }
0x9c: {  	[tilespmem:s22], [sflag:$0x2] =	stream.linear.gather [hbm4b:s0+s3], $0x2800, $0x38;
	[tilespmem:$0x1FE40] =	vst v63  }
0x9d: {  	_ =	swait.ge [sflag:s23], $0x2800  }
0x9e: {  	[sflag:s23] =	ssyncset.done $0x0  }
0x9f: {  	[sflag:s23] =	ssyncadd.s32 $0xFFFFD800  }
0xa0: {  	v1 =	vld [tilespmem:s30+$0xFFFFFFB0];
	_ =	sdelay $0x4  }
0xa1: {  	[tilespmem:$0x4E20] =	vst v1  }
0xa2: {  	v1 =	vld [tilespmem:s30+$0xFFFFFFC0];
	_ =	sdelay $0x4  }
0xa3: {  	[tilespmem:$0x4E30] =	vst v1  }
0xa4: {  	v1 =	vld [tilespmem:s30+$0xFFFFFFD0];
	_ =	sdelay $0x4  }
0xa5: {  	[tilespmem:$0x4E40] =	vst v1  }
0xa6: {  	v1 =	vld [tilespmem:s30+$0xFFFFFFE0];
	_ =	sdelay $0x4  }
0xa7: {  	[tilespmem:$0x4E50] =	vst v1  }
0xa8: {  	v1 =	vld [tilespmem:s30+$0xFFFFFFF0];
	_ =	sdelay $0x4  }
0xa9: {  	[tilespmem:$0x4E60] =	vst v1  }
0xaa: {  	[spmem:s2] =	stream.indirect.scatter.add.f32 [tilespmem:s21], [sflag:$0x3], $0x80, s25, s24, $0xb8;
	[tilespmem:$0x1FE40] =	vst v63  }
0xab: {  	_ =	swait.ge [sflag:s20], $0x2800  }
0xac: {  	[sflag:s20] =	ssyncset.done $0x0  }
0xad: {  	s6 =	sadd.s32 $0x4E200, s1;
	[sflag:s20] =	ssyncadd.s32 $0xFFFFD800  }
0xae: {  	[tilespmem:s21], [sflag:$0x1] =	stream.linear.gather [hbm4b:s6+s3], $0x2800, $0x38;
	[tilespmem:$0x1FE40] =	vst v63  }
0xaf: {  	_ =	swait.ge [sflag:s26], $0x2800  }
0xb0: {  	[sflag:s26] =	ssyncset.done $0x0  }
0xb1: {  	[sflag:s26] =	ssyncadd.s32 $0xFFFFD800  }
0xb2: {  	v1 =	vld [tilespmem:s30+$0x0];
	_ =	sdelay $0x4  }
0xb3: {  	[tilespmem:$0x4E70] =	vst v1  }
0xb4: {  	v1 =	vld [tilespmem:s30+$0x10];
	_ =	sdelay $0x4  }
0xb5: {  	[tilespmem:$0x4E80] =	vst v1  }
0xb6: {  	v1 =	vld [tilespmem:s30+$0x20];
	_ =	sdelay $0x4  }
0xb7: {  	[tilespmem:$0x4E90] =	vst v1  }
0xb8: {  	v1 =	vld [tilespmem:s30+$0x30];
	_ =	sdelay $0x4  }
0xb9: {  	[tilespmem:$0x4EA0] =	vst v1  }
0xba: {  	v1 =	vld [tilespmem:s30+$0x40];
	_ =	sdelay $0x4  }
0xbb: {  	[tilespmem:$0x4EB0] =	vst v1  }
0xbc: {  	[spmem:s2] =	stream.indirect.scatter.add.f32 [tilespmem:s22], [sflag:$0x3], $0x80, s28, s24, $0xb8;
	[tilespmem:$0x1FE40] =	vst v63  }
0xbd: {  	_ =	swait.ge [sflag:s20], $0x2800  }
0xbe: {  	[sflag:s20] =	ssyncset.done $0x0  }
0xbf: {  	[sflag:s20] =	ssyncadd.s32 $0xFFFFD800  }
0xc0: {  	[tilespmem:s22], [sflag:$0x2] =	stream.linear.gather [hbm4b:s18+s3], $0x2800, $0x38;
	[tilespmem:$0x1FE40] =	vst v63  }
0xc1: {  	_ =	swait.ge [sflag:s23], $0x2800  }
0xc2: {  	[sflag:s23] =	ssyncset.done $0x0  }
0xc3: {  	[sflag:s23] =	ssyncadd.s32 $0xFFFFD800  }
0xc4: {  	v1 =	vld [tilespmem:s30+$0x50];
	_ =	sdelay $0x4  }
0xc5: {  	[tilespmem:$0x4E20] =	vst v1  }
0xc6: {  	v1 =	vld [tilespmem:s30+$0x60];
	_ =	sdelay $0x4  }
0xc7: {  	[tilespmem:$0x4E30] =	vst v1  }
0xc8: {  	v1 =	vld [tilespmem:s30+$0x70];
	_ =	sdelay $0x4  }
0xc9: {  	[tilespmem:$0x4E40] =	vst v1  }
0xca: {  	v1 =	vld [tilespmem:s30+$0x80];
	_ =	sdelay $0x4  }
0xcb: {  	[tilespmem:$0x4E50] =	vst v1  }
0xcc: {  	v1 =	vld [tilespmem:s30+$0x90];
	_ =	sdelay $0x4  }
0xcd: {  	[tilespmem:$0x4E60] =	vst v1  }
0xce: {  	[spmem:s2] =	stream.indirect.scatter.add.f32 [tilespmem:s21], [sflag:$0x3], $0x80, s25, s24, $0xb8;
	[tilespmem:$0x1FE40] =	vst v63  }
0xcf: {  	_ =	swait.ge [sflag:s20], $0x2800  }
0xd0: {  	[sflag:s20] =	ssyncset.done $0x0  }
0xd1: {  	[sflag:s20] =	ssyncadd.s32 $0xFFFFD800  }
0xd2: {  	_ =	swait.ge [sflag:s26], $0x2800  }
0xd3: {  	[sflag:s26] =	ssyncset.done $0x0  }
0xd4: {  	[sflag:s26] =	ssyncadd.s32 $0xFFFFD800  }
0xd5: {  	v1 =	vld [tilespmem:$0x4DD0];
	_ =	sdelay $0x4  }
0xd6: {  	[tilespmem:$0x4E70] =	vst v1  }
0xd7: {  	v1 =	vld [tilespmem:s30+$0xB0];
	_ =	sdelay $0x4  }
0xd8: {  	[tilespmem:$0x4E80] =	vst v1  }
0xd9: {  	v1 =	vld [tilespmem:s30+$0xC0];
	_ =	sdelay $0x4  }
0xda: {  	[tilespmem:$0x4E90] =	vst v1  }
0xdb: {  	v1 =	vld [tilespmem:s30+$0xD0];
	_ =	sdelay $0x4  }
0xdc: {  	[tilespmem:$0x4EA0] =	vst v1  }
0xdd: {  	v1 =	vld [tilespmem:s30+$0xE0];
	_ =	sdelay $0x4  }
0xde: {  	[tilespmem:$0x4EB0] =	vst v1  }
0xdf: {  	[spmem:s2] =	stream.indirect.scatter.add.f32 [tilespmem:s22], [sflag:$0x3], $0x80, s28, s24, $0xb8;
	[tilespmem:$0x1FE40] =	vst v63  }
0xe0: {  	_ =	swait.ge [sflag:s20], $0x2800  }
0xe1: {  	s30 =	stileid.u32;
	[sflag:s20] =	ssyncset.done $0x0  }
0xe2: {  	s0 =	sshll.u32 s30, $0x6;
	[sflag:s20] =	ssyncadd.s32 $0xFFFFD800  }
0xe3: {  	s31 =	sshrl.u32 s4, $0x3;
	s0 =	sor.u32 $0x1C03, s0;
	[bflag:$0x0] =	sbarrier.arrive $0xFFFF  }
0xe4: {  	[hbm:s14], [sflag:s0] =	dma.local [spmem:s31], $0x2700  }
0xe5: {  	_ =	swait.ge [sflag:s20], $0x2700  }
0xe6: {  	s29 =	sadd.s32 $0x1, s29;
	[sflag:s20] =	ssyncset.done $0x0  }
0xe7: {  	s1 =	sshrl.u32 @!p0 s12, $0x3;
	p1 =	sne.s32 s29, s16;
	[sflag:s20] =	ssyncadd.s32 $0xFFFFD900  }
0xe8: {  	[hbm:s15], [sflag:s0] =	dma.local @!p0 [spmem:s1], $0x100  }
.Ltmp2:
0xe9: {  	_ = 	snop;
	(pc) =	sbr.rel @p1 .LBB2_1-.Ltmp2, $4  }
0xea: {  	s0 =	simm.s32 @!p0 $0x3  }
0xeb: {  	_ =	swait.ge @!p0 [sflag:s0], $0x100  }
0xec: {  	[sflag:s0] =	ssyncset.done @!p0 $0x0  }
0xed: {  	[sflag:s0] =	ssyncadd.s32 @!p0 $0xFFFFFF00  }
0xee: {  	_ =	sfence.sel $0x180000  }
0xef: {  	[bflag:$0x0] =	sbarrier.arrive $0xFFFF  }
0xf0: {  	_ =	strace $0x9000004A  }
0xf1: {  	s0 =	stileid.u32;
	[bflag:$0x2] =	sbarrier.arrive $0xFFFF  }
0xf2: {  	p0 =	sne.s32 s0, $0x0;
	s0 =	rddreg [dreg:$0x2]  }
0xf3: {  	s0 =	sadd.s32 @!p0 $0x100000, s0  }
0xf4: {  	[sflag:s0] =	ssyncadd.tile.s32 @!p0 $0x1;
	_ =	shalt  }
.Lfunc_end2:
_tile_overlayer_lowered:
.L_overlay_start_2:
0xf5: {  	(tag) =	ssettag $0x2  }
0xf6: {  	s0 =	rddreg [dreg:$0x0];
	s2 =	stileid.u32  }
0xf7: {  	s1 =	rddreg [dreg:$0x1];
	p0 =	sne.s32 s2, $0x0  }
0xf8: {  	s3 =	rddreg [dreg:$0x2];
	[bflag:$0x3] =	sbarrier.arrive $0xFFFF;
	s2 =	simm.s32 @!p0 $0x1C03  }
0xf9: {  	[timem:s3], [sflag:s2] =	dma.local @!p0 [hbm:s0], s1  }
0xfa: {  	s0 =	simm.s32 @!p0 $0x3  }
0xfb: {  	_ =	swait.ge @!p0 [sflag:s0], s1  }
0xfc: {  	s1 =	ssub.s32 @!p0 $0x0, s1;
	[sflag:s0] =	ssyncset.done @!p0 $0x0  }
0xfd: {  	[sflag:s0] =	ssyncadd.s32 @!p0 s1  }
0xfe: {  	[bflag:$0x3] =	sbarrier.arrive $0xFFFF  }
0xff: {  	_ =	shalt  }

// kernel: kernel.15.cloned.1.call-start
scs
__scs_entry_jumppad:
0x0: {  	(pc) =	sbr.rel $0x88, $3  }
0x1: {  	(tag) =	ssettag $0x0;
	lr =	simm.s32 $0x1  }
0x2: {  	[smem:$0x3F8E] =	sst lr;
	_ =	strace $0xD0000000  }
0x3: {  	_ = 	snop  }
0x4: {  	_ = 	snop  }
0x5: {  	_ = 	snop  }
0x6: {  	_ = 	snop  }
0x7: {  	_ = 	snop  }
__scs_overlays_trampoline_lowered:
0x8: {  	[smem:$0x3F9D] =	sst s0  }
0x9: {  	[smem:$0x3F9E] =	sst s1  }
0xa: {  	[smem:$0x3F9F] =	sst s2  }
0xb: {  	[smem:$0x3FA0] =	sst s3  }
0xc: {  	[smem:$0x3FA1] =	sst s4  }
0xd: {  	[smem:$0x3FA2] =	sst s5  }
0xe: {  	[smem:$0x3FA3] =	sst s6  }
0xf: {  	[smem:$0x3FA4] =	sst s7  }
0x10: {  	[smem:$0x3FA5] =	sst s8  }
0x11: {  	[smem:$0x3FA6] =	sst s9;
	s0 =	simm.s32 @!p0 $0x0  }
0x12: {  	s1 =	sld [smem:$0x3F8C];
	s0 =	simm.s32 @p0 $0x1  }
0x13: {  	[smem:$0x3FA7] =	sst s0;
	s0 =	simm.s32 @!p1 $0x0  }
0x14: {  	s2 =	sld [smem:$0x3F8B];
	s0 =	simm.s32 @p1 $0x1  }
0x15: {  	[smem:$0x3FA8] =	sst s0;
	s0 =	simm.s32 @!p2 $0x0  }
0x16: {  	s3 =	sld [smem:$0x3FDB];
	s0 =	simm.s32 @p2 $0x1  }
0x17: {  	s4 =	simm.s32 $0x1BF5;
	[smem:$0x3FAA] =	sst s0  }
0x18: {  	s0 =	sld [smem:$0x3F8D];
	_ =	swait.ge [sflag:s4], $0x0  }
0x19: {  	s7 =	sld [smem:$0x3F8E]  }
0x1a: {  	s8 =	sadd.s32 $0xFFFFE003, lr  }
0x1b: {  	s9 =	sadd.s32 $0xFFFFFEF7, lr;
	s5 =	simm.s32 $0xFFFFFFFF;
	p2 =	slt.u32 s8, $0xFFFFF086  }
0x1c: {  	p1 =	slt.u32 s9, $0xF7A;
	s5 =	simm.s32 @!p2 $0x0  }
0x1d: {  	s5 =	simm.s32 @p1 $0x1;
	p0 =	seq.s32 s7, s2  }
0x1e: {  	s7 =	smul.u32 @!p0 $0xF7A, s2;
	p2 =	seq.s32 @!p0 s5, $0x0  }
0x1f: {  	s9 =	smul.u32 $0xF7A, s1;
	s8 =	simm.s32 @!p0 $0x1BF5;
	p2 =	por !p2, p0  }
0x20: {  	[sflag:s8] =	ssyncset.s32 @!p0 $0xFFFFF086;
	s6 =	sadd.s32 @!p0 s3, s7;
	s7 =	simm.s32 @!p0 $0x108  }
0x21: {  	s3 =	sadd.s32 s3, s9;
	s6 =	sadd.s32 @!p0 $0x88, s6;
	s7 =	simm.s32 @p2 $0x1082  }
0x22: {  	[simem:s7], [sflag:s8] =	dma.local @!p0 [hbm:s6], $0xF7A  }
0x23: {  	s9 =	sor.u32 $0xD0000000, s2;
	s6 =	simm.s32 $0x108;
	_ =	swait.ge @!p0 [sflag:s8], $0x0  }
0x24: {  	s3 =	sadd.s32 $0x88, s3;
	s6 =	simm.s32 @!p1 $0x1082;
	[sflag:s4] =	ssyncset.s32 $0xFFFFF086  }
0x25: {  	[simem:s6], [sflag:s4] =	dma.local [hbm:s3], $0xF7A  }
0x26: {  	[smem:$0x3F8E] =	sst s1;
	(tag) =	ssettag s2;
	_ =	strace s9  }
0x27: {  	s1 =	sld [smem:$0x3F9E]  }
0x28: {  	s2 =	sld [smem:$0x3F9F]  }
0x29: {  	s4 =	sld [smem:$0x3FA1]  }
0x2a: {  	p0 =	seq.s32 s5, $0x0;
	s5 =	sld [smem:$0x3FA2]  }
0x2b: {  	s6 =	sld [smem:$0x3FA3]  }
0x2c: {  	s7 =	sld [smem:$0x3FA4]  }
0x2d: {  	s3 =	simm.s32 $0x108;
	s8 =	sld [smem:$0x3FA5]  }
0x2e: {  	s3 =	simm.s32 @!p0 $0x1082;
	s9 =	sld [smem:$0x3FA6]  }
0x2f: {  	lr =	sadd.s32 s0, s3;
	s0 =	sld [smem:$0x3F9D]  }
0x30: {  	s3 =	sld [smem:$0x3FA0]  }
0x31: {  	[smem:$0x3FA9] =	sst s10  }
0x32: {  	s10 =	sld [smem:$0x3FA7];
	_ =	sdelay $0x3  }
0x33: {  	p0 =	seq.s32 s10, $0x1;
	s10 =	sld [smem:$0x3FA9];
	_ =	sdelay $0x3  }
0x34: {  	[smem:$0x3FA9] =	sst s10  }
0x35: {  	s10 =	sld [smem:$0x3FA8];
	_ =	sdelay $0x3  }
0x36: {  	p1 =	seq.s32 s10, $0x1;
	s10 =	sld [smem:$0x3FA9];
	_ =	sdelay $0x3  }
0x37: {  	[smem:$0x3FA9] =	sst s10  }
0x38: {  	s10 =	sld [smem:$0x3FAA]  }
0x39: {  	_ = 	snop;
	(pc) =	sbr.ind lr, $3  }
0x3a: {  	_ = 	snop  }
0x3b: {  	_ = 	snop  }
0x3c: {  	p2 =	seq.s32 s10, $0x1;
	s10 =	sld [smem:$0x3FA9]  }
0x3d: {  	_ =	shalt  }
0x3e: {  	_ =	shalt  }
0x3f: {  	_ =	shalt  }
0x40: {  	_ =	shalt  }
0x41: {  	_ =	shalt  }
0x42: {  	_ =	shalt  }
0x43: {  	_ =	shalt  }
0x44: {  	_ =	shalt  }
0x45: {  	_ =	shalt  }
0x46: {  	_ =	shalt  }
0x47: {  	_ =	shalt  }
0x48: {  	_ =	shalt  }
0x49: {  	_ =	shalt  }
0x4a: {  	_ =	shalt  }
0x4b: {  	_ =	shalt  }
0x4c: {  	_ =	shalt  }
0x4d: {  	_ =	shalt  }
0x4e: {  	_ =	shalt  }
0x4f: {  	_ =	shalt  }
0x50: {  	_ =	shalt  }
0x51: {  	_ =	shalt  }
0x52: {  	_ =	shalt  }
0x53: {  	_ =	shalt  }
0x54: {  	_ =	shalt  }
0x55: {  	_ =	shalt  }
0x56: {  	_ =	shalt  }
0x57: {  	_ =	shalt  }
0x58: {  	_ =	shalt  }
0x59: {  	_ =	shalt  }
0x5a: {  	_ =	shalt  }
0x5b: {  	_ =	shalt  }
0x5c: {  	_ =	shalt  }
0x5d: {  	_ =	shalt  }
0x5e: {  	_ =	shalt  }
0x5f: {  	_ =	shalt  }
0x60: {  	_ =	shalt  }
0x61: {  	_ =	shalt  }
0x62: {  	_ =	shalt  }
0x63: {  	_ =	shalt  }
0x64: {  	_ =	shalt  }
0x65: {  	_ =	shalt  }
0x66: {  	_ =	shalt  }
0x67: {  	_ =	shalt  }
0x68: {  	_ =	shalt  }
0x69: {  	_ =	shalt  }
0x6a: {  	_ =	shalt  }
0x6b: {  	_ =	shalt  }
0x6c: {  	_ =	shalt  }
0x6d: {  	_ =	shalt  }
0x6e: {  	_ =	shalt  }
0x6f: {  	_ =	shalt  }
0x70: {  	_ =	shalt  }
0x71: {  	_ =	shalt  }
0x72: {  	_ =	shalt  }
0x73: {  	_ =	shalt  }
0x74: {  	_ =	shalt  }
0x75: {  	_ =	shalt  }
0x76: {  	_ =	shalt  }
0x77: {  	_ =	shalt  }
0x78: {  	_ =	shalt  }
0x79: {  	_ =	shalt  }
0x7a: {  	_ =	shalt  }
0x7b: {  	_ =	shalt  }
0x7c: {  	_ =	shalt  }
0x7d: {  	_ =	shalt  }
0x7e: {  	_ =	shalt  }
0x7f: {  	_ =	shalt  }
0x80: {  	_ =	shalt  }
0x81: {  	_ =	shalt  }
0x82: {  	_ =	shalt  }
0x83: {  	_ =	shalt  }
0x84: {  	_ =	shalt  }
0x85: {  	_ =	shalt  }
0x86: {  	_ =	shalt  }
0x87: {  	_ =	shalt  }
.Lfunc_end0:
.L_simem_size_0:
called_computation.2_lowered:
.L_overlay_start_0:
0x88: {  	s2 =	sld [smem:$0x3FD9]  }
0x89: {  	s3 =	sld [smem:$0x3FFE];
	_ =	sdelay $0x1  }
0x8a: {  	s1 =	srdreg.scid  }
0x8b: {  	s0 =	sand.u32 $0x1, s1  }
0x8c: {  	s14 =	sshll.u32 s0, $0xA;
	s2 =	sadd.s32 s3, s2  }
0x8d: {  	s2 =	sadd.s32 s2, s14  }
0x8e: {  	[smem:$0x3FB5] =	sst s2  }
0x8f: {  	_ = 	snop  }
0x90: {  	s2 =	sld [smem:$0x3FD0];
	_ =	sdelay $0x2  }
0x91: {  	s15 =	simm.s32 $0xA;
	s4 =	simm.s32 $0x10  }
0x92: {  	[smem:s4], [sflag:s15] =	dma.local [hbm:s2], $0x1  }
0x93: {  	_ =	swait.eq [sflag:s15], $0x1  }
0x94: {  	[sflag:s15] =	ssyncset.done $0x0  }
0x95: {  	[sflag:s15] =	ssyncadd.s32 $0xFFFFFFFF  }
0x96: {  	s16 =	sld [smem:$0x11];
	(tm) =	ssettm $0x1  }
0x97: {  	s17 =	sld [smem:$0x3FFB];
	_ =	sdelay $0x3  }
0x98: {  	_ =	strace s17  }
0x99: {  	s3 =	sld [smem:$0x3FFC];
	_ =	sdelay $0x3  }
0x9a: {  	_ =	strace s3  }
0x9b: {  	s3 =	sld [smem:$0x3FFD];
	_ =	sdelay $0x3  }
0x9c: {  	_ =	strace s3  }
0x9d: {  	_ =	strace $0x8FFFFFFF  }
0x9e: {  	s18 =	sld [smem:$0x3FDB];
	_ =	sdelay $0x1  }
0x9f: {  	s19 =	simm.s32 $_scs_section_size  }
0xa0: {  	s5 =	simm.s32 $_size__tile_overlayer_lowered;
	s6 =	simm.s32 $_tile_overlayer_lowered  }
0xa1: {  	s22 =	simm.s32 $0x1BFF;
	s21 =	sshll.u32 s6, $0x1;
	s3 =	sadd.s32 s19, s18  }
0xa2: {  	s7 =	simm.s32 $0x0;
	s20 =	sshll.u32 s5, $0x1;
	s5 =	sadd.s32 s21, s3  }
0xa3: {  	[timem:s7], [sflag:s22] =	dma.local [hbm:s5], s20  }
0xa4: {  	_ =	swait.ge [sflag:s22], s20  }
0xa5: {  	s4 =	ssub.s32 $0x0, s20;
	[sflag:s22] =	ssyncset.done $0x0  }
0xa6: {  	[sflag:s22] =	ssyncadd.s32 s4;
	_ =	sdelay $0x1  }
0xa7: {  	s23 =	simm.s32 $0x1B8B  }
0xa8: {  	_ =	swait.ge [sflag:s23], $0x1  }
0xa9: {  	[sflag:s23] =	ssyncset.done $0x0  }
0xaa: {  	s25 =	simm.s32 $0x1B8E;
	s24 =	sld [smem:$0x3FFE];
	[sflag:s23] =	ssyncadd.s32 $0xFFFFFFFF  }
0xab: {  	s26 =	simm.s32 $execute0_lowered;
	[smem:$0x3FD2] =	sst s25  }
0xac: {  	s5 =	sshll.u32 s26, $0x1;
	_ =	strace $0x8000004C;
	[dreg:$0x1] =	wrdreg $0xFFFFFFFF  }
0xad: {  	s28 =	simm.s32 $_size_execute0_lowered;
	s3 =	sadd.s32 s3, s5;
	[dreg:$0x0] =	wrdreg $0x0  }
0xae: {  	s5 =	sshll.u32 s28, $0x1;
	[dreg:$0x2] =	wrdreg s3  }
0xaf: {  	[dreg:$0x3] =	wrdreg s5  }
0xb0: {  	[dreg:$0x4] =	wrdreg $0xC0  }
0xb1: {  	_ =	task [dreg:s7], $0x5FFFF  }
0xb2: {  	[dreg:$0x1] =	wrdreg $0xFFFFFFFF  }
0xb3: {  	[dreg:$0x0] =	wrdreg $0x60  }
0xb4: {  	[dreg:$0x2] =	wrdreg s24  }
0xb5: {  	[dreg:$0x3] =	wrdreg s16  }
0xb6: {  	[dreg:$0x4] =	wrdreg $0x9  }
0xb7: {  	_ =	task.clear_ibuf [dreg:s7], $0x5FFFF;
	_ =	strace $0x9000004C  }
0xb8: {  	s29 =	simm.s32 $0x9;
	_ =	strace $0x8000004E  }
0xb9: {  	_ =	swait.ge [sflag:s29], $0x1  }
0xba: {  	[sflag:s29] =	ssyncadd.s32 $0xFFFFFFFF  }
0xbb: {  	_ =	strace $0x9000004E  }
0xbc: {  	_ =	sfence  }
0xbd: {  	s30 =	sld [smem:$0x0];
	_ =	sdelay $0x2  }
0xbe: {  	s31 =	sshll.u32 s1, $0xD;
	s1 =	sshrl.u32 s1, $0x2  }
0xbf: {  	s3 =	sand.u32 $0x4000, s31;
	s1 =	sadd.s32 s1, s30  }
0xc0: {  	s0 =	sor.u32 s3, s0;
	s1 =	sshll.u32 s1, $0x11  }
0xc1: {  	s0 =	sor.u32 s1, s0  }
0xc2: {  	s0 =	sadd.s32 $0x8F2B, s0  }
0xc3: {  	[sflag:s0] =	ssyncadd.remote.s32 $0x1  }
0xc4: {  	_ =	sfence.sel $0xFFFF  }
0xc5: {  	[dreg:$0x0] =	wrdreg $0xFFFFFFFF;
	(pc) =	sbr.abs _section_cstart, $3  }
0xc6: {  	[dreg:$0x1] =	wrdreg $0xFFFFFFFF  }
0xc7: {  	_ =	task.clear_ibuf [dreg:s7], $0x2FFFF;
	_ =	strace $0x9FFFFFFF  }
0xc8: {  	(tm) =	ssettm $0x7FFFFFFF  }
0xc9: {  	_ =	shalt  }
tec
execute0_lowered:
.L_overlay_start_1:
0x0: {  	(tag) =	ssettag $0x1  }
0x1: {  	s0 =	srdreg.scid  }
0x2: {  	s1 =	rddreg [dreg:$0x0];
	s15 =	stileid.u32  }
0x3: {  	s4 =	rddreg [dreg:$0x1];
	s28 =	simm.s32 $0x9EC0;
	s29 =	simm.s32 $0x9C90  }
0x4: {  	s30 =	simm.s32 $0xC6C0;
	s31 =	simm.s32 $0x9CE0;
	s14 =	smul.u32 $0x2710, s15  }
0x5: {  	s0 =	sand.u32 $0x1, s0;
	s8 =	sadd.s32 $0x6FC00, s1;
	s23 =	smul.u32 $0x27100, s15  }
0x6: {  	s9 =	sadd.s32 $0x551C00, s1;
	s2 =	sshll.u32 s0, $0x4;
	s26 =	smul.u32 $0x27100, s0  }
0x7: {  	s11 =	ssub.s32 $0x2, s0;
	s0 =	smul.u32 $0x271000, s0;
	s5 =	sor.u32 s15, s2  }
0x8: {  	s10 =	sadd.s32 $0xA33C00, s1;
	s2 =	simm.s32 $0x0;
	s3 =	smul.u32 $0x2710, s5  }
0x9: {  	s12 =	sshrl.u32 s11, $0x1;
	[smem:$0x7FF] =	sst s2;
	s5 =	smul.u32 $0x138800, s5  }
0xa: {  	s11 =	ssub.s32 s11, s12;
	s19 =	sadd.s32 s14, s26;
	s24 =	sadd.s32 s0, s8  }
0xb: {  	s26 =	sadd.s32 s0, s10;
	s12 =	simm.s32 $0x3;
	_ =	strace $0x8000004D  }
0xc: {  	s21 =	sshll.u32 s19, $0x4;
	s22 =	smax.u32 s11, $0x1;
	s19 =	sadd.s32 s23, s26  }
0xd: {  	s26 =	simm.s32 $0x9C40;
	s11 =	simm.s32 $0x2;
	s6 =	sshrl.u32 s3, $0x3  }
0xe: {  	[dreg:$0xb] =	wrdreg s22;
	s7 =	sadd.s32 s6, s1;
	s4 =	sadd.s32 s4, s6  }
0xf: {  	s3 =	sadd.s32 $0xDE00, s1;
	s25 =	sadd.s32 $0x4000, s7;
	[dreg:$0x5] =	wrdreg s4  }
0x10: {  	s5 =	sshrl.u32 s5, $0x3;
	s13 =	sadd.s32 $0x65E00, s7;
	[dreg:$0x3] =	wrdreg s25  }
0x11: {  	s17 =	sadd.s32 $0x26C00, s5;
	s16 =	sadd.s32 $0x5C000, s7;
	[dreg:$0x4] =	wrdreg s13  }
0x12: {  	s22 =	simm.s32 $0x116C0;
	s5 =	sadd.s32 s8, s17;
	[dreg:$0x6] =	wrdreg s16  }
0x13: {  	s1 =	sadd.s32 $0xF15C00, s1;
	s18 =	sadd.s32 s9, s17;
	[dreg:$0x7] =	wrdreg s5  }
0x14: {  	s6 =	simm.s32 $0x9E20;
	s20 =	sadd.s32 s10, s17;
	[dreg:$0x8] =	wrdreg s18  }
0x15: {  	s4 =	sadd.s32 s1, s17;
	s17 =	sadd.s32 s23, s24;
	[dreg:$0x9] =	wrdreg s20  }
0x16: {  	s24 =	simm.s32 $0x13EC0;
	s7 =	simm.s32 $0x18EC0;
	[dreg:$0xa] =	wrdreg s4  }
0x17: {  	s4 =	sadd.s32 $0x500, s21;
	s25 =	sadd.s32 s0, s9;
	s0 =	sadd.s32 s0, s1  }
.Ltmp0:
0x18: {  	s5 =	simm.s32 $0x166C0;
	s21 =	simm.s32 $0x4;
	(pc) =	sbr.rel .LBB2_1-.Ltmp0, $4  }
0x19: {  	s13 =	sadd.s32 s4, s1;
	s14 =	sadd.s32 s4, s10;
	s15 =	sadd.s32 s4, s9  }
0x1a: {  	s16 =	sadd.s32 s4, s8;
	s18 =	sadd.s32 s23, s25;
	s20 =	sadd.s32 s23, s0  }
0x1b: {  	s25 =	simm.s32 $0x50;
	s1 =	simm.s32 $0xEEC0;
	s8 =	simm.s32 $0x9E70  }
0x1c: {  	s9 =	simm.s32 $0x1B6C0;
	s10 =	simm.s32 $0x1;
	s4 =	simm.s32 $0x0  }
.LBB2_6:
0x1d: {  	_ =	swait.ge [sflag:s12], $0x2800  }
0x1e: {  	[sflag:s12] =	ssyncset.done $0x0  }
0x1f: {  	[sflag:s12] =	ssyncadd.s32 $0xFFFFD800  }
0x20: {  	_ =	swait.ge [sflag:s12], $0x2800  }
0x21: {  	[sflag:s12] =	ssyncset.done $0x0  }
0x22: {  	[sflag:s12] =	ssyncadd.s32 $0xFFFFD800  }
0x23: {  	_ =	swait.ge [sflag:s12], $0x2800  }
0x24: {  	[sflag:s12] =	ssyncset.done $0x0  }
0x25: {  	[sflag:s12] =	ssyncadd.s32 $0xFFFFD800  }
0x26: {  	_ =	swait.ge [sflag:s12], $0x2800  }
0x27: {  	[sflag:s12] =	ssyncset.done $0x0  }
0x28: {  	[sflag:s12] =	ssyncadd.s32 $0xFFFFD800  }
0x29: {  	v0 =	vld [tilespmem:$0x26C0]  }
0x2a: {  	v1 =	vld [tilespmem:$0x26D0]  }
0x2b: {  	v2 =	vld [tilespmem:$0x26E0]  }
0x2c: {  	v3 =	vld [tilespmem:$0x26F0]  }
0x2d: {  	v4 =	vld [tilespmem:$0x2700]  }
0x2e: {  	v49 =	vld [tilespmem:$0x4DD0];
	[tilespmem:$0x9C40] =	vst v0  }
0x2f: {  	v50 =	vld [tilespmem:$0x4DE0];
	[tilespmem:$0x9C50] =	vst v1  }
0x30: {  	v51 =	vld [tilespmem:$0x4DF0];
	[tilespmem:$0x9C60] =	vst v2  }
0x31: {  	v52 =	vld [tilespmem:$0x4E00];
	[tilespmem:$0x9C70] =	vst v3  }
0x32: {  	v53 =	vld [tilespmem:$0x4E10];
	[tilespmem:$0x9C80] =	vst v4  }
0x33: {  	v54 =	vld [tilespmem:$0x74E0];
	[tilespmem:$0x9C90] =	vst v49  }
0x34: {  	v55 =	vld [tilespmem:$0x74F0];
	[tilespmem:$0x9CA0] =	vst v50  }
0x35: {  	v56 =	vld [tilespmem:$0x7500];
	[tilespmem:$0x9CB0] =	vst v51  }
0x36: {  	v57 =	vld [tilespmem:$0x7510];
	[tilespmem:$0x9CC0] =	vst v52  }
0x37: {  	v58 =	vld [tilespmem:$0x7520];
	[tilespmem:$0x9CD0] =	vst v53  }
0x38: {  	v59 =	vld [tilespmem:$0x9BF0];
	[tilespmem:$0x9CE0] =	vst v54  }
0x39: {  	v60 =	vld [tilespmem:$0x9C00];
	[tilespmem:$0x9CF0] =	vst v55  }
0x3a: {  	v61 =	vld [tilespmem:$0x9C10];
	[tilespmem:$0x9D00] =	vst v56  }
0x3b: {  	v62 =	vld [tilespmem:$0x9C20];
	[tilespmem:$0x9D10] =	vst v57  }
0x3c: {  	v63 =	vld [tilespmem:$0x9C30];
	[tilespmem:$0x9D20] =	vst v58  }
0x3d: {  	[tilespmem:$0x9D30] =	vst v59  }
0x3e: {  	[tilespmem:$0x9D40] =	vst v60  }
0x3f: {  	[tilespmem:$0x9D50] =	vst v61  }
0x40: {  	[tilespmem:$0x9D60] =	vst v62  }
0x41: {  	s26 =	simm.s32 $0x9C40;
	[tilespmem:$0x9D70] =	vst v63  }
0x42: {  	[tilespmem:s28], [sflag:$0x1] =	stream.indirect.gather [hbm4b:s3+s25], $0x80, s26, s25, $0xb8;
	[tilespmem:$0x1DEC0] =	vst v63  }
0x43: {  	s29 =	simm.s32 $0x9C90  }
0x44: {  	[tilespmem:s30], [sflag:$0x1] =	stream.indirect.gather [hbm4b:s3+s25], $0x80, s29, s25, $0xb8;
	[tilespmem:$0x1DEC0] =	vst v63  }
0x45: {  	s31 =	simm.s32 $0x9CE0  }
0x46: {  	[tilespmem:s1], [sflag:$0x1] =	stream.indirect.gather [hbm4b:s3+s25], $0x80, s31, s25, $0xb8;
	[tilespmem:$0x1DEC0] =	vst v63  }
0x47: {  	s0 =	simm.s32 $0x9D30  }
0x48: {  	[tilespmem:s22], [sflag:$0x1] =	stream.indirect.gather [hbm4b:s3+s25], $0x80, s0, s25, $0xb8;
	[tilespmem:$0x1DEC0] =	vst v63  }
0x49: {  	_ =	swait.ge [sflag:s10], $0x2800  }
0x4a: {  	[sflag:s10] =	ssyncset.done $0x0  }
0x4b: {  	[sflag:s10] =	ssyncadd.s32 $0xFFFFD800  }
0x4c: {  	_ =	swait.ge [sflag:s10], $0x2800  }
0x4d: {  	[sflag:s10] =	ssyncset.done $0x0  }
0x4e: {  	[sflag:s10] =	ssyncadd.s32 $0xFFFFD800  }
0x4f: {  	_ =	swait.ge [sflag:s10], $0x2800  }
0x50: {  	[sflag:s10] =	ssyncset.done $0x0  }
0x51: {  	[sflag:s10] =	ssyncadd.s32 $0xFFFFD800  }
0x52: {  	_ =	swait.ge [sflag:s10], $0x2800  }
0x53: {  	[sflag:s10] =	ssyncset.done $0x0  }
0x54: {  	s23 =	rddreg [dreg:$0x7];
	[sflag:s10] =	ssyncadd.s32 $0xFFFFD800  }
0x55: {  	[hbm4b:s23+s2] =	stream.linear.scatter [tilespmem:s28], [sflag:$0x3], $0x2800, $0x38;
	[tilespmem:$0x1DEC0] =	vst v63  }
0x56: {  	s4 =	rddreg [dreg:$0x8]  }
0x57: {  	[hbm4b:s4+s2] =	stream.linear.scatter [tilespmem:s30], [sflag:$0x3], $0x2800, $0x38;
	[tilespmem:$0x1DEC0] =	vst v63  }
0x58: {  	s23 =	rddreg [dreg:$0x9]  }
0x59: {  	[hbm4b:s23+s2] =	stream.linear.scatter [tilespmem:s1], [sflag:$0x3], $0x2800, $0x38;
	[tilespmem:$0x1DEC0] =	vst v63  }
0x5a: {  	s4 =	rddreg [dreg:$0xa]  }
0x5b: {  	[hbm4b:s4+s2] =	stream.linear.scatter [tilespmem:s22], [sflag:$0x3], $0x2800, $0x38;
	[tilespmem:$0x1DEC0] =	vst v63  }
0x5c: {  	_ =	swait.ge [sflag:s12], $0x2800  }
0x5d: {  	[sflag:s12] =	ssyncset.done $0x0  }
0x5e: {  	[sflag:s12] =	ssyncadd.s32 $0xFFFFD800  }
0x5f: {  	_ =	swait.ge [sflag:s12], $0x2800  }
0x60: {  	[sflag:s12] =	ssyncset.done $0x0  }
0x61: {  	[sflag:s12] =	ssyncadd.s32 $0xFFFFD800  }
0x62: {  	_ =	swait.ge [sflag:s12], $0x2800  }
0x63: {  	[sflag:s12] =	ssyncset.done $0x0  }
0x64: {  	[sflag:s12] =	ssyncadd.s32 $0xFFFFD800  }
0x65: {  	_ =	swait.ge [sflag:s12], $0x2800  }
0x66: {  	[sflag:s12] =	ssyncset.done $0x0  }
0x67: {  	[sflag:s12] =	ssyncadd.s32 $0xFFFFD800  }
0x68: {  	_ =	swait.ge [sflag:s21], $0x2800  }
0x69: {  	[sflag:s21] =	ssyncset.done $0x0  }
0x6a: {  	[sflag:s21] =	ssyncadd.s32 $0xFFFFD800  }
0x6b: {  	_ =	swait.ge [sflag:s21], $0x2800  }
0x6c: {  	[sflag:s21] =	ssyncset.done $0x0  }
0x6d: {  	[sflag:s21] =	ssyncadd.s32 $0xFFFFD800  }
0x6e: {  	_ =	swait.ge [sflag:s21], $0x2800  }
0x6f: {  	[sflag:s21] =	ssyncset.done $0x0  }
0x70: {  	[sflag:s21] =	ssyncadd.s32 $0xFFFFD800  }
0x71: {  	_ =	swait.ge [sflag:s21], $0x2800  }
0x72: {  	s4 =	rddreg [dreg:$0xc]  }
0x73: {  	s23 =	rddreg [dreg:$0xb];
	s4 =	sadd.s32 $0x1, s4  }
0x74: {  	p0 =	sne.s32 s4, s23  }
.Ltmp1:
0x75: {  	_ = 	snop;
	(pc) =	sbr.rel @!p0 .LBB2_7-.Ltmp1, $3  }
0x76: {  	_ =	sdelay $0x1  }
0x77: {  	[sflag:s21] =	ssyncset.done $0x0  }
0x78: {  	[sflag:s21] =	ssyncadd.s32 $0xFFFFD800  }
.LBB2_1:
0x79: {  	[dreg:$0xc] =	wrdreg s4  }
0x7a: {  	s0 =	rddreg [dreg:$0x3];
	s4 =	simm.s32 $0x5  }
0x7b: {  	[tilespmem:s2], [sflag:$0x5] =	stream.linear.gather [hbm4b:s0+s2], $0x2710, $0x38;
	[tilespmem:$0x1DEC0] =	vst v63  }
0x7c: {  	_ =	swait.ge [sflag:s4], $0x2710  }
0x7d: {  	[sflag:s4] =	ssyncset.done $0x0  }
0x7e: {  	s23 =	simm.s32 $0x2710;
	s0 =	rddreg [dreg:$0x4];
	[sflag:s4] =	ssyncadd.s32 $0xFFFFD8F0  }
0x7f: {  	[tilespmem:s23], [sflag:$0x5] =	stream.linear.gather [hbm4b:s0+s2], $0x2710, $0x38;
	[tilespmem:$0x1DEC0] =	vst v63  }
0x80: {  	_ =	swait.ge [sflag:s4], $0x2710  }
0x81: {  	[sflag:s4] =	ssyncset.done $0x0  }
0x82: {  	s23 =	simm.s32 $0x4E20;
	s0 =	rddreg [dreg:$0x5];
	[sflag:s4] =	ssyncadd.s32 $0xFFFFD8F0  }
0x83: {  	[tilespmem:s23], [sflag:$0x5] =	stream.linear.gather [hbm4b:s0+s2], $0x2710, $0x38;
	[tilespmem:$0x1DEC0] =	vst v63  }
0x84: {  	_ =	swait.ge [sflag:s4], $0x2710  }
0x85: {  	[sflag:s4] =	ssyncset.done $0x0  }
0x86: {  	s23 =	simm.s32 $0x7530;
	s0 =	rddreg [dreg:$0x6];
	[sflag:s4] =	ssyncadd.s32 $0xFFFFD8F0  }
0x87: {  	[tilespmem:s23], [sflag:$0x5] =	stream.linear.gather [hbm4b:s0+s2], $0x2710, $0x38;
	[tilespmem:$0x1DEC0] =	vst v63  }
0x88: {  	_ =	swait.ge [sflag:s4], $0x2710  }
0x89: {  	[sflag:s4] =	ssyncset.done $0x0  }
0x8a: {  	[sflag:s4] =	ssyncadd.s32 $0xFFFFD8F0  }
0x8b: {  	v0 =	vld [tilespmem:$0x0]  }
0x8c: {  	v1 =	vld [tilespmem:$0x10]  }
0x8d: {  	v2 =	vld [tilespmem:$0x20]  }
0x8e: {  	v3 =	vld [tilespmem:$0x30]  }
0x8f: {  	v4 =	vld [tilespmem:$0x40]  }
0x90: {  	v49 =	vld [tilespmem:$0x2710];
	[tilespmem:$0x9C40] =	vst v0  }
0x91: {  	v50 =	vld [tilespmem:$0x2720];
	[tilespmem:$0x9C50] =	vst v1  }
0x92: {  	v51 =	vld [tilespmem:$0x2730];
	[tilespmem:$0x9C60] =	vst v2  }
0x93: {  	v52 =	vld [tilespmem:$0x2740];
	[tilespmem:$0x9C70] =	vst v3  }
0x94: {  	v53 =	vld [tilespmem:$0x2750];
	[tilespmem:$0x9C80] =	vst v4  }
0x95: {  	v54 =	vld [tilespmem:$0x4E20];
	[tilespmem:$0x9C90] =	vst v49  }
0x96: {  	v55 =	vld [tilespmem:$0x4E30];
	[tilespmem:$0x9CA0] =	vst v50  }
0x97: {  	v56 =	vld [tilespmem:$0x4E40];
	[tilespmem:$0x9CB0] =	vst v51  }
0x98: {  	v57 =	vld [tilespmem:$0x4E50];
	[tilespmem:$0x9CC0] =	vst v52  }
0x99: {  	v58 =	vld [tilespmem:$0x4E60];
	[tilespmem:$0x9CD0] =	vst v53  }
0x9a: {  	v59 =	vld [tilespmem:$0x7530];
	[tilespmem:$0x9CE0] =	vst v54  }
0x9b: {  	v60 =	vld [tilespmem:$0x7540];
	[tilespmem:$0x9CF0] =	vst v55  }
0x9c: {  	v61 =	vld [tilespmem:$0x7550];
	[tilespmem:$0x9D00] =	vst v56  }
0x9d: {  	v62 =	vld [tilespmem:$0x7560];
	[tilespmem:$0x9D10] =	vst v57  }
0x9e: {  	v63 =	vld [tilespmem:$0x7570];
	[tilespmem:$0x9D20] =	vst v58  }
0x9f: {  	[tilespmem:$0x9D30] =	vst v59  }
0xa0: {  	[tilespmem:$0x9D40] =	vst v60  }
0xa1: {  	[tilespmem:$0x9D50] =	vst v61  }
0xa2: {  	[tilespmem:$0x9D60] =	vst v62  }
0xa3: {  	[tilespmem:$0x9D70] =	vst v63  }
0xa4: {  	[tilespmem:s28], [sflag:$0x1] =	stream.indirect.gather [hbm4b:s3+s25], $0x80, s26, s25, $0xb8;
	[tilespmem:$0x1DEC0] =	vst v63  }
0xa5: {  	_ = 	snop  }
0xa6: {  	[tilespmem:s30], [sflag:$0x1] =	stream.indirect.gather [hbm4b:s3+s25], $0x80, s29, s25, $0xb8;
	[tilespmem:$0x1DEC0] =	vst v63  }
0xa7: {  	_ = 	snop  }
0xa8: {  	[tilespmem:s1], [sflag:$0x1] =	stream.indirect.gather [hbm4b:s3+s25], $0x80, s31, s25, $0xb8;
	[tilespmem:$0x1DEC0] =	vst v63  }
0xa9: {  	s0 =	simm.s32 $0x70;
	s23 =	simm.s32 $0x0;
	s26 =	simm.s32 $0x9D30  }
0xaa: {  	[tilespmem:s22], [sflag:$0x1] =	stream.indirect.gather [hbm4b:s3+s25], $0x80, s26, s25, $0xb8;
	[tilespmem:$0x1DEC0] =	vst v63  }
0xab: {  	s29 =	simm.s32 $0x4E90;
	s31 =	simm.s32 $0x2780;
	s26 =	simm.s32 $0x75A0  }
.LBB2_2:
0xac: {  	v0 =	vld [tilespmem:s0+$0xFFFFFFE0];
	_ =	sdelay $0x4  }
0xad: {  	[tilespmem:$0x9D80] =	vst v0  }
0xae: {  	v0 =	vld [tilespmem:s0+$0xFFFFFFF0];
	_ =	sdelay $0x4  }
0xaf: {  	[tilespmem:$0x9D90] =	vst v0  }
0xb0: {  	v0 =	vld [tilespmem:s0+$0x0];
	_ =	sdelay $0x4  }
0xb1: {  	[tilespmem:$0x9DA0] =	vst v0  }
0xb2: {  	v0 =	vld [tilespmem:s0+$0x10];
	_ =	sdelay $0x4  }
0xb3: {  	[tilespmem:$0x9DB0] =	vst v0  }
0xb4: {  	v0 =	vld [tilespmem:s0+$0x20];
	_ =	sdelay $0x4  }
0xb5: {  	[tilespmem:$0x9DC0] =	vst v0  }
0xb6: {  	v0 =	vld [tilespmem:s31+$0xFFFFFFE0];
	_ =	sdelay $0x4  }
0xb7: {  	[tilespmem:$0x9DD0] =	vst v0  }
0xb8: {  	v0 =	vld [tilespmem:s31+$0xFFFFFFF0];
	_ =	sdelay $0x4  }
0xb9: {  	[tilespmem:$0x9DE0] =	vst v0  }
0xba: {  	v0 =	vld [tilespmem:s31+$0x0];
	_ =	sdelay $0x4  }
0xbb: {  	[tilespmem:$0x9DF0] =	vst v0  }
0xbc: {  	v0 =	vld [tilespmem:s31+$0x10];
	_ =	sdelay $0x4  }
0xbd: {  	[tilespmem:$0x9E00] =	vst v0  }
0xbe: {  	v0 =	vld [tilespmem:s31+$0x20];
	_ =	sdelay $0x4  }
0xbf: {  	[tilespmem:$0x9E10] =	vst v0  }
0xc0: {  	v0 =	vld [tilespmem:s29+$0xFFFFFFE0];
	_ =	sdelay $0x4  }
0xc1: {  	[tilespmem:$0x9E20] =	vst v0  }
0xc2: {  	v0 =	vld [tilespmem:s29+$0xFFFFFFF0];
	_ =	sdelay $0x4  }
0xc3: {  	[tilespmem:$0x9E30] =	vst v0  }
0xc4: {  	v0 =	vld [tilespmem:s29+$0x0];
	_ =	sdelay $0x4  }
0xc5: {  	[tilespmem:$0x9E40] =	vst v0  }
0xc6: {  	v0 =	vld [tilespmem:s29+$0x10];
	_ =	sdelay $0x4  }
0xc7: {  	[tilespmem:$0x9E50] =	vst v0  }
0xc8: {  	v0 =	vld [tilespmem:s29+$0x20];
	_ =	sdelay $0x4  }
0xc9: {  	[tilespmem:$0x9E60] =	vst v0  }
0xca: {  	v0 =	vld [tilespmem:s26+$0xFFFFFFE0];
	_ =	sdelay $0x4  }
0xcb: {  	[tilespmem:$0x9E70] =	vst v0  }
0xcc: {  	v0 =	vld [tilespmem:s26+$0xFFFFFFF0];
	_ =	sdelay $0x4  }
0xcd: {  	[tilespmem:$0x9E80] =	vst v0  }
0xce: {  	v0 =	vld [tilespmem:s26+$0x0];
	_ =	sdelay $0x4  }
0xcf: {  	[tilespmem:$0x9E90] =	vst v0  }
0xd0: {  	v0 =	vld [tilespmem:s26+$0x10];
	_ =	sdelay $0x4  }
0xd1: {  	[tilespmem:$0x9EA0] =	vst v0  }
0xd2: {  	v0 =	vld [tilespmem:s26+$0x20];
	_ =	sdelay $0x4  }
0xd3: {  	s4 =	simm.s32 $0x9D80;
	[tilespmem:$0x9EB0] =	vst v0  }
0xd4: {  	[tilespmem:s24], [sflag:$0x2] =	stream.indirect.gather [hbm4b:s3+s25], $0x80, s4, s25, $0xb8;
	[tilespmem:$0x1DEC0] =	vst v63  }
0xd5: {  	s4 =	simm.s32 $0x9DD0  }
0xd6: {  	[tilespmem:s5], [sflag:$0x2] =	stream.indirect.gather [hbm4b:s3+s25], $0x80, s4, s25, $0xb8;
	[tilespmem:$0x1DEC0] =	vst v63  }
0xd7: {  	_ = 	snop  }
0xd8: {  	[tilespmem:s7], [sflag:$0x2] =	stream.indirect.gather [hbm4b:s3+s25], $0x80, s6, s25, $0xb8;
	[tilespmem:$0x1DEC0] =	vst v63  }
0xd9: {  	_ = 	snop  }
0xda: {  	[tilespmem:s9], [sflag:$0x2] =	stream.indirect.gather [hbm4b:s3+s25], $0x80, s8, s25, $0xb8;
	[tilespmem:$0x1DEC0] =	vst v63  }
0xdb: {  	_ =	swait.ge [sflag:s10], $0x2800  }
0xdc: {  	[sflag:s10] =	ssyncset.done $0x0  }
0xdd: {  	[sflag:s10] =	ssyncadd.s32 $0xFFFFD800  }
0xde: {  	_ =	swait.ge [sflag:s10], $0x2800  }
0xdf: {  	[sflag:s10] =	ssyncset.done $0x0  }
0xe0: {  	[sflag:s10] =	ssyncadd.s32 $0xFFFFD800  }
0xe1: {  	_ =	swait.ge [sflag:s10], $0x2800  }
0xe2: {  	[sflag:s10] =	ssyncset.done $0x0  }
0xe3: {  	[sflag:s10] =	ssyncadd.s32 $0xFFFFD800  }
0xe4: {  	_ =	swait.ge [sflag:s10], $0x2800  }
0xe5: {  	[sflag:s10] =	ssyncset.done $0x0  }
0xe6: {  	s4 =	sadd.s32 s23, s17;
	[sflag:s10] =	ssyncadd.s32 $0xFFFFD800  }
0xe7: {  	[hbm4b:s4+s2] =	stream.linear.scatter [tilespmem:s28], [sflag:$0x3], $0x2800, $0x38;
	[tilespmem:$0x1DEC0] =	vst v63  }
0xe8: {  	p0 =	seq.s32 s23, $0x26200;
	s4 =	sadd.s32 s23, s18  }
0xe9: {  	[hbm4b:s4+s2] =	stream.linear.scatter [tilespmem:s30], [sflag:$0x3], $0x2800, $0x38;
	[tilespmem:$0x1DEC0] =	vst v63  }
.Ltmp2:
0xea: {  	_ = 	snop;
	(pc) =	sbr.rel @p0 .LBB2_4-.Ltmp2, $4  }
0xeb: {  	s4 =	sadd.s32 s23, s19  }
0xec: {  	[hbm4b:s4+s2] =	stream.linear.scatter [tilespmem:s1], [sflag:$0x3], $0x2800, $0x38;
	[tilespmem:$0x1DEC0] =	vst v63  }
0xed: {  	s4 =	sadd.s32 s23, s20  }
0xee: {  	[hbm4b:s4+s2] =	stream.linear.scatter [tilespmem:s22], [sflag:$0x3], $0x2800, $0x38;
	[tilespmem:$0x1DEC0] =	vst v63  }
0xef: {  	_ =	swait.ge [sflag:s12], $0x2800  }
0xf0: {  	[sflag:s12] =	ssyncset.done $0x0  }
0xf1: {  	[sflag:s12] =	ssyncadd.s32 $0xFFFFD800  }
0xf2: {  	_ =	swait.ge [sflag:s12], $0x2800  }
0xf3: {  	[sflag:s12] =	ssyncset.done $0x0  }
0xf4: {  	[sflag:s12] =	ssyncadd.s32 $0xFFFFD800  }
0xf5: {  	_ =	swait.ge [sflag:s12], $0x2800  }
0xf6: {  	[sflag:s12] =	ssyncset.done $0x0  }
0xf7: {  	[sflag:s12] =	ssyncadd.s32 $0xFFFFD800  }
0xf8: {  	_ =	swait.ge [sflag:s12], $0x2800  }
0xf9: {  	[sflag:s12] =	ssyncset.done $0x0  }
0xfa: {  	[sflag:s12] =	ssyncadd.s32 $0xFFFFD800  }
0xfb: {  	v0 =	vld [tilespmem:s0+$0x30];
	_ =	sdelay $0x4  }
0xfc: {  	[tilespmem:$0x9C40] =	vst v0  }
0xfd: {  	v0 =	vld [tilespmem:s0+$0x40];
	_ =	sdelay $0x4  }
0xfe: {  	[tilespmem:$0x9C50] =	vst v0  }
0xff: {  	v0 =	vld [tilespmem:s0+$0x50];
	_ =	sdelay $0x4  }
0x100: {  	[tilespmem:$0x9C60] =	vst v0  }
0x101: {  	v0 =	vld [tilespmem:s0+$0x60];
	_ =	sdelay $0x4  }
0x102: {  	[tilespmem:$0x9C70] =	vst v0  }
0x103: {  	v0 =	vld [tilespmem:s0+$0x70];
	_ =	sdelay $0x4  }
0x104: {  	[tilespmem:$0x9C80] =	vst v0  }
0x105: {  	v0 =	vld [tilespmem:s31+$0x30];
	_ =	sdelay $0x4  }
0x106: {  	[tilespmem:$0x9C90] =	vst v0  }
0x107: {  	v0 =	vld [tilespmem:s31+$0x40];
	_ =	sdelay $0x4  }
0x108: {  	[tilespmem:$0x9CA0] =	vst v0  }
0x109: {  	v0 =	vld [tilespmem:s31+$0x50];
	_ =	sdelay $0x4  }
0x10a: {  	[tilespmem:$0x9CB0] =	vst v0  }
0x10b: {  	v0 =	vld [tilespmem:s31+$0x60];
	_ =	sdelay $0x4  }
0x10c: {  	[tilespmem:$0x9CC0] =	vst v0  }
0x10d: {  	v0 =	vld [tilespmem:s31+$0x70];
	_ =	sdelay $0x4  }
0x10e: {  	[tilespmem:$0x9CD0] =	vst v0  }
0x10f: {  	v0 =	vld [tilespmem:s29+$0x30];
	_ =	sdelay $0x4  }
0x110: {  	[tilespmem:$0x9CE0] =	vst v0  }
0x111: {  	v0 =	vld [tilespmem:s29+$0x40];
	_ =	sdelay $0x4  }
0x112: {  	[tilespmem:$0x9CF0] =	vst v0  }
0x113: {  	v0 =	vld [tilespmem:s29+$0x50];
	_ =	sdelay $0x4  }
0x114: {  	[tilespmem:$0x9D00] =	vst v0  }
0x115: {  	v0 =	vld [tilespmem:s29+$0x60];
	_ =	sdelay $0x4  }
0x116: {  	[tilespmem:$0x9D10] =	vst v0  }
0x117: {  	v0 =	vld [tilespmem:s29+$0x70];
	_ =	sdelay $0x4  }
0x118: {  	[tilespmem:$0x9D20] =	vst v0  }
0x119: {  	v0 =	vld [tilespmem:s26+$0x30];
	_ =	sdelay $0x4  }
0x11a: {  	[tilespmem:$0x9D30] =	vst v0  }
0x11b: {  	v0 =	vld [tilespmem:s26+$0x40];
	_ =	sdelay $0x4  }
0x11c: {  	[tilespmem:$0x9D40] =	vst v0  }
0x11d: {  	v0 =	vld [tilespmem:s26+$0x50];
	_ =	sdelay $0x4  }
0x11e: {  	[tilespmem:$0x9D50] =	vst v0  }
0x11f: {  	v0 =	vld [tilespmem:s26+$0x60];
	_ =	sdelay $0x4  }
0x120: {  	[tilespmem:$0x9D60] =	vst v0  }
0x121: {  	v0 =	vld [tilespmem:s26+$0x70];
	_ =	sdelay $0x4  }
0x122: {  	s4 =	simm.s32 $0x9C40;
	[tilespmem:$0x9D70] =	vst v0  }
0x123: {  	[tilespmem:s28], [sflag:$0x1] =	stream.indirect.gather [hbm4b:s3+s25], $0x80, s4, s25, $0xb8;
	[tilespmem:$0x1DEC0] =	vst v63  }
0x124: {  	s4 =	simm.s32 $0x9C90  }
0x125: {  	[tilespmem:s30], [sflag:$0x1] =	stream.indirect.gather [hbm4b:s3+s25], $0x80, s4, s25, $0xb8;
	[tilespmem:$0x1DEC0] =	vst v63  }
0x126: {  	s4 =	simm.s32 $0x9CE0  }
0x127: {  	[tilespmem:s1], [sflag:$0x1] =	stream.indirect.gather [hbm4b:s3+s25], $0x80, s4, s25, $0xb8;
	[tilespmem:$0x1DEC0] =	vst v63  }
0x128: {  	s4 =	simm.s32 $0x9D30  }
0x129: {  	[tilespmem:s22], [sflag:$0x1] =	stream.indirect.gather [hbm4b:s3+s25], $0x80, s4, s25, $0xb8;
	[tilespmem:$0x1DEC0] =	vst v63  }
.LBB2_4:
0x12a: {  	_ =	swait.ge [sflag:s11], $0x2800  }
0x12b: {  	[sflag:s11] =	ssyncset.done $0x0  }
0x12c: {  	[sflag:s11] =	ssyncadd.s32 $0xFFFFD800  }
0x12d: {  	_ =	swait.ge [sflag:s11], $0x2800  }
0x12e: {  	[sflag:s11] =	ssyncset.done $0x0  }
0x12f: {  	[sflag:s11] =	ssyncadd.s32 $0xFFFFD800  }
0x130: {  	_ =	swait.ge [sflag:s11], $0x2800  }
0x131: {  	[sflag:s11] =	ssyncset.done $0x0  }
0x132: {  	[sflag:s11] =	ssyncadd.s32 $0xFFFFD800  }
0x133: {  	_ =	swait.ge [sflag:s11], $0x2800  }
0x134: {  	[sflag:s11] =	ssyncset.done $0x0  }
0x135: {  	s4 =	sadd.s32 s23, s16;
	[sflag:s11] =	ssyncadd.s32 $0xFFFFD800  }
0x136: {  	[hbm4b:s4+s2] =	stream.linear.scatter [tilespmem:s24], [sflag:$0x4], $0x2800, $0x38;
	[tilespmem:$0x1DEC0] =	vst v63  }
0x137: {  	s4 =	sadd.s32 s23, s15  }
0x138: {  	[hbm4b:s4+s2] =	stream.linear.scatter [tilespmem:s5], [sflag:$0x4], $0x2800, $0x38;
	[tilespmem:$0x1DEC0] =	vst v63  }
.Ltmp3:
0x139: {  	_ = 	snop;
	(pc) =	sbr.rel @p0 .LBB2_6-.Ltmp3, $4  }
0x13a: {  	s4 =	sadd.s32 s23, s14  }
0x13b: {  	[hbm4b:s4+s2] =	stream.linear.scatter [tilespmem:s7], [sflag:$0x4], $0x2800, $0x38;
	[tilespmem:$0x1DEC0] =	vst v63  }
0x13c: {  	s4 =	sadd.s32 s23, s13  }
0x13d: {  	[hbm4b:s4+s2] =	stream.linear.scatter [tilespmem:s9], [sflag:$0x4], $0x2800, $0x38;
	[tilespmem:$0x1DEC0] =	vst v63  }
0x13e: {  	_ =	swait.ge [sflag:s21], $0x2800  }
0x13f: {  	[sflag:s21] =	ssyncset.done $0x0  }
0x140: {  	[sflag:s21] =	ssyncadd.s32 $0xFFFFD800  }
0x141: {  	_ =	swait.ge [sflag:s21], $0x2800  }
0x142: {  	[sflag:s21] =	ssyncset.done $0x0  }
0x143: {  	[sflag:s21] =	ssyncadd.s32 $0xFFFFD800  }
0x144: {  	_ =	swait.ge [sflag:s21], $0x2800  }
.Ltmp4:
0x145: {  	[sflag:s21] =	ssyncset.done $0x0;
	(pc) =	sbr.rel .LBB2_2-.Ltmp4, $4  }
0x146: {  	[sflag:s21] =	ssyncadd.s32 $0xFFFFD800  }
0x147: {  	s23 =	sadd.s32 $0xA00, s23;
	_ =	swait.ge [sflag:s21], $0x2800  }
0x148: {  	s26 =	sadd.s32 $0xA0, s26;
	s29 =	sadd.s32 $0xA0, s29;
	[sflag:s21] =	ssyncset.done $0x0  }
0x149: {  	s31 =	sadd.s32 $0xA0, s31;
	s0 =	sadd.s32 $0xA0, s0;
	[sflag:s21] =	ssyncadd.s32 $0xFFFFD800  }
.LBB2_7:
0x14a: {  	_ =	sfence.sel $0x180000  }
0x14b: {  	[bflag:$0x0] =	sbarrier.arrive $0xFFFF  }
0x14c: {  	_ =	strace $0x9000004D  }
0x14d: {  	s0 =	stileid.u32;
	[bflag:$0x2] =	sbarrier.arrive $0xFFFF  }
0x14e: {  	p0 =	sne.s32 s0, $0x0;
	s0 =	rddreg [dreg:$0x2]  }
0x14f: {  	s0 =	sadd.s32 @!p0 $0x100000, s0  }
0x150: {  	[sflag:s0] =	ssyncadd.tile.s32 @!p0 $0x1;
	_ =	shalt  }
.Lfunc_end2:
_tile_overlayer_lowered:
.L_overlay_start_2:
0x151: {  	(tag) =	ssettag $0x2  }
0x152: {  	s0 =	rddreg [dreg:$0x0];
	s2 =	stileid.u32  }
0x153: {  	s1 =	rddreg [dreg:$0x1];
	p0 =	sne.s32 s2, $0x0  }
0x154: {  	s3 =	rddreg [dreg:$0x2];
	[bflag:$0x3] =	sbarrier.arrive $0xFFFF;
	s2 =	simm.s32 @!p0 $0x1C05  }
0x155: {  	[timem:s3], [sflag:s2] =	dma.local @!p0 [hbm:s0], s1  }
0x156: {  	s0 =	simm.s32 @!p0 $0x5  }
0x157: {  	_ =	swait.ge @!p0 [sflag:s0], s1  }
0x158: {  	s1 =	ssub.s32 @!p0 $0x0, s1;
	[sflag:s0] =	ssyncset.done @!p0 $0x0  }
0x159: {  	[sflag:s0] =	ssyncadd.s32 @!p0 s1  }
0x15a: {  	[bflag:$0x3] =	sbarrier.arrive $0xFFFF  }
0x15b: {  	_ =	shalt  }

// kernel: kernel.18.cloned.1.call-start
scs
__scs_entry_jumppad:
0x0: {  	(pc) =	sbr.rel $0x88, $3  }
0x1: {  	(tag) =	ssettag $0x0;
	lr =	simm.s32 $0x1  }
0x2: {  	[smem:$0x3F8E] =	sst lr;
	_ =	strace $0xD0000000  }
0x3: {  	_ = 	snop  }
0x4: {  	_ = 	snop  }
0x5: {  	_ = 	snop  }
0x6: {  	_ = 	snop  }
0x7: {  	_ = 	snop  }
__scs_overlays_trampoline_lowered:
0x8: {  	[smem:$0x3F9D] =	sst s0  }
0x9: {  	[smem:$0x3F9E] =	sst s1  }
0xa: {  	[smem:$0x3F9F] =	sst s2  }
0xb: {  	[smem:$0x3FA0] =	sst s3  }
0xc: {  	[smem:$0x3FA1] =	sst s4  }
0xd: {  	[smem:$0x3FA2] =	sst s5  }
0xe: {  	[smem:$0x3FA3] =	sst s6  }
0xf: {  	[smem:$0x3FA4] =	sst s7  }
0x10: {  	[smem:$0x3FA5] =	sst s8  }
0x11: {  	[smem:$0x3FA6] =	sst s9;
	s0 =	simm.s32 @!p0 $0x0  }
0x12: {  	s1 =	sld [smem:$0x3F8C];
	s0 =	simm.s32 @p0 $0x1  }
0x13: {  	[smem:$0x3FA7] =	sst s0;
	s0 =	simm.s32 @!p1 $0x0  }
0x14: {  	s2 =	sld [smem:$0x3F8B];
	s0 =	simm.s32 @p1 $0x1  }
0x15: {  	[smem:$0x3FA8] =	sst s0;
	s0 =	simm.s32 @!p2 $0x0  }
0x16: {  	s3 =	sld [smem:$0x3FDB];
	s0 =	simm.s32 @p2 $0x1  }
0x17: {  	s4 =	simm.s32 $0x1BF5;
	[smem:$0x3FAA] =	sst s0  }
0x18: {  	s0 =	sld [smem:$0x3F8D];
	_ =	swait.ge [sflag:s4], $0x0  }
0x19: {  	s7 =	sld [smem:$0x3F8E]  }
0x1a: {  	s8 =	sadd.s32 $0xFFFFE003, lr  }
0x1b: {  	s9 =	sadd.s32 $0xFFFFFEF7, lr;
	s5 =	simm.s32 $0xFFFFFFFF;
	p2 =	slt.u32 s8, $0xFFFFF086  }
0x1c: {  	p1 =	slt.u32 s9, $0xF7A;
	s5 =	simm.s32 @!p2 $0x0  }
0x1d: {  	s5 =	simm.s32 @p1 $0x1;
	p0 =	seq.s32 s7, s2  }
0x1e: {  	s7 =	smul.u32 @!p0 $0xF7A, s2;
	p2 =	seq.s32 @!p0 s5, $0x0  }
0x1f: {  	s9 =	smul.u32 $0xF7A, s1;
	s8 =	simm.s32 @!p0 $0x1BF5;
	p2 =	por !p2, p0  }
0x20: {  	[sflag:s8] =	ssyncset.s32 @!p0 $0xFFFFF086;
	s6 =	sadd.s32 @!p0 s3, s7;
	s7 =	simm.s32 @!p0 $0x108  }
0x21: {  	s3 =	sadd.s32 s3, s9;
	s6 =	sadd.s32 @!p0 $0x88, s6;
	s7 =	simm.s32 @p2 $0x1082  }
0x22: {  	[simem:s7], [sflag:s8] =	dma.local @!p0 [hbm:s6], $0xF7A  }
0x23: {  	s9 =	sor.u32 $0xD0000000, s2;
	s6 =	simm.s32 $0x108;
	_ =	swait.ge @!p0 [sflag:s8], $0x0  }
0x24: {  	s3 =	sadd.s32 $0x88, s3;
	s6 =	simm.s32 @!p1 $0x1082;
	[sflag:s4] =	ssyncset.s32 $0xFFFFF086  }
0x25: {  	[simem:s6], [sflag:s4] =	dma.local [hbm:s3], $0xF7A  }
0x26: {  	[smem:$0x3F8E] =	sst s1;
	(tag) =	ssettag s2;
	_ =	strace s9  }
0x27: {  	s1 =	sld [smem:$0x3F9E]  }
0x28: {  	s2 =	sld [smem:$0x3F9F]  }
0x29: {  	s4 =	sld [smem:$0x3FA1]  }
0x2a: {  	p0 =	seq.s32 s5, $0x0;
	s5 =	sld [smem:$0x3FA2]  }
0x2b: {  	s6 =	sld [smem:$0x3FA3]  }
0x2c: {  	s7 =	sld [smem:$0x3FA4]  }
0x2d: {  	s3 =	simm.s32 $0x108;
	s8 =	sld [smem:$0x3FA5]  }
0x2e: {  	s3 =	simm.s32 @!p0 $0x1082;
	s9 =	sld [smem:$0x3FA6]  }
0x2f: {  	lr =	sadd.s32 s0, s3;
	s0 =	sld [smem:$0x3F9D]  }
0x30: {  	s3 =	sld [smem:$0x3FA0]  }
0x31: {  	[smem:$0x3FA9] =	sst s10  }
0x32: {  	s10 =	sld [smem:$0x3FA7];
	_ =	sdelay $0x3  }
0x33: {  	p0 =	seq.s32 s10, $0x1;
	s10 =	sld [smem:$0x3FA9];
	_ =	sdelay $0x3  }
0x34: {  	[smem:$0x3FA9] =	sst s10  }
0x35: {  	s10 =	sld [smem:$0x3FA8];
	_ =	sdelay $0x3  }
0x36: {  	p1 =	seq.s32 s10, $0x1;
	s10 =	sld [smem:$0x3FA9];
	_ =	sdelay $0x3  }
0x37: {  	[smem:$0x3FA9] =	sst s10  }
0x38: {  	s10 =	sld [smem:$0x3FAA]  }
0x39: {  	_ = 	snop;
	(pc) =	sbr.ind lr, $3  }
0x3a: {  	_ = 	snop  }
0x3b: {  	_ = 	snop  }
0x3c: {  	p2 =	seq.s32 s10, $0x1;
	s10 =	sld [smem:$0x3FA9]  }
0x3d: {  	_ =	shalt  }
0x3e: {  	_ =	shalt  }
0x3f: {  	_ =	shalt  }
0x40: {  	_ =	shalt  }
0x41: {  	_ =	shalt  }
0x42: {  	_ =	shalt  }
0x43: {  	_ =	shalt  }
0x44: {  	_ =	shalt  }
0x45: {  	_ =	shalt  }
0x46: {  	_ =	shalt  }
0x47: {  	_ =	shalt  }
0x48: {  	_ =	shalt  }
0x49: {  	_ =	shalt  }
0x4a: {  	_ =	shalt  }
0x4b: {  	_ =	shalt  }
0x4c: {  	_ =	shalt  }
0x4d: {  	_ =	shalt  }
0x4e: {  	_ =	shalt  }
0x4f: {  	_ =	shalt  }
0x50: {  	_ =	shalt  }
0x51: {  	_ =	shalt  }
0x52: {  	_ =	shalt  }
0x53: {  	_ =	shalt  }
0x54: {  	_ =	shalt  }
0x55: {  	_ =	shalt  }
0x56: {  	_ =	shalt  }
0x57: {  	_ =	shalt  }
0x58: {  	_ =	shalt  }
0x59: {  	_ =	shalt  }
0x5a: {  	_ =	shalt  }
0x5b: {  	_ =	shalt  }
0x5c: {  	_ =	shalt  }
0x5d: {  	_ =	shalt  }
0x5e: {  	_ =	shalt  }
0x5f: {  	_ =	shalt  }
0x60: {  	_ =	shalt  }
0x61: {  	_ =	shalt  }
0x62: {  	_ =	shalt  }
0x63: {  	_ =	shalt  }
0x64: {  	_ =	shalt  }
0x65: {  	_ =	shalt  }
0x66: {  	_ =	shalt  }
0x67: {  	_ =	shalt  }
0x68: {  	_ =	shalt  }
0x69: {  	_ =	shalt  }
0x6a: {  	_ =	shalt  }
0x6b: {  	_ =	shalt  }
0x6c: {  	_ =	shalt  }
0x6d: {  	_ =	shalt  }
0x6e: {  	_ =	shalt  }
0x6f: {  	_ =	shalt  }
0x70: {  	_ =	shalt  }
0x71: {  	_ =	shalt  }
0x72: {  	_ =	shalt  }
0x73: {  	_ =	shalt  }
0x74: {  	_ =	shalt  }
0x75: {  	_ =	shalt  }
0x76: {  	_ =	shalt  }
0x77: {  	_ =	shalt  }
0x78: {  	_ =	shalt  }
0x79: {  	_ =	shalt  }
0x7a: {  	_ =	shalt  }
0x7b: {  	_ =	shalt  }
0x7c: {  	_ =	shalt  }
0x7d: {  	_ =	shalt  }
0x7e: {  	_ =	shalt  }
0x7f: {  	_ =	shalt  }
0x80: {  	_ =	shalt  }
0x81: {  	_ =	shalt  }
0x82: {  	_ =	shalt  }
0x83: {  	_ =	shalt  }
0x84: {  	_ =	shalt  }
0x85: {  	_ =	shalt  }
0x86: {  	_ =	shalt  }
0x87: {  	_ =	shalt  }
.Lfunc_end0:
.L_simem_size_0:
called_computation.3_lowered:
.L_overlay_start_0:
0x88: {  	s2 =	sld [smem:$0x3FD9]  }
0x89: {  	s3 =	sld [smem:$0x3FFE];
	_ =	sdelay $0x1  }
0x8a: {  	s1 =	srdreg.scid  }
0x8b: {  	s0 =	sand.u32 $0x1, s1  }
0x8c: {  	s16 =	sshll.u32 s0, $0xA;
	s2 =	sadd.s32 s3, s2  }
0x8d: {  	s2 =	sadd.s32 s2, s16  }
0x8e: {  	[smem:$0x3FB5] =	sst s2  }
0x8f: {  	_ = 	snop  }
0x90: {  	(tm) =	ssettm $0x1  }
0x91: {  	s17 =	sld [smem:$0x3FFB];
	_ =	sdelay $0x3  }
0x92: {  	_ =	strace s17  }
0x93: {  	s2 =	sld [smem:$0x3FFC];
	_ =	sdelay $0x3  }
0x94: {  	_ =	strace s2  }
0x95: {  	s2 =	sld [smem:$0x3FFD];
	_ =	sdelay $0x3  }
0x96: {  	_ =	strace s2  }
0x97: {  	_ =	strace $0x8FFFFFFF  }
0x98: {  	s18 =	sld [smem:$0x3FDB];
	_ =	sdelay $0x1  }
0x99: {  	s19 =	simm.s32 $_scs_section_size  }
0x9a: {  	s4 =	simm.s32 $_size__tile_overlayer_lowered;
	s5 =	simm.s32 $_tile_overlayer_lowered  }
0x9b: {  	s22 =	simm.s32 $0x1BFF;
	s21 =	sshll.u32 s5, $0x1;
	s2 =	sadd.s32 s19, s18  }
0x9c: {  	s6 =	simm.s32 $0x0;
	s20 =	sshll.u32 s4, $0x1;
	s4 =	sadd.s32 s21, s2  }
0x9d: {  	[timem:s6], [sflag:s22] =	dma.local [hbm:s4], s20  }
0x9e: {  	_ =	swait.ge [sflag:s22], s20  }
0x9f: {  	s3 =	ssub.s32 $0x0, s20;
	[sflag:s22] =	ssyncset.done $0x0  }
0xa0: {  	[sflag:s22] =	ssyncadd.s32 s3;
	_ =	sdelay $0x1  }
0xa1: {  	s23 =	simm.s32 $0x1B8B  }
0xa2: {  	_ =	swait.ge [sflag:s23], $0x1  }
0xa3: {  	[sflag:s23] =	ssyncset.done $0x0  }
0xa4: {  	s25 =	simm.s32 $0x1B8E;
	s24 =	sld [smem:$0x3FFE];
	[sflag:s23] =	ssyncadd.s32 $0xFFFFFFFF  }
0xa5: {  	s26 =	simm.s32 $execute0_lowered;
	[smem:$0x3FD2] =	sst s25  }
0xa6: {  	s4 =	sshll.u32 s26, $0x1;
	_ =	strace $0x8000004F;
	[dreg:$0x1] =	wrdreg $0xFFFFFFFF  }
0xa7: {  	s28 =	simm.s32 $_size_execute0_lowered;
	s2 =	sadd.s32 s2, s4;
	[dreg:$0x0] =	wrdreg $0x0  }
0xa8: {  	s4 =	sshll.u32 s28, $0x1;
	[dreg:$0x2] =	wrdreg s2  }
0xa9: {  	[dreg:$0x3] =	wrdreg s4  }
0xaa: {  	[dreg:$0x4] =	wrdreg $0xC0  }
0xab: {  	_ =	task [dreg:s6], $0x5FFFF  }
0xac: {  	[dreg:$0x1] =	wrdreg $0xFFFFFFFF  }
0xad: {  	[dreg:$0x0] =	wrdreg $0x60  }
0xae: {  	[dreg:$0x2] =	wrdreg s24  }
0xaf: {  	[dreg:$0x3] =	wrdreg $0xC5C00  }
0xb0: {  	[dreg:$0x4] =	wrdreg $0x9  }
0xb1: {  	_ =	task.clear_ibuf [dreg:s6], $0x5FFFF;
	_ =	strace $0x9000004F  }
0xb2: {  	s29 =	simm.s32 $0x9;
	_ =	strace $0x80000051  }
0xb3: {  	_ =	swait.ge [sflag:s29], $0x1  }
0xb4: {  	[sflag:s29] =	ssyncadd.s32 $0xFFFFFFFF  }
0xb5: {  	_ =	strace $0x90000051  }
0xb6: {  	_ =	sfence  }
0xb7: {  	s30 =	sld [smem:$0x0];
	_ =	sdelay $0x2  }
0xb8: {  	s31 =	sshll.u32 s1, $0xD;
	s1 =	sshrl.u32 s1, $0x2  }
0xb9: {  	s3 =	sand.u32 $0x4000, s31;
	s1 =	sadd.s32 s1, s30  }
0xba: {  	s0 =	sor.u32 s3, s0;
	s1 =	sshll.u32 s1, $0x11  }
0xbb: {  	s0 =	sor.u32 s1, s0  }
0xbc: {  	s0 =	sadd.s32 $0x8F2B, s0  }
0xbd: {  	[sflag:s0] =	ssyncadd.remote.s32 $0x1  }
0xbe: {  	_ =	sfence.sel $0xFFFF  }
0xbf: {  	[dreg:$0x0] =	wrdreg $0xFFFFFFFF;
	(pc) =	sbr.abs _section_cstart, $3  }
0xc0: {  	[dreg:$0x1] =	wrdreg $0xFFFFFFFF  }
0xc1: {  	_ =	task.clear_ibuf [dreg:s6], $0x2FFFF;
	_ =	strace $0x9FFFFFFF  }
0xc2: {  	(tm) =	ssettm $0x7FFFFFFF  }
0xc3: {  	_ =	shalt  }
tec
execute0_lowered:
.L_overlay_start_1:
0x0: {  	(tag) =	ssettag $0x1  }
0x1: {  	s0 =	rddreg [dreg:$0x0]  }
0x2: {  	s2 =	rddreg [dreg:$0x1]  }
0x3: {  	s19 =	stileid.u32;
	s3 =	simm.s32 $0x0;
	s4 =	srdreg.scid  }
0x4: {  	s18 =	simm.s32 $0x13F7C00;
	s20 =	simm.s32 $0x3;
	s21 =	simm.s32 $0x4EC0  }
0x5: {  	s22 =	simm.s32 $0x76C0;
	s23 =	simm.s32 $0x1;
	s1 =	smul.u32 $0x4E20, s19  }
0x6: {  	s28 =	simm.s32 $0x4E70;
	s29 =	simm.s32 $0x0;
	s24 =	smul.u32 $0x4E000, s19  }
0x7: {  	[smem:$0x7FF] =	sst s3;
	s5 =	sand.u32 $0x1, s4;
	s14 =	smul.u32 $0x2700, s19  }
0x8: {  	s15 =	sadd.s32 $0xDE00, s0;
	s12 =	sadd.s32 $0x138000, s2;
	s31 =	smul.u32 $0x4E200, s19  }
0x9: {  	_ =	strace $0x80000050;
	s6 =	ssub.s32 $0x2, s5;
	s17 =	smul.u32 $0x27100, s5  }
0xa: {  	s30 =	smul.u32 $0x138800, s5;
	p0 =	seq.s32 s5, $0x0;
	s1 =	sshrl.u32 s1, $0x3  }
0xb: {  	s7 =	sshrl.u32 s6, $0x1;
	s4 =	sshrl.u32 s24, $0x2;
	s18 =	simm.s32 @!p0 $0x18D9C00  }
0xc: {  	p0 =	sne.s32 s19, $0xF;
	s19 =	simm.s32 $0x9EC0;
	s24 =	simm.s32 $0x50  }
0xd: {  	s1 =	sadd.s32 s1, s0;
	s16 =	ssub.s32 s6, s7;
	s4 =	sadd.s32 s4, s2  }
0xe: {  	s14 =	sadd.s32 s14, s17;
	s0 =	sadd.s32 s18, s0;
	s25 =	sadd.s32 $0x2700, s4  }
0xf: {  	s26 =	sadd.s32 $0x4E00, s4;
	s7 =	sadd.s32 $0x7500, s4;
	s8 =	sadd.s32 $0x9C00, s4  }
0x10: {  	s9 =	sadd.s32 $0xC300, s4;
	s10 =	sadd.s32 $0xEA00, s4;
	s11 =	sadd.s32 $0x11100, s4  }
0x11: {  	s13 =	sadd.s32 $0x4000, s1;
	s1 =	sshrl.u32 s30, $0x3;
	s14 =	sadd.s32 s15, s14  }
0x12: {  	s16 =	smax.u32 s16, $0x1;
	s17 =	sadd.s32 s0, s31;
	[dreg:$0x3] =	wrdreg s25  }
0x13: {  	[dreg:$0x4] =	wrdreg s26;
	s1 =	sadd.s32 s15, s1;
	s18 =	sadd.s32 $0x4DD00, s17  }
0x14: {  	v0 =	vimm.f32 $0.0e+00;
	s25 =	simm.s32 $0x4E20;
	s26 =	simm.s32 $0x2;
	s15 =	sadd.s32 $0x27000, s1  }
.LBB2_1:
0x15: {  	s0 =	simm.s32 $0x0;
	s1 =	simm.s32 $0x200  }
.LBB2_2:
0x16: {  	p1 =	sne.s32 s1, $0x9A00;
	[tilespmem:s0+$0x9F30] =	vst v0  }
0x17: {  	[tilespmem:s0+$0x9EC0] =	vst v0  }
0x18: {  	[tilespmem:s0+$0x9ED0] =	vst v0  }
.Ltmp0:
0x19: {  	[tilespmem:s0+$0x9EE0] =	vst v0;
	(pc) =	sbr.rel @p1 .LBB2_2-.Ltmp0, $4  }
0x1a: {  	[tilespmem:s0+$0x9EF0] =	vst v0  }
0x1b: {  	[tilespmem:s0+$0x9F00] =	vst v0  }
0x1c: {  	[tilespmem:s0+$0x9F10] =	vst v0  }
0x1d: {  	[tilespmem:s0+$0x9F20] =	vst v0;
	s0 =	sshra.s32 s1, $0x2;
	s1 =	sadd.s32 $0x200, s1  }
0x1e: {  	[tilespmem:s0+$0x9F30] =	vst v0  }
0x1f: {  	[tilespmem:s0+$0x9EC0] =	vst v0  }
0x20: {  	[tilespmem:s0+$0x9ED0] =	vst v0  }
0x21: {  	[tilespmem:s0+$0x9EE0] =	vst v0  }
0x22: {  	[tilespmem:s0+$0x9EF0] =	vst v0  }
0x23: {  	[tilespmem:s0+$0x9F00] =	vst v0  }
0x24: {  	[tilespmem:s0+$0x9F10] =	vst v0  }
0x25: {  	[tilespmem:s0+$0x9F20] =	vst v0  }
0x26: {  	[spmem:s4] =	stream.linear.scatter [tilespmem:s19], [sflag:$0x3], $0x2700, $0x38;
	[tilespmem:$0x1FE40] =	vst v63  }
0x27: {  	_ =	swait.ge [sflag:s20], $0x2700  }
0x28: {  	[sflag:s20] =	ssyncset.done $0x0  }
0x29: {  	s6 =	rddreg [dreg:$0x3];
	[sflag:s20] =	ssyncadd.s32 $0xFFFFD900  }
0x2a: {  	[spmem:s6] =	stream.linear.scatter [tilespmem:s19], [sflag:$0x3], $0x2700, $0x38;
	[tilespmem:$0x1FE40] =	vst v63  }
0x2b: {  	_ =	swait.ge [sflag:s20], $0x2700  }
0x2c: {  	[sflag:s20] =	ssyncset.done $0x0  }
0x2d: {  	s1 =	rddreg [dreg:$0x4];
	[sflag:s20] =	ssyncadd.s32 $0xFFFFD900  }
0x2e: {  	[spmem:s1] =	stream.linear.scatter [tilespmem:s19], [sflag:$0x3], $0x2700, $0x38;
	[tilespmem:$0x1FE40] =	vst v63  }
0x2f: {  	_ =	swait.ge [sflag:s20], $0x2700  }
0x30: {  	[sflag:s20] =	ssyncset.done $0x0  }
0x31: {  	[sflag:s20] =	ssyncadd.s32 $0xFFFFD900  }
0x32: {  	[spmem:s7] =	stream.linear.scatter [tilespmem:s19], [sflag:$0x3], $0x2700, $0x38;
	[tilespmem:$0x1FE40] =	vst v63  }
0x33: {  	_ =	swait.ge [sflag:s20], $0x2700  }
0x34: {  	[sflag:s20] =	ssyncset.done $0x0  }
0x35: {  	[sflag:s20] =	ssyncadd.s32 $0xFFFFD900  }
0x36: {  	[spmem:s8] =	stream.linear.scatter [tilespmem:s19], [sflag:$0x3], $0x2700, $0x38;
	[tilespmem:$0x1FE40] =	vst v63  }
0x37: {  	_ =	swait.ge [sflag:s20], $0x2700  }
0x38: {  	[sflag:s20] =	ssyncset.done $0x0  }
0x39: {  	[sflag:s20] =	ssyncadd.s32 $0xFFFFD900  }
0x3a: {  	[spmem:s9] =	stream.linear.scatter [tilespmem:s19], [sflag:$0x3], $0x2700, $0x38;
	[tilespmem:$0x1FE40] =	vst v63  }
0x3b: {  	_ =	swait.ge [sflag:s20], $0x2700  }
0x3c: {  	[sflag:s20] =	ssyncset.done $0x0  }
0x3d: {  	[sflag:s20] =	ssyncadd.s32 $0xFFFFD900  }
0x3e: {  	[spmem:s10] =	stream.linear.scatter [tilespmem:s19], [sflag:$0x3], $0x2700, $0x38;
	[tilespmem:$0x1FE40] =	vst v63  }
0x3f: {  	_ =	swait.ge [sflag:s20], $0x2700  }
0x40: {  	[sflag:s20] =	ssyncset.done $0x0  }
0x41: {  	[sflag:s20] =	ssyncadd.s32 $0xFFFFD900  }
0x42: {  	[spmem:s11] =	stream.linear.scatter [tilespmem:s19], [sflag:$0x3], $0x2700, $0x38;
	[tilespmem:$0x1FE40] =	vst v63  }
0x43: {  	_ =	swait.ge [sflag:s20], $0x2700  }
0x44: {  	[sflag:s20] =	ssyncset.done $0x0  }
0x45: {  	s0 =	simm.s32 @!p0 $0x9EC0;
	[sflag:s20] =	ssyncadd.s32 $0xFFFFD900  }
0x46: {  	[spmem:s12] =	stream.linear.scatter @!p0 [tilespmem:s0], [sflag:$0x3], $0x800, $0x38;
	[tilespmem:$0x1FE40] =	vst v63  }
0x47: {  	s0 =	simm.s32 @!p0 $0x3  }
0x48: {  	_ =	swait.ge @!p0 [sflag:s0], $0x800  }
0x49: {  	[sflag:s0] =	ssyncset.done @!p0 $0x0  }
0x4a: {  	[sflag:s0] =	ssyncadd.s32 @!p0 $0xFFFFF800  }
0x4b: {  	[tilespmem:s3], [sflag:$0x3] =	stream.linear.gather [hbm4b:s13+s3], $0x4E20, $0x38;
	[tilespmem:$0x1FE40] =	vst v63  }
0x4c: {  	_ =	swait.ge [sflag:s20], $0x4E20  }
0x4d: {  	[sflag:s20] =	ssyncset.done $0x0  }
0x4e: {  	[sflag:s20] =	ssyncadd.s32 $0xFFFFB1E0  }
0x4f: {  	s5 =	sadd.s32 $0xFFFB2800, s17;
	[bflag:$0x0] =	sbarrier.arrive $0xFFFF  }
0x50: {  	[tilespmem:s21], [sflag:$0x1] =	stream.linear.gather [hbm4b:s17+s3], $0x2800, $0x38;
	[tilespmem:$0x1FE40] =	vst v63  }
0x51: {  	s1 =	sadd.s32 $0x4DD00, s5  }
0x52: {  	[tilespmem:s22], [sflag:$0x2] =	stream.linear.gather [hbm4b:s1+s3], $0x2800, $0x38;
	[tilespmem:$0x1FE40] =	vst v63  }
0x53: {  	_ =	swait.ge [sflag:s23], $0x2800  }
0x54: {  	[sflag:s23] =	ssyncset.done $0x0  }
0x55: {  	s6 =	simm.s32 $0x50;
	[sflag:s23] =	ssyncadd.s32 $0xFFFFD800  }
0x56: {  	v1 =	vld [tilespmem:s6+$0xFFFFFFB0];
	_ =	sdelay $0x4  }
0x57: {  	[tilespmem:$0x4E20] =	vst v1  }
0x58: {  	v1 =	vld [tilespmem:s6+$0xFFFFFFC0];
	_ =	sdelay $0x4  }
0x59: {  	[tilespmem:$0x4E30] =	vst v1  }
0x5a: {  	v1 =	vld [tilespmem:s6+$0xFFFFFFD0];
	_ =	sdelay $0x4  }
0x5b: {  	[tilespmem:$0x4E40] =	vst v1  }
0x5c: {  	v1 =	vld [tilespmem:s6+$0xFFFFFFE0];
	_ =	sdelay $0x4  }
0x5d: {  	[tilespmem:$0x4E50] =	vst v1  }
0x5e: {  	v1 =	vld [tilespmem:s6+$0xFFFFFFF0];
	_ =	sdelay $0x4  }
0x5f: {  	[tilespmem:$0x4E60] =	vst v1  }
0x60: {  	[spmem:s2] =	stream.indirect.scatter.add.f32 [tilespmem:s21], [sflag:$0x3], $0x80, s25, s24, $0xb8;
	[tilespmem:$0x1FE40] =	vst v63  }
0x61: {  	_ =	swait.ge [sflag:s20], $0x2800  }
0x62: {  	[sflag:s20] =	ssyncset.done $0x0  }
0x63: {  	s0 =	sadd.s32 $0x4E200, s5;
	[sflag:s20] =	ssyncadd.s32 $0xFFFFD800  }
0x64: {  	[tilespmem:s21], [sflag:$0x1] =	stream.linear.gather [hbm4b:s0+s3], $0x2800, $0x38;
	[tilespmem:$0x1FE40] =	vst v63  }
0x65: {  	_ =	swait.ge [sflag:s26], $0x2800  }
0x66: {  	[sflag:s26] =	ssyncset.done $0x0  }
0x67: {  	[sflag:s26] =	ssyncadd.s32 $0xFFFFD800  }
0x68: {  	v1 =	vld [tilespmem:s6+$0x0];
	_ =	sdelay $0x4  }
0x69: {  	[tilespmem:$0x4E70] =	vst v1  }
0x6a: {  	v1 =	vld [tilespmem:s6+$0x10];
	_ =	sdelay $0x4  }
0x6b: {  	[tilespmem:$0x4E80] =	vst v1  }
0x6c: {  	v1 =	vld [tilespmem:s6+$0x20];
	_ =	sdelay $0x4  }
0x6d: {  	[tilespmem:$0x4E90] =	vst v1  }
0x6e: {  	v1 =	vld [tilespmem:s6+$0x30];
	_ =	sdelay $0x4  }
0x6f: {  	[tilespmem:$0x4EA0] =	vst v1  }
0x70: {  	v1 =	vld [tilespmem:s6+$0x40];
	_ =	sdelay $0x4  }
0x71: {  	[tilespmem:$0x4EB0] =	vst v1  }
0x72: {  	[spmem:s2] =	stream.indirect.scatter.add.f32 [tilespmem:s22], [sflag:$0x3], $0x80, s28, s24, $0xb8;
	[tilespmem:$0x1FE40] =	vst v63  }
0x73: {  	s31 =	simm.s32 $0xFFFB3C00;
	_ =	swait.ge [sflag:s20], $0x2800  }
0x74: {  	s30 =	simm.s32 $0xF0;
	s1 =	sadd.s32 $0xFFFB3200, s17;
	[sflag:s20] =	ssyncset.done $0x0  }
.LBB2_4:
0x75: {  	s6 =	sadd.s32 $0x4DD00, s1  }
0x76: {  	[sflag:s20] =	ssyncadd.s32 $0xFFFFD800;
	s0 =	smov.u32 s31;
	s5 =	sadd.s32 $0xA00, s31  }
0x77: {  	[tilespmem:s22], [sflag:$0x2] =	stream.linear.gather [hbm4b:s6+s3], $0x2800, $0x38;
	[tilespmem:$0x1FE40] =	vst v63  }
0x78: {  	p1 =	sne.s32 s31, $0xFFFFF600;
	_ =	swait.ge [sflag:s23], $0x2800  }
0x79: {  	[sflag:s23] =	ssyncset.done $0x0  }
0x7a: {  	[sflag:s23] =	ssyncadd.s32 $0xFFFFD800  }
0x7b: {  	v1 =	vld [tilespmem:s30+$0xFFFFFFB0];
	_ =	sdelay $0x4  }
0x7c: {  	[tilespmem:$0x4E20] =	vst v1  }
0x7d: {  	v1 =	vld [tilespmem:s30+$0xFFFFFFC0];
	_ =	sdelay $0x4  }
0x7e: {  	[tilespmem:$0x4E30] =	vst v1  }
0x7f: {  	v1 =	vld [tilespmem:s30+$0xFFFFFFD0];
	_ =	sdelay $0x4  }
0x80: {  	[tilespmem:$0x4E40] =	vst v1  }
0x81: {  	v1 =	vld [tilespmem:s30+$0xFFFFFFE0];
	_ =	sdelay $0x4  }
0x82: {  	[tilespmem:$0x4E50] =	vst v1  }
0x83: {  	v1 =	vld [tilespmem:s30+$0xFFFFFFF0];
	_ =	sdelay $0x4  }
0x84: {  	[tilespmem:$0x4E60] =	vst v1  }
0x85: {  	[spmem:s2] =	stream.indirect.scatter.add.f32 [tilespmem:s21], [sflag:$0x3], $0x80, s25, s24, $0xb8;
	[tilespmem:$0x1FE40] =	vst v63  }
0x86: {  	_ =	swait.ge [sflag:s20], $0x2800  }
0x87: {  	[sflag:s20] =	ssyncset.done $0x0  }
0x88: {  	s1 =	sadd.s32 $0x4E200, s1;
	[sflag:s20] =	ssyncadd.s32 $0xFFFFD800  }
0x89: {  	[tilespmem:s21], [sflag:$0x1] =	stream.linear.gather [hbm4b:s1+s3], $0x2800, $0x38;
	[tilespmem:$0x1FE40] =	vst v63  }
0x8a: {  	_ =	swait.ge [sflag:s26], $0x2800  }
0x8b: {  	[sflag:s26] =	ssyncset.done $0x0  }
0x8c: {  	[sflag:s26] =	ssyncadd.s32 $0xFFFFD800  }
0x8d: {  	v1 =	vld [tilespmem:s30+$0x0];
	_ =	sdelay $0x4  }
0x8e: {  	[tilespmem:$0x4E70] =	vst v1  }
0x8f: {  	v1 =	vld [tilespmem:s30+$0x10];
	_ =	sdelay $0x4  }
0x90: {  	[tilespmem:$0x4E80] =	vst v1  }
0x91: {  	v1 =	vld [tilespmem:s30+$0x20];
	_ =	sdelay $0x4  }
0x92: {  	[tilespmem:$0x4E90] =	vst v1  }
0x93: {  	v1 =	vld [tilespmem:s30+$0x30];
	_ =	sdelay $0x4  }
0x94: {  	[tilespmem:$0x4EA0] =	vst v1  }
0x95: {  	v1 =	vld [tilespmem:s30+$0x40];
	_ =	sdelay $0x3  }
.Ltmp1:
0x96: {  	(pc) =	sbr.rel @p1 .LBB2_4-.Ltmp1, $4  }
0x97: {  	[tilespmem:$0x4EB0] =	vst v1  }
0x98: {  	[spmem:s2] =	stream.indirect.scatter.add.f32 [tilespmem:s22], [sflag:$0x3], $0x80, s28, s24, $0xb8;
	[tilespmem:$0x1FE40] =	vst v63  }
0x99: {  	s31 =	smov.u32 s5;
	_ =	swait.ge [sflag:s20], $0x2800  }
0x9a: {  	s1 =	sadd.s32 s0, s17;
	s30 =	sadd.s32 $0xA0, s30;
	[sflag:s20] =	ssyncset.done $0x0  }
0x9b: {  	s0 =	sadd.s32 $0x4DD00, s1;
	[sflag:s20] =	ssyncadd.s32 $0xFFFFD800  }
0x9c: {  	[tilespmem:s22], [sflag:$0x2] =	stream.linear.gather [hbm4b:s0+s3], $0x2800, $0x38;
	[tilespmem:$0x1FE40] =	vst v63  }
0x9d: {  	_ =	swait.ge [sflag:s23], $0x2800  }
0x9e: {  	[sflag:s23] =	ssyncset.done $0x0  }
0x9f: {  	[sflag:s23] =	ssyncadd.s32 $0xFFFFD800  }
0xa0: {  	v1 =	vld [tilespmem:s30+$0xFFFFFFB0];
	_ =	sdelay $0x4  }
0xa1: {  	[tilespmem:$0x4E20] =	vst v1  }
0xa2: {  	v1 =	vld [tilespmem:s30+$0xFFFFFFC0];
	_ =	sdelay $0x4  }
0xa3: {  	[tilespmem:$0x4E30] =	vst v1  }
0xa4: {  	v1 =	vld [tilespmem:s30+$0xFFFFFFD0];
	_ =	sdelay $0x4  }
0xa5: {  	[tilespmem:$0x4E40] =	vst v1  }
0xa6: {  	v1 =	vld [tilespmem:s30+$0xFFFFFFE0];
	_ =	sdelay $0x4  }
0xa7: {  	[tilespmem:$0x4E50] =	vst v1  }
0xa8: {  	v1 =	vld [tilespmem:s30+$0xFFFFFFF0];
	_ =	sdelay $0x4  }
0xa9: {  	[tilespmem:$0x4E60] =	vst v1  }
0xaa: {  	[spmem:s2] =	stream.indirect.scatter.add.f32 [tilespmem:s21], [sflag:$0x3], $0x80, s25, s24, $0xb8;
	[tilespmem:$0x1FE40] =	vst v63  }
0xab: {  	_ =	swait.ge [sflag:s20], $0x2800  }
0xac: {  	[sflag:s20] =	ssyncset.done $0x0  }
0xad: {  	s6 =	sadd.s32 $0x4E200, s1;
	[sflag:s20] =	ssyncadd.s32 $0xFFFFD800  }
0xae: {  	[tilespmem:s21], [sflag:$0x1] =	stream.linear.gather [hbm4b:s6+s3], $0x2800, $0x38;
	[tilespmem:$0x1FE40] =	vst v63  }
0xaf: {  	_ =	swait.ge [sflag:s26], $0x2800  }
0xb0: {  	[sflag:s26] =	ssyncset.done $0x0  }
0xb1: {  	[sflag:s26] =	ssyncadd.s32 $0xFFFFD800  }
0xb2: {  	v1 =	vld [tilespmem:s30+$0x0];
	_ =	sdelay $0x4  }
0xb3: {  	[tilespmem:$0x4E70] =	vst v1  }
0xb4: {  	v1 =	vld [tilespmem:s30+$0x10];
	_ =	sdelay $0x4  }
0xb5: {  	[tilespmem:$0x4E80] =	vst v1  }
0xb6: {  	v1 =	vld [tilespmem:s30+$0x20];
	_ =	sdelay $0x4  }
0xb7: {  	[tilespmem:$0x4E90] =	vst v1  }
0xb8: {  	v1 =	vld [tilespmem:s30+$0x30];
	_ =	sdelay $0x4  }
0xb9: {  	[tilespmem:$0x4EA0] =	vst v1  }
0xba: {  	v1 =	vld [tilespmem:s30+$0x40];
	_ =	sdelay $0x4  }
0xbb: {  	[tilespmem:$0x4EB0] =	vst v1  }
0xbc: {  	[spmem:s2] =	stream.indirect.scatter.add.f32 [tilespmem:s22], [sflag:$0x3], $0x80, s28, s24, $0xb8;
	[tilespmem:$0x1FE40] =	vst v63  }
0xbd: {  	_ =	swait.ge [sflag:s20], $0x2800  }
0xbe: {  	[sflag:s20] =	ssyncset.done $0x0  }
0xbf: {  	[sflag:s20] =	ssyncadd.s32 $0xFFFFD800  }
0xc0: {  	[tilespmem:s22], [sflag:$0x2] =	stream.linear.gather [hbm4b:s18+s3], $0x2800, $0x38;
	[tilespmem:$0x1FE40] =	vst v63  }
0xc1: {  	_ =	swait.ge [sflag:s23], $0x2800  }
0xc2: {  	[sflag:s23] =	ssyncset.done $0x0  }
0xc3: {  	[sflag:s23] =	ssyncadd.s32 $0xFFFFD800  }
0xc4: {  	v1 =	vld [tilespmem:s30+$0x50];
	_ =	sdelay $0x4  }
0xc5: {  	[tilespmem:$0x4E20] =	vst v1  }
0xc6: {  	v1 =	vld [tilespmem:s30+$0x60];
	_ =	sdelay $0x4  }
0xc7: {  	[tilespmem:$0x4E30] =	vst v1  }
0xc8: {  	v1 =	vld [tilespmem:s30+$0x70];
	_ =	sdelay $0x4  }
0xc9: {  	[tilespmem:$0x4E40] =	vst v1  }
0xca: {  	v1 =	vld [tilespmem:s30+$0x80];
	_ =	sdelay $0x4  }
0xcb: {  	[tilespmem:$0x4E50] =	vst v1  }
0xcc: {  	v1 =	vld [tilespmem:s30+$0x90];
	_ =	sdelay $0x4  }
0xcd: {  	[tilespmem:$0x4E60] =	vst v1  }
0xce: {  	[spmem:s2] =	stream.indirect.scatter.add.f32 [tilespmem:s21], [sflag:$0x3], $0x80, s25, s24, $0xb8;
	[tilespmem:$0x1FE40] =	vst v63  }
0xcf: {  	_ =	swait.ge [sflag:s20], $0x2800  }
0xd0: {  	[sflag:s20] =	ssyncset.done $0x0  }
0xd1: {  	[sflag:s20] =	ssyncadd.s32 $0xFFFFD800  }
0xd2: {  	_ =	swait.ge [sflag:s26], $0x2800  }
0xd3: {  	[sflag:s26] =	ssyncset.done $0x0  }
0xd4: {  	[sflag:s26] =	ssyncadd.s32 $0xFFFFD800  }
0xd5: {  	v1 =	vld [tilespmem:$0x4DD0];
	_ =	sdelay $0x4  }
0xd6: {  	[tilespmem:$0x4E70] =	vst v1  }
0xd7: {  	v1 =	vld [tilespmem:s30+$0xB0];
	_ =	sdelay $0x4  }
0xd8: {  	[tilespmem:$0x4E80] =	vst v1  }
0xd9: {  	v1 =	vld [tilespmem:s30+$0xC0];
	_ =	sdelay $0x4  }
0xda: {  	[tilespmem:$0x4E90] =	vst v1  }
0xdb: {  	v1 =	vld [tilespmem:s30+$0xD0];
	_ =	sdelay $0x4  }
0xdc: {  	[tilespmem:$0x4EA0] =	vst v1  }
0xdd: {  	v1 =	vld [tilespmem:s30+$0xE0];
	_ =	sdelay $0x4  }
0xde: {  	[tilespmem:$0x4EB0] =	vst v1  }
0xdf: {  	[spmem:s2] =	stream.indirect.scatter.add.f32 [tilespmem:s22], [sflag:$0x3], $0x80, s28, s24, $0xb8;
	[tilespmem:$0x1FE40] =	vst v63  }
0xe0: {  	_ =	swait.ge [sflag:s20], $0x2800  }
0xe1: {  	s30 =	stileid.u32;
	[sflag:s20] =	ssyncset.done $0x0  }
0xe2: {  	s0 =	sshll.u32 s30, $0x6;
	[sflag:s20] =	ssyncadd.s32 $0xFFFFD800  }
0xe3: {  	s31 =	sshrl.u32 s4, $0x3;
	s0 =	sor.u32 $0x1C03, s0;
	[bflag:$0x0] =	sbarrier.arrive $0xFFFF  }
0xe4: {  	[hbm:s14], [sflag:s0] =	dma.local [spmem:s31], $0x2700  }
0xe5: {  	_ =	swait.ge [sflag:s20], $0x2700  }
0xe6: {  	s29 =	sadd.s32 $0x1, s29;
	[sflag:s20] =	ssyncset.done $0x0  }
0xe7: {  	s1 =	sshrl.u32 @!p0 s12, $0x3;
	p1 =	sne.s32 s29, s16;
	[sflag:s20] =	ssyncadd.s32 $0xFFFFD900  }
0xe8: {  	[hbm:s15], [sflag:s0] =	dma.local @!p0 [spmem:s1], $0x100  }
.Ltmp2:
0xe9: {  	_ = 	snop;
	(pc) =	sbr.rel @p1 .LBB2_1-.Ltmp2, $4  }
0xea: {  	s0 =	simm.s32 @!p0 $0x3  }
0xeb: {  	_ =	swait.ge @!p0 [sflag:s0], $0x100  }
0xec: {  	[sflag:s0] =	ssyncset.done @!p0 $0x0  }
0xed: {  	[sflag:s0] =	ssyncadd.s32 @!p0 $0xFFFFFF00  }
0xee: {  	_ =	sfence.sel $0x180000  }
0xef: {  	[bflag:$0x0] =	sbarrier.arrive $0xFFFF  }
0xf0: {  	_ =	strace $0x90000050  }
0xf1: {  	s0 =	stileid.u32;
	[bflag:$0x2] =	sbarrier.arrive $0xFFFF  }
0xf2: {  	p0 =	sne.s32 s0, $0x0;
	s0 =	rddreg [dreg:$0x2]  }
0xf3: {  	s0 =	sadd.s32 @!p0 $0x100000, s0  }
0xf4: {  	[sflag:s0] =	ssyncadd.tile.s32 @!p0 $0x1;
	_ =	shalt  }
.Lfunc_end2:
_tile_overlayer_lowered:
.L_overlay_start_2:
0xf5: {  	(tag) =	ssettag $0x2  }
0xf6: {  	s0 =	rddreg [dreg:$0x0];
	s2 =	stileid.u32  }
0xf7: {  	s1 =	rddreg [dreg:$0x1];
	p0 =	sne.s32 s2, $0x0  }
0xf8: {  	s3 =	rddreg [dreg:$0x2];
	[bflag:$0x3] =	sbarrier.arrive $0xFFFF;
	s2 =	simm.s32 @!p0 $0x1C03  }
0xf9: {  	[timem:s3], [sflag:s2] =	dma.local @!p0 [hbm:s0], s1  }
0xfa: {  	s0 =	simm.s32 @!p0 $0x3  }
0xfb: {  	_ =	swait.ge @!p0 [sflag:s0], s1  }
0xfc: {  	s1 =	ssub.s32 @!p0 $0x0, s1;
	[sflag:s0] =	ssyncset.done @!p0 $0x0  }
0xfd: {  	[sflag:s0] =	ssyncadd.s32 @!p0 s1  }
0xfe: {  	[bflag:$0x3] =	sbarrier.arrive $0xFFFF  }
0xff: {  	_ =	shalt  }

// kernel: kernel.9.cloned.1.call-start
scs
__scs_entry_jumppad:
0x0: {  	(pc) =	sbr.rel $0x88, $3  }
0x1: {  	(tag) =	ssettag $0x0;
	lr =	simm.s32 $0x1  }
0x2: {  	[smem:$0x3F8E] =	sst lr;
	_ =	strace $0xD0000000  }
0x3: {  	_ = 	snop  }
0x4: {  	_ = 	snop  }
0x5: {  	_ = 	snop  }
0x6: {  	_ = 	snop  }
0x7: {  	_ = 	snop  }
__scs_overlays_trampoline_lowered:
0x8: {  	[smem:$0x3F9D] =	sst s0  }
0x9: {  	[smem:$0x3F9E] =	sst s1  }
0xa: {  	[smem:$0x3F9F] =	sst s2  }
0xb: {  	[smem:$0x3FA0] =	sst s3  }
0xc: {  	[smem:$0x3FA1] =	sst s4  }
0xd: {  	[smem:$0x3FA2] =	sst s5  }
0xe: {  	[smem:$0x3FA3] =	sst s6  }
0xf: {  	[smem:$0x3FA4] =	sst s7  }
0x10: {  	[smem:$0x3FA5] =	sst s8  }
0x11: {  	[smem:$0x3FA6] =	sst s9;
	s0 =	simm.s32 @!p0 $0x0  }
0x12: {  	s1 =	sld [smem:$0x3F8C];
	s0 =	simm.s32 @p0 $0x1  }
0x13: {  	[smem:$0x3FA7] =	sst s0;
	s0 =	simm.s32 @!p1 $0x0  }
0x14: {  	s2 =	sld [smem:$0x3F8B];
	s0 =	simm.s32 @p1 $0x1  }
0x15: {  	[smem:$0x3FA8] =	sst s0;
	s0 =	simm.s32 @!p2 $0x0  }
0x16: {  	s3 =	sld [smem:$0x3FDB];
	s0 =	simm.s32 @p2 $0x1  }
0x17: {  	s4 =	simm.s32 $0x1BF5;
	[smem:$0x3FAA] =	sst s0  }
0x18: {  	s0 =	sld [smem:$0x3F8D];
	_ =	swait.ge [sflag:s4], $0x0  }
0x19: {  	s7 =	sld [smem:$0x3F8E]  }
0x1a: {  	s8 =	sadd.s32 $0xFFFFE003, lr  }
0x1b: {  	s9 =	sadd.s32 $0xFFFFFEF7, lr;
	s5 =	simm.s32 $0xFFFFFFFF;
	p2 =	slt.u32 s8, $0xFFFFF086  }
0x1c: {  	p1 =	slt.u32 s9, $0xF7A;
	s5 =	simm.s32 @!p2 $0x0  }
0x1d: {  	s5 =	simm.s32 @p1 $0x1;
	p0 =	seq.s32 s7, s2  }
0x1e: {  	s7 =	smul.u32 @!p0 $0xF7A, s2;
	p2 =	seq.s32 @!p0 s5, $0x0  }
0x1f: {  	s9 =	smul.u32 $0xF7A, s1;
	s8 =	simm.s32 @!p0 $0x1BF5;
	p2 =	por !p2, p0  }
0x20: {  	[sflag:s8] =	ssyncset.s32 @!p0 $0xFFFFF086;
	s6 =	sadd.s32 @!p0 s3, s7;
	s7 =	simm.s32 @!p0 $0x108  }
0x21: {  	s3 =	sadd.s32 s3, s9;
	s6 =	sadd.s32 @!p0 $0x88, s6;
	s7 =	simm.s32 @p2 $0x1082  }
0x22: {  	[simem:s7], [sflag:s8] =	dma.local @!p0 [hbm:s6], $0xF7A  }
0x23: {  	s9 =	sor.u32 $0xD0000000, s2;
	s6 =	simm.s32 $0x108;
	_ =	swait.ge @!p0 [sflag:s8], $0x0  }
0x24: {  	s3 =	sadd.s32 $0x88, s3;
	s6 =	simm.s32 @!p1 $0x1082;
	[sflag:s4] =	ssyncset.s32 $0xFFFFF086  }
0x25: {  	[simem:s6], [sflag:s4] =	dma.local [hbm:s3], $0xF7A  }
0x26: {  	[smem:$0x3F8E] =	sst s1;
	(tag) =	ssettag s2;
	_ =	strace s9  }
0x27: {  	s1 =	sld [smem:$0x3F9E]  }
0x28: {  	s2 =	sld [smem:$0x3F9F]  }
0x29: {  	s4 =	sld [smem:$0x3FA1]  }
0x2a: {  	p0 =	seq.s32 s5, $0x0;
	s5 =	sld [smem:$0x3FA2]  }
0x2b: {  	s6 =	sld [smem:$0x3FA3]  }
0x2c: {  	s7 =	sld [smem:$0x3FA4]  }
0x2d: {  	s3 =	simm.s32 $0x108;
	s8 =	sld [smem:$0x3FA5]  }
0x2e: {  	s3 =	simm.s32 @!p0 $0x1082;
	s9 =	sld [smem:$0x3FA6]  }
0x2f: {  	lr =	sadd.s32 s0, s3;
	s0 =	sld [smem:$0x3F9D]  }
0x30: {  	s3 =	sld [smem:$0x3FA0]  }
0x31: {  	[smem:$0x3FA9] =	sst s10  }
0x32: {  	s10 =	sld [smem:$0x3FA7];
	_ =	sdelay $0x3  }
0x33: {  	p0 =	seq.s32 s10, $0x1;
	s10 =	sld [smem:$0x3FA9];
	_ =	sdelay $0x3  }
0x34: {  	[smem:$0x3FA9] =	sst s10  }
0x35: {  	s10 =	sld [smem:$0x3FA8];
	_ =	sdelay $0x3  }
0x36: {  	p1 =	seq.s32 s10, $0x1;
	s10 =	sld [smem:$0x3FA9];
	_ =	sdelay $0x3  }
0x37: {  	[smem:$0x3FA9] =	sst s10  }
0x38: {  	s10 =	sld [smem:$0x3FAA]  }
0x39: {  	_ = 	snop;
	(pc) =	sbr.ind lr, $3  }
0x3a: {  	_ = 	snop  }
0x3b: {  	_ = 	snop  }
0x3c: {  	p2 =	seq.s32 s10, $0x1;
	s10 =	sld [smem:$0x3FA9]  }
0x3d: {  	_ =	shalt  }
0x3e: {  	_ =	shalt  }
0x3f: {  	_ =	shalt  }
0x40: {  	_ =	shalt  }
0x41: {  	_ =	shalt  }
0x42: {  	_ =	shalt  }
0x43: {  	_ =	shalt  }
0x44: {  	_ =	shalt  }
0x45: {  	_ =	shalt  }
0x46: {  	_ =	shalt  }
0x47: {  	_ =	shalt  }
0x48: {  	_ =	shalt  }
0x49: {  	_ =	shalt  }
0x4a: {  	_ =	shalt  }
0x4b: {  	_ =	shalt  }
0x4c: {  	_ =	shalt  }
0x4d: {  	_ =	shalt  }
0x4e: {  	_ =	shalt  }
0x4f: {  	_ =	shalt  }
0x50: {  	_ =	shalt  }
0x51: {  	_ =	shalt  }
0x52: {  	_ =	shalt  }
0x53: {  	_ =	shalt  }
0x54: {  	_ =	shalt  }
0x55: {  	_ =	shalt  }
0x56: {  	_ =	shalt  }
0x57: {  	_ =	shalt  }
0x58: {  	_ =	shalt  }
0x59: {  	_ =	shalt  }
0x5a: {  	_ =	shalt  }
0x5b: {  	_ =	shalt  }
0x5c: {  	_ =	shalt  }
0x5d: {  	_ =	shalt  }
0x5e: {  	_ =	shalt  }
0x5f: {  	_ =	shalt  }
0x60: {  	_ =	shalt  }
0x61: {  	_ =	shalt  }
0x62: {  	_ =	shalt  }
0x63: {  	_ =	shalt  }
0x64: {  	_ =	shalt  }
0x65: {  	_ =	shalt  }
0x66: {  	_ =	shalt  }
0x67: {  	_ =	shalt  }
0x68: {  	_ =	shalt  }
0x69: {  	_ =	shalt  }
0x6a: {  	_ =	shalt  }
0x6b: {  	_ =	shalt  }
0x6c: {  	_ =	shalt  }
0x6d: {  	_ =	shalt  }
0x6e: {  	_ =	shalt  }
0x6f: {  	_ =	shalt  }
0x70: {  	_ =	shalt  }
0x71: {  	_ =	shalt  }
0x72: {  	_ =	shalt  }
0x73: {  	_ =	shalt  }
0x74: {  	_ =	shalt  }
0x75: {  	_ =	shalt  }
0x76: {  	_ =	shalt  }
0x77: {  	_ =	shalt  }
0x78: {  	_ =	shalt  }
0x79: {  	_ =	shalt  }
0x7a: {  	_ =	shalt  }
0x7b: {  	_ =	shalt  }
0x7c: {  	_ =	shalt  }
0x7d: {  	_ =	shalt  }
0x7e: {  	_ =	shalt  }
0x7f: {  	_ =	shalt  }
0x80: {  	_ =	shalt  }
0x81: {  	_ =	shalt  }
0x82: {  	_ =	shalt  }
0x83: {  	_ =	shalt  }
0x84: {  	_ =	shalt  }
0x85: {  	_ =	shalt  }
0x86: {  	_ =	shalt  }
0x87: {  	_ =	shalt  }
.Lfunc_end0:
.L_simem_size_0:
called_computation_lowered:
.L_overlay_start_0:
0x88: {  	s2 =	sld [smem:$0x3FD9]  }
0x89: {  	s3 =	sld [smem:$0x3FFE];
	_ =	sdelay $0x1  }
0x8a: {  	s1 =	srdreg.scid  }
0x8b: {  	s0 =	sand.u32 $0x1, s1  }
0x8c: {  	s14 =	sshll.u32 s0, $0xA;
	s2 =	sadd.s32 s3, s2  }
0x8d: {  	s2 =	sadd.s32 s2, s14  }
0x8e: {  	[smem:$0x3FB5] =	sst s2  }
0x8f: {  	_ = 	snop  }
0x90: {  	s2 =	sld [smem:$0x3FD0];
	_ =	sdelay $0x2  }
0x91: {  	s4 =	simm.s32 $0xA;
	s5 =	simm.s32 $0x10;
	s15 =	sld [smem:$0x3FC9]  }
0x92: {  	[smem:s5], [sflag:s4] =	dma.local [hbm:s2], $0x1  }
0x93: {  	_ =	swait.eq [sflag:s4], $0x1  }
0x94: {  	[sflag:s4] =	ssyncset.done $0x0  }
0x95: {  	[sflag:s4] =	ssyncadd.s32 $0xFFFFFFFF  }
0x96: {  	s16 =	sld [smem:$0x11];
	(tm) =	ssettm $0x1  }
0x97: {  	s17 =	sld [smem:$0x3FFB];
	_ =	sdelay $0x3  }
0x98: {  	_ =	strace s17  }
0x99: {  	s4 =	sld [smem:$0x3FFC];
	_ =	sdelay $0x3  }
0x9a: {  	_ =	strace s4  }
0x9b: {  	s4 =	sld [smem:$0x3FFD];
	_ =	sdelay $0x3  }
0x9c: {  	_ =	strace s4  }
0x9d: {  	_ =	strace $0x8FFFFFFF  }
0x9e: {  	s18 =	sld [smem:$0x3FDB];
	_ =	sdelay $0x1  }
0x9f: {  	s19 =	simm.s32 $_scs_section_size  }
0xa0: {  	s6 =	simm.s32 $_size__tile_overlayer_lowered;
	s7 =	simm.s32 $_tile_overlayer_lowered  }
0xa1: {  	s22 =	simm.s32 $0x1BFF;
	s21 =	sshll.u32 s7, $0x1;
	s4 =	sadd.s32 s19, s18  }
0xa2: {  	s8 =	simm.s32 $0x0;
	s20 =	sshll.u32 s6, $0x1;
	s6 =	sadd.s32 s21, s4  }
0xa3: {  	[timem:s8], [sflag:s22] =	dma.local [hbm:s6], s20  }
0xa4: {  	_ =	swait.ge [sflag:s22], s20  }
0xa5: {  	s5 =	ssub.s32 $0x0, s20;
	[sflag:s22] =	ssyncset.done $0x0  }
0xa6: {  	[sflag:s22] =	ssyncadd.s32 s5;
	_ =	sdelay $0x1  }
0xa7: {  	s23 =	simm.s32 $0x1B8B  }
0xa8: {  	_ =	swait.ge [sflag:s23], $0x1  }
0xa9: {  	[sflag:s23] =	ssyncset.done $0x0  }
0xaa: {  	s25 =	simm.s32 $0x1B8E;
	s24 =	sld [smem:$0x3FFE];
	[sflag:s23] =	ssyncadd.s32 $0xFFFFFFFF  }
0xab: {  	s26 =	simm.s32 $execute0_lowered;
	[smem:$0x3FD2] =	sst s25  }
0xac: {  	s6 =	sshll.u32 s26, $0x1;
	_ =	strace $0x80000046;
	[dreg:$0x1] =	wrdreg $0xFFFFFFFF  }
0xad: {  	s28 =	simm.s32 $_size_execute0_lowered;
	s4 =	sadd.s32 s4, s6;
	[dreg:$0x0] =	wrdreg $0x0  }
0xae: {  	s6 =	sshll.u32 s28, $0x1;
	[dreg:$0x2] =	wrdreg s4  }
0xaf: {  	[dreg:$0x3] =	wrdreg s6  }
0xb0: {  	[dreg:$0x4] =	wrdreg $0xC0  }
0xb1: {  	_ =	task [dreg:s8], $0x5FFFF  }
0xb2: {  	[dreg:$0x1] =	wrdreg $0xFFFFFFFF  }
0xb3: {  	[dreg:$0x0] =	wrdreg $0x60  }
0xb4: {  	[dreg:$0x2] =	wrdreg s15  }
0xb5: {  	[dreg:$0x3] =	wrdreg s24  }
0xb6: {  	[dreg:$0x4] =	wrdreg s16  }
0xb7: {  	[dreg:$0x5] =	wrdreg $0x9  }
0xb8: {  	_ =	task.clear_ibuf [dreg:s8], $0x6FFFF;
	_ =	strace $0x90000046  }
0xb9: {  	s29 =	simm.s32 $0x9;
	_ =	strace $0x80000048  }
0xba: {  	_ =	swait.ge [sflag:s29], $0x1  }
0xbb: {  	[sflag:s29] =	ssyncadd.s32 $0xFFFFFFFF  }
0xbc: {  	_ =	strace $0x90000048  }
0xbd: {  	_ =	sfence  }
0xbe: {  	s30 =	sld [smem:$0x0];
	_ =	sdelay $0x2  }
0xbf: {  	s31 =	sshll.u32 s1, $0xD;
	s1 =	sshrl.u32 s1, $0x2  }
0xc0: {  	s3 =	sand.u32 $0x4000, s31;
	s1 =	sadd.s32 s1, s30  }
0xc1: {  	s0 =	sor.u32 s3, s0;
	s1 =	sshll.u32 s1, $0x11  }
0xc2: {  	s0 =	sor.u32 s1, s0  }
0xc3: {  	s0 =	sadd.s32 $0x8F2B, s0  }
0xc4: {  	[sflag:s0] =	ssyncadd.remote.s32 $0x1  }
0xc5: {  	_ =	sfence.sel $0xFFFF  }
0xc6: {  	[dreg:$0x0] =	wrdreg $0xFFFFFFFF;
	(pc) =	sbr.abs _section_cstart, $3  }
0xc7: {  	[dreg:$0x1] =	wrdreg $0xFFFFFFFF  }
0xc8: {  	_ =	task.clear_ibuf [dreg:s8], $0x2FFFF;
	_ =	strace $0x9FFFFFFF  }
0xc9: {  	(tm) =	ssettm $0x7FFFFFFF  }
tec
execute0_lowered:
.L_overlay_start_1:
0x0: {  	(tag) =	ssettag $0x1  }
0x1: {  	s1 =	rddreg [dreg:$0x0]  }
0x2: {  	s0 =	srdreg.scid;
	s4 =	rddreg [dreg:$0x1]  }
0x3: {  	s25 =	stileid.u32;
	s5 =	rddreg [dreg:$0x2];
	s15 =	simm.s32 $0x50  }
0x4: {  	s16 =	simm.s32 $0x4E20;
	s17 =	simm.s32 $0x4F60;
	s18 =	simm.s32 $0x4E70  }
0x5: {  	s19 =	simm.s32 $0x7760;
	s20 =	simm.s32 $0x4EC0;
	s21 =	simm.s32 $0x9F60  }
0x6: {  	s22 =	simm.s32 $0x4F10;
	s23 =	simm.s32 $0xC760;
	s24 =	simm.s32 $0x1  }
0x7: {  	s28 =	simm.s32 $0x4;
	s29 =	simm.s32 $0x0;
	s13 =	smul.u32 $0x2710, s25  }
0x8: {  	s2 =	sand.u32 $0x1, s0;
	s11 =	sadd.s32 $0xDE00, s4;
	s31 =	smul.u32 $0x27100, s25  }
0x9: {  	s14 =	sadd.s32 $0x4EFE00, s4;
	s3 =	sshll.u32 s2, $0x4;
	s10 =	smul.u32 $0x27100, s2  }
0xa: {  	s9 =	ssub.s32 $0x2, s2;
	s2 =	smul.u32 $0x271000, s2;
	s6 =	sor.u32 s25, s3  }
0xb: {  	s3 =	simm.s32 $0x0;
	s12 =	sshrl.u32 s9, $0x1;
	s7 =	smul.u32 $0x2710, s6  }
0xc: {  	s25 =	simm.s32 $0x2;
	[smem:$0x7FF] =	sst s3;
	s6 =	smul.u32 $0x138800, s6  }
0xd: {  	s9 =	ssub.s32 s9, s12;
	s10 =	sadd.s32 s13, s10;
	s13 =	simm.s32 $0x5  }
0xe: {  	_ =	strace $0x80000047;
	s10 =	sshll.u32 s10, $0x4;
	s7 =	sshrl.u32 s7, $0x3  }
0xf: {  	s6 =	sshrl.u32 s6, $0x3;
	s10 =	sadd.s32 $0x500, s10;
	s8 =	sadd.s32 s7, s4  }
.Ltmp0:
0x10: {  	s30 =	sadd.s32 $0x26C00, s6;
	s5 =	sadd.s32 s5, s7;
	(pc) =	sbr.rel .LBB2_1-.Ltmp0, $4  }
0x11: {  	s26 =	sadd.s32 $0x4000, s8;
	s6 =	sadd.s32 s11, s30;
	s7 =	sadd.s32 s14, s30  }
0x12: {  	s8 =	smax.u32 s9, $0x1;
	s9 =	sadd.s32 s10, s14;
	s10 =	sadd.s32 s10, s11  }
0x13: {  	s11 =	sadd.s32 s2, s11;
	s2 =	sadd.s32 s2, s14;
	[dreg:$0x4] =	wrdreg s26  }
0x14: {  	s11 =	sadd.s32 s31, s11;
	s12 =	sadd.s32 s31, s2;
	s26 =	simm.s32 $0x3  }
.LBB2_4:
0x15: {  	_ =	swait.ge [sflag:s26], $0x2800  }
0x16: {  	[sflag:s26] =	ssyncset.done $0x0  }
0x17: {  	[sflag:s26] =	ssyncadd.s32 $0xFFFFD800  }
0x18: {  	_ =	swait.ge [sflag:s26], $0x2800  }
0x19: {  	[sflag:s26] =	ssyncset.done $0x0  }
0x1a: {  	[sflag:s26] =	ssyncadd.s32 $0xFFFFD800  }
0x1b: {  	v0 =	vld [tilespmem:$0x26C0]  }
0x1c: {  	v1 =	vld [tilespmem:$0x26D0]  }
0x1d: {  	v2 =	vld [tilespmem:$0x26E0]  }
0x1e: {  	v3 =	vld [tilespmem:$0x26F0]  }
0x1f: {  	v4 =	vld [tilespmem:$0x2700]  }
0x20: {  	v59 =	vld [tilespmem:$0x4DD0];
	[tilespmem:$0x4E20] =	vst v0  }
0x21: {  	v60 =	vld [tilespmem:$0x4DE0];
	[tilespmem:$0x4E30] =	vst v1  }
0x22: {  	v61 =	vld [tilespmem:$0x4DF0];
	[tilespmem:$0x4E40] =	vst v2  }
0x23: {  	v62 =	vld [tilespmem:$0x4E00];
	[tilespmem:$0x4E50] =	vst v3  }
0x24: {  	v63 =	vld [tilespmem:$0x4E10];
	[tilespmem:$0x4E60] =	vst v4  }
0x25: {  	[tilespmem:$0x4E70] =	vst v59  }
0x26: {  	[tilespmem:$0x4E80] =	vst v60  }
0x27: {  	[tilespmem:$0x4E90] =	vst v61  }
0x28: {  	[tilespmem:$0x4EA0] =	vst v62  }
0x29: {  	[tilespmem:$0x4EB0] =	vst v63  }
0x2a: {  	[tilespmem:s17], [sflag:$0x1] =	stream.indirect.gather [hbm4b:s1+s15], $0x80, s16, s15, $0xb8;
	[tilespmem:$0xEF60] =	vst v63  }
0x2b: {  	_ = 	snop  }
0x2c: {  	[tilespmem:s19], [sflag:$0x1] =	stream.indirect.gather [hbm4b:s1+s15], $0x80, s18, s15, $0xb8;
	[tilespmem:$0xEF60] =	vst v63  }
0x2d: {  	_ =	swait.ge [sflag:s24], $0x2800  }
0x2e: {  	[sflag:s24] =	ssyncset.done $0x0  }
0x2f: {  	[sflag:s24] =	ssyncadd.s32 $0xFFFFD800  }
0x30: {  	_ =	swait.ge [sflag:s24], $0x2800  }
0x31: {  	[sflag:s24] =	ssyncset.done $0x0  }
0x32: {  	[sflag:s24] =	ssyncadd.s32 $0xFFFFD800  }
0x33: {  	[hbm4b:s6+s3] =	stream.linear.scatter [tilespmem:s17], [sflag:$0x3], $0x2800, $0x38;
	[tilespmem:$0xEF60] =	vst v63  }
0x34: {  	_ = 	snop  }
0x35: {  	[hbm4b:s7+s3] =	stream.linear.scatter [tilespmem:s19], [sflag:$0x3], $0x2800, $0x38;
	[tilespmem:$0xEF60] =	vst v63  }
0x36: {  	_ =	swait.ge [sflag:s26], $0x2800  }
0x37: {  	[sflag:s26] =	ssyncset.done $0x0  }
0x38: {  	[sflag:s26] =	ssyncadd.s32 $0xFFFFD800  }
0x39: {  	_ =	swait.ge [sflag:s26], $0x2800  }
0x3a: {  	[sflag:s26] =	ssyncset.done $0x0  }
0x3b: {  	s29 =	sadd.s32 $0x1, s29;
	[sflag:s26] =	ssyncadd.s32 $0xFFFFD800  }
0x3c: {  	p0 =	sne.s32 s29, s8;
	_ =	swait.ge [sflag:s28], $0x2800  }
.Ltmp1:
0x3d: {  	[sflag:s28] =	ssyncset.done $0x0;
	(pc) =	sbr.rel @!p0 .LBB2_5-.Ltmp1, $4  }
0x3e: {  	[sflag:s28] =	ssyncadd.s32 $0xFFFFD800  }
0x3f: {  	_ =	swait.ge [sflag:s28], $0x2800  }
0x40: {  	[sflag:s28] =	ssyncset.done $0x0  }
0x41: {  	[sflag:s28] =	ssyncadd.s32 $0xFFFFD800  }
.LBB2_1:
0x42: {  	s0 =	rddreg [dreg:$0x4]  }
0x43: {  	[tilespmem:s3], [sflag:$0x5] =	stream.linear.gather [hbm4b:s0+s3], $0x2710, $0x38;
	[tilespmem:$0xEF60] =	vst v63  }
0x44: {  	_ =	swait.ge [sflag:s13], $0x2710  }
0x45: {  	[sflag:s13] =	ssyncset.done $0x0  }
0x46: {  	s14 =	simm.s32 $0x2710;
	[sflag:s13] =	ssyncadd.s32 $0xFFFFD8F0  }
0x47: {  	[tilespmem:s14], [sflag:$0x5] =	stream.linear.gather [hbm4b:s5+s3], $0x2710, $0x38;
	[tilespmem:$0xEF60] =	vst v63  }
0x48: {  	_ =	swait.ge [sflag:s13], $0x2710  }
0x49: {  	[sflag:s13] =	ssyncset.done $0x0  }
0x4a: {  	[sflag:s13] =	ssyncadd.s32 $0xFFFFD8F0  }
0x4b: {  	v0 =	vld [tilespmem:$0x0]  }
0x4c: {  	v1 =	vld [tilespmem:$0x10]  }
0x4d: {  	v2 =	vld [tilespmem:$0x20]  }
0x4e: {  	v3 =	vld [tilespmem:$0x30]  }
0x4f: {  	v4 =	vld [tilespmem:$0x40]  }
0x50: {  	v59 =	vld [tilespmem:$0x2710];
	[tilespmem:$0x4E20] =	vst v0  }
0x51: {  	v60 =	vld [tilespmem:$0x2720];
	[tilespmem:$0x4E30] =	vst v1  }
0x52: {  	v61 =	vld [tilespmem:$0x2730];
	[tilespmem:$0x4E40] =	vst v2  }
0x53: {  	v62 =	vld [tilespmem:$0x2740];
	[tilespmem:$0x4E50] =	vst v3  }
0x54: {  	v63 =	vld [tilespmem:$0x2750];
	[tilespmem:$0x4E60] =	vst v4  }
0x55: {  	[tilespmem:$0x4E70] =	vst v59  }
0x56: {  	[tilespmem:$0x4E80] =	vst v60  }
0x57: {  	[tilespmem:$0x4E90] =	vst v61  }
0x58: {  	[tilespmem:$0x4EA0] =	vst v62  }
0x59: {  	[tilespmem:$0x4EB0] =	vst v63  }
0x5a: {  	[tilespmem:s17], [sflag:$0x1] =	stream.indirect.gather [hbm4b:s1+s15], $0x80, s16, s15, $0xb8;
	[tilespmem:$0xEF60] =	vst v63  }
0x5b: {  	s30 =	simm.s32 $0x2780;
	s31 =	simm.s32 $0x70;
	s2 =	simm.s32 $0x0  }
0x5c: {  	[tilespmem:s19], [sflag:$0x1] =	stream.indirect.gather [hbm4b:s1+s15], $0x80, s18, s15, $0xb8;
	[tilespmem:$0xEF60] =	vst v63  }
.LBB2_2:
0x5d: {  	v0 =	vld [tilespmem:s31+$0xFFFFFFE0];
	_ =	sdelay $0x4  }
0x5e: {  	[tilespmem:$0x4EC0] =	vst v0  }
0x5f: {  	v0 =	vld [tilespmem:s31+$0xFFFFFFF0];
	_ =	sdelay $0x4  }
0x60: {  	[tilespmem:$0x4ED0] =	vst v0  }
0x61: {  	v0 =	vld [tilespmem:s31+$0x0];
	_ =	sdelay $0x4  }
0x62: {  	[tilespmem:$0x4EE0] =	vst v0  }
0x63: {  	v0 =	vld [tilespmem:s31+$0x10];
	_ =	sdelay $0x4  }
0x64: {  	[tilespmem:$0x4EF0] =	vst v0  }
0x65: {  	v0 =	vld [tilespmem:s31+$0x20];
	_ =	sdelay $0x4  }
0x66: {  	[tilespmem:$0x4F00] =	vst v0  }
0x67: {  	v0 =	vld [tilespmem:s30+$0xFFFFFFE0];
	_ =	sdelay $0x4  }
0x68: {  	[tilespmem:$0x4F10] =	vst v0  }
0x69: {  	v0 =	vld [tilespmem:s30+$0xFFFFFFF0];
	_ =	sdelay $0x4  }
0x6a: {  	[tilespmem:$0x4F20] =	vst v0  }
0x6b: {  	v0 =	vld [tilespmem:s30+$0x0];
	_ =	sdelay $0x4  }
0x6c: {  	[tilespmem:$0x4F30] =	vst v0  }
0x6d: {  	v0 =	vld [tilespmem:s30+$0x10];
	_ =	sdelay $0x4  }
0x6e: {  	[tilespmem:$0x4F40] =	vst v0  }
0x6f: {  	v0 =	vld [tilespmem:s30+$0x20];
	_ =	sdelay $0x4  }
0x70: {  	[tilespmem:$0x4F50] =	vst v0  }
0x71: {  	[tilespmem:s21], [sflag:$0x2] =	stream.indirect.gather [hbm4b:s1+s15], $0x80, s20, s15, $0xb8;
	[tilespmem:$0xEF60] =	vst v63  }
0x72: {  	_ = 	snop  }
0x73: {  	[tilespmem:s23], [sflag:$0x2] =	stream.indirect.gather [hbm4b:s1+s15], $0x80, s22, s15, $0xb8;
	[tilespmem:$0xEF60] =	vst v63  }
0x74: {  	_ =	swait.ge [sflag:s24], $0x2800  }
0x75: {  	[sflag:s24] =	ssyncset.done $0x0  }
0x76: {  	[sflag:s24] =	ssyncadd.s32 $0xFFFFD800  }
0x77: {  	_ =	swait.ge [sflag:s24], $0x2800  }
0x78: {  	[sflag:s24] =	ssyncset.done $0x0  }
0x79: {  	s0 =	sadd.s32 s2, s11;
	p0 =	seq.s32 s2, $0x26200;
	[sflag:s24] =	ssyncadd.s32 $0xFFFFD800  }
0x7a: {  	[hbm4b:s0+s3] =	stream.linear.scatter [tilespmem:s17], [sflag:$0x3], $0x2800, $0x38;
	[tilespmem:$0xEF60] =	vst v63  }
0x7b: {  	s14 =	sadd.s32 s2, s12;
	s0 =	simm.s32 @!p0 $0x3  }
0x7c: {  	[hbm4b:s14+s3] =	stream.linear.scatter [tilespmem:s19], [sflag:$0x3], $0x2800, $0x38;
	[tilespmem:$0xEF60] =	vst v63  }
0x7d: {  	_ =	swait.ge @!p0 [sflag:s0], $0x2800  }
0x7e: {  	[sflag:s0] =	ssyncset.done @!p0 $0x0  }
0x7f: {  	[sflag:s0] =	ssyncadd.s32 @!p0 $0xFFFFD800  }
0x80: {  	_ =	swait.ge @!p0 [sflag:s0], $0x2800  }
0x81: {  	[sflag:s0] =	ssyncset.done @!p0 $0x0  }
0x82: {  	[sflag:s0] =	ssyncadd.s32 @!p0 $0xFFFFD800  }
0x83: {  	v0 =	vld @!p0 [tilespmem:s31+$0x30];
	_ =	sdelay $0x4  }
0x84: {  	[tilespmem:$0x4E20] =	vst @!p0 v0  }
0x85: {  	v0 =	vld @!p0 [tilespmem:s31+$0x40];
	_ =	sdelay $0x4  }
0x86: {  	[tilespmem:$0x4E30] =	vst @!p0 v0  }
0x87: {  	v0 =	vld @!p0 [tilespmem:s31+$0x50];
	_ =	sdelay $0x4  }
0x88: {  	[tilespmem:$0x4E40] =	vst @!p0 v0  }
0x89: {  	v0 =	vld @!p0 [tilespmem:s31+$0x60];
	_ =	sdelay $0x4  }
0x8a: {  	[tilespmem:$0x4E50] =	vst @!p0 v0  }
0x8b: {  	v0 =	vld @!p0 [tilespmem:s31+$0x70];
	_ =	sdelay $0x4  }
0x8c: {  	[tilespmem:$0x4E60] =	vst @!p0 v0  }
0x8d: {  	v0 =	vld @!p0 [tilespmem:s30+$0x30];
	_ =	sdelay $0x4  }
0x8e: {  	[tilespmem:$0x4E70] =	vst @!p0 v0  }
0x8f: {  	v0 =	vld @!p0 [tilespmem:s30+$0x40];
	_ =	sdelay $0x4  }
0x90: {  	[tilespmem:$0x4E80] =	vst @!p0 v0  }
0x91: {  	v0 =	vld @!p0 [tilespmem:s30+$0x50];
	_ =	sdelay $0x4  }
0x92: {  	[tilespmem:$0x4E90] =	vst @!p0 v0  }
0x93: {  	v0 =	vld @!p0 [tilespmem:s30+$0x60];
	_ =	sdelay $0x4  }
0x94: {  	[tilespmem:$0x4EA0] =	vst @!p0 v0  }
0x95: {  	v0 =	vld @!p0 [tilespmem:s30+$0x70];
	_ =	sdelay $0x4  }
0x96: {  	s4 =	simm.s32 @!p0 $0x4F60;
	s14 =	simm.s32 @!p0 $0x4E20;
	s0 =	simm.s32 @!p0 $0x50;
	[tilespmem:$0x4EB0] =	vst @!p0 v0  }
0x97: {  	[tilespmem:s4], [sflag:$0x1] =	stream.indirect.gather @!p0 [hbm4b:s1+s0], $0x80, s14, s0, $0xb8;
	[tilespmem:$0xEF60] =	vst v63  }
0x98: {  	s4 =	simm.s32 @!p0 $0x4E70;
	s14 =	simm.s32 @!p0 $0x7760  }
0x99: {  	[tilespmem:s14], [sflag:$0x1] =	stream.indirect.gather @!p0 [hbm4b:s1+s0], $0x80, s4, s0, $0xb8;
	[tilespmem:$0xEF60] =	vst v63  }
0x9a: {  	_ =	swait.ge [sflag:s25], $0x2800  }
0x9b: {  	[sflag:s25] =	ssyncset.done $0x0  }
0x9c: {  	[sflag:s25] =	ssyncadd.s32 $0xFFFFD800  }
0x9d: {  	_ =	swait.ge [sflag:s25], $0x2800  }
.Ltmp2:
0x9e: {  	[sflag:s25] =	ssyncset.done $0x0;
	(pc) =	sbr.rel @p0 .LBB2_4-.Ltmp2, $4  }
0x9f: {  	s4 =	sadd.s32 s2, s10;
	[sflag:s25] =	ssyncadd.s32 $0xFFFFD800  }
0xa0: {  	[hbm4b:s4+s3] =	stream.linear.scatter [tilespmem:s21], [sflag:$0x4], $0x2800, $0x38;
	[tilespmem:$0xEF60] =	vst v63  }
0xa1: {  	s14 =	sadd.s32 s2, s9  }
0xa2: {  	[hbm4b:s14+s3] =	stream.linear.scatter [tilespmem:s23], [sflag:$0x4], $0x2800, $0x38;
	[tilespmem:$0xEF60] =	vst v63  }
0xa3: {  	_ =	swait.ge [sflag:s28], $0x2800  }
.Ltmp3:
0xa4: {  	[sflag:s28] =	ssyncset.done $0x0;
	(pc) =	sbr.rel .LBB2_2-.Ltmp3, $4  }
0xa5: {  	[sflag:s28] =	ssyncadd.s32 $0xFFFFD800  }
0xa6: {  	_ =	swait.ge [sflag:s28], $0x2800  }
0xa7: {  	s2 =	sadd.s32 $0xA00, s2;
	[sflag:s28] =	ssyncset.done $0x0  }
0xa8: {  	s30 =	sadd.s32 $0xA0, s30;
	s31 =	sadd.s32 $0xA0, s31;
	[sflag:s28] =	ssyncadd.s32 $0xFFFFD800  }
.LBB2_5:
0xa9: {  	_ =	sfence.sel $0x180000  }
0xaa: {  	[bflag:$0x0] =	sbarrier.arrive $0xFFFF  }
0xab: {  	_ =	strace $0x90000047  }
0xac: {  	s0 =	stileid.u32;
	[bflag:$0x2] =	sbarrier.arrive $0xFFFF  }
0xad: {  	p0 =	sne.s32 s0, $0x0;
	s0 =	rddreg [dreg:$0x3]  }
0xae: {  	s0 =	sadd.s32 @!p0 $0x100000, s0  }
0xaf: {  	[sflag:s0] =	ssyncadd.tile.s32 @!p0 $0x1;
	_ =	shalt  }
.Lfunc_end2:
_tile_overlayer_lowered:
.L_overlay_start_2:
0xb0: {  	(tag) =	ssettag $0x2  }
0xb1: {  	s0 =	rddreg [dreg:$0x0];
	s2 =	stileid.u32  }
0xb2: {  	s1 =	rddreg [dreg:$0x1];
	p0 =	sne.s32 s2, $0x0  }
0xb3: {  	s3 =	rddreg [dreg:$0x2];
	[bflag:$0x3] =	sbarrier.arrive $0xFFFF;
	s2 =	simm.s32 @!p0 $0x1C05  }
0xb4: {  	[timem:s3], [sflag:s2] =	dma.local @!p0 [hbm:s0], s1  }
0xb5: {  	s0 =	simm.s32 @!p0 $0x5  }
0xb6: {  	_ =	swait.ge @!p0 [sflag:s0], s1  }
0xb7: {  	s1 =	ssub.s32 @!p0 $0x0, s1;
	[sflag:s0] =	ssyncset.done @!p0 $0x0  }
0xb8: {  	[sflag:s0] =	ssyncadd.s32 @!p0 s1  }
0xb9: {  	[bflag:$0x3] =	sbarrier.arrive $0xFFFF  }
0xba: {  	_ =	shalt  }

</sc_bundles>
